<compile_context>
chip_gen: v7x
topology: tpu7x:2x2x1
jax: 0.10.2.dev20260603
libtpu: 0.0.44.dev20260713+nightly
codegen_flags: <defaults>
</compile_context>

<pallas_src>
import functools

import jax
import jax.numpy as jnp
from jax import lax
from jax.experimental import pallas as pl
from jax.experimental.pallas import tpu as pltpu
from jax.experimental.pallas import tpu_sc as plsc

F32 = jnp.float32
_CH = 80


def _dot(a, b):
    return jnp.dot(a, b, preferred_element_type=F32,
                   precision=jax.lax.Precision.DEFAULT)


def _r8(v):
    v = v.reshape(1, -1)
    return jnp.broadcast_to(v, (8, v.shape[1]))



def _node_pre(x, u8, Wa, Wb, Wna, Wd, b0, bn0):
    N, D = x.shape
    BN = 400
    nb = N // BN

    def kern(x_ref, u_ref, wa_ref, wb_ref, wna_ref, wd_ref, b0_ref, bn0_ref,
             r1_ref, rp_ref, c_ref):
        xb = x_ref[...]
        ce = _dot(u_ref[...], wd_ref[...]) + b0_ref[...]
        r1_ref[...] = _dot(xb, wa_ref[...]) + ce[0:1, :]
        rp_ref[...] = _dot(xb, wna_ref[...]) + bn0_ref[0:1, :]
        c_ref[...] = _dot(xb, wb_ref[...])

    full = lambda s: pl.BlockSpec(s, lambda i: (0, 0))
    blk = pl.BlockSpec((BN, D), lambda i: (i, 0))
    return pl.pallas_call(
        kern,
        grid=(nb,),
        in_specs=[
            blk,
            full(u8.shape), full(Wa.shape), full(Wb.shape), full(Wna.shape),
            full(Wd.shape), full(b0.shape), full(bn0.shape),
        ],
        out_specs=[blk, blk, blk],
        out_shape=[jax.ShapeDtypeStruct((N, D), F32)] * 3,
    )(x, u8, Wa, Wb, Wna, Wd, b0, bn0)


def _edge(g1, gp, gc, e, Wc, W1, b1, W2, b2, Wnb):
    E, H = g1.shape
    ED = e.shape[1]
    BE = 800
    nb = E // BE

    def kern(g1_ref, gp_ref, gc_ref, e_ref, wc_ref, w1_ref, b1_ref, w2_ref,
             b2_ref, wnb_ref, m1_ref, eo_ref, es_ref):
        h1 = jnp.maximum(
            g1_ref[...] + gc_ref[...] + _dot(e_ref[...], wc_ref[...]), 0.0)
        h2 = jnp.maximum(_dot(h1, w1_ref[...]) + b1_ref[0:1, :], 0.0)
        en = _dot(h2, w2_ref[...]) + b2_ref[0:1, :]
        m1_ref[...] = jnp.maximum(gp_ref[...] + _dot(en, wnb_ref[...]), 0.0)
        eo_ref[...] = en

        @pl.when(pl.program_id(0) == 0)
        def _():
            es_ref[...] = jnp.zeros_like(es_ref)

        es_ref[...] += jnp.broadcast_to(
            jnp.sum(en, axis=0, keepdims=True), (8, ED))

    full = lambda s: pl.BlockSpec(s, lambda i: (0, 0))
    blkh = pl.BlockSpec((BE, H), lambda i: (i, 0))
    return pl.pallas_call(
        kern,
        grid=(nb,),
        in_specs=[
            blkh, blkh, blkh,
            pl.BlockSpec((BE, ED), lambda i: (i, 0)),
            full(Wc.shape), full(W1.shape), full(b1.shape), full(W2.shape),
            full(b2.shape), full(Wnb.shape),
        ],
        out_specs=[
            blkh,
            pl.BlockSpec((BE, ED), lambda i: (i, 0)),
            full((8, ED)),
        ],
        out_shape=[
            jax.ShapeDtypeStruct((E, H), F32),
            jax.ShapeDtypeStruct((E, ED), F32),
            jax.ShapeDtypeStruct((8, ED), F32),
        ],
    )(g1, gp, gc, e, Wc, W1, b1, W2, b2, Wnb)


def _node_post(x, s0, s1, c0, c1, u8, Wn1, bn1, W2x, W2a, W2u, b20, W21, b21,
               Ws1, bs1, Ws2p, bs2p, last):
    N, D = x.shape
    BN = 400
    nb = N // BN

    def kern(x_ref, s0_ref, s1_ref, c0_ref, c1_ref, u_ref, wn1_ref, bn1_ref,
             w2x_ref, w2a_ref, w2u_ref, b20_ref, w21_ref, b21_ref, ws1_ref,
             bs1_ref, ws2_ref, bs2_ref, *outs):
        if last:
            xo_ref, xs_ref, sh_ref = outs
        else:
            xo_ref, xs_ref = outs
        xb = x_ref[...]
        cnt = c0_ref[...][:, 0:1] + c1_ref[...][:, 0:1]
        s = s0_ref[...] + s1_ref[...]
        denom = jnp.maximum(cnt, 1.0)
        agg = (_dot(s, wn1_ref[...]) + cnt * bn1_ref[0:1, :]) / denom
        cu = _dot(u_ref[...], w2u_ref[...]) + b20_ref[...]
        t = jnp.maximum(
            _dot(xb, w2x_ref[...]) + _dot(agg, w2a_ref[...]) + cu[0:1, :], 0.0)
        xn = _dot(t, w21_ref[...]) + b21_ref[0:1, :]
        xo_ref[...] = xn

        @pl.when(pl.program_id(0) == 0)
        def _():
            xs_ref[...] = jnp.zeros_like(xs_ref)

        xs_ref[...] += jnp.broadcast_to(
            jnp.sum(xn, axis=0, keepdims=True), (8, D))

        if last:
            t2 = jnp.maximum(_dot(xn, ws1_ref[...]) + bs1_ref[0:1, :], 0.0)
            sh_ref[...] = _dot(t2, ws2_ref[...]) + bs2_ref[0:1, :]

    full = lambda s: pl.BlockSpec(s, lambda i: (0, 0))
    blk = lambda w: pl.BlockSpec((BN, w), lambda i: (i, 0))
    out_specs = [blk(D), full((8, D))]
    out_shape = [jax.ShapeDtypeStruct((N, D), F32),
                 jax.ShapeDtypeStruct((8, D), F32)]
    if last:
        out_specs.append(blk(128))
        out_shape.append(jax.ShapeDtypeStruct((N, 128), F32))
    return pl.pallas_call(
        kern,
        grid=(nb,),
        in_specs=[
            blk(D), blk(D), blk(D), blk(c0.shape[1]), blk(c1.shape[1]),
            full(u8.shape), full(Wn1.shape), full(bn1.shape), full(W2x.shape),
            full(W2a.shape), full(W2u.shape), full(b20.shape),
            full(W21.shape), full(b21.shape), full(Ws1.shape),
            full(bs1.shape), full(Ws2p.shape), full(bs2p.shape),
        ],
        out_specs=out_specs,
        out_shape=out_shape,
    )(x, s0, s1, c0, c1, u8, Wn1, bn1, W2x, W2a, W2u, b20, W21, b21,
      Ws1, bs1, Ws2p, bs2p)


def _global(xs, es, u8, Wgx, Wge, Wgu, bg0, Wg1, bg1, Wg2, bg2, N, E):
    GD = Wg2.shape[1]

    def kern(xs_ref, es_ref, u_ref, wgx_ref, wge_ref, wgu_ref, bg0_ref,
             wg1_ref, bg1_ref, wg2_ref, bg2_ref, uo_ref):
        mx = xs_ref[...] * (1.0 / N)
        me = es_ref[...] * (1.0 / E)
        g = jnp.maximum(
            _dot(mx, wgx_ref[...]) + _dot(me, wge_ref[...]) +
            _dot(u_ref[...], wgu_ref[...]) + bg0_ref[0:1, :], 0.0)
        g = jnp.maximum(_dot(g, wg1_ref[...]) + bg1_ref[0:1, :], 0.0)
        uo_ref[...] = _dot(g, wg2_ref[...]) + bg2_ref[0:1, :]

    full = lambda a: pl.BlockSpec(a.shape, lambda: (0, 0))
    return pl.pallas_call(
        kern,
        grid=(),
        in_specs=[full(xs), full(es), full(u8), full(Wgx), full(Wge),
                  full(Wgu), full(bg0), full(Wg1), full(bg1), full(Wg2),
                  full(bg2)],
        out_specs=pl.BlockSpec((8, GD), lambda: (0, 0)),
        out_shape=jax.ShapeDtypeStruct((8, GD), F32),
    )(xs, es, u8, Wgx, Wge, Wgu, bg0, Wg1, bg1, Wg2, bg2)



def _sc_gather(r1t, rpt, ctab, row, col):
    N, H = r1t.shape
    E = row.shape[0]
    info = plsc.get_sparse_core_info()
    NC, NS = info.num_cores, info.num_subcores
    NW = NC * NS
    EPW = E // NW
    NCH = EPW // _CH
    mesh = plsc.VectorSubcoreMesh(core_axis_name="c", subcore_axis_name="s")

    assert NCH % 2 == 1 and NCH >= 3

    @functools.partial(
        pl.kernel, mesh=mesh,
        out_type=[jax.ShapeDtypeStruct((E, H), F32)] * 3,
        scratch_types=[
            pltpu.VMEM((_CH,), jnp.int32), pltpu.VMEM((_CH,), jnp.int32),
            pltpu.VMEM((_CH,), jnp.int32), pltpu.VMEM((_CH,), jnp.int32),
            pltpu.VMEM((_CH, H), F32), pltpu.VMEM((_CH, H), F32),
            pltpu.VMEM((_CH, H), F32), pltpu.VMEM((_CH, H), F32),
            pltpu.VMEM((_CH, H), F32), pltpu.VMEM((_CH, H), F32),
            pltpu.SemaphoreType.DMA, pltpu.SemaphoreType.DMA,
        ])
    def k(r1_hbm, rp_hbm, ctab_hbm, row_hbm, col_hbm,
          g1_hbm, gp_hbm, gc_hbm,
          idxr0, idxc0, idxr1, idxc1,
          buf10, bufp0, bufc0, buf11, bufp1, bufc1,
          semg0, semg1):
        wid = lax.axis_index("s") * NC + lax.axis_index("c")
        base = wid * EPW
        idxr = (idxr0, idxr1)
        idxc = (idxc0, idxc1)
        buf1 = (buf10, buf11)
        bufp = (bufp0, bufp1)
        bufc = (bufc0, bufc1)
        semg = (semg0, semg1)

        def start(g, b):
            off = base + g * _CH
            pltpu.sync_copy(row_hbm.at[pl.ds(off, _CH)], idxr[b])
            pltpu.sync_copy(col_hbm.at[pl.ds(off, _CH)], idxc[b])
            pltpu.async_copy(r1_hbm.at[idxr[b]], buf1[b], semg[b])
            pltpu.async_copy(rp_hbm.at[idxr[b]], bufp[b], semg[b])
            pltpu.async_copy(ctab_hbm.at[idxc[b]], bufc[b], semg[b])

        def drain(b):
            pltpu.make_async_copy(r1_hbm.at[pl.ds(0, _CH)], buf1[b],
                                  semg[b]).wait()
            pltpu.make_async_copy(rp_hbm.at[pl.ds(0, _CH)], bufp[b],
                                  semg[b]).wait()
            pltpu.make_async_copy(ctab_hbm.at[pl.ds(0, _CH)], bufc[b],
                                  semg[b]).wait()

        def writeback(g, b):
            off = base + g * _CH
            pltpu.sync_copy(buf1[b], g1_hbm.at[pl.ds(off, _CH)])
            pltpu.sync_copy(bufp[b], gp_hbm.at[pl.ds(off, _CH)])
            pltpu.sync_copy(bufc[b], gc_hbm.at[pl.ds(off, _CH)])

        start(0, 0)

        def body(j, carry):
            g0 = 2 * j
            start(g0 + 1, 1)
            drain(0)
            writeback(g0, 0)

            @pl.when(g0 + 2 < NCH)
            def _():
                start(g0 + 2, 0)

            drain(1)
            writeback(g0 + 1, 1)
            return carry

        lax.fori_loop(0, NCH // 2, body, 0)
        drain(0)
        writeback(NCH - 1, 0)

    return k(r1t, rpt, ctab, row, col)


def _sc_scatter(m1, col, zeros_nd):
    E, H = m1.shape
    N = zeros_nd.shape[0]
    info = plsc.get_sparse_core_info()
    NC, NS = info.num_cores, info.num_subcores
    NW = NC * NS
    EPW = E // NW
    NCH = EPW // _CH
    stripe = N // NS
    mesh = plsc.VectorSubcoreMesh(core_axis_name="c", subcore_axis_name="s")

    assert NCH % 2 == 1 and NCH >= 3

    @functools.partial(
        pl.kernel, mesh=mesh,
        out_type=jax.ShapeDtypeStruct((NC * N, H), F32),
        scratch_types=[
            pltpu.VMEM((_CH,), jnp.int32), pltpu.VMEM((_CH,), jnp.int32),
            pltpu.VMEM((_CH, H), F32), pltpu.VMEM((_CH, H), F32),
            pltpu.VMEM_SHARED((N, H), F32),
            pltpu.SemaphoreType.DMA, pltpu.SemaphoreType.DMA,
        ])
    def k(m1_hbm, col_hbm, z_hbm, out_hbm, idx0, idx1, buf0, buf1, s_sh,
          seml0, seml1):
        cid = lax.axis_index("c")
        sid = lax.axis_index("s")
        wid = sid * NC + cid
        base = wid * EPW
        idx = (idx0, idx1)
        buf = (buf0, buf1)
        seml = (seml0, seml1)
        pltpu.sync_copy(z_hbm.at[pl.ds(sid * stripe, stripe)],
                        s_sh.at[pl.ds(sid * stripe, stripe)])
        plsc.subcore_barrier()

        def start(g, b):
            off = base + g * _CH
            pltpu.async_copy(col_hbm.at[pl.ds(off, _CH)], idx[b], seml[b])
            pltpu.async_copy(m1_hbm.at[pl.ds(off, _CH)], buf[b], seml[b])

        def drain(b):
            pltpu.make_async_copy(col_hbm.at[pl.ds(0, _CH)], idx[b],
                                  seml[b]).wait()
            pltpu.make_async_copy(m1_hbm.at[pl.ds(0, _CH)], buf[b],
                                  seml[b]).wait()

        def add(b):
            pltpu.sync_copy(buf[b], s_sh.at[idx[b]], add=True)

        start(0, 0)

        def body(j, carry):
            start(2 * j + 1, 1)
            drain(0)
            add(0)

            @pl.when(2 * j + 2 < NCH)
            def _():
                start(2 * j + 2, 0)

            drain(1)
            add(1)
            return carry

        lax.fori_loop(0, NCH // 2, body, 0)
        drain(0)
        add(0)
        plsc.subcore_barrier()
        pltpu.sync_copy(s_sh.at[pl.ds(sid * stripe, stripe)],
                        out_hbm.at[pl.ds(cid * N + sid * stripe, stripe)])

    return k(m1, col, zeros_nd)


def _sc_counts(col, zeros_nw, ones_w):
    E = col.shape[0]
    N, W = zeros_nw.shape
    info = plsc.get_sparse_core_info()
    NC, NS = info.num_cores, info.num_subcores
    NW = NC * NS
    EPW = E // NW
    NCH = EPW // _CH
    stripe = N // NS
    mesh = plsc.VectorSubcoreMesh(core_axis_name="c", subcore_axis_name="s")

    @functools.partial(
        pl.kernel, mesh=mesh,
        out_type=jax.ShapeDtypeStruct((NC * N, W), F32),
        scratch_types=[
            pltpu.VMEM((_CH,), jnp.int32),
            pltpu.VMEM((_CH, W), F32),
            pltpu.VMEM_SHARED((N, W), F32),
        ])
    def k(col_hbm, z_hbm, ones_hbm, out_hbm, idx, buf, c_sh):
        cid = lax.axis_index("c")
        sid = lax.axis_index("s")
        wid = sid * NC + cid
        pltpu.sync_copy(z_hbm.at[pl.ds(sid * stripe, stripe)],
                        c_sh.at[pl.ds(sid * stripe, stripe)])
        pltpu.sync_copy(ones_hbm, buf)
        plsc.subcore_barrier()

        def body(i, carry):
            off = wid * EPW + i * _CH
            pltpu.sync_copy(col_hbm.at[pl.ds(off, _CH)], idx)
            pltpu.sync_copy(buf, c_sh.at[idx], add=True)
            return carry

        lax.fori_loop(0, NCH, body, 0)
        plsc.subcore_barrier()
        pltpu.sync_copy(c_sh.at[pl.ds(sid * stripe, stripe)],
                        out_hbm.at[pl.ds(cid * N + sid * stripe, stripe)])

    return k(col, zeros_nw, ones_w)



def kernel(x, edge_attr, u, params, edge_index, batch):
    x = x.astype(F32)
    edge_attr = edge_attr.astype(F32)
    N, D = x.shape
    E, ED = edge_attr.shape
    GD = u.shape[1]
    row = edge_index[0]
    col = edge_index[1]
    layers = params['layers']

    u8 = jnp.broadcast_to(u.astype(F32), (8, GD))
    Np = ((N + 127) // 128) * 128
    zeros_nd = jnp.zeros((Np, D), F32)
    ones_w = jnp.ones((_CH, 128), F32)

    cnt2 = _sc_counts(col, zeros_nd, ones_w)
    c0, c1 = cnt2[:N, :16], cnt2[Np:Np + N, :16]

    (Ws1, bs1), (Ws2, bs2) = params['shift_predictor']
    Ws2p = jnp.pad(Ws2, ((0, 0), (0, 127)))
    bs2p = jnp.zeros((8, 128), F32).at[:, 0].set(bs2[0])

    e = edge_attr
    shifts_full = None
    for l, lay in enumerate(layers):
        (W0, b0), (W1, b1), (W2, b2) = lay['edge_mlp']
        Wa, Wb = W0[:D], W0[D:2 * D]
        Wc = W0[2 * D:2 * D + ED]
        Wd = W0[2 * D + ED:]
        (Wn0, bn0), (Wn1, bn1) = lay['node_mlp_1']
        Wna, Wnb = Wn0[:D], Wn0[D:]
        (W20, b20), (W21, b21) = lay['node_mlp_2']
        W2x, W2a, W2u = W20[:D], W20[D:2 * D], W20[2 * D:]
        (Wg0, bg0), (Wg1, bg1), (Wg2, bg2) = lay['global_mlp']
        Wgx, Wge, Wgu = Wg0[:D], Wg0[D:D + ED], Wg0[D + ED:]
        last = (l == len(layers) - 1)

        r1t, rpt, ctab = _node_pre(x, u8, Wa, Wb, Wna, Wd, _r8(b0), _r8(bn0))
        g1, gp, gc = _sc_gather(r1t, rpt, ctab, row, col)
        m1, e, esum = _edge(g1, gp, gc, e, Wc, W1, _r8(b1), W2, _r8(b2), Wnb)
        s2 = _sc_scatter(m1, col, zeros_nd)
        res = _node_post(x, s2[:N], s2[Np:Np + N], c0, c1, u8, Wn1, _r8(bn1),
                         W2x, W2a, W2u, _r8(b20), W21, _r8(b21),
                         Ws1, _r8(bs1), Ws2p, bs2p, last)
        if last:
            x, xsum, shifts_full = res
        else:
            x, xsum = res
        u8 = _global(xsum, esum, u8, Wgx, Wge, Wgu, _r8(bg0), Wg1, _r8(bg1),
                     Wg2, _r8(bg2), N, E)

    shifts = shifts_full[:, 0:1]
    return (shifts, (x, e, u8[0:1, :]))

# --- scband reference (transcript-rebuilt; emitter-appended) ---
"""Pipeline reference for scband-mpgnn-69337952026909 (READ-ONLY COPY).

The authoritative reference and input builder live on the scoring server;
editing this copy changes nothing except your own understanding.
"""

import jax, jax.numpy as jnp
import numpy as np

NODE_DIM = 128
EDGE_DIM = 16
GLOBAL_DIM = 32
HIDDEN = 128
NUM_LAYERS = 2
N_NODES = 10000
N_EDGES = 320000
N_GRAPHS = 1


def _mlp_params(key, dims):
    ps = []
    for i in range(len(dims) - 1):
        key, k1 = jax.random.split(key)
        W = jax.random.normal(k1, (dims[i], dims[i + 1]), dtype=jnp.float32) * (1.0 / np.sqrt(dims[i]))
        b = jnp.zeros((dims[i + 1],), dtype=jnp.float32)
        ps.append((W, b))
    return ps


def _mlp_apply(ps, x):
    n = len(ps)
    for i, (W, b) in enumerate(ps):
        x = x @ W + b
        if i < n - 1:
            x = jax.nn.relu(x)
    return x


def _scatter_mean(data, index, num_segments):
    s = jax.ops.segment_sum(data, index, num_segments)
    c = jax.ops.segment_sum(jnp.ones((data.shape[0],), dtype=data.dtype), index, num_segments)
    return s / jnp.clip(c, 1.0, None)[:, None]


def setup_inputs(seed: int = 0):
    key = jax.random.key(seed)
    ks = jax.random.split(key, 6)
    x = jax.random.normal(ks[0], (N_NODES, NODE_DIM), dtype=jnp.float32)
    edge_index = jax.random.randint(ks[1], (2, N_EDGES), 0, N_NODES, dtype=jnp.int32)
    edge_attr = jax.random.normal(ks[2], (N_EDGES, EDGE_DIM), dtype=jnp.float32)
    u = jax.random.normal(ks[3], (N_GRAPHS, GLOBAL_DIM), dtype=jnp.float32)
    batch = jnp.zeros((N_NODES,), dtype=jnp.int32)
    pk = ks[4]
    layers = []
    for _ in range(NUM_LAYERS):
        pk, k1, k2, k3, k4 = jax.random.split(pk, 5)
        layers.append({
            'edge_mlp': _mlp_params(k1, [2 * NODE_DIM + EDGE_DIM + GLOBAL_DIM, HIDDEN, HIDDEN, EDGE_DIM]),
            'node_mlp_1': _mlp_params(k2, [NODE_DIM + EDGE_DIM, HIDDEN, HIDDEN]),
            'node_mlp_2': _mlp_params(k3, [NODE_DIM + HIDDEN + GLOBAL_DIM, HIDDEN, NODE_DIM]),
            'global_mlp': _mlp_params(k4, [NODE_DIM + EDGE_DIM + GLOBAL_DIM, HIDDEN, HIDDEN, GLOBAL_DIM]),
        })
    pk, k5 = jax.random.split(pk)
    params = {'layers': layers, 'shift_predictor': _mlp_params(k5, [NODE_DIM, HIDDEN, 1])}
    return {'x': x, 'edge_attr': edge_attr, 'u': u, 'params': params, 'edge_index': edge_index, 'batch': batch}


def reference(x, edge_attr, u, params, edge_index, batch):
    row, col = edge_index[0], edge_index[1]
    N = x.shape[0]
    G = u.shape[0]
    for layer in params['layers']:
        # EdgeModel: cat([src, dest, edge_attr, u[batch[row]]]) -> edge_mlp
        e_in = jnp.concatenate([x[row], x[col], edge_attr, u[batch[row]]], axis=1)
        edge_attr = _mlp_apply(layer['edge_mlp'], e_in)
        # NodeModel: mlp1(cat([x[row], edge_attr])) -> scatter_mean over col -> mlp2(cat([x, agg, u[batch]]))
        n1 = _mlp_apply(layer['node_mlp_1'], jnp.concatenate([x[row], edge_attr], axis=1))
        agg = _scatter_mean(n1, col, N)
        x = _mlp_apply(layer['node_mlp_2'], jnp.concatenate([x, agg, u[batch]], axis=1))
        # GlobalModel: cat([mean_x_per_graph, mean_edge_attr_per_graph, u]) -> global_mlp
        g_in = jnp.concatenate([_scatter_mean(x, batch, G), _scatter_mean(edge_attr, batch[row], G), u], axis=1)
        u = _mlp_apply(layer['global_mlp'], g_in)
    shifts = _mlp_apply(params['shift_predictor'], x)
    return (shifts, (x, edge_attr, u))

if __name__ == "__main__":
    import jax
    _d = setup_inputs()
    print(jax.jit(kernel)(*tuple(_d.values())))

</pallas_src>

<mosaic_0001>
#map = affine_map<(d0, d1) -> (0)>
#map1 = affine_map<(d0, d1) -> (0, 0)>
module attributes {stable_mosaic.version = 14 : i64} {
  func.func @k(%arg0: i32, %arg1: i32, %arg2: memref<320000xi32, #tpu.memory_space<hbm>>, %arg3: memref<10112x128xf32, #tpu.memory_space<hbm>>, %arg4: memref<80x128xf32, #tpu.memory_space<hbm>>, %arg5: memref<20224x128xf32, #tpu.memory_space<hbm>>, %arg6: memref<80xi32, #tpu.memory_space<vmem>>, %arg7: memref<80x128xf32, #tpu.memory_space<vmem>>, %arg8: memref<10112x128xf32, #tpu.memory_space<vmem_shared>>) attributes {dimension_semantics = [#tpu.dimension_semantics<core_parallel>, #tpu.dimension_semantics<subcore_parallel>], iteration_bounds = array<i64: 2, 16>, scalar_prefetch = 0 : i64, scratch_operands = 3 : i64, tpu.core_type = #tpu.core_type<sc_vector_subcore>, window_params = [{transform_indices = #map}, {transform_indices = #map1}, {transform_indices = #map1}, {transform_indices = #map1}]} {
    %mul3A = arith.constant 2 : i32
    %mul3A_0 = arith.muli %arg1, %mul3A : i32
    %add3A = arith.addi %mul3A_0, %arg0 : i32
    %mul3A_1 = arith.constant 632 : i32
    %mul3A_2 = arith.muli %arg1, %mul3A_1 : i32
    %mul3A_3 = arith.constant 632 : i32
    %mul3A_4 = arith.muli %arg1, %mul3A_3 : i32
    "tpu.region"() ({
      %run_scoped3A = tpu.sem_alloc : memref<!tpu.dma_semaphore, #tpu.memory_space<semaphore_mem>>
      %dma_start3A = arith.constant 0 : i32
      %dma_start3A_18 = tpu.memref_slice %arg8[%mul3A_4, %dma_start3A] : memref<10112x128xf32, #tpu.memory_space<vmem_shared>> -> memref<632x128xf32, #tpu.memory_space<vmem_shared>>
      %dma_start3A_19 = arith.constant 0 : i32
      %dma_start3A_20 = tpu.memref_slice %arg3[%mul3A_2, %dma_start3A_19] : memref<10112x128xf32, #tpu.memory_space<hbm>> -> memref<632x128xf32, #tpu.memory_space<hbm>>
      tpu.enqueue_dma source(%dma_start3A_20 : memref<632x128xf32, #tpu.memory_space<hbm>>) target(%dma_start3A_18 : memref<632x128xf32, #tpu.memory_space<vmem_shared>>) target_semaphore(%run_scoped3A : memref<!tpu.dma_semaphore, #tpu.memory_space<semaphore_mem>>)
      %dma_wait3A = arith.constant 0 : i32
      %dma_wait3A_21 = tpu.memref_slice %arg8[%mul3A_4, %dma_wait3A] : memref<10112x128xf32, #tpu.memory_space<vmem_shared>> -> memref<632x128xf32, #tpu.memory_space<vmem_shared>>
      %dma_wait3A_22 = arith.constant 0 : i32
      %dma_wait3A_23 = tpu.memref_slice %arg3[%mul3A_2, %dma_wait3A_22] : memref<10112x128xf32, #tpu.memory_space<hbm>> -> memref<632x128xf32, #tpu.memory_space<hbm>>
      tpu.wait_dma2 semaphore(%run_scoped3A : memref<!tpu.dma_semaphore, #tpu.memory_space<semaphore_mem>>) src(%dma_wait3A_23 : memref<632x128xf32, #tpu.memory_space<hbm>>) dst(%dma_wait3A_21 : memref<632x128xf32, #tpu.memory_space<vmem_shared>>)
      tpu.yield
    }) : () -> ()
    "tpu.region"() ({
      %run_scoped3A = tpu.sem_alloc : memref<!tpu.dma_semaphore, #tpu.memory_space<semaphore_mem>>
      tpu.enqueue_dma source(%arg4 : memref<80x128xf32, #tpu.memory_space<hbm>>) target(%arg7 : memref<80x128xf32, #tpu.memory_space<vmem>>) target_semaphore(%run_scoped3A : memref<!tpu.dma_semaphore, #tpu.memory_space<semaphore_mem>>)
      tpu.wait_dma2 semaphore(%run_scoped3A : memref<!tpu.dma_semaphore, #tpu.memory_space<semaphore_mem>>) src(%arg4 : memref<80x128xf32, #tpu.memory_space<hbm>>) dst(%arg7 : memref<80x128xf32, #tpu.memory_space<vmem>>)
      tpu.yield
    }) : () -> ()
    %barrier3A = arith.constant 0 : index
    tpu.barrier barrier_id(%barrier3A)
    %scan3A = arith.constant 0 : i32
    %scan3A_5 = arith.constant 0 : i32
    %scan3A_6 = arith.constant 125 : i32
    %scan3A_7 = arith.addi %scan3A_5, %scan3A_6 : i32
    %scan3A_8 = arith.constant 1 : i32
    scf.for %scan3A_18 = %scan3A_5 to %scan3A_7 step %scan3A_8  : i32 {
      %mul3A_19 = arith.constant 10000 : i32
      %mul3A_20 = arith.muli %add3A, %mul3A_19 : i32
      %mul3A_21 = arith.constant 80 : i32
      %mul3A_22 = arith.muli %scan3A_18, %mul3A_21 : i32
      %add3A_23 = arith.addi %mul3A_20, %mul3A_22 : i32
      "tpu.region"() ({
        %run_scoped3A = tpu.sem_alloc : memref<!tpu.dma_semaphore, #tpu.memory_space<semaphore_mem>>
        %dma_start3A = tpu.memref_slice %arg2[%add3A_23] : memref<320000xi32, #tpu.memory_space<hbm>> -> memref<80xi32, #tpu.memory_space<hbm>>
        %dma_start3A_24 = tpu.memref_slice %arg2[%add3A_23] : memref<320000xi32, #tpu.memory_space<hbm>> -> memref<80xi32, #tpu.memory_space<hbm>>
        tpu.enqueue_dma source(%dma_start3A_24 : memref<80xi32, #tpu.memory_space<hbm>>) target(%arg6 : memref<80xi32, #tpu.memory_space<vmem>>) target_semaphore(%run_scoped3A : memref<!tpu.dma_semaphore, #tpu.memory_space<semaphore_mem>>)
        %dma_wait3A = tpu.memref_slice %arg2[%add3A_23] : memref<320000xi32, #tpu.memory_space<hbm>> -> memref<80xi32, #tpu.memory_space<hbm>>
        %dma_wait3A_25 = tpu.memref_slice %arg2[%add3A_23] : memref<320000xi32, #tpu.memory_space<hbm>> -> memref<80xi32, #tpu.memory_space<hbm>>
        tpu.wait_dma2 semaphore(%run_scoped3A : memref<!tpu.dma_semaphore, #tpu.memory_space<semaphore_mem>>) src(%dma_wait3A_25 : memref<80xi32, #tpu.memory_space<hbm>>) dst(%arg6 : memref<80xi32, #tpu.memory_space<vmem>>)
        tpu.yield
      }) : () -> ()
      "tpu.region"() ({
        %run_scoped3A = tpu.sem_alloc : memref<!tpu.dma_semaphore, #tpu.memory_space<semaphore_mem>>
        %dma_start3A = arith.constant 0 : i32
        %dma_start3A_24 = arith.constant 0 : i32
        %dma_start3A_25 = tpu.memref_slice %arg8[%dma_start3A, %dma_start3A_24] : memref<10112x128xf32, #tpu.memory_space<vmem_shared>> -> memref<10112x128xf32, #tpu.memory_space<vmem_shared>>
        tpu.enqueue_indirect_dma source(%arg7 : memref<80x128xf32, #tpu.memory_space<vmem>>) target(%dma_start3A_25 : memref<10112x128xf32, #tpu.memory_space<vmem_shared>>) offsets(%arg6 : memref<80xi32, #tpu.memory_space<vmem>>) semaphore(%run_scoped3A : memref<!tpu.dma_semaphore, #tpu.memory_space<semaphore_mem>>) {add = true}
        %dma_wait3A = arith.constant 0 : i32
        %dma_wait3A_26 = arith.constant 0 : i32
        %dma_wait3A_27 = tpu.memref_slice %arg8[%dma_wait3A, %dma_wait3A_26] : memref<10112x128xf32, #tpu.memory_space<vmem_shared>> -> memref<10112x128xf32, #tpu.memory_space<vmem_shared>>
        tpu.wait_indirect_dma semaphore(%run_scoped3A : memref<!tpu.dma_semaphore, #tpu.memory_space<semaphore_mem>>) src(%arg7 : memref<80x128xf32, #tpu.memory_space<vmem>>) dst(%dma_wait3A_27 : memref<10112x128xf32, #tpu.memory_space<vmem_shared>>)
        tpu.yield
      }) : () -> ()
    }
    %scan3A_9 = arith.constant 125 : i32
    %barrier3A_10 = arith.constant 0 : index
    tpu.barrier barrier_id(%barrier3A_10)
    %mul3A_11 = arith.constant 632 : i32
    %mul3A_12 = arith.muli %arg1, %mul3A_11 : i32
    %mul3A_13 = arith.constant 10112 : i32
    %mul3A_14 = arith.muli %arg0, %mul3A_13 : i32
    %mul3A_15 = arith.constant 632 : i32
    %mul3A_16 = arith.muli %arg1, %mul3A_15 : i32
    %add3A_17 = arith.addi %mul3A_14, %mul3A_16 : i32
    "tpu.region"() ({
      %run_scoped3A = tpu.sem_alloc : memref<!tpu.dma_semaphore, #tpu.memory_space<semaphore_mem>>
      %dma_start3A = arith.constant 0 : i32
      %dma_start3A_18 = tpu.memref_slice %arg5[%add3A_17, %dma_start3A] : memref<20224x128xf32, #tpu.memory_space<hbm>> -> memref<632x128xf32, #tpu.memory_space<hbm>>
      %dma_start3A_19 = arith.constant 0 : i32
      %dma_start3A_20 = tpu.memref_slice %arg8[%mul3A_12, %dma_start3A_19] : memref<10112x128xf32, #tpu.memory_space<vmem_shared>> -> memref<632x128xf32, #tpu.memory_space<vmem_shared>>
      tpu.enqueue_dma source(%dma_start3A_20 : memref<632x128xf32, #tpu.memory_space<vmem_shared>>) target(%dma_start3A_18 : memref<632x128xf32, #tpu.memory_space<hbm>>) target_semaphore(%run_scoped3A : memref<!tpu.dma_semaphore, #tpu.memory_space<semaphore_mem>>)
      %dma_wait3A = arith.constant 0 : i32
      %dma_wait3A_21 = tpu.memref_slice %arg5[%add3A_17, %dma_wait3A] : memref<20224x128xf32, #tpu.memory_space<hbm>> -> memref<632x128xf32, #tpu.memory_space<hbm>>
      %dma_wait3A_22 = arith.constant 0 : i32
      %dma_wait3A_23 = tpu.memref_slice %arg8[%mul3A_12, %dma_wait3A_22] : memref<10112x128xf32, #tpu.memory_space<vmem_shared>> -> memref<632x128xf32, #tpu.memory_space<vmem_shared>>
      tpu.wait_dma2 semaphore(%run_scoped3A : memref<!tpu.dma_semaphore, #tpu.memory_space<semaphore_mem>>) src(%dma_wait3A_23 : memref<632x128xf32, #tpu.memory_space<vmem_shared>>) dst(%dma_wait3A_21 : memref<632x128xf32, #tpu.memory_space<hbm>>)
      tpu.yield
    }) : () -> ()
    return
  }
}

#map = affine_map<(d0, d1) -> (0, 0)>
#map1 = affine_map<(d0, d1) -> (0)>
module attributes {stable_mosaic.version = 14 : i64} {
  func.func @k(%arg0: i32, %arg1: i32, %arg2: memref<320000x128xf32, #tpu.memory_space<hbm>>, %arg3: memref<320000xi32, #tpu.memory_space<hbm>>, %arg4: memref<10112x128xf32, #tpu.memory_space<hbm>>, %arg5: memref<20224x128xf32, #tpu.memory_space<hbm>>, %arg6: memref<80xi32, #tpu.memory_space<vmem>>, %arg7: memref<80xi32, #tpu.memory_space<vmem>>, %arg8: memref<80x128xf32, #tpu.memory_space<vmem>>, %arg9: memref<80x128xf32, #tpu.memory_space<vmem>>, %arg10: memref<10112x128xf32, #tpu.memory_space<vmem_shared>>, %arg11: memref<!tpu.dma_semaphore, #tpu.memory_space<semaphore_mem>>, %arg12: memref<!tpu.dma_semaphore, #tpu.memory_space<semaphore_mem>>) attributes {dimension_semantics = [#tpu.dimension_semantics<core_parallel>, #tpu.dimension_semantics<subcore_parallel>], iteration_bounds = array<i64: 2, 16>, scalar_prefetch = 0 : i64, scratch_operands = 7 : i64, tpu.core_type = #tpu.core_type<sc_vector_subcore>, window_params = [{transform_indices = #map}, {transform_indices = #map1}, {transform_indices = #map}, {transform_indices = #map}]} {
    %mul3A = arith.constant 2 : i32
    %mul3A_0 = arith.muli %arg1, %mul3A : i32
    %add3A = arith.addi %mul3A_0, %arg0 : i32
    %mul3A_1 = arith.constant 10000 : i32
    %mul3A_2 = arith.muli %add3A, %mul3A_1 : i32
    %mul3A_3 = arith.constant 632 : i32
    %mul3A_4 = arith.muli %arg1, %mul3A_3 : i32
    %mul3A_5 = arith.constant 632 : i32
    %mul3A_6 = arith.muli %arg1, %mul3A_5 : i32
    "tpu.region"() ({
      %run_scoped3A = tpu.sem_alloc : memref<!tpu.dma_semaphore, #tpu.memory_space<semaphore_mem>>
      %dma_start3A_36 = arith.constant 0 : i32
      %dma_start3A_37 = tpu.memref_slice %arg10[%mul3A_6, %dma_start3A_36] : memref<10112x128xf32, #tpu.memory_space<vmem_shared>> -> memref<632x128xf32, #tpu.memory_space<vmem_shared>>
      %dma_start3A_38 = arith.constant 0 : i32
      %dma_start3A_39 = tpu.memref_slice %arg4[%mul3A_4, %dma_start3A_38] : memref<10112x128xf32, #tpu.memory_space<hbm>> -> memref<632x128xf32, #tpu.memory_space<hbm>>
      tpu.enqueue_dma source(%dma_start3A_39 : memref<632x128xf32, #tpu.memory_space<hbm>>) target(%dma_start3A_37 : memref<632x128xf32, #tpu.memory_space<vmem_shared>>) target_semaphore(%run_scoped3A : memref<!tpu.dma_semaphore, #tpu.memory_space<semaphore_mem>>)
      %dma_wait3A_40 = arith.constant 0 : i32
      %dma_wait3A_41 = tpu.memref_slice %arg10[%mul3A_6, %dma_wait3A_40] : memref<10112x128xf32, #tpu.memory_space<vmem_shared>> -> memref<632x128xf32, #tpu.memory_space<vmem_shared>>
      %dma_wait3A_42 = arith.constant 0 : i32
      %dma_wait3A_43 = tpu.memref_slice %arg4[%mul3A_4, %dma_wait3A_42] : memref<10112x128xf32, #tpu.memory_space<hbm>> -> memref<632x128xf32, #tpu.memory_space<hbm>>
      tpu.wait_dma2 semaphore(%run_scoped3A : memref<!tpu.dma_semaphore, #tpu.memory_space<semaphore_mem>>) src(%dma_wait3A_43 : memref<632x128xf32, #tpu.memory_space<hbm>>) dst(%dma_wait3A_41 : memref<632x128xf32, #tpu.memory_space<vmem_shared>>)
      tpu.yield
    }) : () -> ()
    %barrier3A = arith.constant 0 : index
    tpu.barrier barrier_id(%barrier3A)
    %add3A_7 = arith.constant 0 : i32
    %add3A_8 = arith.addi %mul3A_2, %add3A_7 : i32
    %dma_start3A = tpu.memref_slice %arg3[%add3A_8] : memref<320000xi32, #tpu.memory_space<hbm>> -> memref<80xi32, #tpu.memory_space<hbm>>
    %dma_start3A_9 = tpu.memref_slice %arg3[%add3A_8] : memref<320000xi32, #tpu.memory_space<hbm>> -> memref<80xi32, #tpu.memory_space<hbm>>
    tpu.enqueue_dma source(%dma_start3A_9 : memref<80xi32, #tpu.memory_space<hbm>>) target(%arg6 : memref<80xi32, #tpu.memory_space<vmem>>) target_semaphore(%arg11 : memref<!tpu.dma_semaphore, #tpu.memory_space<semaphore_mem>>)
    %dma_start3A_10 = arith.constant 0 : i32
    %dma_start3A_11 = tpu.memref_slice %arg2[%add3A_8, %dma_start3A_10] : memref<320000x128xf32, #tpu.memory_space<hbm>> -> memref<80x128xf32, #tpu.memory_space<hbm>>
    %dma_start3A_12 = arith.constant 0 : i32
    %dma_start3A_13 = tpu.memref_slice %arg2[%add3A_8, %dma_start3A_12] : memref<320000x128xf32, #tpu.memory_space<hbm>> -> memref<80x128xf32, #tpu.memory_space<hbm>>
    tpu.enqueue_dma source(%dma_start3A_13 : memref<80x128xf32, #tpu.memory_space<hbm>>) target(%arg8 : memref<80x128xf32, #tpu.memory_space<vmem>>) target_semaphore(%arg11 : memref<!tpu.dma_semaphore, #tpu.memory_space<semaphore_mem>>)
    %scan3A = arith.constant 0 : i32
    %scan3A_14 = arith.constant 0 : i32
    %scan3A_15 = arith.constant 62 : i32
    %scan3A_16 = arith.addi %scan3A_14, %scan3A_15 : i32
    %scan3A_17 = arith.constant 1 : i32
    scf.for %scan3A_36 = %scan3A_14 to %scan3A_16 step %scan3A_17  : i32 {
      %mul3A_37 = arith.constant 2 : i32
      %mul3A_38 = arith.muli %mul3A_37, %scan3A_36 : i32
      %add3A_39 = arith.constant 1 : i32
      %add3A_40 = arith.addi %mul3A_38, %add3A_39 : i32
      %mul3A_41 = arith.constant 80 : i32
      %mul3A_42 = arith.muli %add3A_40, %mul3A_41 : i32
      %add3A_43 = arith.addi %mul3A_2, %mul3A_42 : i32
      %dma_start3A_44 = tpu.memref_slice %arg3[%add3A_43] : memref<320000xi32, #tpu.memory_space<hbm>> -> memref<80xi32, #tpu.memory_space<hbm>>
      %dma_start3A_45 = tpu.memref_slice %arg3[%add3A_43] : memref<320000xi32, #tpu.memory_space<hbm>> -> memref<80xi32, #tpu.memory_space<hbm>>
      tpu.enqueue_dma source(%dma_start3A_45 : memref<80xi32, #tpu.memory_space<hbm>>) target(%arg7 : memref<80xi32, #tpu.memory_space<vmem>>) target_semaphore(%arg12 : memref<!tpu.dma_semaphore, #tpu.memory_space<semaphore_mem>>)
      %dma_start3A_46 = arith.constant 0 : i32
      %dma_start3A_47 = tpu.memref_slice %arg2[%add3A_43, %dma_start3A_46] : memref<320000x128xf32, #tpu.memory_space<hbm>> -> memref<80x128xf32, #tpu.memory_space<hbm>>
      %dma_start3A_48 = arith.constant 0 : i32
      %dma_start3A_49 = tpu.memref_slice %arg2[%add3A_43, %dma_start3A_48] : memref<320000x128xf32, #tpu.memory_space<hbm>> -> memref<80x128xf32, #tpu.memory_space<hbm>>
      tpu.enqueue_dma source(%dma_start3A_49 : memref<80x128xf32, #tpu.memory_space<hbm>>) target(%arg9 : memref<80x128xf32, #tpu.memory_space<vmem>>) target_semaphore(%arg12 : memref<!tpu.dma_semaphore, #tpu.memory_space<semaphore_mem>>)
      %dma_wait3A_50 = arith.constant 0 : i32
      %dma_wait3A_51 = tpu.memref_slice %arg3[%dma_wait3A_50] : memref<320000xi32, #tpu.memory_space<hbm>> -> memref<80xi32, #tpu.memory_space<hbm>>
      %dma_wait3A_52 = arith.constant 0 : i32
      %dma_wait3A_53 = tpu.memref_slice %arg3[%dma_wait3A_52] : memref<320000xi32, #tpu.memory_space<hbm>> -> memref<80xi32, #tpu.memory_space<hbm>>
      tpu.wait_dma2 semaphore(%arg11 : memref<!tpu.dma_semaphore, #tpu.memory_space<semaphore_mem>>) src(%dma_wait3A_53 : memref<80xi32, #tpu.memory_space<hbm>>) dst(%arg6 : memref<80xi32, #tpu.memory_space<vmem>>)
      %dma_wait3A_54 = arith.constant 0 : i32
      %dma_wait3A_55 = arith.constant 0 : i32
      %dma_wait3A_56 = tpu.memref_slice %arg2[%dma_wait3A_54, %dma_wait3A_55] : memref<320000x128xf32, #tpu.memory_space<hbm>> -> memref<80x128xf32, #tpu.memory_space<hbm>>
      %dma_wait3A_57 = arith.constant 0 : i32
      %dma_wait3A_58 = arith.constant 0 : i32
      %dma_wait3A_59 = tpu.memref_slice %arg2[%dma_wait3A_57, %dma_wait3A_58] : memref<320000x128xf32, #tpu.memory_space<hbm>> -> memref<80x128xf32, #tpu.memory_space<hbm>>
      tpu.wait_dma2 semaphore(%arg11 : memref<!tpu.dma_semaphore, #tpu.memory_space<semaphore_mem>>) src(%dma_wait3A_59 : memref<80x128xf32, #tpu.memory_space<hbm>>) dst(%arg8 : memref<80x128xf32, #tpu.memory_space<vmem>>)
      "tpu.region"() ({
        %run_scoped3A = tpu.sem_alloc : memref<!tpu.dma_semaphore, #tpu.memory_space<semaphore_mem>>
        %dma_start3A_76 = arith.constant 0 : i32
        %dma_start3A_77 = arith.constant 0 : i32
        %dma_start3A_78 = tpu.memref_slice %arg10[%dma_start3A_76, %dma_start3A_77] : memref<10112x128xf32, #tpu.memory_space<vmem_shared>> -> memref<10112x128xf32, #tpu.memory_space<vmem_shared>>
        tpu.enqueue_indirect_dma source(%arg8 : memref<80x128xf32, #tpu.memory_space<vmem>>) target(%dma_start3A_78 : memref<10112x128xf32, #tpu.memory_space<vmem_shared>>) offsets(%arg6 : memref<80xi32, #tpu.memory_space<vmem>>) semaphore(%run_scoped3A : memref<!tpu.dma_semaphore, #tpu.memory_space<semaphore_mem>>) {add = true}
        %dma_wait3A_79 = arith.constant 0 : i32
        %dma_wait3A_80 = arith.constant 0 : i32
        %dma_wait3A_81 = tpu.memref_slice %arg10[%dma_wait3A_79, %dma_wait3A_80] : memref<10112x128xf32, #tpu.memory_space<vmem_shared>> -> memref<10112x128xf32, #tpu.memory_space<vmem_shared>>
        tpu.wait_indirect_dma semaphore(%run_scoped3A : memref<!tpu.dma_semaphore, #tpu.memory_space<semaphore_mem>>) src(%arg8 : memref<80x128xf32, #tpu.memory_space<vmem>>) dst(%dma_wait3A_81 : memref<10112x128xf32, #tpu.memory_space<vmem_shared>>)
        tpu.yield
      }) : () -> ()
      %mul3A_60 = arith.constant 2 : i32
      %mul3A_61 = arith.muli %mul3A_60, %scan3A_36 : i32
      %add3A_62 = arith.constant 2 : i32
      %add3A_63 = arith.addi %mul3A_61, %add3A_62 : i32
      %lt3A = arith.constant 125 : i32
      %lt3A_64 = arith.cmpi slt, %add3A_63, %lt3A : i32
      %convert_element_type3A = arith.extui %lt3A_64 : i1 to i32
      %cond3A = arith.constant 0 : i32
      %cond3A_65 = arith.cmpi ne, %convert_element_type3A, %cond3A : i32
      scf.if %cond3A_65 {
        %mul3A_76 = arith.constant 2 : i32
        %mul3A_77 = arith.muli %mul3A_76, %scan3A_36 : i32
        %add3A_78 = arith.constant 2 : i32
        %add3A_79 = arith.addi %mul3A_77, %add3A_78 : i32
        %mul3A_80 = arith.constant 80 : i32
        %mul3A_81 = arith.muli %add3A_79, %mul3A_80 : i32
        %add3A_82 = arith.addi %mul3A_2, %mul3A_81 : i32
        %dma_start3A_83 = tpu.memref_slice %arg3[%add3A_82] : memref<320000xi32, #tpu.memory_space<hbm>> -> memref<80xi32, #tpu.memory_space<hbm>>
        %dma_start3A_84 = tpu.memref_slice %arg3[%add3A_82] : memref<320000xi32, #tpu.memory_space<hbm>> -> memref<80xi32, #tpu.memory_space<hbm>>
        tpu.enqueue_dma source(%dma_start3A_84 : memref<80xi32, #tpu.memory_space<hbm>>) target(%arg6 : memref<80xi32, #tpu.memory_space<vmem>>) target_semaphore(%arg11 : memref<!tpu.dma_semaphore, #tpu.memory_space<semaphore_mem>>)
        %dma_start3A_85 = arith.constant 0 : i32
        %dma_start3A_86 = tpu.memref_slice %arg2[%add3A_82, %dma_start3A_85] : memref<320000x128xf32, #tpu.memory_space<hbm>> -> memref<80x128xf32, #tpu.memory_space<hbm>>
        %dma_start3A_87 = arith.constant 0 : i32
        %dma_start3A_88 = tpu.memref_slice %arg2[%add3A_82, %dma_start3A_87] : memref<320000x128xf32, #tpu.memory_space<hbm>> -> memref<80x128xf32, #tpu.memory_space<hbm>>
        tpu.enqueue_dma source(%dma_start3A_88 : memref<80x128xf32, #tpu.memory_space<hbm>>) target(%arg8 : memref<80x128xf32, #tpu.memory_space<vmem>>) target_semaphore(%arg11 : memref<!tpu.dma_semaphore, #tpu.memory_space<semaphore_mem>>)
      } else {
      }
      %dma_wait3A_66 = arith.constant 0 : i32
      %dma_wait3A_67 = tpu.memref_slice %arg3[%dma_wait3A_66] : memref<320000xi32, #tpu.memory_space<hbm>> -> memref<80xi32, #tpu.memory_space<hbm>>
      %dma_wait3A_68 = arith.constant 0 : i32
      %dma_wait3A_69 = tpu.memref_slice %arg3[%dma_wait3A_68] : memref<320000xi32, #tpu.memory_space<hbm>> -> memref<80xi32, #tpu.memory_space<hbm>>
      tpu.wait_dma2 semaphore(%arg12 : memref<!tpu.dma_semaphore, #tpu.memory_space<semaphore_mem>>) src(%dma_wait3A_69 : memref<80xi32, #tpu.memory_space<hbm>>) dst(%arg7 : memref<80xi32, #tpu.memory_space<vmem>>)
      %dma_wait3A_70 = arith.constant 0 : i32
      %dma_wait3A_71 = arith.constant 0 : i32
      %dma_wait3A_72 = tpu.memref_slice %arg2[%dma_wait3A_70, %dma_wait3A_71] : memref<320000x128xf32, #tpu.memory_space<hbm>> -> memref<80x128xf32, #tpu.memory_space<hbm>>
      %dma_wait3A_73 = arith.constant 0 : i32
      %dma_wait3A_74 = arith.constant 0 : i32
      %dma_wait3A_75 = tpu.memref_slice %arg2[%dma_wait3A_73, %dma_wait3A_74] : memref<320000x128xf32, #tpu.memory_space<hbm>> -> memref<80x128xf32, #tpu.memory_space<hbm>>
      tpu.wait_dma2 semaphore(%arg12 : memref<!tpu.dma_semaphore, #tpu.memory_space<semaphore_mem>>) src(%dma_wait3A_75 : memref<80x128xf32, #tpu.memory_space<hbm>>) dst(%arg9 : memref<80x128xf32, #tpu.memory_space<vmem>>)
      "tpu.region"() ({
        %run_scoped3A = tpu.sem_alloc : memref<!tpu.dma_semaphore, #tpu.memory_space<semaphore_mem>>
        %dma_start3A_76 = arith.constant 0 : i32
        %dma_start3A_77 = arith.constant 0 : i32
        %dma_start3A_78 = tpu.memref_slice %arg10[%dma_start3A_76, %dma_start3A_77] : memref<10112x128xf32, #tpu.memory_space<vmem_shared>> -> memref<10112x128xf32, #tpu.memory_space<vmem_shared>>
        tpu.enqueue_indirect_dma source(%arg9 : memref<80x128xf32, #tpu.memory_space<vmem>>) target(%dma_start3A_78 : memref<10112x128xf32, #tpu.memory_space<vmem_shared>>) offsets(%arg7 : memref<80xi32, #tpu.memory_space<vmem>>) semaphore(%run_scoped3A : memref<!tpu.dma_semaphore, #tpu.memory_space<semaphore_mem>>) {add = true}
        %dma_wait3A_79 = arith.constant 0 : i32
        %dma_wait3A_80 = arith.constant 0 : i32
        %dma_wait3A_81 = tpu.memref_slice %arg10[%dma_wait3A_79, %dma_wait3A_80] : memref<10112x128xf32, #tpu.memory_space<vmem_shared>> -> memref<10112x128xf32, #tpu.memory_space<vmem_shared>>
        tpu.wait_indirect_dma semaphore(%run_scoped3A : memref<!tpu.dma_semaphore, #tpu.memory_space<semaphore_mem>>) src(%arg9 : memref<80x128xf32, #tpu.memory_space<vmem>>) dst(%dma_wait3A_81 : memref<10112x128xf32, #tpu.memory_space<vmem_shared>>)
        tpu.yield
      }) : () -> ()
    }
    %scan3A_18 = arith.constant 62 : i32
    %dma_wait3A = arith.constant 0 : i32
    %dma_wait3A_19 = tpu.memref_slice %arg3[%dma_wait3A] : memref<320000xi32, #tpu.memory_space<hbm>> -> memref<80xi32, #tpu.memory_space<hbm>>
    %dma_wait3A_20 = arith.constant 0 : i32
    %dma_wait3A_21 = tpu.memref_slice %arg3[%dma_wait3A_20] : memref<320000xi32, #tpu.memory_space<hbm>> -> memref<80xi32, #tpu.memory_space<hbm>>
    tpu.wait_dma2 semaphore(%arg11 : memref<!tpu.dma_semaphore, #tpu.memory_space<semaphore_mem>>) src(%dma_wait3A_21 : memref<80xi32, #tpu.memory_space<hbm>>) dst(%arg6 : memref<80xi32, #tpu.memory_space<vmem>>)
    %dma_wait3A_22 = arith.constant 0 : i32
    %dma_wait3A_23 = arith.constant 0 : i32
    %dma_wait3A_24 = tpu.memref_slice %arg2[%dma_wait3A_22, %dma_wait3A_23] : memref<320000x128xf32, #tpu.memory_space<hbm>> -> memref<80x128xf32, #tpu.memory_space<hbm>>
    %dma_wait3A_25 = arith.constant 0 : i32
    %dma_wait3A_26 = arith.constant 0 : i32
    %dma_wait3A_27 = tpu.memref_slice %arg2[%dma_wait3A_25, %dma_wait3A_26] : memref<320000x128xf32, #tpu.memory_space<hbm>> -> memref<80x128xf32, #tpu.memory_space<hbm>>
    tpu.wait_dma2 semaphore(%arg11 : memref<!tpu.dma_semaphore, #tpu.memory_space<semaphore_mem>>) src(%dma_wait3A_27 : memref<80x128xf32, #tpu.memory_space<hbm>>) dst(%arg8 : memref<80x128xf32, #tpu.memory_space<vmem>>)
    "tpu.region"() ({
      %run_scoped3A = tpu.sem_alloc : memref<!tpu.dma_semaphore, #tpu.memory_space<semaphore_mem>>
      %dma_start3A_36 = arith.constant 0 : i32
      %dma_start3A_37 = arith.constant 0 : i32
      %dma_start3A_38 = tpu.memref_slice %arg10[%dma_start3A_36, %dma_start3A_37] : memref<10112x128xf32, #tpu.memory_space<vmem_shared>> -> memref<10112x128xf32, #tpu.memory_space<vmem_shared>>
      tpu.enqueue_indirect_dma source(%arg8 : memref<80x128xf32, #tpu.memory_space<vmem>>) target(%dma_start3A_38 : memref<10112x128xf32, #tpu.memory_space<vmem_shared>>) offsets(%arg6 : memref<80xi32, #tpu.memory_space<vmem>>) semaphore(%run_scoped3A : memref<!tpu.dma_semaphore, #tpu.memory_space<semaphore_mem>>) {add = true}
      %dma_wait3A_39 = arith.constant 0 : i32
      %dma_wait3A_40 = arith.constant 0 : i32
      %dma_wait3A_41 = tpu.memref_slice %arg10[%dma_wait3A_39, %dma_wait3A_40] : memref<10112x128xf32, #tpu.memory_space<vmem_shared>> -> memref<10112x128xf32, #tpu.memory_space<vmem_shared>>
      tpu.wait_indirect_dma semaphore(%run_scoped3A : memref<!tpu.dma_semaphore, #tpu.memory_space<semaphore_mem>>) src(%arg8 : memref<80x128xf32, #tpu.memory_space<vmem>>) dst(%dma_wait3A_41 : memref<10112x128xf32, #tpu.memory_space<vmem_shared>>)
      tpu.yield
    }) : () -> ()
    %barrier3A_28 = arith.constant 0 : index
    tpu.barrier barrier_id(%barrier3A_28)
    %mul3A_29 = arith.constant 632 : i32
    %mul3A_30 = arith.muli %arg1, %mul3A_29 : i32
    %mul3A_31 = arith.constant 10112 : i32
    %mul3A_32 = arith.muli %arg0, %mul3A_31 : i32
    %mul3A_33 = arith.constant 632 : i32
    %mul3A_34 = arith.muli %arg1, %mul3A_33 : i32
    %add3A_35 = arith.addi %mul3A_32, %mul3A_34 : i32
    "tpu.region"() ({
      %run_scoped3A = tpu.sem_alloc : memref<!tpu.dma_semaphore, #tpu.memory_space<semaphore_mem>>
      %dma_start3A_36 = arith.constant 0 : i32
      %dma_start3A_37 = tpu.memref_slice %arg5[%add3A_35, %dma_start3A_36] : memref<20224x128xf32, #tpu.memory_space<hbm>> -> memref<632x128xf32, #tpu.memory_space<hbm>>
      %dma_start3A_38 = arith.constant 0 : i32
      %dma_start3A_39 = tpu.memref_slice %arg10[%mul3A_30, %dma_start3A_38] : memref<10112x128xf32, #tpu.memory_space<vmem_shared>> -> memref<632x128xf32, #tpu.memory_space<vmem_shared>>
      tpu.enqueue_dma source(%dma_start3A_39 : memref<632x128xf32, #tpu.memory_space<vmem_shared>>) target(%dma_start3A_37 : memref<632x128xf32, #tpu.memory_space<hbm>>) target_semaphore(%run_scoped3A : memref<!tpu.dma_semaphore, #tpu.memory_space<semaphore_mem>>)
      %dma_wait3A_40 = arith.constant 0 : i32
      %dma_wait3A_41 = tpu.memref_slice %arg5[%add3A_35, %dma_wait3A_40] : memref<20224x128xf32, #tpu.memory_space<hbm>> -> memref<632x128xf32, #tpu.memory_space<hbm>>
      %dma_wait3A_42 = arith.constant 0 : i32
      %dma_wait3A_43 = tpu.memref_slice %arg10[%mul3A_30, %dma_wait3A_42] : memref<10112x128xf32, #tpu.memory_space<vmem_shared>> -> memref<632x128xf32, #tpu.memory_space<vmem_shared>>
      tpu.wait_dma2 semaphore(%run_scoped3A : memref<!tpu.dma_semaphore, #tpu.memory_space<semaphore_mem>>) src(%dma_wait3A_43 : memref<632x128xf32, #tpu.memory_space<vmem_shared>>) dst(%dma_wait3A_41 : memref<632x128xf32, #tpu.memory_space<hbm>>)
      tpu.yield
    }) : () -> ()
    return
  }
}

#map = affine_map<(d0, d1) -> (0, 0)>
#map1 = affine_map<(d0, d1) -> (0)>
module attributes {stable_mosaic.version = 14 : i64} {
  func.func @k(%arg0: i32, %arg1: i32, %arg2: memref<10000x128xf32, #tpu.memory_space<hbm>>, %arg3: memref<10000x128xf32, #tpu.memory_space<hbm>>, %arg4: memref<10000x128xf32, #tpu.memory_space<hbm>>, %arg5: memref<320000xi32, #tpu.memory_space<hbm>>, %arg6: memref<320000xi32, #tpu.memory_space<hbm>>, %arg7: memref<320000x128xf32, #tpu.memory_space<hbm>>, %arg8: memref<320000x128xf32, #tpu.memory_space<hbm>>, %arg9: memref<320000x128xf32, #tpu.memory_space<hbm>>, %arg10: memref<80xi32, #tpu.memory_space<vmem>>, %arg11: memref<80xi32, #tpu.memory_space<vmem>>, %arg12: memref<80xi32, #tpu.memory_space<vmem>>, %arg13: memref<80xi32, #tpu.memory_space<vmem>>, %arg14: memref<80x128xf32, #tpu.memory_space<vmem>>, %arg15: memref<80x128xf32, #tpu.memory_space<vmem>>, %arg16: memref<80x128xf32, #tpu.memory_space<vmem>>, %arg17: memref<80x128xf32, #tpu.memory_space<vmem>>, %arg18: memref<80x128xf32, #tpu.memory_space<vmem>>, %arg19: memref<80x128xf32, #tpu.memory_space<vmem>>, %arg20: memref<!tpu.dma_semaphore, #tpu.memory_space<semaphore_mem>>, %arg21: memref<!tpu.dma_semaphore, #tpu.memory_space<semaphore_mem>>) attributes {dimension_semantics = [#tpu.dimension_semantics<core_parallel>, #tpu.dimension_semantics<subcore_parallel>], iteration_bounds = array<i64: 2, 16>, scalar_prefetch = 0 : i64, scratch_operands = 12 : i64, tpu.core_type = #tpu.core_type<sc_vector_subcore>, window_params = [{transform_indices = #map}, {transform_indices = #map}, {transform_indices = #map}, {transform_indices = #map1}, {transform_indices = #map1}, {transform_indices = #map}, {transform_indices = #map}, {transform_indices = #map}]} {
    %mul3A = arith.constant 2 : i32
    %mul3A_0 = arith.muli %arg1, %mul3A : i32
    %add3A = arith.addi %mul3A_0, %arg0 : i32
    %mul3A_1 = arith.constant 10000 : i32
    %mul3A_2 = arith.muli %add3A, %mul3A_1 : i32
    %add3A_3 = arith.constant 0 : i32
    %add3A_4 = arith.addi %mul3A_2, %add3A_3 : i32
    "tpu.region"() ({
      %run_scoped3A = tpu.sem_alloc : memref<!tpu.dma_semaphore, #tpu.memory_space<semaphore_mem>>
      %dma_start3A_37 = tpu.memref_slice %arg5[%add3A_4] : memref<320000xi32, #tpu.memory_space<hbm>> -> memref<80xi32, #tpu.memory_space<hbm>>
      %dma_start3A_38 = tpu.memref_slice %arg5[%add3A_4] : memref<320000xi32, #tpu.memory_space<hbm>> -> memref<80xi32, #tpu.memory_space<hbm>>
      tpu.enqueue_dma source(%dma_start3A_38 : memref<80xi32, #tpu.memory_space<hbm>>) target(%arg10 : memref<80xi32, #tpu.memory_space<vmem>>) target_semaphore(%run_scoped3A : memref<!tpu.dma_semaphore, #tpu.memory_space<semaphore_mem>>)
      %dma_wait3A_39 = tpu.memref_slice %arg5[%add3A_4] : memref<320000xi32, #tpu.memory_space<hbm>> -> memref<80xi32, #tpu.memory_space<hbm>>
      %dma_wait3A_40 = tpu.memref_slice %arg5[%add3A_4] : memref<320000xi32, #tpu.memory_space<hbm>> -> memref<80xi32, #tpu.memory_space<hbm>>
      tpu.wait_dma2 semaphore(%run_scoped3A : memref<!tpu.dma_semaphore, #tpu.memory_space<semaphore_mem>>) src(%dma_wait3A_40 : memref<80xi32, #tpu.memory_space<hbm>>) dst(%arg10 : memref<80xi32, #tpu.memory_space<vmem>>)
      tpu.yield
    }) : () -> ()
    "tpu.region"() ({
      %run_scoped3A = tpu.sem_alloc : memref<!tpu.dma_semaphore, #tpu.memory_space<semaphore_mem>>
      %dma_start3A_37 = tpu.memref_slice %arg6[%add3A_4] : memref<320000xi32, #tpu.memory_space<hbm>> -> memref<80xi32, #tpu.memory_space<hbm>>
      %dma_start3A_38 = tpu.memref_slice %arg6[%add3A_4] : memref<320000xi32, #tpu.memory_space<hbm>> -> memref<80xi32, #tpu.memory_space<hbm>>
      tpu.enqueue_dma source(%dma_start3A_38 : memref<80xi32, #tpu.memory_space<hbm>>) target(%arg11 : memref<80xi32, #tpu.memory_space<vmem>>) target_semaphore(%run_scoped3A : memref<!tpu.dma_semaphore, #tpu.memory_space<semaphore_mem>>)
      %dma_wait3A_39 = tpu.memref_slice %arg6[%add3A_4] : memref<320000xi32, #tpu.memory_space<hbm>> -> memref<80xi32, #tpu.memory_space<hbm>>
      %dma_wait3A_40 = tpu.memref_slice %arg6[%add3A_4] : memref<320000xi32, #tpu.memory_space<hbm>> -> memref<80xi32, #tpu.memory_space<hbm>>
      tpu.wait_dma2 semaphore(%run_scoped3A : memref<!tpu.dma_semaphore, #tpu.memory_space<semaphore_mem>>) src(%dma_wait3A_40 : memref<80xi32, #tpu.memory_space<hbm>>) dst(%arg11 : memref<80xi32, #tpu.memory_space<vmem>>)
      tpu.yield
    }) : () -> ()
    %dma_start3A = arith.constant 0 : i32
    %dma_start3A_5 = arith.constant 0 : i32
    %dma_start3A_6 = tpu.memref_slice %arg2[%dma_start3A, %dma_start3A_5] : memref<10000x128xf32, #tpu.memory_space<hbm>> -> memref<10000x128xf32, #tpu.memory_space<hbm>>
    tpu.enqueue_indirect_dma source(%dma_start3A_6 : memref<10000x128xf32, #tpu.memory_space<hbm>>) target(%arg14 : memref<80x128xf32, #tpu.memory_space<vmem>>) offsets(%arg10 : memref<80xi32, #tpu.memory_space<vmem>>) semaphore(%arg20 : memref<!tpu.dma_semaphore, #tpu.memory_space<semaphore_mem>>)
    %dma_start3A_7 = arith.constant 0 : i32
    %dma_start3A_8 = arith.constant 0 : i32
    %dma_start3A_9 = tpu.memref_slice %arg3[%dma_start3A_7, %dma_start3A_8] : memref<10000x128xf32, #tpu.memory_space<hbm>> -> memref<10000x128xf32, #tpu.memory_space<hbm>>
    tpu.enqueue_indirect_dma source(%dma_start3A_9 : memref<10000x128xf32, #tpu.memory_space<hbm>>) target(%arg15 : memref<80x128xf32, #tpu.memory_space<vmem>>) offsets(%arg10 : memref<80xi32, #tpu.memory_space<vmem>>) semaphore(%arg20 : memref<!tpu.dma_semaphore, #tpu.memory_space<semaphore_mem>>)
    %dma_start3A_10 = arith.constant 0 : i32
    %dma_start3A_11 = arith.constant 0 : i32
    %dma_start3A_12 = tpu.memref_slice %arg4[%dma_start3A_10, %dma_start3A_11] : memref<10000x128xf32, #tpu.memory_space<hbm>> -> memref<10000x128xf32, #tpu.memory_space<hbm>>
    tpu.enqueue_indirect_dma source(%dma_start3A_12 : memref<10000x128xf32, #tpu.memory_space<hbm>>) target(%arg16 : memref<80x128xf32, #tpu.memory_space<vmem>>) offsets(%arg11 : memref<80xi32, #tpu.memory_space<vmem>>) semaphore(%arg20 : memref<!tpu.dma_semaphore, #tpu.memory_space<semaphore_mem>>)
    %scan3A = arith.constant 0 : i32
    %scan3A_13 = arith.constant 0 : i32
    %scan3A_14 = arith.constant 62 : i32
    %scan3A_15 = arith.addi %scan3A_13, %scan3A_14 : i32
    %scan3A_16 = arith.constant 1 : i32
    scf.for %scan3A_37 = %scan3A_13 to %scan3A_15 step %scan3A_16  : i32 {
      %mul3A_38 = arith.constant 2 : i32
      %mul3A_39 = arith.muli %mul3A_38, %scan3A_37 : i32
      %add3A_40 = arith.constant 1 : i32
      %add3A_41 = arith.addi %mul3A_39, %add3A_40 : i32
      %mul3A_42 = arith.constant 80 : i32
      %mul3A_43 = arith.muli %add3A_41, %mul3A_42 : i32
      %add3A_44 = arith.addi %mul3A_2, %mul3A_43 : i32
      "tpu.region"() ({
        %run_scoped3A = tpu.sem_alloc : memref<!tpu.dma_semaphore, #tpu.memory_space<semaphore_mem>>
        %dma_start3A_102 = tpu.memref_slice %arg5[%add3A_44] : memref<320000xi32, #tpu.memory_space<hbm>> -> memref<80xi32, #tpu.memory_space<hbm>>
        %dma_start3A_103 = tpu.memref_slice %arg5[%add3A_44] : memref<320000xi32, #tpu.memory_space<hbm>> -> memref<80xi32, #tpu.memory_space<hbm>>
        tpu.enqueue_dma source(%dma_start3A_103 : memref<80xi32, #tpu.memory_space<hbm>>) target(%arg12 : memref<80xi32, #tpu.memory_space<vmem>>) target_semaphore(%run_scoped3A : memref<!tpu.dma_semaphore, #tpu.memory_space<semaphore_mem>>)
        %dma_wait3A_104 = tpu.memref_slice %arg5[%add3A_44] : memref<320000xi32, #tpu.memory_space<hbm>> -> memref<80xi32, #tpu.memory_space<hbm>>
        %dma_wait3A_105 = tpu.memref_slice %arg5[%add3A_44] : memref<320000xi32, #tpu.memory_space<hbm>> -> memref<80xi32, #tpu.memory_space<hbm>>
        tpu.wait_dma2 semaphore(%run_scoped3A : memref<!tpu.dma_semaphore, #tpu.memory_space<semaphore_mem>>) src(%dma_wait3A_105 : memref<80xi32, #tpu.memory_space<hbm>>) dst(%arg12 : memref<80xi32, #tpu.memory_space<vmem>>)
        tpu.yield
      }) : () -> ()
      "tpu.region"() ({
        %run_scoped3A = tpu.sem_alloc : memref<!tpu.dma_semaphore, #tpu.memory_space<semaphore_mem>>
        %dma_start3A_102 = tpu.memref_slice %arg6[%add3A_44] : memref<320000xi32, #tpu.memory_space<hbm>> -> memref<80xi32, #tpu.memory_space<hbm>>
        %dma_start3A_103 = tpu.memref_slice %arg6[%add3A_44] : memref<320000xi32, #tpu.memory_space<hbm>> -> memref<80xi32, #tpu.memory_space<hbm>>
        tpu.enqueue_dma source(%dma_start3A_103 : memref<80xi32, #tpu.memory_space<hbm>>) target(%arg13 : memref<80xi32, #tpu.memory_space<vmem>>) target_semaphore(%run_scoped3A : memref<!tpu.dma_semaphore, #tpu.memory_space<semaphore_mem>>)
        %dma_wait3A_104 = tpu.memref_slice %arg6[%add3A_44] : memref<320000xi32, #tpu.memory_space<hbm>> -> memref<80xi32, #tpu.memory_space<hbm>>
        %dma_wait3A_105 = tpu.memref_slice %arg6[%add3A_44] : memref<320000xi32, #tpu.memory_space<hbm>> -> memref<80xi32, #tpu.memory_space<hbm>>
        tpu.wait_dma2 semaphore(%run_scoped3A : memref<!tpu.dma_semaphore, #tpu.memory_space<semaphore_mem>>) src(%dma_wait3A_105 : memref<80xi32, #tpu.memory_space<hbm>>) dst(%arg13 : memref<80xi32, #tpu.memory_space<vmem>>)
        tpu.yield
      }) : () -> ()
      %dma_start3A_45 = arith.constant 0 : i32
      %dma_start3A_46 = arith.constant 0 : i32
      %dma_start3A_47 = tpu.memref_slice %arg2[%dma_start3A_45, %dma_start3A_46] : memref<10000x128xf32, #tpu.memory_space<hbm>> -> memref<10000x128xf32, #tpu.memory_space<hbm>>
      tpu.enqueue_indirect_dma source(%dma_start3A_47 : memref<10000x128xf32, #tpu.memory_space<hbm>>) target(%arg17 : memref<80x128xf32, #tpu.memory_space<vmem>>) offsets(%arg12 : memref<80xi32, #tpu.memory_space<vmem>>) semaphore(%arg21 : memref<!tpu.dma_semaphore, #tpu.memory_space<semaphore_mem>>)
      %dma_start3A_48 = arith.constant 0 : i32
      %dma_start3A_49 = arith.constant 0 : i32
      %dma_start3A_50 = tpu.memref_slice %arg3[%dma_start3A_48, %dma_start3A_49] : memref<10000x128xf32, #tpu.memory_space<hbm>> -> memref<10000x128xf32, #tpu.memory_space<hbm>>
      tpu.enqueue_indirect_dma source(%dma_start3A_50 : memref<10000x128xf32, #tpu.memory_space<hbm>>) target(%arg18 : memref<80x128xf32, #tpu.memory_space<vmem>>) offsets(%arg12 : memref<80xi32, #tpu.memory_space<vmem>>) semaphore(%arg21 : memref<!tpu.dma_semaphore, #tpu.memory_space<semaphore_mem>>)
      %dma_start3A_51 = arith.constant 0 : i32
      %dma_start3A_52 = arith.constant 0 : i32
      %dma_start3A_53 = tpu.memref_slice %arg4[%dma_start3A_51, %dma_start3A_52] : memref<10000x128xf32, #tpu.memory_space<hbm>> -> memref<10000x128xf32, #tpu.memory_space<hbm>>
      tpu.enqueue_indirect_dma source(%dma_start3A_53 : memref<10000x128xf32, #tpu.memory_space<hbm>>) target(%arg19 : memref<80x128xf32, #tpu.memory_space<vmem>>) offsets(%arg13 : memref<80xi32, #tpu.memory_space<vmem>>) semaphore(%arg21 : memref<!tpu.dma_semaphore, #tpu.memory_space<semaphore_mem>>)
      %dma_wait3A_54 = arith.constant 0 : i32
      %dma_wait3A_55 = arith.constant 0 : i32
      %dma_wait3A_56 = tpu.memref_slice %arg2[%dma_wait3A_54, %dma_wait3A_55] : memref<10000x128xf32, #tpu.memory_space<hbm>> -> memref<80x128xf32, #tpu.memory_space<hbm>>
      %dma_wait3A_57 = arith.constant 0 : i32
      %dma_wait3A_58 = arith.constant 0 : i32
      %dma_wait3A_59 = tpu.memref_slice %arg2[%dma_wait3A_57, %dma_wait3A_58] : memref<10000x128xf32, #tpu.memory_space<hbm>> -> memref<80x128xf32, #tpu.memory_space<hbm>>
      tpu.wait_dma2 semaphore(%arg20 : memref<!tpu.dma_semaphore, #tpu.memory_space<semaphore_mem>>) src(%dma_wait3A_59 : memref<80x128xf32, #tpu.memory_space<hbm>>) dst(%arg14 : memref<80x128xf32, #tpu.memory_space<vmem>>)
      %dma_wait3A_60 = arith.constant 0 : i32
      %dma_wait3A_61 = arith.constant 0 : i32
      %dma_wait3A_62 = tpu.memref_slice %arg3[%dma_wait3A_60, %dma_wait3A_61] : memref<10000x128xf32, #tpu.memory_space<hbm>> -> memref<80x128xf32, #tpu.memory_space<hbm>>
      %dma_wait3A_63 = arith.constant 0 : i32
      %dma_wait3A_64 = arith.constant 0 : i32
      %dma_wait3A_65 = tpu.memref_slice %arg3[%dma_wait3A_63, %dma_wait3A_64] : memref<10000x128xf32, #tpu.memory_space<hbm>> -> memref<80x128xf32, #tpu.memory_space<hbm>>
      tpu.wait_dma2 semaphore(%arg20 : memref<!tpu.dma_semaphore, #tpu.memory_space<semaphore_mem>>) src(%dma_wait3A_65 : memref<80x128xf32, #tpu.memory_space<hbm>>) dst(%arg15 : memref<80x128xf32, #tpu.memory_space<vmem>>)
      %dma_wait3A_66 = arith.constant 0 : i32
      %dma_wait3A_67 = arith.constant 0 : i32
      %dma_wait3A_68 = tpu.memref_slice %arg4[%dma_wait3A_66, %dma_wait3A_67] : memref<10000x128xf32, #tpu.memory_space<hbm>> -> memref<80x128xf32, #tpu.memory_space<hbm>>
      %dma_wait3A_69 = arith.constant 0 : i32
      %dma_wait3A_70 = arith.constant 0 : i32
      %dma_wait3A_71 = tpu.memref_slice %arg4[%dma_wait3A_69, %dma_wait3A_70] : memref<10000x128xf32, #tpu.memory_space<hbm>> -> memref<80x128xf32, #tpu.memory_space<hbm>>
      tpu.wait_dma2 semaphore(%arg20 : memref<!tpu.dma_semaphore, #tpu.memory_space<semaphore_mem>>) src(%dma_wait3A_71 : memref<80x128xf32, #tpu.memory_space<hbm>>) dst(%arg16 : memref<80x128xf32, #tpu.memory_space<vmem>>)
      %mul3A_72 = arith.constant 80 : i32
      %mul3A_73 = arith.muli %mul3A_39, %mul3A_72 : i32
      %add3A_74 = arith.addi %mul3A_2, %mul3A_73 : i32
      "tpu.region"() ({
        %run_scoped3A = tpu.sem_alloc : memref<!tpu.dma_semaphore, #tpu.memory_space<semaphore_mem>>
        %dma_start3A_102 = arith.constant 0 : i32
        %dma_start3A_103 = tpu.memref_slice %arg7[%add3A_74, %dma_start3A_102] : memref<320000x128xf32, #tpu.memory_space<hbm>> -> memref<80x128xf32, #tpu.memory_space<hbm>>
        %dma_start3A_104 = arith.constant 0 : i32
        %dma_start3A_105 = tpu.memref_slice %arg7[%add3A_74, %dma_start3A_104] : memref<320000x128xf32, #tpu.memory_space<hbm>> -> memref<80x128xf32, #tpu.memory_space<hbm>>
        tpu.enqueue_dma source(%arg14 : memref<80x128xf32, #tpu.memory_space<vmem>>) target(%dma_start3A_105 : memref<80x128xf32, #tpu.memory_space<hbm>>) target_semaphore(%run_scoped3A : memref<!tpu.dma_semaphore, #tpu.memory_space<semaphore_mem>>)
        %dma_wait3A_106 = arith.constant 0 : i32
        %dma_wait3A_107 = tpu.memref_slice %arg7[%add3A_74, %dma_wait3A_106] : memref<320000x128xf32, #tpu.memory_space<hbm>> -> memref<80x128xf32, #tpu.memory_space<hbm>>
        %dma_wait3A_108 = arith.constant 0 : i32
        %dma_wait3A_109 = tpu.memref_slice %arg7[%add3A_74, %dma_wait3A_108] : memref<320000x128xf32, #tpu.memory_space<hbm>> -> memref<80x128xf32, #tpu.memory_space<hbm>>
        tpu.wait_dma2 semaphore(%run_scoped3A : memref<!tpu.dma_semaphore, #tpu.memory_space<semaphore_mem>>) src(%arg14 : memref<80x128xf32, #tpu.memory_space<vmem>>) dst(%dma_wait3A_109 : memref<80x128xf32, #tpu.memory_space<hbm>>)
        tpu.yield
      }) : () -> ()
      "tpu.region"() ({
        %run_scoped3A = tpu.sem_alloc : memref<!tpu.dma_semaphore, #tpu.memory_space<semaphore_mem>>
        %dma_start3A_102 = arith.constant 0 : i32
        %dma_start3A_103 = tpu.memref_slice %arg8[%add3A_74, %dma_start3A_102] : memref<320000x128xf32, #tpu.memory_space<hbm>> -> memref<80x128xf32, #tpu.memory_space<hbm>>
        %dma_start3A_104 = arith.constant 0 : i32
        %dma_start3A_105 = tpu.memref_slice %arg8[%add3A_74, %dma_start3A_104] : memref<320000x128xf32, #tpu.memory_space<hbm>> -> memref<80x128xf32, #tpu.memory_space<hbm>>
        tpu.enqueue_dma source(%arg15 : memref<80x128xf32, #tpu.memory_space<vmem>>) target(%dma_start3A_105 : memref<80x128xf32, #tpu.memory_space<hbm>>) target_semaphore(%run_scoped3A : memref<!tpu.dma_semaphore, #tpu.memory_space<semaphore_mem>>)
        %dma_wait3A_106 = arith.constant 0 : i32
        %dma_wait3A_107 = tpu.memref_slice %arg8[%add3A_74, %dma_wait3A_106] : memref<320000x128xf32, #tpu.memory_space<hbm>> -> memref<80x128xf32, #tpu.memory_space<hbm>>
        %dma_wait3A_108 = arith.constant 0 : i32
        %dma_wait3A_109 = tpu.memref_slice %arg8[%add3A_74, %dma_wait3A_108] : memref<320000x128xf32, #tpu.memory_space<hbm>> -> memref<80x128xf32, #tpu.memory_space<hbm>>
        tpu.wait_dma2 semaphore(%run_scoped3A : memref<!tpu.dma_semaphore, #tpu.memory_space<semaphore_mem>>) src(%arg15 : memref<80x128xf32, #tpu.memory_space<vmem>>) dst(%dma_wait3A_109 : memref<80x128xf32, #tpu.memory_space<hbm>>)
        tpu.yield
      }) : () -> ()
      "tpu.region"() ({
        %run_scoped3A = tpu.sem_alloc : memref<!tpu.dma_semaphore, #tpu.memory_space<semaphore_mem>>
        %dma_start3A_102 = arith.constant 0 : i32
        %dma_start3A_103 = tpu.memref_slice %arg9[%add3A_74, %dma_start3A_102] : memref<320000x128xf32, #tpu.memory_space<hbm>> -> memref<80x128xf32, #tpu.memory_space<hbm>>
        %dma_start3A_104 = arith.constant 0 : i32
        %dma_start3A_105 = tpu.memref_slice %arg9[%add3A_74, %dma_start3A_104] : memref<320000x128xf32, #tpu.memory_space<hbm>> -> memref<80x128xf32, #tpu.memory_space<hbm>>
        tpu.enqueue_dma source(%arg16 : memref<80x128xf32, #tpu.memory_space<vmem>>) target(%dma_start3A_105 : memref<80x128xf32, #tpu.memory_space<hbm>>) target_semaphore(%run_scoped3A : memref<!tpu.dma_semaphore, #tpu.memory_space<semaphore_mem>>)
        %dma_wait3A_106 = arith.constant 0 : i32
        %dma_wait3A_107 = tpu.memref_slice %arg9[%add3A_74, %dma_wait3A_106] : memref<320000x128xf32, #tpu.memory_space<hbm>> -> memref<80x128xf32, #tpu.memory_space<hbm>>
        %dma_wait3A_108 = arith.constant 0 : i32
        %dma_wait3A_109 = tpu.memref_slice %arg9[%add3A_74, %dma_wait3A_108] : memref<320000x128xf32, #tpu.memory_space<hbm>> -> memref<80x128xf32, #tpu.memory_space<hbm>>
        tpu.wait_dma2 semaphore(%run_scoped3A : memref<!tpu.dma_semaphore, #tpu.memory_space<semaphore_mem>>) src(%arg16 : memref<80x128xf32, #tpu.memory_space<vmem>>) dst(%dma_wait3A_109 : memref<80x128xf32, #tpu.memory_space<hbm>>)
        tpu.yield
      }) : () -> ()
      %add3A_75 = arith.constant 2 : i32
      %add3A_76 = arith.addi %mul3A_39, %add3A_75 : i32
      %lt3A = arith.constant 125 : i32
      %lt3A_77 = arith.cmpi slt, %add3A_76, %lt3A : i32
      %convert_element_type3A = arith.extui %lt3A_77 : i1 to i32
      %cond3A = arith.constant 0 : i32
      %cond3A_78 = arith.cmpi ne, %convert_element_type3A, %cond3A : i32
      scf.if %cond3A_78 {
        %add3A_102 = arith.constant 2 : i32
        %add3A_103 = arith.addi %mul3A_39, %add3A_102 : i32
        %mul3A_104 = arith.constant 80 : i32
        %mul3A_105 = arith.muli %add3A_103, %mul3A_104 : i32
        %add3A_106 = arith.addi %mul3A_2, %mul3A_105 : i32
        "tpu.region"() ({
          %run_scoped3A = tpu.sem_alloc : memref<!tpu.dma_semaphore, #tpu.memory_space<semaphore_mem>>
          %dma_start3A_116 = tpu.memref_slice %arg5[%add3A_106] : memref<320000xi32, #tpu.memory_space<hbm>> -> memref<80xi32, #tpu.memory_space<hbm>>
          %dma_start3A_117 = tpu.memref_slice %arg5[%add3A_106] : memref<320000xi32, #tpu.memory_space<hbm>> -> memref<80xi32, #tpu.memory_space<hbm>>
          tpu.enqueue_dma source(%dma_start3A_117 : memref<80xi32, #tpu.memory_space<hbm>>) target(%arg10 : memref<80xi32, #tpu.memory_space<vmem>>) target_semaphore(%run_scoped3A : memref<!tpu.dma_semaphore, #tpu.memory_space<semaphore_mem>>)
          %dma_wait3A_118 = tpu.memref_slice %arg5[%add3A_106] : memref<320000xi32, #tpu.memory_space<hbm>> -> memref<80xi32, #tpu.memory_space<hbm>>
          %dma_wait3A_119 = tpu.memref_slice %arg5[%add3A_106] : memref<320000xi32, #tpu.memory_space<hbm>> -> memref<80xi32, #tpu.memory_space<hbm>>
          tpu.wait_dma2 semaphore(%run_scoped3A : memref<!tpu.dma_semaphore, #tpu.memory_space<semaphore_mem>>) src(%dma_wait3A_119 : memref<80xi32, #tpu.memory_space<hbm>>) dst(%arg10 : memref<80xi32, #tpu.memory_space<vmem>>)
          tpu.yield
        }) : () -> ()
        "tpu.region"() ({
          %run_scoped3A = tpu.sem_alloc : memref<!tpu.dma_semaphore, #tpu.memory_space<semaphore_mem>>
          %dma_start3A_116 = tpu.memref_slice %arg6[%add3A_106] : memref<320000xi32, #tpu.memory_space<hbm>> -> memref<80xi32, #tpu.memory_space<hbm>>
          %dma_start3A_117 = tpu.memref_slice %arg6[%add3A_106] : memref<320000xi32, #tpu.memory_space<hbm>> -> memref<80xi32, #tpu.memory_space<hbm>>
          tpu.enqueue_dma source(%dma_start3A_117 : memref<80xi32, #tpu.memory_space<hbm>>) target(%arg11 : memref<80xi32, #tpu.memory_space<vmem>>) target_semaphore(%run_scoped3A : memref<!tpu.dma_semaphore, #tpu.memory_space<semaphore_mem>>)
          %dma_wait3A_118 = tpu.memref_slice %arg6[%add3A_106] : memref<320000xi32, #tpu.memory_space<hbm>> -> memref<80xi32, #tpu.memory_space<hbm>>
          %dma_wait3A_119 = tpu.memref_slice %arg6[%add3A_106] : memref<320000xi32, #tpu.memory_space<hbm>> -> memref<80xi32, #tpu.memory_space<hbm>>
          tpu.wait_dma2 semaphore(%run_scoped3A : memref<!tpu.dma_semaphore, #tpu.memory_space<semaphore_mem>>) src(%dma_wait3A_119 : memref<80xi32, #tpu.memory_space<hbm>>) dst(%arg11 : memref<80xi32, #tpu.memory_space<vmem>>)
          tpu.yield
        }) : () -> ()
        %dma_start3A_107 = arith.constant 0 : i32
        %dma_start3A_108 = arith.constant 0 : i32
        %dma_start3A_109 = tpu.memref_slice %arg2[%dma_start3A_107, %dma_start3A_108] : memref<10000x128xf32, #tpu.memory_space<hbm>> -> memref<10000x128xf32, #tpu.memory_space<hbm>>
        tpu.enqueue_indirect_dma source(%dma_start3A_109 : memref<10000x128xf32, #tpu.memory_space<hbm>>) target(%arg14 : memref<80x128xf32, #tpu.memory_space<vmem>>) offsets(%arg10 : memref<80xi32, #tpu.memory_space<vmem>>) semaphore(%arg20 : memref<!tpu.dma_semaphore, #tpu.memory_space<semaphore_mem>>)
        %dma_start3A_110 = arith.constant 0 : i32
        %dma_start3A_111 = arith.constant 0 : i32
        %dma_start3A_112 = tpu.memref_slice %arg3[%dma_start3A_110, %dma_start3A_111] : memref<10000x128xf32, #tpu.memory_space<hbm>> -> memref<10000x128xf32, #tpu.memory_space<hbm>>
        tpu.enqueue_indirect_dma source(%dma_start3A_112 : memref<10000x128xf32, #tpu.memory_space<hbm>>) target(%arg15 : memref<80x128xf32, #tpu.memory_space<vmem>>) offsets(%arg10 : memref<80xi32, #tpu.memory_space<vmem>>) semaphore(%arg20 : memref<!tpu.dma_semaphore, #tpu.memory_space<semaphore_mem>>)
        %dma_start3A_113 = arith.constant 0 : i32
        %dma_start3A_114 = arith.constant 0 : i32
        %dma_start3A_115 = tpu.memref_slice %arg4[%dma_start3A_113, %dma_start3A_114] : memref<10000x128xf32, #tpu.memory_space<hbm>> -> memref<10000x128xf32, #tpu.memory_space<hbm>>
        tpu.enqueue_indirect_dma source(%dma_start3A_115 : memref<10000x128xf32, #tpu.memory_space<hbm>>) target(%arg16 : memref<80x128xf32, #tpu.memory_space<vmem>>) offsets(%arg11 : memref<80xi32, #tpu.memory_space<vmem>>) semaphore(%arg20 : memref<!tpu.dma_semaphore, #tpu.memory_space<semaphore_mem>>)
      } else {
      }
      %dma_wait3A_79 = arith.constant 0 : i32
      %dma_wait3A_80 = arith.constant 0 : i32
      %dma_wait3A_81 = tpu.memref_slice %arg2[%dma_wait3A_79, %dma_wait3A_80] : memref<10000x128xf32, #tpu.memory_space<hbm>> -> memref<80x128xf32, #tpu.memory_space<hbm>>
      %dma_wait3A_82 = arith.constant 0 : i32
      %dma_wait3A_83 = arith.constant 0 : i32
      %dma_wait3A_84 = tpu.memref_slice %arg2[%dma_wait3A_82, %dma_wait3A_83] : memref<10000x128xf32, #tpu.memory_space<hbm>> -> memref<80x128xf32, #tpu.memory_space<hbm>>
      tpu.wait_dma2 semaphore(%arg21 : memref<!tpu.dma_semaphore, #tpu.memory_space<semaphore_mem>>) src(%dma_wait3A_84 : memref<80x128xf32, #tpu.memory_space<hbm>>) dst(%arg17 : memref<80x128xf32, #tpu.memory_space<vmem>>)
      %dma_wait3A_85 = arith.constant 0 : i32
      %dma_wait3A_86 = arith.constant 0 : i32
      %dma_wait3A_87 = tpu.memref_slice %arg3[%dma_wait3A_85, %dma_wait3A_86] : memref<10000x128xf32, #tpu.memory_space<hbm>> -> memref<80x128xf32, #tpu.memory_space<hbm>>
      %dma_wait3A_88 = arith.constant 0 : i32
      %dma_wait3A_89 = arith.constant 0 : i32
      %dma_wait3A_90 = tpu.memref_slice %arg3[%dma_wait3A_88, %dma_wait3A_89] : memref<10000x128xf32, #tpu.memory_space<hbm>> -> memref<80x128xf32, #tpu.memory_space<hbm>>
      tpu.wait_dma2 semaphore(%arg21 : memref<!tpu.dma_semaphore, #tpu.memory_space<semaphore_mem>>) src(%dma_wait3A_90 : memref<80x128xf32, #tpu.memory_space<hbm>>) dst(%arg18 : memref<80x128xf32, #tpu.memory_space<vmem>>)
      %dma_wait3A_91 = arith.constant 0 : i32
      %dma_wait3A_92 = arith.constant 0 : i32
      %dma_wait3A_93 = tpu.memref_slice %arg4[%dma_wait3A_91, %dma_wait3A_92] : memref<10000x128xf32, #tpu.memory_space<hbm>> -> memref<80x128xf32, #tpu.memory_space<hbm>>
      %dma_wait3A_94 = arith.constant 0 : i32
      %dma_wait3A_95 = arith.constant 0 : i32
      %dma_wait3A_96 = tpu.memref_slice %arg4[%dma_wait3A_94, %dma_wait3A_95] : memref<10000x128xf32, #tpu.memory_space<hbm>> -> memref<80x128xf32, #tpu.memory_space<hbm>>
      tpu.wait_dma2 semaphore(%arg21 : memref<!tpu.dma_semaphore, #tpu.memory_space<semaphore_mem>>) src(%dma_wait3A_96 : memref<80x128xf32, #tpu.memory_space<hbm>>) dst(%arg19 : memref<80x128xf32, #tpu.memory_space<vmem>>)
      %add3A_97 = arith.constant 1 : i32
      %add3A_98 = arith.addi %mul3A_39, %add3A_97 : i32
      %mul3A_99 = arith.constant 80 : i32
      %mul3A_100 = arith.muli %add3A_98, %mul3A_99 : i32
      %add3A_101 = arith.addi %mul3A_2, %mul3A_100 : i32
      "tpu.region"() ({
        %run_scoped3A = tpu.sem_alloc : memref<!tpu.dma_semaphore, #tpu.memory_space<semaphore_mem>>
        %dma_start3A_102 = arith.constant 0 : i32
        %dma_start3A_103 = tpu.memref_slice %arg7[%add3A_101, %dma_start3A_102] : memref<320000x128xf32, #tpu.memory_space<hbm>> -> memref<80x128xf32, #tpu.memory_space<hbm>>
        %dma_start3A_104 = arith.constant 0 : i32
        %dma_start3A_105 = tpu.memref_slice %arg7[%add3A_101, %dma_start3A_104] : memref<320000x128xf32, #tpu.memory_space<hbm>> -> memref<80x128xf32, #tpu.memory_space<hbm>>
        tpu.enqueue_dma source(%arg17 : memref<80x128xf32, #tpu.memory_space<vmem>>) target(%dma_start3A_105 : memref<80x128xf32, #tpu.memory_space<hbm>>) target_semaphore(%run_scoped3A : memref<!tpu.dma_semaphore, #tpu.memory_space<semaphore_mem>>)
        %dma_wait3A_106 = arith.constant 0 : i32
        %dma_wait3A_107 = tpu.memref_slice %arg7[%add3A_101, %dma_wait3A_106] : memref<320000x128xf32, #tpu.memory_space<hbm>> -> memref<80x128xf32, #tpu.memory_space<hbm>>
        %dma_wait3A_108 = arith.constant 0 : i32
        %dma_wait3A_109 = tpu.memref_slice %arg7[%add3A_101, %dma_wait3A_108] : memref<320000x128xf32, #tpu.memory_space<hbm>> -> memref<80x128xf32, #tpu.memory_space<hbm>>
        tpu.wait_dma2 semaphore(%run_scoped3A : memref<!tpu.dma_semaphore, #tpu.memory_space<semaphore_mem>>) src(%arg17 : memref<80x128xf32, #tpu.memory_space<vmem>>) dst(%dma_wait3A_109 : memref<80x128xf32, #tpu.memory_space<hbm>>)
        tpu.yield
      }) : () -> ()
      "tpu.region"() ({
        %run_scoped3A = tpu.sem_alloc : memref<!tpu.dma_semaphore, #tpu.memory_space<semaphore_mem>>
        %dma_start3A_102 = arith.constant 0 : i32
        %dma_start3A_103 = tpu.memref_slice %arg8[%add3A_101, %dma_start3A_102] : memref<320000x128xf32, #tpu.memory_space<hbm>> -> memref<80x128xf32, #tpu.memory_space<hbm>>
        %dma_start3A_104 = arith.constant 0 : i32
        %dma_start3A_105 = tpu.memref_slice %arg8[%add3A_101, %dma_start3A_104] : memref<320000x128xf32, #tpu.memory_space<hbm>> -> memref<80x128xf32, #tpu.memory_space<hbm>>
        tpu.enqueue_dma source(%arg18 : memref<80x128xf32, #tpu.memory_space<vmem>>) target(%dma_start3A_105 : memref<80x128xf32, #tpu.memory_space<hbm>>) target_semaphore(%run_scoped3A : memref<!tpu.dma_semaphore, #tpu.memory_space<semaphore_mem>>)
        %dma_wait3A_106 = arith.constant 0 : i32
        %dma_wait3A_107 = tpu.memref_slice %arg8[%add3A_101, %dma_wait3A_106] : memref<320000x128xf32, #tpu.memory_space<hbm>> -> memref<80x128xf32, #tpu.memory_space<hbm>>
        %dma_wait3A_108 = arith.constant 0 : i32
        %dma_wait3A_109 = tpu.memref_slice %arg8[%add3A_101, %dma_wait3A_108] : memref<320000x128xf32, #tpu.memory_space<hbm>> -> memref<80x128xf32, #tpu.memory_space<hbm>>
        tpu.wait_dma2 semaphore(%run_scoped3A : memref<!tpu.dma_semaphore, #tpu.memory_space<semaphore_mem>>) src(%arg18 : memref<80x128xf32, #tpu.memory_space<vmem>>) dst(%dma_wait3A_109 : memref<80x128xf32, #tpu.memory_space<hbm>>)
        tpu.yield
      }) : () -> ()
      "tpu.region"() ({
        %run_scoped3A = tpu.sem_alloc : memref<!tpu.dma_semaphore, #tpu.memory_space<semaphore_mem>>
        %dma_start3A_102 = arith.constant 0 : i32
        %dma_start3A_103 = tpu.memref_slice %arg9[%add3A_101, %dma_start3A_102] : memref<320000x128xf32, #tpu.memory_space<hbm>> -> memref<80x128xf32, #tpu.memory_space<hbm>>
        %dma_start3A_104 = arith.constant 0 : i32
        %dma_start3A_105 = tpu.memref_slice %arg9[%add3A_101, %dma_start3A_104] : memref<320000x128xf32, #tpu.memory_space<hbm>> -> memref<80x128xf32, #tpu.memory_space<hbm>>
        tpu.enqueue_dma source(%arg19 : memref<80x128xf32, #tpu.memory_space<vmem>>) target(%dma_start3A_105 : memref<80x128xf32, #tpu.memory_space<hbm>>) target_semaphore(%run_scoped3A : memref<!tpu.dma_semaphore, #tpu.memory_space<semaphore_mem>>)
        %dma_wait3A_106 = arith.constant 0 : i32
        %dma_wait3A_107 = tpu.memref_slice %arg9[%add3A_101, %dma_wait3A_106] : memref<320000x128xf32, #tpu.memory_space<hbm>> -> memref<80x128xf32, #tpu.memory_space<hbm>>
        %dma_wait3A_108 = arith.constant 0 : i32
        %dma_wait3A_109 = tpu.memref_slice %arg9[%add3A_101, %dma_wait3A_108] : memref<320000x128xf32, #tpu.memory_space<hbm>> -> memref<80x128xf32, #tpu.memory_space<hbm>>
        tpu.wait_dma2 semaphore(%run_scoped3A : memref<!tpu.dma_semaphore, #tpu.memory_space<semaphore_mem>>) src(%arg19 : memref<80x128xf32, #tpu.memory_space<vmem>>) dst(%dma_wait3A_109 : memref<80x128xf32, #tpu.memory_space<hbm>>)
        tpu.yield
      }) : () -> ()
    }
    %scan3A_17 = arith.constant 62 : i32
    %dma_wait3A = arith.constant 0 : i32
    %dma_wait3A_18 = arith.constant 0 : i32
    %dma_wait3A_19 = tpu.memref_slice %arg2[%dma_wait3A, %dma_wait3A_18] : memref<10000x128xf32, #tpu.memory_space<hbm>> -> memref<80x128xf32, #tpu.memory_space<hbm>>
    %dma_wait3A_20 = arith.constant 0 : i32
    %dma_wait3A_21 = arith.constant 0 : i32
    %dma_wait3A_22 = tpu.memref_slice %arg2[%dma_wait3A_20, %dma_wait3A_21] : memref<10000x128xf32, #tpu.memory_space<hbm>> -> memref<80x128xf32, #tpu.memory_space<hbm>>
    tpu.wait_dma2 semaphore(%arg20 : memref<!tpu.dma_semaphore, #tpu.memory_space<semaphore_mem>>) src(%dma_wait3A_22 : memref<80x128xf32, #tpu.memory_space<hbm>>) dst(%arg14 : memref<80x128xf32, #tpu.memory_space<vmem>>)
    %dma_wait3A_23 = arith.constant 0 : i32
    %dma_wait3A_24 = arith.constant 0 : i32
    %dma_wait3A_25 = tpu.memref_slice %arg3[%dma_wait3A_23, %dma_wait3A_24] : memref<10000x128xf32, #tpu.memory_space<hbm>> -> memref<80x128xf32, #tpu.memory_space<hbm>>
    %dma_wait3A_26 = arith.constant 0 : i32
    %dma_wait3A_27 = arith.constant 0 : i32
    %dma_wait3A_28 = tpu.memref_slice %arg3[%dma_wait3A_26, %dma_wait3A_27] : memref<10000x128xf32, #tpu.memory_space<hbm>> -> memref<80x128xf32, #tpu.memory_space<hbm>>
    tpu.wait_dma2 semaphore(%arg20 : memref<!tpu.dma_semaphore, #tpu.memory_space<semaphore_mem>>) src(%dma_wait3A_28 : memref<80x128xf32, #tpu.memory_space<hbm>>) dst(%arg15 : memref<80x128xf32, #tpu.memory_space<vmem>>)
    %dma_wait3A_29 = arith.constant 0 : i32
    %dma_wait3A_30 = arith.constant 0 : i32
    %dma_wait3A_31 = tpu.memref_slice %arg4[%dma_wait3A_29, %dma_wait3A_30] : memref<10000x128xf32, #tpu.memory_space<hbm>> -> memref<80x128xf32, #tpu.memory_space<hbm>>
    %dma_wait3A_32 = arith.constant 0 : i32
    %dma_wait3A_33 = arith.constant 0 : i32
    %dma_wait3A_34 = tpu.memref_slice %arg4[%dma_wait3A_32, %dma_wait3A_33] : memref<10000x128xf32, #tpu.memory_space<hbm>> -> memref<80x128xf32, #tpu.memory_space<hbm>>
    tpu.wait_dma2 semaphore(%arg20 : memref<!tpu.dma_semaphore, #tpu.memory_space<semaphore_mem>>) src(%dma_wait3A_34 : memref<80x128xf32, #tpu.memory_space<hbm>>) dst(%arg16 : memref<80x128xf32, #tpu.memory_space<vmem>>)
    %add3A_35 = arith.constant 9920 : i32
    %add3A_36 = arith.addi %mul3A_2, %add3A_35 : i32
    "tpu.region"() ({
      %run_scoped3A = tpu.sem_alloc : memref<!tpu.dma_semaphore, #tpu.memory_space<semaphore_mem>>
      %dma_start3A_37 = arith.constant 0 : i32
      %dma_start3A_38 = tpu.memref_slice %arg7[%add3A_36, %dma_start3A_37] : memref<320000x128xf32, #tpu.memory_space<hbm>> -> memref<80x128xf32, #tpu.memory_space<hbm>>
      %dma_start3A_39 = arith.constant 0 : i32
      %dma_start3A_40 = tpu.memref_slice %arg7[%add3A_36, %dma_start3A_39] : memref<320000x128xf32, #tpu.memory_space<hbm>> -> memref<80x128xf32, #tpu.memory_space<hbm>>
      tpu.enqueue_dma source(%arg14 : memref<80x128xf32, #tpu.memory_space<vmem>>) target(%dma_start3A_40 : memref<80x128xf32, #tpu.memory_space<hbm>>) target_semaphore(%run_scoped3A : memref<!tpu.dma_semaphore, #tpu.memory_space<semaphore_mem>>)
      %dma_wait3A_41 = arith.constant 0 : i32
      %dma_wait3A_42 = tpu.memref_slice %arg7[%add3A_36, %dma_wait3A_41] : memref<320000x128xf32, #tpu.memory_space<hbm>> -> memref<80x128xf32, #tpu.memory_space<hbm>>
      %dma_wait3A_43 = arith.constant 0 : i32
      %dma_wait3A_44 = tpu.memref_slice %arg7[%add3A_36, %dma_wait3A_43] : memref<320000x128xf32, #tpu.memory_space<hbm>> -> memref<80x128xf32, #tpu.memory_space<hbm>>
      tpu.wait_dma2 semaphore(%run_scoped3A : memref<!tpu.dma_semaphore, #tpu.memory_space<semaphore_mem>>) src(%arg14 : memref<80x128xf32, #tpu.memory_space<vmem>>) dst(%dma_wait3A_44 : memref<80x128xf32, #tpu.memory_space<hbm>>)
      tpu.yield
    }) : () -> ()
    "tpu.region"() ({
      %run_scoped3A = tpu.sem_alloc : memref<!tpu.dma_semaphore, #tpu.memory_space<semaphore_mem>>
      %dma_start3A_37 = arith.constant 0 : i32
      %dma_start3A_38 = tpu.memref_slice %arg8[%add3A_36, %dma_start3A_37] : memref<320000x128xf32, #tpu.memory_space<hbm>> -> memref<80x128xf32, #tpu.memory_space<hbm>>
      %dma_start3A_39 = arith.constant 0 : i32
      %dma_start3A_40 = tpu.memref_slice %arg8[%add3A_36, %dma_start3A_39] : memref<320000x128xf32, #tpu.memory_space<hbm>> -> memref<80x128xf32, #tpu.memory_space<hbm>>
      tpu.enqueue_dma source(%arg15 : memref<80x128xf32, #tpu.memory_space<vmem>>) target(%dma_start3A_40 : memref<80x128xf32, #tpu.memory_space<hbm>>) target_semaphore(%run_scoped3A : memref<!tpu.dma_semaphore, #tpu.memory_space<semaphore_mem>>)
      %dma_wait3A_41 = arith.constant 0 : i32
      %dma_wait3A_42 = tpu.memref_slice %arg8[%add3A_36, %dma_wait3A_41] : memref<320000x128xf32, #tpu.memory_space<hbm>> -> memref<80x128xf32, #tpu.memory_space<hbm>>
      %dma_wait3A_43 = arith.constant 0 : i32
      %dma_wait3A_44 = tpu.memref_slice %arg8[%add3A_36, %dma_wait3A_43] : memref<320000x128xf32, #tpu.memory_space<hbm>> -> memref<80x128xf32, #tpu.memory_space<hbm>>
      tpu.wait_dma2 semaphore(%run_scoped3A : memref<!tpu.dma_semaphore, #tpu.memory_space<semaphore_mem>>) src(%arg15 : memref<80x128xf32, #tpu.memory_space<vmem>>) dst(%dma_wait3A_44 : memref<80x128xf32, #tpu.memory_space<hbm>>)
      tpu.yield
    }) : () -> ()
    "tpu.region"() ({
      %run_scoped3A = tpu.sem_alloc : memref<!tpu.dma_semaphore, #tpu.memory_space<semaphore_mem>>
      %dma_start3A_37 = arith.constant 0 : i32
      %dma_start3A_38 = tpu.memref_slice %arg9[%add3A_36, %dma_start3A_37] : memref<320000x128xf32, #tpu.memory_space<hbm>> -> memref<80x128xf32, #tpu.memory_space<hbm>>
      %dma_start3A_39 = arith.constant 0 : i32
      %dma_start3A_40 = tpu.memref_slice %arg9[%add3A_36, %dma_start3A_39] : memref<320000x128xf32, #tpu.memory_space<hbm>> -> memref<80x128xf32, #tpu.memory_space<hbm>>
      tpu.enqueue_dma source(%arg16 : memref<80x128xf32, #tpu.memory_space<vmem>>) target(%dma_start3A_40 : memref<80x128xf32, #tpu.memory_space<hbm>>) target_semaphore(%run_scoped3A : memref<!tpu.dma_semaphore, #tpu.memory_space<semaphore_mem>>)
      %dma_wait3A_41 = arith.constant 0 : i32
      %dma_wait3A_42 = tpu.memref_slice %arg9[%add3A_36, %dma_wait3A_41] : memref<320000x128xf32, #tpu.memory_space<hbm>> -> memref<80x128xf32, #tpu.memory_space<hbm>>
      %dma_wait3A_43 = arith.constant 0 : i32
      %dma_wait3A_44 = tpu.memref_slice %arg9[%add3A_36, %dma_wait3A_43] : memref<320000x128xf32, #tpu.memory_space<hbm>> -> memref<80x128xf32, #tpu.memory_space<hbm>>
      tpu.wait_dma2 semaphore(%run_scoped3A : memref<!tpu.dma_semaphore, #tpu.memory_space<semaphore_mem>>) src(%arg16 : memref<80x128xf32, #tpu.memory_space<vmem>>) dst(%dma_wait3A_44 : memref<80x128xf32, #tpu.memory_space<hbm>>)
      tpu.yield
    }) : () -> ()
    return
  }
}

#map = affine_map<(d0, d1) -> (0, 0)>
#map1 = affine_map<(d0, d1) -> (0)>
module attributes {stable_mosaic.version = 14 : i64} {
  func.func @k(%arg0: i32, %arg1: i32, %arg2: memref<10000x128xf32, #tpu.memory_space<hbm>>, %arg3: memref<10000x128xf32, #tpu.memory_space<hbm>>, %arg4: memref<10000x128xf32, #tpu.memory_space<hbm>>, %arg5: memref<320000xi32, #tpu.memory_space<hbm>>, %arg6: memref<320000xi32, #tpu.memory_space<hbm>>, %arg7: memref<320000x128xf32, #tpu.memory_space<hbm>>, %arg8: memref<320000x128xf32, #tpu.memory_space<hbm>>, %arg9: memref<320000x128xf32, #tpu.memory_space<hbm>>, %arg10: memref<80xi32, #tpu.memory_space<vmem>>, %arg11: memref<80xi32, #tpu.memory_space<vmem>>, %arg12: memref<80xi32, #tpu.memory_space<vmem>>, %arg13: memref<80xi32, #tpu.memory_space<vmem>>, %arg14: memref<80x128xf32, #tpu.memory_space<vmem>>, %arg15: memref<80x128xf32, #tpu.memory_space<vmem>>, %arg16: memref<80x128xf32, #tpu.memory_space<vmem>>, %arg17: memref<80x128xf32, #tpu.memory_space<vmem>>, %arg18: memref<80x128xf32, #tpu.memory_space<vmem>>, %arg19: memref<80x128xf32, #tpu.memory_space<vmem>>, %arg20: memref<!tpu.dma_semaphore, #tpu.memory_space<semaphore_mem>>, %arg21: memref<!tpu.dma_semaphore, #tpu.memory_space<semaphore_mem>>) attributes {dimension_semantics = [#tpu.dimension_semantics<core_parallel>, #tpu.dimension_semantics<subcore_parallel>], iteration_bounds = array<i64: 2, 16>, scalar_prefetch = 0 : i64, scratch_operands = 12 : i64, tpu.core_type = #tpu.core_type<sc_vector_subcore>, window_params = [{transform_indices = #map}, {transform_indices = #map}, {transform_indices = #map}, {transform_indices = #map1}, {transform_indices = #map1}, {transform_indices = #map}, {transform_indices = #map}, {transform_indices = #map}]} {
    %mul3A = arith.constant 2 : i32
    %mul3A_0 = arith.muli %arg1, %mul3A : i32
    %add3A = arith.addi %mul3A_0, %arg0 : i32
    %mul3A_1 = arith.constant 10000 : i32
    %mul3A_2 = arith.muli %add3A, %mul3A_1 : i32
    %add3A_3 = arith.constant 0 : i32
    %add3A_4 = arith.addi %mul3A_2, %add3A_3 : i32
    "tpu.region"() ({
      %run_scoped3A = tpu.sem_alloc : memref<!tpu.dma_semaphore, #tpu.memory_space<semaphore_mem>>
      %dma_start3A_37 = tpu.memref_slice %arg5[%add3A_4] : memref<320000xi32, #tpu.memory_space<hbm>> -> memref<80xi32, #tpu.memory_space<hbm>>
      %dma_start3A_38 = tpu.memref_slice %arg5[%add3A_4] : memref<320000xi32, #tpu.memory_space<hbm>> -> memref<80xi32, #tpu.memory_space<hbm>>
      tpu.enqueue_dma source(%dma_start3A_38 : memref<80xi32, #tpu.memory_space<hbm>>) target(%arg10 : memref<80xi32, #tpu.memory_space<vmem>>) target_semaphore(%run_scoped3A : memref<!tpu.dma_semaphore, #tpu.memory_space<semaphore_mem>>)
      %dma_wait3A_39 = tpu.memref_slice %arg5[%add3A_4] : memref<320000xi32, #tpu.memory_space<hbm>> -> memref<80xi32, #tpu.memory_space<hbm>>
      %dma_wait3A_40 = tpu.memref_slice %arg5[%add3A_4] : memref<320000xi32, #tpu.memory_space<hbm>> -> memref<80xi32, #tpu.memory_space<hbm>>
      tpu.wait_dma2 semaphore(%run_scoped3A : memref<!tpu.dma_semaphore, #tpu.memory_space<semaphore_mem>>) src(%dma_wait3A_40 : memref<80xi32, #tpu.memory_space<hbm>>) dst(%arg10 : memref<80xi32, #tpu.memory_space<vmem>>)
      tpu.yield
    }) : () -> ()
    "tpu.region"() ({
      %run_scoped3A = tpu.sem_alloc : memref<!tpu.dma_semaphore, #tpu.memory_space<semaphore_mem>>
      %dma_start3A_37 = tpu.memref_slice %arg6[%add3A_4] : memref<320000xi32, #tpu.memory_space<hbm>> -> memref<80xi32, #tpu.memory_space<hbm>>
      %dma_start3A_38 = tpu.memref_slice %arg6[%add3A_4] : memref<320000xi32, #tpu.memory_space<hbm>> -> memref<80xi32, #tpu.memory_space<hbm>>
      tpu.enqueue_dma source(%dma_start3A_38 : memref<80xi32, #tpu.memory_space<hbm>>) target(%arg11 : memref<80xi32, #tpu.memory_space<vmem>>) target_semaphore(%run_scoped3A : memref<!tpu.dma_semaphore, #tpu.memory_space<semaphore_mem>>)
      %dma_wait3A_39 = tpu.memref_slice %arg6[%add3A_4] : memref<320000xi32, #tpu.memory_space<hbm>> -> memref<80xi32, #tpu.memory_space<hbm>>
      %dma_wait3A_40 = tpu.memref_slice %arg6[%add3A_4] : memref<320000xi32, #tpu.memory_space<hbm>> -> memref<80xi32, #tpu.memory_space<hbm>>
      tpu.wait_dma2 semaphore(%run_scoped3A : memref<!tpu.dma_semaphore, #tpu.memory_space<semaphore_mem>>) src(%dma_wait3A_40 : memref<80xi32, #tpu.memory_space<hbm>>) dst(%arg11 : memref<80xi32, #tpu.memory_space<vmem>>)
      tpu.yield
    }) : () -> ()
    %dma_start3A = arith.constant 0 : i32
    %dma_start3A_5 = arith.constant 0 : i32
    %dma_start3A_6 = tpu.memref_slice %arg2[%dma_start3A, %dma_start3A_5] : memref<10000x128xf32, #tpu.memory_space<hbm>> -> memref<10000x128xf32, #tpu.memory_space<hbm>>
    tpu.enqueue_indirect_dma source(%dma_start3A_6 : memref<10000x128xf32, #tpu.memory_space<hbm>>) target(%arg14 : memref<80x128xf32, #tpu.memory_space<vmem>>) offsets(%arg10 : memref<80xi32, #tpu.memory_space<vmem>>) semaphore(%arg20 : memref<!tpu.dma_semaphore, #tpu.memory_space<semaphore_mem>>)
    %dma_start3A_7 = arith.constant 0 : i32
    %dma_start3A_8 = arith.constant 0 : i32
    %dma_start3A_9 = tpu.memref_slice %arg3[%dma_start3A_7, %dma_start3A_8] : memref<10000x128xf32, #tpu.memory_space<hbm>> -> memref<10000x128xf32, #tpu.memory_space<hbm>>
    tpu.enqueue_indirect_dma source(%dma_start3A_9 : memref<10000x128xf32, #tpu.memory_space<hbm>>) target(%arg15 : memref<80x128xf32, #tpu.memory_space<vmem>>) offsets(%arg10 : memref<80xi32, #tpu.memory_space<vmem>>) semaphore(%arg20 : memref<!tpu.dma_semaphore, #tpu.memory_space<semaphore_mem>>)
    %dma_start3A_10 = arith.constant 0 : i32
    %dma_start3A_11 = arith.constant 0 : i32
    %dma_start3A_12 = tpu.memref_slice %arg4[%dma_start3A_10, %dma_start3A_11] : memref<10000x128xf32, #tpu.memory_space<hbm>> -> memref<10000x128xf32, #tpu.memory_space<hbm>>
    tpu.enqueue_indirect_dma source(%dma_start3A_12 : memref<10000x128xf32, #tpu.memory_space<hbm>>) target(%arg16 : memref<80x128xf32, #tpu.memory_space<vmem>>) offsets(%arg11 : memref<80xi32, #tpu.memory_space<vmem>>) semaphore(%arg20 : memref<!tpu.dma_semaphore, #tpu.memory_space<semaphore_mem>>)
    %scan3A = arith.constant 0 : i32
    %scan3A_13 = arith.constant 0 : i32
    %scan3A_14 = arith.constant 62 : i32
    %scan3A_15 = arith.addi %scan3A_13, %scan3A_14 : i32
    %scan3A_16 = arith.constant 1 : i32
    scf.for %scan3A_37 = %scan3A_13 to %scan3A_15 step %scan3A_16  : i32 {
      %mul3A_38 = arith.constant 2 : i32
      %mul3A_39 = arith.muli %mul3A_38, %scan3A_37 : i32
      %add3A_40 = arith.constant 1 : i32
      %add3A_41 = arith.addi %mul3A_39, %add3A_40 : i32
      %mul3A_42 = arith.constant 80 : i32
      %mul3A_43 = arith.muli %add3A_41, %mul3A_42 : i32
      %add3A_44 = arith.addi %mul3A_2, %mul3A_43 : i32
      "tpu.region"() ({
        %run_scoped3A = tpu.sem_alloc : memref<!tpu.dma_semaphore, #tpu.memory_space<semaphore_mem>>
        %dma_start3A_102 = tpu.memref_slice %arg5[%add3A_44] : memref<320000xi32, #tpu.memory_space<hbm>> -> memref<80xi32, #tpu.memory_space<hbm>>
        %dma_start3A_103 = tpu.memref_slice %arg5[%add3A_44] : memref<320000xi32, #tpu.memory_space<hbm>> -> memref<80xi32, #tpu.memory_space<hbm>>
        tpu.enqueue_dma source(%dma_start3A_103 : memref<80xi32, #tpu.memory_space<hbm>>) target(%arg12 : memref<80xi32, #tpu.memory_space<vmem>>) target_semaphore(%run_scoped3A : memref<!tpu.dma_semaphore, #tpu.memory_space<semaphore_mem>>)
        %dma_wait3A_104 = tpu.memref_slice %arg5[%add3A_44] : memref<320000xi32, #tpu.memory_space<hbm>> -> memref<80xi32, #tpu.memory_space<hbm>>
        %dma_wait3A_105 = tpu.memref_slice %arg5[%add3A_44] : memref<320000xi32, #tpu.memory_space<hbm>> -> memref<80xi32, #tpu.memory_space<hbm>>
        tpu.wait_dma2 semaphore(%run_scoped3A : memref<!tpu.dma_semaphore, #tpu.memory_space<semaphore_mem>>) src(%dma_wait3A_105 : memref<80xi32, #tpu.memory_space<hbm>>) dst(%arg12 : memref<80xi32, #tpu.memory_space<vmem>>)
        tpu.yield
      }) : () -> ()
      "tpu.region"() ({
        %run_scoped3A = tpu.sem_alloc : memref<!tpu.dma_semaphore, #tpu.memory_space<semaphore_mem>>
        %dma_start3A_102 = tpu.memref_slice %arg6[%add3A_44] : memref<320000xi32, #tpu.memory_space<hbm>> -> memref<80xi32, #tpu.memory_space<hbm>>
        %dma_start3A_103 = tpu.memref_slice %arg6[%add3A_44] : memref<320000xi32, #tpu.memory_space<hbm>> -> memref<80xi32, #tpu.memory_space<hbm>>
        tpu.enqueue_dma source(%dma_start3A_103 : memref<80xi32, #tpu.memory_space<hbm>>) target(%arg13 : memref<80xi32, #tpu.memory_space<vmem>>) target_semaphore(%run_scoped3A : memref<!tpu.dma_semaphore, #tpu.memory_space<semaphore_mem>>)
        %dma_wait3A_104 = tpu.memref_slice %arg6[%add3A_44] : memref<320000xi32, #tpu.memory_space<hbm>> -> memref<80xi32, #tpu.memory_space<hbm>>
        %dma_wait3A_105 = tpu.memref_slice %arg6[%add3A_44] : memref<320000xi32, #tpu.memory_space<hbm>> -> memref<80xi32, #tpu.memory_space<hbm>>
        tpu.wait_dma2 semaphore(%run_scoped3A : memref<!tpu.dma_semaphore, #tpu.memory_space<semaphore_mem>>) src(%dma_wait3A_105 : memref<80xi32, #tpu.memory_space<hbm>>) dst(%arg13 : memref<80xi32, #tpu.memory_space<vmem>>)
        tpu.yield
      }) : () -> ()
      %dma_start3A_45 = arith.constant 0 : i32
      %dma_start3A_46 = arith.constant 0 : i32
      %dma_start3A_47 = tpu.memref_slice %arg2[%dma_start3A_45, %dma_start3A_46] : memref<10000x128xf32, #tpu.memory_space<hbm>> -> memref<10000x128xf32, #tpu.memory_space<hbm>>
      tpu.enqueue_indirect_dma source(%dma_start3A_47 : memref<10000x128xf32, #tpu.memory_space<hbm>>) target(%arg17 : memref<80x128xf32, #tpu.memory_space<vmem>>) offsets(%arg12 : memref<80xi32, #tpu.memory_space<vmem>>) semaphore(%arg21 : memref<!tpu.dma_semaphore, #tpu.memory_space<semaphore_mem>>)
      %dma_start3A_48 = arith.constant 0 : i32
      %dma_start3A_49 = arith.constant 0 : i32
      %dma_start3A_50 = tpu.memref_slice %arg3[%dma_start3A_48, %dma_start3A_49] : memref<10000x128xf32, #tpu.memory_space<hbm>> -> memref<10000x128xf32, #tpu.memory_space<hbm>>
      tpu.enqueue_indirect_dma source(%dma_start3A_50 : memref<10000x128xf32, #tpu.memory_space<hbm>>) target(%arg18 : memref<80x128xf32, #tpu.memory_space<vmem>>) offsets(%arg12 : memref<80xi32, #tpu.memory_space<vmem>>) semaphore(%arg21 : memref<!tpu.dma_semaphore, #tpu.memory_space<semaphore_mem>>)
      %dma_start3A_51 = arith.constant 0 : i32
      %dma_start3A_52 = arith.constant 0 : i32
      %dma_start3A_53 = tpu.memref_slice %arg4[%dma_start3A_51, %dma_start3A_52] : memref<10000x128xf32, #tpu.memory_space<hbm>> -> memref<10000x128xf32, #tpu.memory_space<hbm>>
      tpu.enqueue_indirect_dma source(%dma_start3A_53 : memref<10000x128xf32, #tpu.memory_space<hbm>>) target(%arg19 : memref<80x128xf32, #tpu.memory_space<vmem>>) offsets(%arg13 : memref<80xi32, #tpu.memory_space<vmem>>) semaphore(%arg21 : memref<!tpu.dma_semaphore, #tpu.memory_space<semaphore_mem>>)
      %dma_wait3A_54 = arith.constant 0 : i32
      %dma_wait3A_55 = arith.constant 0 : i32
      %dma_wait3A_56 = tpu.memref_slice %arg2[%dma_wait3A_54, %dma_wait3A_55] : memref<10000x128xf32, #tpu.memory_space<hbm>> -> memref<80x128xf32, #tpu.memory_space<hbm>>
      %dma_wait3A_57 = arith.constant 0 : i32
      %dma_wait3A_58 = arith.constant 0 : i32
      %dma_wait3A_59 = tpu.memref_slice %arg2[%dma_wait3A_57, %dma_wait3A_58] : memref<10000x128xf32, #tpu.memory_space<hbm>> -> memref<80x128xf32, #tpu.memory_space<hbm>>
      tpu.wait_dma2 semaphore(%arg20 : memref<!tpu.dma_semaphore, #tpu.memory_space<semaphore_mem>>) src(%dma_wait3A_59 : memref<80x128xf32, #tpu.memory_space<hbm>>) dst(%arg14 : memref<80x128xf32, #tpu.memory_space<vmem>>)
      %dma_wait3A_60 = arith.constant 0 : i32
      %dma_wait3A_61 = arith.constant 0 : i32
      %dma_wait3A_62 = tpu.memref_slice %arg3[%dma_wait3A_60, %dma_wait3A_61] : memref<10000x128xf32, #tpu.memory_space<hbm>> -> memref<80x128xf32, #tpu.memory_space<hbm>>
      %dma_wait3A_63 = arith.constant 0 : i32
      %dma_wait3A_64 = arith.constant 0 : i32
      %dma_wait3A_65 = tpu.memref_slice %arg3[%dma_wait3A_63, %dma_wait3A_64] : memref<10000x128xf32, #tpu.memory_space<hbm>> -> memref<80x128xf32, #tpu.memory_space<hbm>>
      tpu.wait_dma2 semaphore(%arg20 : memref<!tpu.dma_semaphore, #tpu.memory_space<semaphore_mem>>) src(%dma_wait3A_65 : memref<80x128xf32, #tpu.memory_space<hbm>>) dst(%arg15 : memref<80x128xf32, #tpu.memory_space<vmem>>)
      %dma_wait3A_66 = arith.constant 0 : i32
      %dma_wait3A_67 = arith.constant 0 : i32
      %dma_wait3A_68 = tpu.memref_slice %arg4[%dma_wait3A_66, %dma_wait3A_67] : memref<10000x128xf32, #tpu.memory_space<hbm>> -> memref<80x128xf32, #tpu.memory_space<hbm>>
      %dma_wait3A_69 = arith.constant 0 : i32
      %dma_wait3A_70 = arith.constant 0 : i32
      %dma_wait3A_71 = tpu.memref_slice %arg4[%dma_wait3A_69, %dma_wait3A_70] : memref<10000x128xf32, #tpu.memory_space<hbm>> -> memref<80x128xf32, #tpu.memory_space<hbm>>
      tpu.wait_dma2 semaphore(%arg20 : memref<!tpu.dma_semaphore, #tpu.memory_space<semaphore_mem>>) src(%dma_wait3A_71 : memref<80x128xf32, #tpu.memory_space<hbm>>) dst(%arg16 : memref<80x128xf32, #tpu.memory_space<vmem>>)
      %mul3A_72 = arith.constant 80 : i32
      %mul3A_73 = arith.muli %mul3A_39, %mul3A_72 : i32
      %add3A_74 = arith.addi %mul3A_2, %mul3A_73 : i32
      "tpu.region"() ({
        %run_scoped3A = tpu.sem_alloc : memref<!tpu.dma_semaphore, #tpu.memory_space<semaphore_mem>>
        %dma_start3A_102 = arith.constant 0 : i32
        %dma_start3A_103 = tpu.memref_slice %arg7[%add3A_74, %dma_start3A_102] : memref<320000x128xf32, #tpu.memory_space<hbm>> -> memref<80x128xf32, #tpu.memory_space<hbm>>
        %dma_start3A_104 = arith.constant 0 : i32
        %dma_start3A_105 = tpu.memref_slice %arg7[%add3A_74, %dma_start3A_104] : memref<320000x128xf32, #tpu.memory_space<hbm>> -> memref<80x128xf32, #tpu.memory_space<hbm>>
        tpu.enqueue_dma source(%arg14 : memref<80x128xf32, #tpu.memory_space<vmem>>) target(%dma_start3A_105 : memref<80x128xf32, #tpu.memory_space<hbm>>) target_semaphore(%run_scoped3A : memref<!tpu.dma_semaphore, #tpu.memory_space<semaphore_mem>>)
        %dma_wait3A_106 = arith.constant 0 : i32
        %dma_wait3A_107 = tpu.memref_slice %arg7[%add3A_74, %dma_wait3A_106] : memref<320000x128xf32, #tpu.memory_space<hbm>> -> memref<80x128xf32, #tpu.memory_space<hbm>>
        %dma_wait3A_108 = arith.constant 0 : i32
        %dma_wait3A_109 = tpu.memref_slice %arg7[%add3A_74, %dma_wait3A_108] : memref<320000x128xf32, #tpu.memory_space<hbm>> -> memref<80x128xf32, #tpu.memory_space<hbm>>
        tpu.wait_dma2 semaphore(%run_scoped3A : memref<!tpu.dma_semaphore, #tpu.memory_space<semaphore_mem>>) src(%arg14 : memref<80x128xf32, #tpu.memory_space<vmem>>) dst(%dma_wait3A_109 : memref<80x128xf32, #tpu.memory_space<hbm>>)
        tpu.yield
      }) : () -> ()
      "tpu.region"() ({
        %run_scoped3A = tpu.sem_alloc : memref<!tpu.dma_semaphore, #tpu.memory_space<semaphore_mem>>
        %dma_start3A_102 = arith.constant 0 : i32
        %dma_start3A_103 = tpu.memref_slice %arg8[%add3A_74, %dma_start3A_102] : memref<320000x128xf32, #tpu.memory_space<hbm>> -> memref<80x128xf32, #tpu.memory_space<hbm>>
        %dma_start3A_104 = arith.constant 0 : i32
        %dma_start3A_105 = tpu.memref_slice %arg8[%add3A_74, %dma_start3A_104] : memref<320000x128xf32, #tpu.memory_space<hbm>> -> memref<80x128xf32, #tpu.memory_space<hbm>>
        tpu.enqueue_dma source(%arg15 : memref<80x128xf32, #tpu.memory_space<vmem>>) target(%dma_start3A_105 : memref<80x128xf32, #tpu.memory_space<hbm>>) target_semaphore(%run_scoped3A : memref<!tpu.dma_semaphore, #tpu.memory_space<semaphore_mem>>)
        %dma_wait3A_106 = arith.constant 0 : i32
        %dma_wait3A_107 = tpu.memref_slice %arg8[%add3A_74, %dma_wait3A_106] : memref<320000x128xf32, #tpu.memory_space<hbm>> -> memref<80x128xf32, #tpu.memory_space<hbm>>
        %dma_wait3A_108 = arith.constant 0 : i32
        %dma_wait3A_109 = tpu.memref_slice %arg8[%add3A_74, %dma_wait3A_108] : memref<320000x128xf32, #tpu.memory_space<hbm>> -> memref<80x128xf32, #tpu.memory_space<hbm>>
        tpu.wait_dma2 semaphore(%run_scoped3A : memref<!tpu.dma_semaphore, #tpu.memory_space<semaphore_mem>>) src(%arg15 : memref<80x128xf32, #tpu.memory_space<vmem>>) dst(%dma_wait3A_109 : memref<80x128xf32, #tpu.memory_space<hbm>>)
        tpu.yield
      }) : () -> ()
      "tpu.region"() ({
        %run_scoped3A = tpu.sem_alloc : memref<!tpu.dma_semaphore, #tpu.memory_space<semaphore_mem>>
        %dma_start3A_102 = arith.constant 0 : i32
        %dma_start3A_103 = tpu.memref_slice %arg9[%add3A_74, %dma_start3A_102] : memref<320000x128xf32, #tpu.memory_space<hbm>> -> memref<80x128xf32, #tpu.memory_space<hbm>>
        %dma_start3A_104 = arith.constant 0 : i32
        %dma_start3A_105 = tpu.memref_slice %arg9[%add3A_74, %dma_start3A_104] : memref<320000x128xf32, #tpu.memory_space<hbm>> -> memref<80x128xf32, #tpu.memory_space<hbm>>
        tpu.enqueue_dma source(%arg16 : memref<80x128xf32, #tpu.memory_space<vmem>>) target(%dma_start3A_105 : memref<80x128xf32, #tpu.memory_space<hbm>>) target_semaphore(%run_scoped3A : memref<!tpu.dma_semaphore, #tpu.memory_space<semaphore_mem>>)
        %dma_wait3A_106 = arith.constant 0 : i32
        %dma_wait3A_107 = tpu.memref_slice %arg9[%add3A_74, %dma_wait3A_106] : memref<320000x128xf32, #tpu.memory_space<hbm>> -> memref<80x128xf32, #tpu.memory_space<hbm>>
        %dma_wait3A_108 = arith.constant 0 : i32
        %dma_wait3A_109 = tpu.memref_slice %arg9[%add3A_74, %dma_wait3A_108] : memref<320000x128xf32, #tpu.memory_space<hbm>> -> memref<80x128xf32, #tpu.memory_space<hbm>>
        tpu.wait_dma2 semaphore(%run_scoped3A : memref<!tpu.dma_semaphore, #tpu.memory_space<semaphore_mem>>) src(%arg16 : memref<80x128xf32, #tpu.memory_space<vmem>>) dst(%dma_wait3A_109 : memref<80x128xf32, #tpu.memory_space<hbm>>)
        tpu.yield
      }) : () -> ()
      %add3A_75 = arith.constant 2 : i32
      %add3A_76 = arith.addi %mul3A_39, %add3A_75 : i32
      %lt3A = arith.constant 125 : i32
      %lt3A_77 = arith.cmpi slt, %add3A_76, %lt3A : i32
      %convert_element_type3A = arith.extui %lt3A_77 : i1 to i32
      %cond3A = arith.constant 0 : i32
      %cond3A_78 = arith.cmpi ne, %convert_element_type3A, %cond3A : i32
      scf.if %cond3A_78 {
        %add3A_102 = arith.constant 2 : i32
        %add3A_103 = arith.addi %mul3A_39, %add3A_102 : i32
        %mul3A_104 = arith.constant 80 : i32
        %mul3A_105 = arith.muli %add3A_103, %mul3A_104 : i32
        %add3A_106 = arith.addi %mul3A_2, %mul3A_105 : i32
        "tpu.region"() ({
          %run_scoped3A = tpu.sem_alloc : memref<!tpu.dma_semaphore, #tpu.memory_space<semaphore_mem>>
          %dma_start3A_116 = tpu.memref_slice %arg5[%add3A_106] : memref<320000xi32, #tpu.memory_space<hbm>> -> memref<80xi32, #tpu.memory_space<hbm>>
          %dma_start3A_117 = tpu.memref_slice %arg5[%add3A_106] : memref<320000xi32, #tpu.memory_space<hbm>> -> memref<80xi32, #tpu.memory_space<hbm>>
          tpu.enqueue_dma source(%dma_start3A_117 : memref<80xi32, #tpu.memory_space<hbm>>) target(%arg10 : memref<80xi32, #tpu.memory_space<vmem>>) target_semaphore(%run_scoped3A : memref<!tpu.dma_semaphore, #tpu.memory_space<semaphore_mem>>)
          %dma_wait3A_118 = tpu.memref_slice %arg5[%add3A_106] : memref<320000xi32, #tpu.memory_space<hbm>> -> memref<80xi32, #tpu.memory_space<hbm>>
          %dma_wait3A_119 = tpu.memref_slice %arg5[%add3A_106] : memref<320000xi32, #tpu.memory_space<hbm>> -> memref<80xi32, #tpu.memory_space<hbm>>
          tpu.wait_dma2 semaphore(%run_scoped3A : memref<!tpu.dma_semaphore, #tpu.memory_space<semaphore_mem>>) src(%dma_wait3A_119 : memref<80xi32, #tpu.memory_space<hbm>>) dst(%arg10 : memref<80xi32, #tpu.memory_space<vmem>>)
          tpu.yield
        }) : () -> ()
        "tpu.region"() ({
          %run_scoped3A = tpu.sem_alloc : memref<!tpu.dma_semaphore, #tpu.memory_space<semaphore_mem>>
          %dma_start3A_116 = tpu.memref_slice %arg6[%add3A_106] : memref<320000xi32, #tpu.memory_space<hbm>> -> memref<80xi32, #tpu.memory_space<hbm>>
          %dma_start3A_117 = tpu.memref_slice %arg6[%add3A_106] : memref<320000xi32, #tpu.memory_space<hbm>> -> memref<80xi32, #tpu.memory_space<hbm>>
          tpu.enqueue_dma source(%dma_start3A_117 : memref<80xi32, #tpu.memory_space<hbm>>) target(%arg11 : memref<80xi32, #tpu.memory_space<vmem>>) target_semaphore(%run_scoped3A : memref<!tpu.dma_semaphore, #tpu.memory_space<semaphore_mem>>)
          %dma_wait3A_118 = tpu.memref_slice %arg6[%add3A_106] : memref<320000xi32, #tpu.memory_space<hbm>> -> memref<80xi32, #tpu.memory_space<hbm>>
          %dma_wait3A_119 = tpu.memref_slice %arg6[%add3A_106] : memref<320000xi32, #tpu.memory_space<hbm>> -> memref<80xi32, #tpu.memory_space<hbm>>
          tpu.wait_dma2 semaphore(%run_scoped3A : memref<!tpu.dma_semaphore, #tpu.memory_space<semaphore_mem>>) src(%dma_wait3A_119 : memref<80xi32, #tpu.memory_space<hbm>>) dst(%arg11 : memref<80xi32, #tpu.memory_space<vmem>>)
          tpu.yield
        }) : () -> ()
        %dma_start3A_107 = arith.constant 0 : i32
        %dma_start3A_108 = arith.constant 0 : i32
        %dma_start3A_109 = tpu.memref_slice %arg2[%dma_start3A_107, %dma_start3A_108] : memref<10000x128xf32, #tpu.memory_space<hbm>> -> memref<10000x128xf32, #tpu.memory_space<hbm>>
        tpu.enqueue_indirect_dma source(%dma_start3A_109 : memref<10000x128xf32, #tpu.memory_space<hbm>>) target(%arg14 : memref<80x128xf32, #tpu.memory_space<vmem>>) offsets(%arg10 : memref<80xi32, #tpu.memory_space<vmem>>) semaphore(%arg20 : memref<!tpu.dma_semaphore, #tpu.memory_space<semaphore_mem>>)
        %dma_start3A_110 = arith.constant 0 : i32
        %dma_start3A_111 = arith.constant 0 : i32
        %dma_start3A_112 = tpu.memref_slice %arg3[%dma_start3A_110, %dma_start3A_111] : memref<10000x128xf32, #tpu.memory_space<hbm>> -> memref<10000x128xf32, #tpu.memory_space<hbm>>
        tpu.enqueue_indirect_dma source(%dma_start3A_112 : memref<10000x128xf32, #tpu.memory_space<hbm>>) target(%arg15 : memref<80x128xf32, #tpu.memory_space<vmem>>) offsets(%arg10 : memref<80xi32, #tpu.memory_space<vmem>>) semaphore(%arg20 : memref<!tpu.dma_semaphore, #tpu.memory_space<semaphore_mem>>)
        %dma_start3A_113 = arith.constant 0 : i32
        %dma_start3A_114 = arith.constant 0 : i32
        %dma_start3A_115 = tpu.memref_slice %arg4[%dma_start3A_113, %dma_start3A_114] : memref<10000x128xf32, #tpu.memory_space<hbm>> -> memref<10000x128xf32, #tpu.memory_space<hbm>>
        tpu.enqueue_indirect_dma source(%dma_start3A_115 : memref<10000x128xf32, #tpu.memory_space<hbm>>) target(%arg16 : memref<80x128xf32, #tpu.memory_space<vmem>>) offsets(%arg11 : memref<80xi32, #tpu.memory_space<vmem>>) semaphore(%arg20 : memref<!tpu.dma_semaphore, #tpu.memory_space<semaphore_mem>>)
      } else {
      }
      %dma_wait3A_79 = arith.constant 0 : i32
      %dma_wait3A_80 = arith.constant 0 : i32
      %dma_wait3A_81 = tpu.memref_slice %arg2[%dma_wait3A_79, %dma_wait3A_80] : memref<10000x128xf32, #tpu.memory_space<hbm>> -> memref<80x128xf32, #tpu.memory_space<hbm>>
      %dma_wait3A_82 = arith.constant 0 : i32
      %dma_wait3A_83 = arith.constant 0 : i32
      %dma_wait3A_84 = tpu.memref_slice %arg2[%dma_wait3A_82, %dma_wait3A_83] : memref<10000x128xf32, #tpu.memory_space<hbm>> -> memref<80x128xf32, #tpu.memory_space<hbm>>
      tpu.wait_dma2 semaphore(%arg21 : memref<!tpu.dma_semaphore, #tpu.memory_space<semaphore_mem>>) src(%dma_wait3A_84 : memref<80x128xf32, #tpu.memory_space<hbm>>) dst(%arg17 : memref<80x128xf32, #tpu.memory_space<vmem>>)
      %dma_wait3A_85 = arith.constant 0 : i32
      %dma_wait3A_86 = arith.constant 0 : i32
      %dma_wait3A_87 = tpu.memref_slice %arg3[%dma_wait3A_85, %dma_wait3A_86] : memref<10000x128xf32, #tpu.memory_space<hbm>> -> memref<80x128xf32, #tpu.memory_space<hbm>>
      %dma_wait3A_88 = arith.constant 0 : i32
      %dma_wait3A_89 = arith.constant 0 : i32
      %dma_wait3A_90 = tpu.memref_slice %arg3[%dma_wait3A_88, %dma_wait3A_89] : memref<10000x128xf32, #tpu.memory_space<hbm>> -> memref<80x128xf32, #tpu.memory_space<hbm>>
      tpu.wait_dma2 semaphore(%arg21 : memref<!tpu.dma_semaphore, #tpu.memory_space<semaphore_mem>>) src(%dma_wait3A_90 : memref<80x128xf32, #tpu.memory_space<hbm>>) dst(%arg18 : memref<80x128xf32, #tpu.memory_space<vmem>>)
      %dma_wait3A_91 = arith.constant 0 : i32
      %dma_wait3A_92 = arith.constant 0 : i32
      %dma_wait3A_93 = tpu.memref_slice %arg4[%dma_wait3A_91, %dma_wait3A_92] : memref<10000x128xf32, #tpu.memory_space<hbm>> -> memref<80x128xf32, #tpu.memory_space<hbm>>
      %dma_wait3A_94 = arith.constant 0 : i32
      %dma_wait3A_95 = arith.constant 0 : i32
      %dma_wait3A_96 = tpu.memref_slice %arg4[%dma_wait3A_94, %dma_wait3A_95] : memref<10000x128xf32, #tpu.memory_space<hbm>> -> memref<80x128xf32, #tpu.memory_space<hbm>>
      tpu.wait_dma2 semaphore(%arg21 : memref<!tpu.dma_semaphore, #tpu.memory_space<semaphore_mem>>) src(%dma_wait3A_96 : memref<80x128xf32, #tpu.memory_space<hbm>>) dst(%arg19 : memref<80x128xf32, #tpu.memory_space<vmem>>)
      %add3A_97 = arith.constant 1 : i32
      %add3A_98 = arith.addi %mul3A_39, %add3A_97 : i32
      %mul3A_99 = arith.constant 80 : i32
      %mul3A_100 = arith.muli %add3A_98, %mul3A_99 : i32
      %add3A_101 = arith.addi %mul3A_2, %mul3A_100 : i32
      "tpu.region"() ({
        %run_scoped3A = tpu.sem_alloc : memref<!tpu.dma_semaphore, #tpu.memory_space<semaphore_mem>>
        %dma_start3A_102 = arith.constant 0 : i32
        %dma_start3A_103 = tpu.memref_slice %arg7[%add3A_101, %dma_start3A_102] : memref<320000x128xf32, #tpu.memory_space<hbm>> -> memref<80x128xf32, #tpu.memory_space<hbm>>
        %dma_start3A_104 = arith.constant 0 : i32
        %dma_start3A_105 = tpu.memref_slice %arg7[%add3A_101, %dma_start3A_104] : memref<320000x128xf32, #tpu.memory_space<hbm>> -> memref<80x128xf32, #tpu.memory_space<hbm>>
        tpu.enqueue_dma source(%arg17 : memref<80x128xf32, #tpu.memory_space<vmem>>) target(%dma_start3A_105 : memref<80x128xf32, #tpu.memory_space<hbm>>) target_semaphore(%run_scoped3A : memref<!tpu.dma_semaphore, #tpu.memory_space<semaphore_mem>>)
        %dma_wait3A_106 = arith.constant 0 : i32
        %dma_wait3A_107 = tpu.memref_slice %arg7[%add3A_101, %dma_wait3A_106] : memref<320000x128xf32, #tpu.memory_space<hbm>> -> memref<80x128xf32, #tpu.memory_space<hbm>>
        %dma_wait3A_108 = arith.constant 0 : i32
        %dma_wait3A_109 = tpu.memref_slice %arg7[%add3A_101, %dma_wait3A_108] : memref<320000x128xf32, #tpu.memory_space<hbm>> -> memref<80x128xf32, #tpu.memory_space<hbm>>
        tpu.wait_dma2 semaphore(%run_scoped3A : memref<!tpu.dma_semaphore, #tpu.memory_space<semaphore_mem>>) src(%arg17 : memref<80x128xf32, #tpu.memory_space<vmem>>) dst(%dma_wait3A_109 : memref<80x128xf32, #tpu.memory_space<hbm>>)
        tpu.yield
      }) : () -> ()
      "tpu.region"() ({
        %run_scoped3A = tpu.sem_alloc : memref<!tpu.dma_semaphore, #tpu.memory_space<semaphore_mem>>
        %dma_start3A_102 = arith.constant 0 : i32
        %dma_start3A_103 = tpu.memref_slice %arg8[%add3A_101, %dma_start3A_102] : memref<320000x128xf32, #tpu.memory_space<hbm>> -> memref<80x128xf32, #tpu.memory_space<hbm>>
        %dma_start3A_104 = arith.constant 0 : i32
        %dma_start3A_105 = tpu.memref_slice %arg8[%add3A_101, %dma_start3A_104] : memref<320000x128xf32, #tpu.memory_space<hbm>> -> memref<80x128xf32, #tpu.memory_space<hbm>>
        tpu.enqueue_dma source(%arg18 : memref<80x128xf32, #tpu.memory_space<vmem>>) target(%dma_start3A_105 : memref<80x128xf32, #tpu.memory_space<hbm>>) target_semaphore(%run_scoped3A : memref<!tpu.dma_semaphore, #tpu.memory_space<semaphore_mem>>)
        %dma_wait3A_106 = arith.constant 0 : i32
        %dma_wait3A_107 = tpu.memref_slice %arg8[%add3A_101, %dma_wait3A_106] : memref<320000x128xf32, #tpu.memory_space<hbm>> -> memref<80x128xf32, #tpu.memory_space<hbm>>
        %dma_wait3A_108 = arith.constant 0 : i32
        %dma_wait3A_109 = tpu.memref_slice %arg8[%add3A_101, %dma_wait3A_108] : memref<320000x128xf32, #tpu.memory_space<hbm>> -> memref<80x128xf32, #tpu.memory_space<hbm>>
        tpu.wait_dma2 semaphore(%run_scoped3A : memref<!tpu.dma_semaphore, #tpu.memory_space<semaphore_mem>>) src(%arg18 : memref<80x128xf32, #tpu.memory_space<vmem>>) dst(%dma_wait3A_109 : memref<80x128xf32, #tpu.memory_space<hbm>>)
        tpu.yield
      }) : () -> ()
      "tpu.region"() ({
        %run_scoped3A = tpu.sem_alloc : memref<!tpu.dma_semaphore, #tpu.memory_space<semaphore_mem>>
        %dma_start3A_102 = arith.constant 0 : i32
        %dma_start3A_103 = tpu.memref_slice %arg9[%add3A_101, %dma_start3A_102] : memref<320000x128xf32, #tpu.memory_space<hbm>> -> memref<80x128xf32, #tpu.memory_space<hbm>>
        %dma_start3A_104 = arith.constant 0 : i32
        %dma_start3A_105 = tpu.memref_slice %arg9[%add3A_101, %dma_start3A_104] : memref<320000x128xf32, #tpu.memory_space<hbm>> -> memref<80x128xf32, #tpu.memory_space<hbm>>
        tpu.enqueue_dma source(%arg19 : memref<80x128xf32, #tpu.memory_space<vmem>>) target(%dma_start3A_105 : memref<80x128xf32, #tpu.memory_space<hbm>>) target_semaphore(%run_scoped3A : memref<!tpu.dma_semaphore, #tpu.memory_space<semaphore_mem>>)
        %dma_wait3A_106 = arith.constant 0 : i32
        %dma_wait3A_107 = tpu.memref_slice %arg9[%add3A_101, %dma_wait3A_106] : memref<320000x128xf32, #tpu.memory_space<hbm>> -> memref<80x128xf32, #tpu.memory_space<hbm>>
        %dma_wait3A_108 = arith.constant 0 : i32
        %dma_wait3A_109 = tpu.memref_slice %arg9[%add3A_101, %dma_wait3A_108] : memref<320000x128xf32, #tpu.memory_space<hbm>> -> memref<80x128xf32, #tpu.memory_space<hbm>>
        tpu.wait_dma2 semaphore(%run_scoped3A : memref<!tpu.dma_semaphore, #tpu.memory_space<semaphore_mem>>) src(%arg19 : memref<80x128xf32, #tpu.memory_space<vmem>>) dst(%dma_wait3A_109 : memref<80x128xf32, #tpu.memory_space<hbm>>)
        tpu.yield
      }) : () -> ()
    }
    %scan3A_17 = arith.constant 62 : i32
    %dma_wait3A = arith.constant 0 : i32
    %dma_wait3A_18 = arith.constant 0 : i32
    %dma_wait3A_19 = tpu.memref_slice %arg2[%dma_wait3A, %dma_wait3A_18] : memref<10000x128xf32, #tpu.memory_space<hbm>> -> memref<80x128xf32, #tpu.memory_space<hbm>>
    %dma_wait3A_20 = arith.constant 0 : i32
    %dma_wait3A_21 = arith.constant 0 : i32
    %dma_wait3A_22 = tpu.memref_slice %arg2[%dma_wait3A_20, %dma_wait3A_21] : memref<10000x128xf32, #tpu.memory_space<hbm>> -> memref<80x128xf32, #tpu.memory_space<hbm>>
    tpu.wait_dma2 semaphore(%arg20 : memref<!tpu.dma_semaphore, #tpu.memory_space<semaphore_mem>>) src(%dma_wait3A_22 : memref<80x128xf32, #tpu.memory_space<hbm>>) dst(%arg14 : memref<80x128xf32, #tpu.memory_space<vmem>>)
    %dma_wait3A_23 = arith.constant 0 : i32
    %dma_wait3A_24 = arith.constant 0 : i32
    %dma_wait3A_25 = tpu.memref_slice %arg3[%dma_wait3A_23, %dma_wait3A_24] : memref<10000x128xf32, #tpu.memory_space<hbm>> -> memref<80x128xf32, #tpu.memory_space<hbm>>
    %dma_wait3A_26 = arith.constant 0 : i32
    %dma_wait3A_27 = arith.constant 0 : i32
    %dma_wait3A_28 = tpu.memref_slice %arg3[%dma_wait3A_26, %dma_wait3A_27] : memref<10000x128xf32, #tpu.memory_space<hbm>> -> memref<80x128xf32, #tpu.memory_space<hbm>>
    tpu.wait_dma2 semaphore(%arg20 : memref<!tpu.dma_semaphore, #tpu.memory_space<semaphore_mem>>) src(%dma_wait3A_28 : memref<80x128xf32, #tpu.memory_space<hbm>>) dst(%arg15 : memref<80x128xf32, #tpu.memory_space<vmem>>)
    %dma_wait3A_29 = arith.constant 0 : i32
    %dma_wait3A_30 = arith.constant 0 : i32
    %dma_wait3A_31 = tpu.memref_slice %arg4[%dma_wait3A_29, %dma_wait3A_30] : memref<10000x128xf32, #tpu.memory_space<hbm>> -> memref<80x128xf32, #tpu.memory_space<hbm>>
    %dma_wait3A_32 = arith.constant 0 : i32
    %dma_wait3A_33 = arith.constant 0 : i32
    %dma_wait3A_34 = tpu.memref_slice %arg4[%dma_wait3A_32, %dma_wait3A_33] : memref<10000x128xf32, #tpu.memory_space<hbm>> -> memref<80x128xf32, #tpu.memory_space<hbm>>
    tpu.wait_dma2 semaphore(%arg20 : memref<!tpu.dma_semaphore, #tpu.memory_space<semaphore_mem>>) src(%dma_wait3A_34 : memref<80x128xf32, #tpu.memory_space<hbm>>) dst(%arg16 : memref<80x128xf32, #tpu.memory_space<vmem>>)
    %add3A_35 = arith.constant 9920 : i32
    %add3A_36 = arith.addi %mul3A_2, %add3A_35 : i32
    "tpu.region"() ({
      %run_scoped3A = tpu.sem_alloc : memref<!tpu.dma_semaphore, #tpu.memory_space<semaphore_mem>>
      %dma_start3A_37 = arith.constant 0 : i32
      %dma_start3A_38 = tpu.memref_slice %arg7[%add3A_36, %dma_start3A_37] : memref<320000x128xf32, #tpu.memory_space<hbm>> -> memref<80x128xf32, #tpu.memory_space<hbm>>
      %dma_start3A_39 = arith.constant 0 : i32
      %dma_start3A_40 = tpu.memref_slice %arg7[%add3A_36, %dma_start3A_39] : memref<320000x128xf32, #tpu.memory_space<hbm>> -> memref<80x128xf32, #tpu.memory_space<hbm>>
      tpu.enqueue_dma source(%arg14 : memref<80x128xf32, #tpu.memory_space<vmem>>) target(%dma_start3A_40 : memref<80x128xf32, #tpu.memory_space<hbm>>) target_semaphore(%run_scoped3A : memref<!tpu.dma_semaphore, #tpu.memory_space<semaphore_mem>>)
      %dma_wait3A_41 = arith.constant 0 : i32
      %dma_wait3A_42 = tpu.memref_slice %arg7[%add3A_36, %dma_wait3A_41] : memref<320000x128xf32, #tpu.memory_space<hbm>> -> memref<80x128xf32, #tpu.memory_space<hbm>>
      %dma_wait3A_43 = arith.constant 0 : i32
      %dma_wait3A_44 = tpu.memref_slice %arg7[%add3A_36, %dma_wait3A_43] : memref<320000x128xf32, #tpu.memory_space<hbm>> -> memref<80x128xf32, #tpu.memory_space<hbm>>
      tpu.wait_dma2 semaphore(%run_scoped3A : memref<!tpu.dma_semaphore, #tpu.memory_space<semaphore_mem>>) src(%arg14 : memref<80x128xf32, #tpu.memory_space<vmem>>) dst(%dma_wait3A_44 : memref<80x128xf32, #tpu.memory_space<hbm>>)
      tpu.yield
    }) : () -> ()
    "tpu.region"() ({
      %run_scoped3A = tpu.sem_alloc : memref<!tpu.dma_semaphore, #tpu.memory_space<semaphore_mem>>
      %dma_start3A_37 = arith.constant 0 : i32
      %dma_start3A_38 = tpu.memref_slice %arg8[%add3A_36, %dma_start3A_37] : memref<320000x128xf32, #tpu.memory_space<hbm>> -> memref<80x128xf32, #tpu.memory_space<hbm>>
      %dma_start3A_39 = arith.constant 0 : i32
      %dma_start3A_40 = tpu.memref_slice %arg8[%add3A_36, %dma_start3A_39] : memref<320000x128xf32, #tpu.memory_space<hbm>> -> memref<80x128xf32, #tpu.memory_space<hbm>>
      tpu.enqueue_dma source(%arg15 : memref<80x128xf32, #tpu.memory_space<vmem>>) target(%dma_start3A_40 : memref<80x128xf32, #tpu.memory_space<hbm>>) target_semaphore(%run_scoped3A : memref<!tpu.dma_semaphore, #tpu.memory_space<semaphore_mem>>)
      %dma_wait3A_41 = arith.constant 0 : i32
      %dma_wait3A_42 = tpu.memref_slice %arg8[%add3A_36, %dma_wait3A_41] : memref<320000x128xf32, #tpu.memory_space<hbm>> -> memref<80x128xf32, #tpu.memory_space<hbm>>
      %dma_wait3A_43 = arith.constant 0 : i32
      %dma_wait3A_44 = tpu.memref_slice %arg8[%add3A_36, %dma_wait3A_43] : memref<320000x128xf32, #tpu.memory_space<hbm>> -> memref<80x128xf32, #tpu.memory_space<hbm>>
      tpu.wait_dma2 semaphore(%run_scoped3A : memref<!tpu.dma_semaphore, #tpu.memory_space<semaphore_mem>>) src(%arg15 : memref<80x128xf32, #tpu.memory_space<vmem>>) dst(%dma_wait3A_44 : memref<80x128xf32, #tpu.memory_space<hbm>>)
      tpu.yield
    }) : () -> ()
    "tpu.region"() ({
      %run_scoped3A = tpu.sem_alloc : memref<!tpu.dma_semaphore, #tpu.memory_space<semaphore_mem>>
      %dma_start3A_37 = arith.constant 0 : i32
      %dma_start3A_38 = tpu.memref_slice %arg9[%add3A_36, %dma_start3A_37] : memref<320000x128xf32, #tpu.memory_space<hbm>> -> memref<80x128xf32, #tpu.memory_space<hbm>>
      %dma_start3A_39 = arith.constant 0 : i32
      %dma_start3A_40 = tpu.memref_slice %arg9[%add3A_36, %dma_start3A_39] : memref<320000x128xf32, #tpu.memory_space<hbm>> -> memref<80x128xf32, #tpu.memory_space<hbm>>
      tpu.enqueue_dma source(%arg16 : memref<80x128xf32, #tpu.memory_space<vmem>>) target(%dma_start3A_40 : memref<80x128xf32, #tpu.memory_space<hbm>>) target_semaphore(%run_scoped3A : memref<!tpu.dma_semaphore, #tpu.memory_space<semaphore_mem>>)
      %dma_wait3A_41 = arith.constant 0 : i32
      %dma_wait3A_42 = tpu.memref_slice %arg9[%add3A_36, %dma_wait3A_41] : memref<320000x128xf32, #tpu.memory_space<hbm>> -> memref<80x128xf32, #tpu.memory_space<hbm>>
      %dma_wait3A_43 = arith.constant 0 : i32
      %dma_wait3A_44 = tpu.memref_slice %arg9[%add3A_36, %dma_wait3A_43] : memref<320000x128xf32, #tpu.memory_space<hbm>> -> memref<80x128xf32, #tpu.memory_space<hbm>>
      tpu.wait_dma2 semaphore(%run_scoped3A : memref<!tpu.dma_semaphore, #tpu.memory_space<semaphore_mem>>) src(%arg16 : memref<80x128xf32, #tpu.memory_space<vmem>>) dst(%dma_wait3A_44 : memref<80x128xf32, #tpu.memory_space<hbm>>)
      tpu.yield
    }) : () -> ()
    return
  }
}

#map = affine_map<(d0, d1) -> (0, 0)>
#map1 = affine_map<(d0, d1) -> (0)>
module attributes {stable_mosaic.version = 14 : i64} {
  func.func @k(%arg0: i32, %arg1: i32, %arg2: memref<320000x128xf32, #tpu.memory_space<hbm>>, %arg3: memref<320000xi32, #tpu.memory_space<hbm>>, %arg4: memref<10112x128xf32, #tpu.memory_space<hbm>>, %arg5: memref<20224x128xf32, #tpu.memory_space<hbm>>, %arg6: memref<80xi32, #tpu.memory_space<vmem>>, %arg7: memref<80xi32, #tpu.memory_space<vmem>>, %arg8: memref<80x128xf32, #tpu.memory_space<vmem>>, %arg9: memref<80x128xf32, #tpu.memory_space<vmem>>, %arg10: memref<10112x128xf32, #tpu.memory_space<vmem_shared>>, %arg11: memref<!tpu.dma_semaphore, #tpu.memory_space<semaphore_mem>>, %arg12: memref<!tpu.dma_semaphore, #tpu.memory_space<semaphore_mem>>) attributes {dimension_semantics = [#tpu.dimension_semantics<core_parallel>, #tpu.dimension_semantics<subcore_parallel>], iteration_bounds = array<i64: 2, 16>, scalar_prefetch = 0 : i64, scratch_operands = 7 : i64, tpu.core_type = #tpu.core_type<sc_vector_subcore>, window_params = [{transform_indices = #map}, {transform_indices = #map1}, {transform_indices = #map}, {transform_indices = #map}]} {
    %mul3A = arith.constant 2 : i32
    %mul3A_0 = arith.muli %arg1, %mul3A : i32
    %add3A = arith.addi %mul3A_0, %arg0 : i32
    %mul3A_1 = arith.constant 10000 : i32
    %mul3A_2 = arith.muli %add3A, %mul3A_1 : i32
    %mul3A_3 = arith.constant 632 : i32
    %mul3A_4 = arith.muli %arg1, %mul3A_3 : i32
    %mul3A_5 = arith.constant 632 : i32
    %mul3A_6 = arith.muli %arg1, %mul3A_5 : i32
    "tpu.region"() ({
      %run_scoped3A = tpu.sem_alloc : memref<!tpu.dma_semaphore, #tpu.memory_space<semaphore_mem>>
      %dma_start3A_36 = arith.constant 0 : i32
      %dma_start3A_37 = tpu.memref_slice %arg10[%mul3A_6, %dma_start3A_36] : memref<10112x128xf32, #tpu.memory_space<vmem_shared>> -> memref<632x128xf32, #tpu.memory_space<vmem_shared>>
      %dma_start3A_38 = arith.constant 0 : i32
      %dma_start3A_39 = tpu.memref_slice %arg4[%mul3A_4, %dma_start3A_38] : memref<10112x128xf32, #tpu.memory_space<hbm>> -> memref<632x128xf32, #tpu.memory_space<hbm>>
      tpu.enqueue_dma source(%dma_start3A_39 : memref<632x128xf32, #tpu.memory_space<hbm>>) target(%dma_start3A_37 : memref<632x128xf32, #tpu.memory_space<vmem_shared>>) target_semaphore(%run_scoped3A : memref<!tpu.dma_semaphore, #tpu.memory_space<semaphore_mem>>)
      %dma_wait3A_40 = arith.constant 0 : i32
      %dma_wait3A_41 = tpu.memref_slice %arg10[%mul3A_6, %dma_wait3A_40] : memref<10112x128xf32, #tpu.memory_space<vmem_shared>> -> memref<632x128xf32, #tpu.memory_space<vmem_shared>>
      %dma_wait3A_42 = arith.constant 0 : i32
      %dma_wait3A_43 = tpu.memref_slice %arg4[%mul3A_4, %dma_wait3A_42] : memref<10112x128xf32, #tpu.memory_space<hbm>> -> memref<632x128xf32, #tpu.memory_space<hbm>>
      tpu.wait_dma2 semaphore(%run_scoped3A : memref<!tpu.dma_semaphore, #tpu.memory_space<semaphore_mem>>) src(%dma_wait3A_43 : memref<632x128xf32, #tpu.memory_space<hbm>>) dst(%dma_wait3A_41 : memref<632x128xf32, #tpu.memory_space<vmem_shared>>)
      tpu.yield
    }) : () -> ()
    %barrier3A = arith.constant 0 : index
    tpu.barrier barrier_id(%barrier3A)
    %add3A_7 = arith.constant 0 : i32
    %add3A_8 = arith.addi %mul3A_2, %add3A_7 : i32
    %dma_start3A = tpu.memref_slice %arg3[%add3A_8] : memref<320000xi32, #tpu.memory_space<hbm>> -> memref<80xi32, #tpu.memory_space<hbm>>
    %dma_start3A_9 = tpu.memref_slice %arg3[%add3A_8] : memref<320000xi32, #tpu.memory_space<hbm>> -> memref<80xi32, #tpu.memory_space<hbm>>
    tpu.enqueue_dma source(%dma_start3A_9 : memref<80xi32, #tpu.memory_space<hbm>>) target(%arg6 : memref<80xi32, #tpu.memory_space<vmem>>) target_semaphore(%arg11 : memref<!tpu.dma_semaphore, #tpu.memory_space<semaphore_mem>>)
    %dma_start3A_10 = arith.constant 0 : i32
    %dma_start3A_11 = tpu.memref_slice %arg2[%add3A_8, %dma_start3A_10] : memref<320000x128xf32, #tpu.memory_space<hbm>> -> memref<80x128xf32, #tpu.memory_space<hbm>>
    %dma_start3A_12 = arith.constant 0 : i32
    %dma_start3A_13 = tpu.memref_slice %arg2[%add3A_8, %dma_start3A_12] : memref<320000x128xf32, #tpu.memory_space<hbm>> -> memref<80x128xf32, #tpu.memory_space<hbm>>
    tpu.enqueue_dma source(%dma_start3A_13 : memref<80x128xf32, #tpu.memory_space<hbm>>) target(%arg8 : memref<80x128xf32, #tpu.memory_space<vmem>>) target_semaphore(%arg11 : memref<!tpu.dma_semaphore, #tpu.memory_space<semaphore_mem>>)
    %scan3A = arith.constant 0 : i32
    %scan3A_14 = arith.constant 0 : i32
    %scan3A_15 = arith.constant 62 : i32
    %scan3A_16 = arith.addi %scan3A_14, %scan3A_15 : i32
    %scan3A_17 = arith.constant 1 : i32
    scf.for %scan3A_36 = %scan3A_14 to %scan3A_16 step %scan3A_17  : i32 {
      %mul3A_37 = arith.constant 2 : i32
      %mul3A_38 = arith.muli %mul3A_37, %scan3A_36 : i32
      %add3A_39 = arith.constant 1 : i32
      %add3A_40 = arith.addi %mul3A_38, %add3A_39 : i32
      %mul3A_41 = arith.constant 80 : i32
      %mul3A_42 = arith.muli %add3A_40, %mul3A_41 : i32
      %add3A_43 = arith.addi %mul3A_2, %mul3A_42 : i32
      %dma_start3A_44 = tpu.memref_slice %arg3[%add3A_43] : memref<320000xi32, #tpu.memory_space<hbm>> -> memref<80xi32, #tpu.memory_space<hbm>>
      %dma_start3A_45 = tpu.memref_slice %arg3[%add3A_43] : memref<320000xi32, #tpu.memory_space<hbm>> -> memref<80xi32, #tpu.memory_space<hbm>>
      tpu.enqueue_dma source(%dma_start3A_45 : memref<80xi32, #tpu.memory_space<hbm>>) target(%arg7 : memref<80xi32, #tpu.memory_space<vmem>>) target_semaphore(%arg12 : memref<!tpu.dma_semaphore, #tpu.memory_space<semaphore_mem>>)
      %dma_start3A_46 = arith.constant 0 : i32
      %dma_start3A_47 = tpu.memref_slice %arg2[%add3A_43, %dma_start3A_46] : memref<320000x128xf32, #tpu.memory_space<hbm>> -> memref<80x128xf32, #tpu.memory_space<hbm>>
      %dma_start3A_48 = arith.constant 0 : i32
      %dma_start3A_49 = tpu.memref_slice %arg2[%add3A_43, %dma_start3A_48] : memref<320000x128xf32, #tpu.memory_space<hbm>> -> memref<80x128xf32, #tpu.memory_space<hbm>>
      tpu.enqueue_dma source(%dma_start3A_49 : memref<80x128xf32, #tpu.memory_space<hbm>>) target(%arg9 : memref<80x128xf32, #tpu.memory_space<vmem>>) target_semaphore(%arg12 : memref<!tpu.dma_semaphore, #tpu.memory_space<semaphore_mem>>)
      %dma_wait3A_50 = arith.constant 0 : i32
      %dma_wait3A_51 = tpu.memref_slice %arg3[%dma_wait3A_50] : memref<320000xi32, #tpu.memory_space<hbm>> -> memref<80xi32, #tpu.memory_space<hbm>>
      %dma_wait3A_52 = arith.constant 0 : i32
      %dma_wait3A_53 = tpu.memref_slice %arg3[%dma_wait3A_52] : memref<320000xi32, #tpu.memory_space<hbm>> -> memref<80xi32, #tpu.memory_space<hbm>>
      tpu.wait_dma2 semaphore(%arg11 : memref<!tpu.dma_semaphore, #tpu.memory_space<semaphore_mem>>) src(%dma_wait3A_53 : memref<80xi32, #tpu.memory_space<hbm>>) dst(%arg6 : memref<80xi32, #tpu.memory_space<vmem>>)
      %dma_wait3A_54 = arith.constant 0 : i32
      %dma_wait3A_55 = arith.constant 0 : i32
      %dma_wait3A_56 = tpu.memref_slice %arg2[%dma_wait3A_54, %dma_wait3A_55] : memref<320000x128xf32, #tpu.memory_space<hbm>> -> memref<80x128xf32, #tpu.memory_space<hbm>>
      %dma_wait3A_57 = arith.constant 0 : i32
      %dma_wait3A_58 = arith.constant 0 : i32
      %dma_wait3A_59 = tpu.memref_slice %arg2[%dma_wait3A_57, %dma_wait3A_58] : memref<320000x128xf32, #tpu.memory_space<hbm>> -> memref<80x128xf32, #tpu.memory_space<hbm>>
      tpu.wait_dma2 semaphore(%arg11 : memref<!tpu.dma_semaphore, #tpu.memory_space<semaphore_mem>>) src(%dma_wait3A_59 : memref<80x128xf32, #tpu.memory_space<hbm>>) dst(%arg8 : memref<80x128xf32, #tpu.memory_space<vmem>>)
      "tpu.region"() ({
        %run_scoped3A = tpu.sem_alloc : memref<!tpu.dma_semaphore, #tpu.memory_space<semaphore_mem>>
        %dma_start3A_76 = arith.constant 0 : i32
        %dma_start3A_77 = arith.constant 0 : i32
        %dma_start3A_78 = tpu.memref_slice %arg10[%dma_start3A_76, %dma_start3A_77] : memref<10112x128xf32, #tpu.memory_space<vmem_shared>> -> memref<10112x128xf32, #tpu.memory_space<vmem_shared>>
        tpu.enqueue_indirect_dma source(%arg8 : memref<80x128xf32, #tpu.memory_space<vmem>>) target(%dma_start3A_78 : memref<10112x128xf32, #tpu.memory_space<vmem_shared>>) offsets(%arg6 : memref<80xi32, #tpu.memory_space<vmem>>) semaphore(%run_scoped3A : memref<!tpu.dma_semaphore, #tpu.memory_space<semaphore_mem>>) {add = true}
        %dma_wait3A_79 = arith.constant 0 : i32
        %dma_wait3A_80 = arith.constant 0 : i32
        %dma_wait3A_81 = tpu.memref_slice %arg10[%dma_wait3A_79, %dma_wait3A_80] : memref<10112x128xf32, #tpu.memory_space<vmem_shared>> -> memref<10112x128xf32, #tpu.memory_space<vmem_shared>>
        tpu.wait_indirect_dma semaphore(%run_scoped3A : memref<!tpu.dma_semaphore, #tpu.memory_space<semaphore_mem>>) src(%arg8 : memref<80x128xf32, #tpu.memory_space<vmem>>) dst(%dma_wait3A_81 : memref<10112x128xf32, #tpu.memory_space<vmem_shared>>)
        tpu.yield
      }) : () -> ()
      %mul3A_60 = arith.constant 2 : i32
      %mul3A_61 = arith.muli %mul3A_60, %scan3A_36 : i32
      %add3A_62 = arith.constant 2 : i32
      %add3A_63 = arith.addi %mul3A_61, %add3A_62 : i32
      %lt3A = arith.constant 125 : i32
      %lt3A_64 = arith.cmpi slt, %add3A_63, %lt3A : i32
      %convert_element_type3A = arith.extui %lt3A_64 : i1 to i32
      %cond3A = arith.constant 0 : i32
      %cond3A_65 = arith.cmpi ne, %convert_element_type3A, %cond3A : i32
      scf.if %cond3A_65 {
        %mul3A_76 = arith.constant 2 : i32
        %mul3A_77 = arith.muli %mul3A_76, %scan3A_36 : i32
        %add3A_78 = arith.constant 2 : i32
        %add3A_79 = arith.addi %mul3A_77, %add3A_78 : i32
        %mul3A_80 = arith.constant 80 : i32
        %mul3A_81 = arith.muli %add3A_79, %mul3A_80 : i32
        %add3A_82 = arith.addi %mul3A_2, %mul3A_81 : i32
        %dma_start3A_83 = tpu.memref_slice %arg3[%add3A_82] : memref<320000xi32, #tpu.memory_space<hbm>> -> memref<80xi32, #tpu.memory_space<hbm>>
        %dma_start3A_84 = tpu.memref_slice %arg3[%add3A_82] : memref<320000xi32, #tpu.memory_space<hbm>> -> memref<80xi32, #tpu.memory_space<hbm>>
        tpu.enqueue_dma source(%dma_start3A_84 : memref<80xi32, #tpu.memory_space<hbm>>) target(%arg6 : memref<80xi32, #tpu.memory_space<vmem>>) target_semaphore(%arg11 : memref<!tpu.dma_semaphore, #tpu.memory_space<semaphore_mem>>)
        %dma_start3A_85 = arith.constant 0 : i32
        %dma_start3A_86 = tpu.memref_slice %arg2[%add3A_82, %dma_start3A_85] : memref<320000x128xf32, #tpu.memory_space<hbm>> -> memref<80x128xf32, #tpu.memory_space<hbm>>
        %dma_start3A_87 = arith.constant 0 : i32
        %dma_start3A_88 = tpu.memref_slice %arg2[%add3A_82, %dma_start3A_87] : memref<320000x128xf32, #tpu.memory_space<hbm>> -> memref<80x128xf32, #tpu.memory_space<hbm>>
        tpu.enqueue_dma source(%dma_start3A_88 : memref<80x128xf32, #tpu.memory_space<hbm>>) target(%arg8 : memref<80x128xf32, #tpu.memory_space<vmem>>) target_semaphore(%arg11 : memref<!tpu.dma_semaphore, #tpu.memory_space<semaphore_mem>>)
      } else {
      }
      %dma_wait3A_66 = arith.constant 0 : i32
      %dma_wait3A_67 = tpu.memref_slice %arg3[%dma_wait3A_66] : memref<320000xi32, #tpu.memory_space<hbm>> -> memref<80xi32, #tpu.memory_space<hbm>>
      %dma_wait3A_68 = arith.constant 0 : i32
      %dma_wait3A_69 = tpu.memref_slice %arg3[%dma_wait3A_68] : memref<320000xi32, #tpu.memory_space<hbm>> -> memref<80xi32, #tpu.memory_space<hbm>>
      tpu.wait_dma2 semaphore(%arg12 : memref<!tpu.dma_semaphore, #tpu.memory_space<semaphore_mem>>) src(%dma_wait3A_69 : memref<80xi32, #tpu.memory_space<hbm>>) dst(%arg7 : memref<80xi32, #tpu.memory_space<vmem>>)
      %dma_wait3A_70 = arith.constant 0 : i32
      %dma_wait3A_71 = arith.constant 0 : i32
      %dma_wait3A_72 = tpu.memref_slice %arg2[%dma_wait3A_70, %dma_wait3A_71] : memref<320000x128xf32, #tpu.memory_space<hbm>> -> memref<80x128xf32, #tpu.memory_space<hbm>>
      %dma_wait3A_73 = arith.constant 0 : i32
      %dma_wait3A_74 = arith.constant 0 : i32
      %dma_wait3A_75 = tpu.memref_slice %arg2[%dma_wait3A_73, %dma_wait3A_74] : memref<320000x128xf32, #tpu.memory_space<hbm>> -> memref<80x128xf32, #tpu.memory_space<hbm>>
      tpu.wait_dma2 semaphore(%arg12 : memref<!tpu.dma_semaphore, #tpu.memory_space<semaphore_mem>>) src(%dma_wait3A_75 : memref<80x128xf32, #tpu.memory_space<hbm>>) dst(%arg9 : memref<80x128xf32, #tpu.memory_space<vmem>>)
      "tpu.region"() ({
        %run_scoped3A = tpu.sem_alloc : memref<!tpu.dma_semaphore, #tpu.memory_space<semaphore_mem>>
        %dma_start3A_76 = arith.constant 0 : i32
        %dma_start3A_77 = arith.constant 0 : i32
        %dma_start3A_78 = tpu.memref_slice %arg10[%dma_start3A_76, %dma_start3A_77] : memref<10112x128xf32, #tpu.memory_space<vmem_shared>> -> memref<10112x128xf32, #tpu.memory_space<vmem_shared>>
        tpu.enqueue_indirect_dma source(%arg9 : memref<80x128xf32, #tpu.memory_space<vmem>>) target(%dma_start3A_78 : memref<10112x128xf32, #tpu.memory_space<vmem_shared>>) offsets(%arg7 : memref<80xi32, #tpu.memory_space<vmem>>) semaphore(%run_scoped3A : memref<!tpu.dma_semaphore, #tpu.memory_space<semaphore_mem>>) {add = true}
        %dma_wait3A_79 = arith.constant 0 : i32
        %dma_wait3A_80 = arith.constant 0 : i32
        %dma_wait3A_81 = tpu.memref_slice %arg10[%dma_wait3A_79, %dma_wait3A_80] : memref<10112x128xf32, #tpu.memory_space<vmem_shared>> -> memref<10112x128xf32, #tpu.memory_space<vmem_shared>>
        tpu.wait_indirect_dma semaphore(%run_scoped3A : memref<!tpu.dma_semaphore, #tpu.memory_space<semaphore_mem>>) src(%arg9 : memref<80x128xf32, #tpu.memory_space<vmem>>) dst(%dma_wait3A_81 : memref<10112x128xf32, #tpu.memory_space<vmem_shared>>)
        tpu.yield
      }) : () -> ()
    }
    %scan3A_18 = arith.constant 62 : i32
    %dma_wait3A = arith.constant 0 : i32
    %dma_wait3A_19 = tpu.memref_slice %arg3[%dma_wait3A] : memref<320000xi32, #tpu.memory_space<hbm>> -> memref<80xi32, #tpu.memory_space<hbm>>
    %dma_wait3A_20 = arith.constant 0 : i32
    %dma_wait3A_21 = tpu.memref_slice %arg3[%dma_wait3A_20] : memref<320000xi32, #tpu.memory_space<hbm>> -> memref<80xi32, #tpu.memory_space<hbm>>
    tpu.wait_dma2 semaphore(%arg11 : memref<!tpu.dma_semaphore, #tpu.memory_space<semaphore_mem>>) src(%dma_wait3A_21 : memref<80xi32, #tpu.memory_space<hbm>>) dst(%arg6 : memref<80xi32, #tpu.memory_space<vmem>>)
    %dma_wait3A_22 = arith.constant 0 : i32
    %dma_wait3A_23 = arith.constant 0 : i32
    %dma_wait3A_24 = tpu.memref_slice %arg2[%dma_wait3A_22, %dma_wait3A_23] : memref<320000x128xf32, #tpu.memory_space<hbm>> -> memref<80x128xf32, #tpu.memory_space<hbm>>
    %dma_wait3A_25 = arith.constant 0 : i32
    %dma_wait3A_26 = arith.constant 0 : i32
    %dma_wait3A_27 = tpu.memref_slice %arg2[%dma_wait3A_25, %dma_wait3A_26] : memref<320000x128xf32, #tpu.memory_space<hbm>> -> memref<80x128xf32, #tpu.memory_space<hbm>>
    tpu.wait_dma2 semaphore(%arg11 : memref<!tpu.dma_semaphore, #tpu.memory_space<semaphore_mem>>) src(%dma_wait3A_27 : memref<80x128xf32, #tpu.memory_space<hbm>>) dst(%arg8 : memref<80x128xf32, #tpu.memory_space<vmem>>)
    "tpu.region"() ({
      %run_scoped3A = tpu.sem_alloc : memref<!tpu.dma_semaphore, #tpu.memory_space<semaphore_mem>>
      %dma_start3A_36 = arith.constant 0 : i32
      %dma_start3A_37 = arith.constant 0 : i32
      %dma_start3A_38 = tpu.memref_slice %arg10[%dma_start3A_36, %dma_start3A_37] : memref<10112x128xf32, #tpu.memory_space<vmem_shared>> -> memref<10112x128xf32, #tpu.memory_space<vmem_shared>>
      tpu.enqueue_indirect_dma source(%arg8 : memref<80x128xf32, #tpu.memory_space<vmem>>) target(%dma_start3A_38 : memref<10112x128xf32, #tpu.memory_space<vmem_shared>>) offsets(%arg6 : memref<80xi32, #tpu.memory_space<vmem>>) semaphore(%run_scoped3A : memref<!tpu.dma_semaphore, #tpu.memory_space<semaphore_mem>>) {add = true}
      %dma_wait3A_39 = arith.constant 0 : i32
      %dma_wait3A_40 = arith.constant 0 : i32
      %dma_wait3A_41 = tpu.memref_slice %arg10[%dma_wait3A_39, %dma_wait3A_40] : memref<10112x128xf32, #tpu.memory_space<vmem_shared>> -> memref<10112x128xf32, #tpu.memory_space<vmem_shared>>
      tpu.wait_indirect_dma semaphore(%run_scoped3A : memref<!tpu.dma_semaphore, #tpu.memory_space<semaphore_mem>>) src(%arg8 : memref<80x128xf32, #tpu.memory_space<vmem>>) dst(%dma_wait3A_41 : memref<10112x128xf32, #tpu.memory_space<vmem_shared>>)
      tpu.yield
    }) : () -> ()
    %barrier3A_28 = arith.constant 0 : index
    tpu.barrier barrier_id(%barrier3A_28)
    %mul3A_29 = arith.constant 632 : i32
    %mul3A_30 = arith.muli %arg1, %mul3A_29 : i32
    %mul3A_31 = arith.constant 10112 : i32
    %mul3A_32 = arith.muli %arg0, %mul3A_31 : i32
    %mul3A_33 = arith.constant 632 : i32
    %mul3A_34 = arith.muli %arg1, %mul3A_33 : i32
    %add3A_35 = arith.addi %mul3A_32, %mul3A_34 : i32
    "tpu.region"() ({
      %run_scoped3A = tpu.sem_alloc : memref<!tpu.dma_semaphore, #tpu.memory_space<semaphore_mem>>
      %dma_start3A_36 = arith.constant 0 : i32
      %dma_start3A_37 = tpu.memref_slice %arg5[%add3A_35, %dma_start3A_36] : memref<20224x128xf32, #tpu.memory_space<hbm>> -> memref<632x128xf32, #tpu.memory_space<hbm>>
      %dma_start3A_38 = arith.constant 0 : i32
      %dma_start3A_39 = tpu.memref_slice %arg10[%mul3A_30, %dma_start3A_38] : memref<10112x128xf32, #tpu.memory_space<vmem_shared>> -> memref<632x128xf32, #tpu.memory_space<vmem_shared>>
      tpu.enqueue_dma source(%dma_start3A_39 : memref<632x128xf32, #tpu.memory_space<vmem_shared>>) target(%dma_start3A_37 : memref<632x128xf32, #tpu.memory_space<hbm>>) target_semaphore(%run_scoped3A : memref<!tpu.dma_semaphore, #tpu.memory_space<semaphore_mem>>)
      %dma_wait3A_40 = arith.constant 0 : i32
      %dma_wait3A_41 = tpu.memref_slice %arg5[%add3A_35, %dma_wait3A_40] : memref<20224x128xf32, #tpu.memory_space<hbm>> -> memref<632x128xf32, #tpu.memory_space<hbm>>
      %dma_wait3A_42 = arith.constant 0 : i32
      %dma_wait3A_43 = tpu.memref_slice %arg10[%mul3A_30, %dma_wait3A_42] : memref<10112x128xf32, #tpu.memory_space<vmem_shared>> -> memref<632x128xf32, #tpu.memory_space<vmem_shared>>
      tpu.wait_dma2 semaphore(%run_scoped3A : memref<!tpu.dma_semaphore, #tpu.memory_space<semaphore_mem>>) src(%dma_wait3A_43 : memref<632x128xf32, #tpu.memory_space<vmem_shared>>) dst(%dma_wait3A_41 : memref<632x128xf32, #tpu.memory_space<hbm>>)
      tpu.yield
    }) : () -> ()
    return
  }
}

module attributes {stable_mosaic.version = 14 : i64} {
  func.func @kern(%arg0: i32, %arg1: memref<400x128xf32, #tpu.memory_space<vmem>>, %arg2: memref<8x32xf32, #tpu.memory_space<vmem>>, %arg3: memref<128x128xf32, #tpu.memory_space<vmem>>, %arg4: memref<128x128xf32, #tpu.memory_space<vmem>>, %arg5: memref<128x128xf32, #tpu.memory_space<vmem>>, %arg6: memref<32x128xf32, #tpu.memory_space<vmem>>, %arg7: memref<8x128xf32, #tpu.memory_space<vmem>>, %arg8: memref<8x128xf32, #tpu.memory_space<vmem>>, %arg9: memref<400x128xf32, #tpu.memory_space<vmem>>, %arg10: memref<400x128xf32, #tpu.memory_space<vmem>>, %arg11: memref<400x128xf32, #tpu.memory_space<vmem>>) attributes {dimension_semantics = [#tpu.dimension_semantics<arbitrary>], iteration_bounds = array<i64: 25>, scalar_prefetch = 0 : i64, scratch_operands = 0 : i64, tpu.core_type = #tpu.core_type<tc>, window_params = [{transform_indices = @transform_0, window_bounds = array<i64: 400, 128>}, {pipeline_mode = #tpu.pipeline_mode<synchronous>, transform_indices = @transform_1, window_bounds = array<i64: 8, 32>}, {pipeline_mode = #tpu.pipeline_mode<synchronous>, transform_indices = @transform_2, window_bounds = array<i64: 128, 128>}, {pipeline_mode = #tpu.pipeline_mode<synchronous>, transform_indices = @transform_3, window_bounds = array<i64: 128, 128>}, {pipeline_mode = #tpu.pipeline_mode<synchronous>, transform_indices = @transform_4, window_bounds = array<i64: 128, 128>}, {pipeline_mode = #tpu.pipeline_mode<synchronous>, transform_indices = @transform_5, window_bounds = array<i64: 32, 128>}, {pipeline_mode = #tpu.pipeline_mode<synchronous>, transform_indices = @transform_6, window_bounds = array<i64: 8, 128>}, {pipeline_mode = #tpu.pipeline_mode<synchronous>, transform_indices = @transform_7, window_bounds = array<i64: 8, 128>}, {transform_indices = @transform_8, window_bounds = array<i64: 400, 128>}, {transform_indices = @transform_9, window_bounds = array<i64: 400, 128>}, {transform_indices = @transform_10, window_bounds = array<i64: 400, 128>}]} {
    %get3A = arith.constant 0 : index
    %get3A_0 = arith.constant 0 : index
    %get3A_1 = vector.load %arg1[%get3A, %get3A_0] : memref<400x128xf32, #tpu.memory_space<vmem>>, vector<400x128xf32>
    %get3A_2 = arith.constant 0 : index
    %get3A_3 = arith.constant 0 : index
    %get3A_4 = vector.load %arg2[%get3A_2, %get3A_3] : memref<8x32xf32, #tpu.memory_space<vmem>>, vector<8x32xf32>
    %get3A_5 = arith.constant 0 : index
    %get3A_6 = arith.constant 0 : index
    %get3A_7 = vector.load %arg6[%get3A_5, %get3A_6] : memref<32x128xf32, #tpu.memory_space<vmem>>, vector<32x128xf32>
    %dot_general3A = arith.constant dense<0.000000e+00> : vector<8x128xf32>
    %dot_general3A_8 = tpu.matmul %get3A_4, %get3A_7, %dot_general3A {dimension_numbers = #tpu.dot_dimension_numbers<[1], [0], [0], [1], [0, 0, 1, 1], [], []>, transpose_lhs_hint = false} : vector<8x32xf32>, vector<32x128xf32>, vector<8x128xf32> -> vector<8x128xf32>
    %get3A_9 = arith.constant 0 : index
    %get3A_10 = arith.constant 0 : index
    %get3A_11 = vector.load %arg7[%get3A_9, %get3A_10] : memref<8x128xf32, #tpu.memory_space<vmem>>, vector<8x128xf32>
    %add3A = arith.addf %dot_general3A_8, %get3A_11 : vector<8x128xf32>
    %get3A_12 = arith.constant 0 : index
    %get3A_13 = arith.constant 0 : index
    %get3A_14 = vector.load %arg3[%get3A_12, %get3A_13] : memref<128x128xf32, #tpu.memory_space<vmem>>, vector<128x128xf32>
    %dot_general3A_15 = arith.constant dense<0.000000e+00> : vector<400x128xf32>
    %dot_general3A_16 = tpu.matmul %get3A_1, %get3A_14, %dot_general3A_15 {dimension_numbers = #tpu.dot_dimension_numbers<[1], [0], [0], [1], [0, 0, 1, 1], [], []>, transpose_lhs_hint = false} : vector<400x128xf32>, vector<128x128xf32>, vector<400x128xf32> -> vector<400x128xf32>
    %slice3A = vector.extract_strided_slice %add3A {offsets = [0, 0], sizes = [1, 128], strides = [1, 1]} : vector<8x128xf32> to vector<1x128xf32>
    %add3A_17 = vector.broadcast %slice3A : vector<1x128xf32> to vector<400x128xf32>
    %add3A_18 = arith.addf %dot_general3A_16, %add3A_17 : vector<400x128xf32>
    %swap3A = arith.constant 0 : index
    %swap3A_19 = arith.constant 0 : index
    %swap3A_20 = vector.load %arg9[%swap3A, %swap3A_19] : memref<400x128xf32, #tpu.memory_space<vmem>>, vector<400x128xf32>
    tpu.vector_store %arg9[%swap3A, %swap3A_19], %add3A_18 {strides = array<i32>} : memref<400x128xf32, #tpu.memory_space<vmem>>, vector<400x128xf32>,
    %get3A_21 = arith.constant 0 : index
    %get3A_22 = arith.constant 0 : index
    %get3A_23 = vector.load %arg5[%get3A_21, %get3A_22] : memref<128x128xf32, #tpu.memory_space<vmem>>, vector<128x128xf32>
    %dot_general3A_24 = arith.constant dense<0.000000e+00> : vector<400x128xf32>
    %dot_general3A_25 = tpu.matmul %get3A_1, %get3A_23, %dot_general3A_24 {dimension_numbers = #tpu.dot_dimension_numbers<[1], [0], [0], [1], [0, 0, 1, 1], [], []>, transpose_lhs_hint = false} : vector<400x128xf32>, vector<128x128xf32>, vector<400x128xf32> -> vector<400x128xf32>
    %get3A_26 = arith.constant 0 : index
    %get3A_27 = arith.constant 0 : index
    %get3A_28 = vector.load %arg8[%get3A_26, %get3A_27] : memref<8x128xf32, #tpu.memory_space<vmem>>, vector<1x128xf32>
    %add3A_29 = vector.broadcast %get3A_28 : vector<1x128xf32> to vector<400x128xf32>
    %add3A_30 = arith.addf %dot_general3A_25, %add3A_29 : vector<400x128xf32>
    %swap3A_31 = arith.constant 0 : index
    %swap3A_32 = arith.constant 0 : index
    %swap3A_33 = vector.load %arg10[%swap3A_31, %swap3A_32] : memref<400x128xf32, #tpu.memory_space<vmem>>, vector<400x128xf32>
    tpu.vector_store %arg10[%swap3A_31, %swap3A_32], %add3A_30 {strides = array<i32>} : memref<400x128xf32, #tpu.memory_space<vmem>>, vector<400x128xf32>,
    %get3A_34 = arith.constant 0 : index
    %get3A_35 = arith.constant 0 : index
    %get3A_36 = vector.load %arg4[%get3A_34, %get3A_35] : memref<128x128xf32, #tpu.memory_space<vmem>>, vector<128x128xf32>
    %dot_general3A_37 = arith.constant dense<0.000000e+00> : vector<400x128xf32>
    %dot_general3A_38 = tpu.matmul %get3A_1, %get3A_36, %dot_general3A_37 {dimension_numbers = #tpu.dot_dimension_numbers<[1], [0], [0], [1], [0, 0, 1, 1], [], []>, transpose_lhs_hint = false} : vector<400x128xf32>, vector<128x128xf32>, vector<400x128xf32> -> vector<400x128xf32>
    %swap3A_39 = arith.constant 0 : index
    %swap3A_40 = arith.constant 0 : index
    %swap3A_41 = vector.load %arg11[%swap3A_39, %swap3A_40] : memref<400x128xf32, #tpu.memory_space<vmem>>, vector<400x128xf32>
    tpu.vector_store %arg11[%swap3A_39, %swap3A_40], %dot_general3A_38 {strides = array<i32>} : memref<400x128xf32, #tpu.memory_space<vmem>>, vector<400x128xf32>,
    return
  }
  func.func @transform_0(%arg0: i32) -> (i32, i32) {
    %c0_i32 = arith.constant 0 : i32
    %c0_i32_0 = arith.constant 0 : i32
    return %arg0, %c0_i32 : i32, i32
  }
  func.func @transform_1(%arg0: i32) -> (i32, i32) {
    %c0_i32 = arith.constant 0 : i32
    %c0_i32_0 = arith.constant 0 : i32
    %c0_i32_1 = arith.constant 0 : i32
    return %c0_i32, %c0_i32_0 : i32, i32
  }
  func.func @transform_2(%arg0: i32) -> (i32, i32) {
    %c0_i32 = arith.constant 0 : i32
    %c0_i32_0 = arith.constant 0 : i32
    %c0_i32_1 = arith.constant 0 : i32
    return %c0_i32, %c0_i32_0 : i32, i32
  }
  func.func @transform_3(%arg0: i32) -> (i32, i32) {
    %c0_i32 = arith.constant 0 : i32
    %c0_i32_0 = arith.constant 0 : i32
    %c0_i32_1 = arith.constant 0 : i32
    return %c0_i32, %c0_i32_0 : i32, i32
  }
  func.func @transform_4(%arg0: i32) -> (i32, i32) {
    %c0_i32 = arith.constant 0 : i32
    %c0_i32_0 = arith.constant 0 : i32
    %c0_i32_1 = arith.constant 0 : i32
    return %c0_i32, %c0_i32_0 : i32, i32
  }
  func.func @transform_5(%arg0: i32) -> (i32, i32) {
    %c0_i32 = arith.constant 0 : i32
    %c0_i32_0 = arith.constant 0 : i32
    %c0_i32_1 = arith.constant 0 : i32
    return %c0_i32, %c0_i32_0 : i32, i32
  }
  func.func @transform_6(%arg0: i32) -> (i32, i32) {
    %c0_i32 = arith.constant 0 : i32
    %c0_i32_0 = arith.constant 0 : i32
    %c0_i32_1 = arith.constant 0 : i32
    return %c0_i32, %c0_i32_0 : i32, i32
  }
  func.func @transform_7(%arg0: i32) -> (i32, i32) {
    %c0_i32 = arith.constant 0 : i32
    %c0_i32_0 = arith.constant 0 : i32
    %c0_i32_1 = arith.constant 0 : i32
    return %c0_i32, %c0_i32_0 : i32, i32
  }
  func.func @transform_8(%arg0: i32) -> (i32, i32) {
    %c0_i32 = arith.constant 0 : i32
    %c0_i32_0 = arith.constant 0 : i32
    return %arg0, %c0_i32 : i32, i32
  }
  func.func @transform_9(%arg0: i32) -> (i32, i32) {
    %c0_i32 = arith.constant 0 : i32
    %c0_i32_0 = arith.constant 0 : i32
    return %arg0, %c0_i32 : i32, i32
  }
  func.func @transform_10(%arg0: i32) -> (i32, i32) {
    %c0_i32 = arith.constant 0 : i32
    %c0_i32_0 = arith.constant 0 : i32
    return %arg0, %c0_i32 : i32, i32
  }
}

module attributes {stable_mosaic.version = 14 : i64} {
  func.func @kern(%arg0: i32, %arg1: memref<800x128xf32, #tpu.memory_space<vmem>>, %arg2: memref<800x128xf32, #tpu.memory_space<vmem>>, %arg3: memref<800x128xf32, #tpu.memory_space<vmem>>, %arg4: memref<800x16xf32, #tpu.memory_space<vmem>>, %arg5: memref<16x128xf32, #tpu.memory_space<vmem>>, %arg6: memref<128x128xf32, #tpu.memory_space<vmem>>, %arg7: memref<8x128xf32, #tpu.memory_space<vmem>>, %arg8: memref<128x16xf32, #tpu.memory_space<vmem>>, %arg9: memref<8x16xf32, #tpu.memory_space<vmem>>, %arg10: memref<16x128xf32, #tpu.memory_space<vmem>>, %arg11: memref<800x128xf32, #tpu.memory_space<vmem>>, %arg12: memref<800x16xf32, #tpu.memory_space<vmem>>, %arg13: memref<8x16xf32, #tpu.memory_space<vmem>>) attributes {dimension_semantics = [#tpu.dimension_semantics<arbitrary>], iteration_bounds = array<i64: 400>, scalar_prefetch = 0 : i64, scratch_operands = 0 : i64, tpu.core_type = #tpu.core_type<tc>, window_params = [{transform_indices = @transform_0, window_bounds = array<i64: 800, 128>}, {transform_indices = @transform_1, window_bounds = array<i64: 800, 128>}, {transform_indices = @transform_2, window_bounds = array<i64: 800, 128>}, {transform_indices = @transform_3, window_bounds = array<i64: 800, 16>}, {pipeline_mode = #tpu.pipeline_mode<synchronous>, transform_indices = @transform_4, window_bounds = array<i64: 16, 128>}, {pipeline_mode = #tpu.pipeline_mode<synchronous>, transform_indices = @transform_5, window_bounds = array<i64: 128, 128>}, {pipeline_mode = #tpu.pipeline_mode<synchronous>, transform_indices = @transform_6, window_bounds = array<i64: 8, 128>}, {pipeline_mode = #tpu.pipeline_mode<synchronous>, transform_indices = @transform_7, window_bounds = array<i64: 128, 16>}, {pipeline_mode = #tpu.pipeline_mode<synchronous>, transform_indices = @transform_8, window_bounds = array<i64: 8, 16>}, {pipeline_mode = #tpu.pipeline_mode<synchronous>, transform_indices = @transform_9, window_bounds = array<i64: 16, 128>}, {transform_indices = @transform_10, window_bounds = array<i64: 800, 128>}, {transform_indices = @transform_11, window_bounds = array<i64: 800, 16>}, {pipeline_mode = #tpu.pipeline_mode<synchronous>, transform_indices = @transform_12, window_bounds = array<i64: 8, 16>}]} {
    %get3A = arith.constant 0 : index
    %get3A_0 = arith.constant 0 : index
    %get3A_1 = vector.load %arg1[%get3A, %get3A_0] : memref<800x128xf32, #tpu.memory_space<vmem>>, vector<800x128xf32>
    %get3A_2 = arith.constant 0 : index
    %get3A_3 = arith.constant 0 : index
    %get3A_4 = vector.load %arg3[%get3A_2, %get3A_3] : memref<800x128xf32, #tpu.memory_space<vmem>>, vector<800x128xf32>
    %add3A = arith.addf %get3A_1, %get3A_4 : vector<800x128xf32>
    %get3A_5 = arith.constant 0 : index
    %get3A_6 = arith.constant 0 : index
    %get3A_7 = vector.load %arg4[%get3A_5, %get3A_6] : memref<800x16xf32, #tpu.memory_space<vmem>>, vector<800x16xf32>
    %get3A_8 = arith.constant 0 : index
    %get3A_9 = arith.constant 0 : index
    %get3A_10 = vector.load %arg5[%get3A_8, %get3A_9] : memref<16x128xf32, #tpu.memory_space<vmem>>, vector<16x128xf32>
    %dot_general3A = arith.constant dense<0.000000e+00> : vector<800x128xf32>
    %dot_general3A_11 = tpu.matmul %get3A_7, %get3A_10, %dot_general3A {dimension_numbers = #tpu.dot_dimension_numbers<[1], [0], [0], [1], [0, 0, 1, 1], [], []>, transpose_lhs_hint = false} : vector<800x16xf32>, vector<16x128xf32>, vector<800x128xf32> -> vector<800x128xf32>
    %add3A_12 = arith.addf %add3A, %dot_general3A_11 : vector<800x128xf32>
    %max3A = arith.constant 0.000000e+00 : f32
    %max3A_13 = vector.broadcast %max3A : f32 to vector<800x128xf32>
    %max3A_14 = arith.maximumf %add3A_12, %max3A_13 : vector<800x128xf32>
    %get3A_15 = arith.constant 0 : index
    %get3A_16 = arith.constant 0 : index
    %get3A_17 = vector.load %arg6[%get3A_15, %get3A_16] : memref<128x128xf32, #tpu.memory_space<vmem>>, vector<128x128xf32>
    %dot_general3A_18 = arith.constant dense<0.000000e+00> : vector<800x128xf32>
    %dot_general3A_19 = tpu.matmul %max3A_14, %get3A_17, %dot_general3A_18 {dimension_numbers = #tpu.dot_dimension_numbers<[1], [0], [0], [1], [0, 0, 1, 1], [], []>, transpose_lhs_hint = false} : vector<800x128xf32>, vector<128x128xf32>, vector<800x128xf32> -> vector<800x128xf32>
    %get3A_20 = arith.constant 0 : index
    %get3A_21 = arith.constant 0 : index
    %get3A_22 = vector.load %arg7[%get3A_20, %get3A_21] : memref<8x128xf32, #tpu.memory_space<vmem>>, vector<1x128xf32>
    %add3A_23 = vector.broadcast %get3A_22 : vector<1x128xf32> to vector<800x128xf32>
    %add3A_24 = arith.addf %dot_general3A_19, %add3A_23 : vector<800x128xf32>
    %max3A_25 = arith.constant 0.000000e+00 : f32
    %max3A_26 = vector.broadcast %max3A_25 : f32 to vector<800x128xf32>
    %max3A_27 = arith.maximumf %add3A_24, %max3A_26 : vector<800x128xf32>
    %get3A_28 = arith.constant 0 : index
    %get3A_29 = arith.constant 0 : index
    %get3A_30 = vector.load %arg8[%get3A_28, %get3A_29] : memref<128x16xf32, #tpu.memory_space<vmem>>, vector<128x16xf32>
    %dot_general3A_31 = arith.constant dense<0.000000e+00> : vector<800x16xf32>
    %dot_general3A_32 = tpu.matmul %max3A_27, %get3A_30, %dot_general3A_31 {dimension_numbers = #tpu.dot_dimension_numbers<[1], [0], [0], [1], [0, 0, 1, 1], [], []>, transpose_lhs_hint = false} : vector<800x128xf32>, vector<128x16xf32>, vector<800x16xf32> -> vector<800x16xf32>
    %get3A_33 = arith.constant 0 : index
    %get3A_34 = arith.constant 0 : index
    %get3A_35 = vector.load %arg9[%get3A_33, %get3A_34] : memref<8x16xf32, #tpu.memory_space<vmem>>, vector<1x16xf32>
    %add3A_36 = vector.broadcast %get3A_35 : vector<1x16xf32> to vector<800x16xf32>
    %add3A_37 = arith.addf %dot_general3A_32, %add3A_36 : vector<800x16xf32>
    %get3A_38 = arith.constant 0 : index
    %get3A_39 = arith.constant 0 : index
    %get3A_40 = vector.load %arg2[%get3A_38, %get3A_39] : memref<800x128xf32, #tpu.memory_space<vmem>>, vector<800x128xf32>
    %get3A_41 = arith.constant 0 : index
    %get3A_42 = arith.constant 0 : index
    %get3A_43 = vector.load %arg10[%get3A_41, %get3A_42] : memref<16x128xf32, #tpu.memory_space<vmem>>, vector<16x128xf32>
    %dot_general3A_44 = arith.constant dense<0.000000e+00> : vector<800x128xf32>
    %dot_general3A_45 = tpu.matmul %add3A_37, %get3A_43, %dot_general3A_44 {dimension_numbers = #tpu.dot_dimension_numbers<[1], [0], [0], [1], [0, 0, 1, 1], [], []>, transpose_lhs_hint = false} : vector<800x16xf32>, vector<16x128xf32>, vector<800x128xf32> -> vector<800x128xf32>
    %add3A_46 = arith.addf %get3A_40, %dot_general3A_45 : vector<800x128xf32>
    %max3A_47 = arith.constant 0.000000e+00 : f32
    %max3A_48 = vector.broadcast %max3A_47 : f32 to vector<800x128xf32>
    %max3A_49 = arith.maximumf %add3A_46, %max3A_48 : vector<800x128xf32>
    %swap3A = arith.constant 0 : index
    %swap3A_50 = arith.constant 0 : index
    %swap3A_51 = vector.load %arg11[%swap3A, %swap3A_50] : memref<800x128xf32, #tpu.memory_space<vmem>>, vector<800x128xf32>
    tpu.vector_store %arg11[%swap3A, %swap3A_50], %max3A_49 {strides = array<i32>} : memref<800x128xf32, #tpu.memory_space<vmem>>, vector<800x128xf32>,
    %swap3A_52 = arith.constant 0 : index
    %swap3A_53 = arith.constant 0 : index
    %swap3A_54 = vector.load %arg12[%swap3A_52, %swap3A_53] : memref<800x16xf32, #tpu.memory_space<vmem>>, vector<800x16xf32>
    tpu.vector_store %arg12[%swap3A_52, %swap3A_53], %add3A_37 {strides = array<i32>} : memref<800x16xf32, #tpu.memory_space<vmem>>, vector<800x16xf32>,
    %eq3A = arith.constant 0 : i32
    %eq3A_55 = arith.cmpi eq, %arg0, %eq3A : i32
    %convert_element_type3A = arith.extui %eq3A_55 : i1 to i32
    %cond3A = arith.constant 0 : i32
    %cond3A_56 = arith.cmpi ne, %convert_element_type3A, %cond3A : i32
    scf.if %cond3A_56 {
      %broadcast_in_dim3A_67 = arith.constant 0.000000e+00 : f32
      %broadcast_in_dim3A_68 = vector.broadcast %broadcast_in_dim3A_67 : f32 to vector<8x16xf32>
      %swap3A_69 = arith.constant 0 : index
      %swap3A_70 = arith.constant 0 : index
      %swap3A_71 = vector.load %arg13[%swap3A_69, %swap3A_70] : memref<8x16xf32, #tpu.memory_space<vmem>>, vector<8x16xf32>
      tpu.vector_store %arg13[%swap3A_69, %swap3A_70], %broadcast_in_dim3A_68 {strides = array<i32>} : memref<8x16xf32, #tpu.memory_space<vmem>>, vector<8x16xf32>,
    } else {
    }
    %get3A_57 = arith.constant 0 : index
    %get3A_58 = arith.constant 0 : index
    %get3A_59 = vector.load %arg13[%get3A_57, %get3A_58] : memref<8x16xf32, #tpu.memory_space<vmem>>, vector<8x16xf32>
    %reduce_sum3A = arith.constant dense<0.000000e+00> : vector<16xf32>
    %reduce_sum3A_60 = vector.multi_reduction <add>, %add3A_37, %reduce_sum3A [0] : vector<800x16xf32> to vector<16xf32>
    %broadcast_in_dim3A = vector.shape_cast %reduce_sum3A_60 : vector<16xf32> to vector<1x16xf32>
    %broadcast_in_dim3A_61 = vector.shape_cast %broadcast_in_dim3A : vector<1x16xf32> to vector<1x16xf32>
    %broadcast_in_dim3A_62 = vector.broadcast %broadcast_in_dim3A_61 : vector<1x16xf32> to vector<8x16xf32>
    %add3A_63 = arith.addf %get3A_59, %broadcast_in_dim3A_62 : vector<8x16xf32>
    %swap3A_64 = arith.constant 0 : index
    %swap3A_65 = arith.constant 0 : index
    %swap3A_66 = vector.load %arg13[%swap3A_64, %swap3A_65] : memref<8x16xf32, #tpu.memory_space<vmem>>, vector<8x16xf32>
    tpu.vector_store %arg13[%swap3A_64, %swap3A_65], %add3A_63 {strides = array<i32>} : memref<8x16xf32, #tpu.memory_space<vmem>>, vector<8x16xf32>,
    return
  }
  func.func @transform_0(%arg0: i32) -> (i32, i32) {
    %c0_i32 = arith.constant 0 : i32
    %c0_i32_0 = arith.constant 0 : i32
    return %arg0, %c0_i32 : i32, i32
  }
  func.func @transform_1(%arg0: i32) -> (i32, i32) {
    %c0_i32 = arith.constant 0 : i32
    %c0_i32_0 = arith.constant 0 : i32
    return %arg0, %c0_i32 : i32, i32
  }
  func.func @transform_2(%arg0: i32) -> (i32, i32) {
    %c0_i32 = arith.constant 0 : i32
    %c0_i32_0 = arith.constant 0 : i32
    return %arg0, %c0_i32 : i32, i32
  }
  func.func @transform_3(%arg0: i32) -> (i32, i32) {
    %c0_i32 = arith.constant 0 : i32
    %c0_i32_0 = arith.constant 0 : i32
    return %arg0, %c0_i32 : i32, i32
  }
  func.func @transform_4(%arg0: i32) -> (i32, i32) {
    %c0_i32 = arith.constant 0 : i32
    %c0_i32_0 = arith.constant 0 : i32
    %c0_i32_1 = arith.constant 0 : i32
    return %c0_i32, %c0_i32_0 : i32, i32
  }
  func.func @transform_5(%arg0: i32) -> (i32, i32) {
    %c0_i32 = arith.constant 0 : i32
    %c0_i32_0 = arith.constant 0 : i32
    %c0_i32_1 = arith.constant 0 : i32
    return %c0_i32, %c0_i32_0 : i32, i32
  }
  func.func @transform_6(%arg0: i32) -> (i32, i32) {
    %c0_i32 = arith.constant 0 : i32
    %c0_i32_0 = arith.constant 0 : i32
    %c0_i32_1 = arith.constant 0 : i32
    return %c0_i32, %c0_i32_0 : i32, i32
  }
  func.func @transform_7(%arg0: i32) -> (i32, i32) {
    %c0_i32 = arith.constant 0 : i32
    %c0_i32_0 = arith.constant 0 : i32
    %c0_i32_1 = arith.constant 0 : i32
    return %c0_i32, %c0_i32_0 : i32, i32
  }
  func.func @transform_8(%arg0: i32) -> (i32, i32) {
    %c0_i32 = arith.constant 0 : i32
    %c0_i32_0 = arith.constant 0 : i32
    %c0_i32_1 = arith.constant 0 : i32
    return %c0_i32, %c0_i32_0 : i32, i32
  }
  func.func @transform_9(%arg0: i32) -> (i32, i32) {
    %c0_i32 = arith.constant 0 : i32
    %c0_i32_0 = arith.constant 0 : i32
    %c0_i32_1 = arith.constant 0 : i32
    return %c0_i32, %c0_i32_0 : i32, i32
  }
  func.func @transform_10(%arg0: i32) -> (i32, i32) {
    %c0_i32 = arith.constant 0 : i32
    %c0_i32_0 = arith.constant 0 : i32
    return %arg0, %c0_i32 : i32, i32
  }
  func.func @transform_11(%arg0: i32) -> (i32, i32) {
    %c0_i32 = arith.constant 0 : i32
    %c0_i32_0 = arith.constant 0 : i32
    return %arg0, %c0_i32 : i32, i32
  }
  func.func @transform_12(%arg0: i32) -> (i32, i32) {
    %c0_i32 = arith.constant 0 : i32
    %c0_i32_0 = arith.constant 0 : i32
    %c0_i32_1 = arith.constant 0 : i32
    return %c0_i32, %c0_i32_0 : i32, i32
  }
}

module attributes {stable_mosaic.version = 14 : i64} {
  func.func @kern(%arg0: memref<8x128xf32, #tpu.memory_space<vmem>>, %arg1: memref<8x16xf32, #tpu.memory_space<vmem>>, %arg2: memref<8x32xf32, #tpu.memory_space<vmem>>, %arg3: memref<128x128xf32, #tpu.memory_space<vmem>>, %arg4: memref<16x128xf32, #tpu.memory_space<vmem>>, %arg5: memref<32x128xf32, #tpu.memory_space<vmem>>, %arg6: memref<8x128xf32, #tpu.memory_space<vmem>>, %arg7: memref<128x128xf32, #tpu.memory_space<vmem>>, %arg8: memref<8x128xf32, #tpu.memory_space<vmem>>, %arg9: memref<128x32xf32, #tpu.memory_space<vmem>>, %arg10: memref<8x32xf32, #tpu.memory_space<vmem>>, %arg11: memref<8x32xf32, #tpu.memory_space<vmem>>) attributes {dimension_semantics = [], scalar_prefetch = 0 : i64, scratch_operands = 0 : i64, tpu.core_type = #tpu.core_type<tc>} {
    %get3A = arith.constant 0 : index
    %get3A_0 = arith.constant 0 : index
    %get3A_1 = vector.load %arg0[%get3A, %get3A_0] : memref<8x128xf32, #tpu.memory_space<vmem>>, vector<8x128xf32>
    %mul3A = arith.constant 9.99999974E-5 : f32
    %mul3A_2 = vector.broadcast %mul3A : f32 to vector<8x128xf32>
    %mul3A_3 = arith.mulf %get3A_1, %mul3A_2 : vector<8x128xf32>
    %get3A_4 = arith.constant 0 : index
    %get3A_5 = arith.constant 0 : index
    %get3A_6 = vector.load %arg1[%get3A_4, %get3A_5] : memref<8x16xf32, #tpu.memory_space<vmem>>, vector<8x16xf32>
    %mul3A_7 = arith.constant 3.125000e-06 : f32
    %mul3A_8 = vector.broadcast %mul3A_7 : f32 to vector<8x16xf32>
    %mul3A_9 = arith.mulf %get3A_6, %mul3A_8 : vector<8x16xf32>
    %get3A_10 = arith.constant 0 : index
    %get3A_11 = arith.constant 0 : index
    %get3A_12 = vector.load %arg3[%get3A_10, %get3A_11] : memref<128x128xf32, #tpu.memory_space<vmem>>, vector<128x128xf32>
    %dot_general3A = arith.constant dense<0.000000e+00> : vector<8x128xf32>
    %dot_general3A_13 = tpu.matmul %mul3A_3, %get3A_12, %dot_general3A {dimension_numbers = #tpu.dot_dimension_numbers<[1], [0], [0], [1], [0, 0, 1, 1], [], []>, transpose_lhs_hint = false} : vector<8x128xf32>, vector<128x128xf32>, vector<8x128xf32> -> vector<8x128xf32>
    %get3A_14 = arith.constant 0 : index
    %get3A_15 = arith.constant 0 : index
    %get3A_16 = vector.load %arg4[%get3A_14, %get3A_15] : memref<16x128xf32, #tpu.memory_space<vmem>>, vector<16x128xf32>
    %dot_general3A_17 = arith.constant dense<0.000000e+00> : vector<8x128xf32>
    %dot_general3A_18 = tpu.matmul %mul3A_9, %get3A_16, %dot_general3A_17 {dimension_numbers = #tpu.dot_dimension_numbers<[1], [0], [0], [1], [0, 0, 1, 1], [], []>, transpose_lhs_hint = false} : vector<8x16xf32>, vector<16x128xf32>, vector<8x128xf32> -> vector<8x128xf32>
    %add3A = arith.addf %dot_general3A_13, %dot_general3A_18 : vector<8x128xf32>
    %get3A_19 = arith.constant 0 : index
    %get3A_20 = arith.constant 0 : index
    %get3A_21 = vector.load %arg2[%get3A_19, %get3A_20] : memref<8x32xf32, #tpu.memory_space<vmem>>, vector<8x32xf32>
    %get3A_22 = arith.constant 0 : index
    %get3A_23 = arith.constant 0 : index
    %get3A_24 = vector.load %arg5[%get3A_22, %get3A_23] : memref<32x128xf32, #tpu.memory_space<vmem>>, vector<32x128xf32>
    %dot_general3A_25 = arith.constant dense<0.000000e+00> : vector<8x128xf32>
    %dot_general3A_26 = tpu.matmul %get3A_21, %get3A_24, %dot_general3A_25 {dimension_numbers = #tpu.dot_dimension_numbers<[1], [0], [0], [1], [0, 0, 1, 1], [], []>, transpose_lhs_hint = false} : vector<8x32xf32>, vector<32x128xf32>, vector<8x128xf32> -> vector<8x128xf32>
    %add3A_27 = arith.addf %add3A, %dot_general3A_26 : vector<8x128xf32>
    %get3A_28 = arith.constant 0 : index
    %get3A_29 = arith.constant 0 : index
    %get3A_30 = vector.load %arg6[%get3A_28, %get3A_29] : memref<8x128xf32, #tpu.memory_space<vmem>>, vector<1x128xf32>
    %add3A_31 = vector.broadcast %get3A_30 : vector<1x128xf32> to vector<8x128xf32>
    %add3A_32 = arith.addf %add3A_27, %add3A_31 : vector<8x128xf32>
    %max3A = arith.constant 0.000000e+00 : f32
    %max3A_33 = vector.broadcast %max3A : f32 to vector<8x128xf32>
    %max3A_34 = arith.maximumf %add3A_32, %max3A_33 : vector<8x128xf32>
    %get3A_35 = arith.constant 0 : index
    %get3A_36 = arith.constant 0 : index
    %get3A_37 = vector.load %arg7[%get3A_35, %get3A_36] : memref<128x128xf32, #tpu.memory_space<vmem>>, vector<128x128xf32>
    %dot_general3A_38 = arith.constant dense<0.000000e+00> : vector<8x128xf32>
    %dot_general3A_39 = tpu.matmul %max3A_34, %get3A_37, %dot_general3A_38 {dimension_numbers = #tpu.dot_dimension_numbers<[1], [0], [0], [1], [0, 0, 1, 1], [], []>, transpose_lhs_hint = false} : vector<8x128xf32>, vector<128x128xf32>, vector<8x128xf32> -> vector<8x128xf32>
    %get3A_40 = arith.constant 0 : index
    %get3A_41 = arith.constant 0 : index
    %get3A_42 = vector.load %arg8[%get3A_40, %get3A_41] : memref<8x128xf32, #tpu.memory_space<vmem>>, vector<1x128xf32>
    %add3A_43 = vector.broadcast %get3A_42 : vector<1x128xf32> to vector<8x128xf32>
    %add3A_44 = arith.addf %dot_general3A_39, %add3A_43 : vector<8x128xf32>
    %max3A_45 = arith.constant 0.000000e+00 : f32
    %max3A_46 = vector.broadcast %max3A_45 : f32 to vector<8x128xf32>
    %max3A_47 = arith.maximumf %add3A_44, %max3A_46 : vector<8x128xf32>
    %get3A_48 = arith.constant 0 : index
    %get3A_49 = arith.constant 0 : index
    %get3A_50 = vector.load %arg9[%get3A_48, %get3A_49] : memref<128x32xf32, #tpu.memory_space<vmem>>, vector<128x32xf32>
    %dot_general3A_51 = arith.constant dense<0.000000e+00> : vector<8x32xf32>
    %dot_general3A_52 = tpu.matmul %max3A_47, %get3A_50, %dot_general3A_51 {dimension_numbers = #tpu.dot_dimension_numbers<[1], [0], [0], [1], [0, 0, 1, 1], [], []>, transpose_lhs_hint = false} : vector<8x128xf32>, vector<128x32xf32>, vector<8x32xf32> -> vector<8x32xf32>
    %get3A_53 = arith.constant 0 : index
    %get3A_54 = arith.constant 0 : index
    %get3A_55 = vector.load %arg10[%get3A_53, %get3A_54] : memref<8x32xf32, #tpu.memory_space<vmem>>, vector<1x32xf32>
    %add3A_56 = vector.broadcast %get3A_55 : vector<1x32xf32> to vector<8x32xf32>
    %add3A_57 = arith.addf %dot_general3A_52, %add3A_56 : vector<8x32xf32>
    %swap3A = arith.constant 0 : index
    %swap3A_58 = arith.constant 0 : index
    %swap3A_59 = vector.load %arg11[%swap3A, %swap3A_58] : memref<8x32xf32, #tpu.memory_space<vmem>>, vector<8x32xf32>
    tpu.vector_store %arg11[%swap3A, %swap3A_58], %add3A_57 {strides = array<i32>} : memref<8x32xf32, #tpu.memory_space<vmem>>, vector<8x32xf32>,
    return
  }
}

module attributes {stable_mosaic.version = 14 : i64} {
  func.func @kern(%arg0: i32, %arg1: memref<400x128xf32, #tpu.memory_space<vmem>>, %arg2: memref<400x128xf32, #tpu.memory_space<vmem>>, %arg3: memref<400x128xf32, #tpu.memory_space<vmem>>, %arg4: memref<400x16xf32, #tpu.memory_space<vmem>>, %arg5: memref<400x16xf32, #tpu.memory_space<vmem>>, %arg6: memref<8x32xf32, #tpu.memory_space<vmem>>, %arg7: memref<128x128xf32, #tpu.memory_space<vmem>>, %arg8: memref<8x128xf32, #tpu.memory_space<vmem>>, %arg9: memref<128x128xf32, #tpu.memory_space<vmem>>, %arg10: memref<128x128xf32, #tpu.memory_space<vmem>>, %arg11: memref<32x128xf32, #tpu.memory_space<vmem>>, %arg12: memref<8x128xf32, #tpu.memory_space<vmem>>, %arg13: memref<128x128xf32, #tpu.memory_space<vmem>>, %arg14: memref<8x128xf32, #tpu.memory_space<vmem>>, %arg15: memref<128x128xf32, #tpu.memory_space<vmem>>, %arg16: memref<8x128xf32, #tpu.memory_space<vmem>>, %arg17: memref<128x128xf32, #tpu.memory_space<vmem>>, %arg18: memref<8x128xf32, #tpu.memory_space<vmem>>, %arg19: memref<400x128xf32, #tpu.memory_space<vmem>>, %arg20: memref<8x128xf32, #tpu.memory_space<vmem>>) attributes {dimension_semantics = [#tpu.dimension_semantics<arbitrary>], iteration_bounds = array<i64: 25>, scalar_prefetch = 0 : i64, scratch_operands = 0 : i64, tpu.core_type = #tpu.core_type<tc>, window_params = [{transform_indices = @transform_0, window_bounds = array<i64: 400, 128>}, {transform_indices = @transform_1, window_bounds = array<i64: 400, 128>}, {transform_indices = @transform_2, window_bounds = array<i64: 400, 128>}, {transform_indices = @transform_3, window_bounds = array<i64: 400, 16>}, {transform_indices = @transform_4, window_bounds = array<i64: 400, 16>}, {pipeline_mode = #tpu.pipeline_mode<synchronous>, transform_indices = @transform_5, window_bounds = array<i64: 8, 32>}, {pipeline_mode = #tpu.pipeline_mode<synchronous>, transform_indices = @transform_6, window_bounds = array<i64: 128, 128>}, {pipeline_mode = #tpu.pipeline_mode<synchronous>, transform_indices = @transform_7, window_bounds = array<i64: 8, 128>}, {pipeline_mode = #tpu.pipeline_mode<synchronous>, transform_indices = @transform_8, window_bounds = array<i64: 128, 128>}, {pipeline_mode = #tpu.pipeline_mode<synchronous>, transform_indices = @transform_9, window_bounds = array<i64: 128, 128>}, {pipeline_mode = #tpu.pipeline_mode<synchronous>, transform_indices = @transform_10, window_bounds = array<i64: 32, 128>}, {pipeline_mode = #tpu.pipeline_mode<synchronous>, transform_indices = @transform_11, window_bounds = array<i64: 8, 128>}, {pipeline_mode = #tpu.pipeline_mode<synchronous>, transform_indices = @transform_12, window_bounds = array<i64: 128, 128>}, {pipeline_mode = #tpu.pipeline_mode<synchronous>, transform_indices = @transform_13, window_bounds = array<i64: 8, 128>}, {pipeline_mode = #tpu.pipeline_mode<synchronous>, transform_indices = @transform_14, window_bounds = array<i64: 128, 128>}, {pipeline_mode = #tpu.pipeline_mode<synchronous>, transform_indices = @transform_15, window_bounds = array<i64: 8, 128>}, {pipeline_mode = #tpu.pipeline_mode<synchronous>, transform_indices = @transform_16, window_bounds = array<i64: 128, 128>}, {pipeline_mode = #tpu.pipeline_mode<synchronous>, transform_indices = @transform_17, window_bounds = array<i64: 8, 128>}, {transform_indices = @transform_18, window_bounds = array<i64: 400, 128>}, {pipeline_mode = #tpu.pipeline_mode<synchronous>, transform_indices = @transform_19, window_bounds = array<i64: 8, 128>}]} {
    %get3A = arith.constant 0 : index
    %get3A_0 = arith.constant 0 : index
    %get3A_1 = vector.load %arg1[%get3A, %get3A_0] : memref<400x128xf32, #tpu.memory_space<vmem>>, vector<400x128xf32>
    %get3A_2 = arith.constant 0 : index
    %get3A_3 = arith.constant 0 : index
    %get3A_4 = vector.load %arg4[%get3A_2, %get3A_3] : memref<400x16xf32, #tpu.memory_space<vmem>>, vector<400x16xf32>
    %slice3A = vector.extract_strided_slice %get3A_4 {offsets = [0, 0], sizes = [400, 1], strides = [1, 1]} : vector<400x16xf32> to vector<400x1xf32>
    %get3A_5 = arith.constant 0 : index
    %get3A_6 = arith.constant 0 : index
    %get3A_7 = vector.load %arg5[%get3A_5, %get3A_6] : memref<400x16xf32, #tpu.memory_space<vmem>>, vector<400x16xf32>
    %slice3A_8 = vector.extract_strided_slice %get3A_7 {offsets = [0, 0], sizes = [400, 1], strides = [1, 1]} : vector<400x16xf32> to vector<400x1xf32>
    %add3A = arith.addf %slice3A, %slice3A_8 : vector<400x1xf32>
    %get3A_9 = arith.constant 0 : index
    %get3A_10 = arith.constant 0 : index
    %get3A_11 = vector.load %arg2[%get3A_9, %get3A_10] : memref<400x128xf32, #tpu.memory_space<vmem>>, vector<400x128xf32>
    %get3A_12 = arith.constant 0 : index
    %get3A_13 = arith.constant 0 : index
    %get3A_14 = vector.load %arg3[%get3A_12, %get3A_13] : memref<400x128xf32, #tpu.memory_space<vmem>>, vector<400x128xf32>
    %add3A_15 = arith.addf %get3A_11, %get3A_14 : vector<400x128xf32>
    %max3A = arith.constant 1.000000e+00 : f32
    %max3A_16 = vector.broadcast %max3A : f32 to vector<400x1xf32>
    %max3A_17 = arith.maximumf %add3A, %max3A_16 : vector<400x1xf32>
    %get3A_18 = arith.constant 0 : index
    %get3A_19 = arith.constant 0 : index
    %get3A_20 = vector.load %arg7[%get3A_18, %get3A_19] : memref<128x128xf32, #tpu.memory_space<vmem>>, vector<128x128xf32>
    %dot_general3A = arith.constant dense<0.000000e+00> : vector<400x128xf32>
    %dot_general3A_21 = tpu.matmul %add3A_15, %get3A_20, %dot_general3A {dimension_numbers = #tpu.dot_dimension_numbers<[1], [0], [0], [1], [0, 0, 1, 1], [], []>, transpose_lhs_hint = false} : vector<400x128xf32>, vector<128x128xf32>, vector<400x128xf32> -> vector<400x128xf32>
    %get3A_22 = arith.constant 0 : index
    %get3A_23 = arith.constant 0 : index
    %get3A_24 = vector.load %arg8[%get3A_22, %get3A_23] : memref<8x128xf32, #tpu.memory_space<vmem>>, vector<1x128xf32>
    %mul3A = vector.broadcast %add3A : vector<400x1xf32> to vector<400x128xf32>
    %mul3A_25 = vector.broadcast %get3A_24 : vector<1x128xf32> to vector<400x128xf32>
    %mul3A_26 = arith.mulf %mul3A, %mul3A_25 : vector<400x128xf32>
    %add3A_27 = arith.addf %dot_general3A_21, %mul3A_26 : vector<400x128xf32>
    %div3A = vector.broadcast %max3A_17 : vector<400x1xf32> to vector<400x128xf32>
    %div3A_28 = arith.divf %add3A_27, %div3A : vector<400x128xf32>
    %get3A_29 = arith.constant 0 : index
    %get3A_30 = arith.constant 0 : index
    %get3A_31 = vector.load %arg6[%get3A_29, %get3A_30] : memref<8x32xf32, #tpu.memory_space<vmem>>, vector<8x32xf32>
    %get3A_32 = arith.constant 0 : index
    %get3A_33 = arith.constant 0 : index
    %get3A_34 = vector.load %arg11[%get3A_32, %get3A_33] : memref<32x128xf32, #tpu.memory_space<vmem>>, vector<32x128xf32>
    %dot_general3A_35 = arith.constant dense<0.000000e+00> : vector<8x128xf32>
    %dot_general3A_36 = tpu.matmul %get3A_31, %get3A_34, %dot_general3A_35 {dimension_numbers = #tpu.dot_dimension_numbers<[1], [0], [0], [1], [0, 0, 1, 1], [], []>, transpose_lhs_hint = false} : vector<8x32xf32>, vector<32x128xf32>, vector<8x128xf32> -> vector<8x128xf32>
    %get3A_37 = arith.constant 0 : index
    %get3A_38 = arith.constant 0 : index
    %get3A_39 = vector.load %arg12[%get3A_37, %get3A_38] : memref<8x128xf32, #tpu.memory_space<vmem>>, vector<8x128xf32>
    %add3A_40 = arith.addf %dot_general3A_36, %get3A_39 : vector<8x128xf32>
    %get3A_41 = arith.constant 0 : index
    %get3A_42 = arith.constant 0 : index
    %get3A_43 = vector.load %arg9[%get3A_41, %get3A_42] : memref<128x128xf32, #tpu.memory_space<vmem>>, vector<128x128xf32>
    %dot_general3A_44 = arith.constant dense<0.000000e+00> : vector<400x128xf32>
    %dot_general3A_45 = tpu.matmul %get3A_1, %get3A_43, %dot_general3A_44 {dimension_numbers = #tpu.dot_dimension_numbers<[1], [0], [0], [1], [0, 0, 1, 1], [], []>, transpose_lhs_hint = false} : vector<400x128xf32>, vector<128x128xf32>, vector<400x128xf32> -> vector<400x128xf32>
    %get3A_46 = arith.constant 0 : index
    %get3A_47 = arith.constant 0 : index
    %get3A_48 = vector.load %arg10[%get3A_46, %get3A_47] : memref<128x128xf32, #tpu.memory_space<vmem>>, vector<128x128xf32>
    %dot_general3A_49 = arith.constant dense<0.000000e+00> : vector<400x128xf32>
    %dot_general3A_50 = tpu.matmul %div3A_28, %get3A_48, %dot_general3A_49 {dimension_numbers = #tpu.dot_dimension_numbers<[1], [0], [0], [1], [0, 0, 1, 1], [], []>, transpose_lhs_hint = false} : vector<400x128xf32>, vector<128x128xf32>, vector<400x128xf32> -> vector<400x128xf32>
    %add3A_51 = arith.addf %dot_general3A_45, %dot_general3A_50 : vector<400x128xf32>
    %slice3A_52 = vector.extract_strided_slice %add3A_40 {offsets = [0, 0], sizes = [1, 128], strides = [1, 1]} : vector<8x128xf32> to vector<1x128xf32>
    %add3A_53 = vector.broadcast %slice3A_52 : vector<1x128xf32> to vector<400x128xf32>
    %add3A_54 = arith.addf %add3A_51, %add3A_53 : vector<400x128xf32>
    %max3A_55 = arith.constant 0.000000e+00 : f32
    %max3A_56 = vector.broadcast %max3A_55 : f32 to vector<400x128xf32>
    %max3A_57 = arith.maximumf %add3A_54, %max3A_56 : vector<400x128xf32>
    %get3A_58 = arith.constant 0 : index
    %get3A_59 = arith.constant 0 : index
    %get3A_60 = vector.load %arg13[%get3A_58, %get3A_59] : memref<128x128xf32, #tpu.memory_space<vmem>>, vector<128x128xf32>
    %dot_general3A_61 = arith.constant dense<0.000000e+00> : vector<400x128xf32>
    %dot_general3A_62 = tpu.matmul %max3A_57, %get3A_60, %dot_general3A_61 {dimension_numbers = #tpu.dot_dimension_numbers<[1], [0], [0], [1], [0, 0, 1, 1], [], []>, transpose_lhs_hint = false} : vector<400x128xf32>, vector<128x128xf32>, vector<400x128xf32> -> vector<400x128xf32>
    %get3A_63 = arith.constant 0 : index
    %get3A_64 = arith.constant 0 : index
    %get3A_65 = vector.load %arg14[%get3A_63, %get3A_64] : memref<8x128xf32, #tpu.memory_space<vmem>>, vector<1x128xf32>
    %add3A_66 = vector.broadcast %get3A_65 : vector<1x128xf32> to vector<400x128xf32>
    %add3A_67 = arith.addf %dot_general3A_62, %add3A_66 : vector<400x128xf32>
    %swap3A = arith.constant 0 : index
    %swap3A_68 = arith.constant 0 : index
    %swap3A_69 = vector.load %arg19[%swap3A, %swap3A_68] : memref<400x128xf32, #tpu.memory_space<vmem>>, vector<400x128xf32>
    tpu.vector_store %arg19[%swap3A, %swap3A_68], %add3A_67 {strides = array<i32>} : memref<400x128xf32, #tpu.memory_space<vmem>>, vector<400x128xf32>,
    %eq3A = arith.constant 0 : i32
    %eq3A_70 = arith.cmpi eq, %arg0, %eq3A : i32
    %convert_element_type3A = arith.extui %eq3A_70 : i1 to i32
    %cond3A = arith.constant 0 : i32
    %cond3A_71 = arith.cmpi ne, %convert_element_type3A, %cond3A : i32
    scf.if %cond3A_71 {
      %broadcast_in_dim3A_82 = arith.constant 0.000000e+00 : f32
      %broadcast_in_dim3A_83 = vector.broadcast %broadcast_in_dim3A_82 : f32 to vector<8x128xf32>
      %swap3A_84 = arith.constant 0 : index
      %swap3A_85 = arith.constant 0 : index
      %swap3A_86 = vector.load %arg20[%swap3A_84, %swap3A_85] : memref<8x128xf32, #tpu.memory_space<vmem>>, vector<8x128xf32>
      tpu.vector_store %arg20[%swap3A_84, %swap3A_85], %broadcast_in_dim3A_83 {strides = array<i32>} : memref<8x128xf32, #tpu.memory_space<vmem>>, vector<8x128xf32>,
    } else {
    }
    %get3A_72 = arith.constant 0 : index
    %get3A_73 = arith.constant 0 : index
    %get3A_74 = vector.load %arg20[%get3A_72, %get3A_73] : memref<8x128xf32, #tpu.memory_space<vmem>>, vector<8x128xf32>
    %reduce_sum3A = arith.constant dense<0.000000e+00> : vector<128xf32>
    %reduce_sum3A_75 = vector.multi_reduction <add>, %add3A_67, %reduce_sum3A [0] : vector<400x128xf32> to vector<128xf32>
    %broadcast_in_dim3A = vector.shape_cast %reduce_sum3A_75 : vector<128xf32> to vector<1x128xf32>
    %broadcast_in_dim3A_76 = vector.shape_cast %broadcast_in_dim3A : vector<1x128xf32> to vector<1x128xf32>
    %broadcast_in_dim3A_77 = vector.broadcast %broadcast_in_dim3A_76 : vector<1x128xf32> to vector<8x128xf32>
    %add3A_78 = arith.addf %get3A_74, %broadcast_in_dim3A_77 : vector<8x128xf32>
    %swap3A_79 = arith.constant 0 : index
    %swap3A_80 = arith.constant 0 : index
    %swap3A_81 = vector.load %arg20[%swap3A_79, %swap3A_80] : memref<8x128xf32, #tpu.memory_space<vmem>>, vector<8x128xf32>
    tpu.vector_store %arg20[%swap3A_79, %swap3A_80], %add3A_78 {strides = array<i32>} : memref<8x128xf32, #tpu.memory_space<vmem>>, vector<8x128xf32>,
    return
  }
  func.func @transform_0(%arg0: i32) -> (i32, i32) {
    %c0_i32 = arith.constant 0 : i32
    %c0_i32_0 = arith.constant 0 : i32
    return %arg0, %c0_i32 : i32, i32
  }
  func.func @transform_1(%arg0: i32) -> (i32, i32) {
    %c0_i32 = arith.constant 0 : i32
    %c0_i32_0 = arith.constant 0 : i32
    return %arg0, %c0_i32 : i32, i32
  }
  func.func @transform_2(%arg0: i32) -> (i32, i32) {
    %c0_i32 = arith.constant 0 : i32
    %c0_i32_0 = arith.constant 0 : i32
    return %arg0, %c0_i32 : i32, i32
  }
  func.func @transform_3(%arg0: i32) -> (i32, i32) {
    %c0_i32 = arith.constant 0 : i32
    %c0_i32_0 = arith.constant 0 : i32
    return %arg0, %c0_i32 : i32, i32
  }
  func.func @transform_4(%arg0: i32) -> (i32, i32) {
    %c0_i32 = arith.constant 0 : i32
    %c0_i32_0 = arith.constant 0 : i32
    return %arg0, %c0_i32 : i32, i32
  }
  func.func @transform_5(%arg0: i32) -> (i32, i32) {
    %c0_i32 = arith.constant 0 : i32
    %c0_i32_0 = arith.constant 0 : i32
    %c0_i32_1 = arith.constant 0 : i32
    return %c0_i32, %c0_i32_0 : i32, i32
  }
  func.func @transform_6(%arg0: i32) -> (i32, i32) {
    %c0_i32 = arith.constant 0 : i32
    %c0_i32_0 = arith.constant 0 : i32
    %c0_i32_1 = arith.constant 0 : i32
    return %c0_i32, %c0_i32_0 : i32, i32
  }
  func.func @transform_7(%arg0: i32) -> (i32, i32) {
    %c0_i32 = arith.constant 0 : i32
    %c0_i32_0 = arith.constant 0 : i32
    %c0_i32_1 = arith.constant 0 : i32
    return %c0_i32, %c0_i32_0 : i32, i32
  }
  func.func @transform_8(%arg0: i32) -> (i32, i32) {
    %c0_i32 = arith.constant 0 : i32
    %c0_i32_0 = arith.constant 0 : i32
    %c0_i32_1 = arith.constant 0 : i32
    return %c0_i32, %c0_i32_0 : i32, i32
  }
  func.func @transform_9(%arg0: i32) -> (i32, i32) {
    %c0_i32 = arith.constant 0 : i32
    %c0_i32_0 = arith.constant 0 : i32
    %c0_i32_1 = arith.constant 0 : i32
    return %c0_i32, %c0_i32_0 : i32, i32
  }
  func.func @transform_10(%arg0: i32) -> (i32, i32) {
    %c0_i32 = arith.constant 0 : i32
    %c0_i32_0 = arith.constant 0 : i32
    %c0_i32_1 = arith.constant 0 : i32
    return %c0_i32, %c0_i32_0 : i32, i32
  }
  func.func @transform_11(%arg0: i32) -> (i32, i32) {
    %c0_i32 = arith.constant 0 : i32
    %c0_i32_0 = arith.constant 0 : i32
    %c0_i32_1 = arith.constant 0 : i32
    return %c0_i32, %c0_i32_0 : i32, i32
  }
  func.func @transform_12(%arg0: i32) -> (i32, i32) {
    %c0_i32 = arith.constant 0 : i32
    %c0_i32_0 = arith.constant 0 : i32
    %c0_i32_1 = arith.constant 0 : i32
    return %c0_i32, %c0_i32_0 : i32, i32
  }
  func.func @transform_13(%arg0: i32) -> (i32, i32) {
    %c0_i32 = arith.constant 0 : i32
    %c0_i32_0 = arith.constant 0 : i32
    %c0_i32_1 = arith.constant 0 : i32
    return %c0_i32, %c0_i32_0 : i32, i32
  }
  func.func @transform_14(%arg0: i32) -> (i32, i32) {
    %c0_i32 = arith.constant 0 : i32
    %c0_i32_0 = arith.constant 0 : i32
    %c0_i32_1 = arith.constant 0 : i32
    return %c0_i32, %c0_i32_0 : i32, i32
  }
  func.func @transform_15(%arg0: i32) -> (i32, i32) {
    %c0_i32 = arith.constant 0 : i32
    %c0_i32_0 = arith.constant 0 : i32
    %c0_i32_1 = arith.constant 0 : i32
    return %c0_i32, %c0_i32_0 : i32, i32
  }
  func.func @transform_16(%arg0: i32) -> (i32, i32) {
    %c0_i32 = arith.constant 0 : i32
    %c0_i32_0 = arith.constant 0 : i32
    %c0_i32_1 = arith.constant 0 : i32
    return %c0_i32, %c0_i32_0 : i32, i32
  }
  func.func @transform_17(%arg0: i32) -> (i32, i32) {
    %c0_i32 = arith.constant 0 : i32
    %c0_i32_0 = arith.constant 0 : i32
    %c0_i32_1 = arith.constant 0 : i32
    return %c0_i32, %c0_i32_0 : i32, i32
  }
  func.func @transform_18(%arg0: i32) -> (i32, i32) {
    %c0_i32 = arith.constant 0 : i32
    %c0_i32_0 = arith.constant 0 : i32
    return %arg0, %c0_i32 : i32, i32
  }
  func.func @transform_19(%arg0: i32) -> (i32, i32) {
    %c0_i32 = arith.constant 0 : i32
    %c0_i32_0 = arith.constant 0 : i32
    %c0_i32_1 = arith.constant 0 : i32
    return %c0_i32, %c0_i32_0 : i32, i32
  }
}

module attributes {stable_mosaic.version = 14 : i64} {
  func.func @kern(%arg0: i32, %arg1: memref<400x128xf32, #tpu.memory_space<vmem>>, %arg2: memref<400x128xf32, #tpu.memory_space<vmem>>, %arg3: memref<400x128xf32, #tpu.memory_space<vmem>>, %arg4: memref<400x16xf32, #tpu.memory_space<vmem>>, %arg5: memref<400x16xf32, #tpu.memory_space<vmem>>, %arg6: memref<8x32xf32, #tpu.memory_space<vmem>>, %arg7: memref<128x128xf32, #tpu.memory_space<vmem>>, %arg8: memref<8x128xf32, #tpu.memory_space<vmem>>, %arg9: memref<128x128xf32, #tpu.memory_space<vmem>>, %arg10: memref<128x128xf32, #tpu.memory_space<vmem>>, %arg11: memref<32x128xf32, #tpu.memory_space<vmem>>, %arg12: memref<8x128xf32, #tpu.memory_space<vmem>>, %arg13: memref<128x128xf32, #tpu.memory_space<vmem>>, %arg14: memref<8x128xf32, #tpu.memory_space<vmem>>, %arg15: memref<128x128xf32, #tpu.memory_space<vmem>>, %arg16: memref<8x128xf32, #tpu.memory_space<vmem>>, %arg17: memref<128x128xf32, #tpu.memory_space<vmem>>, %arg18: memref<8x128xf32, #tpu.memory_space<vmem>>, %arg19: memref<400x128xf32, #tpu.memory_space<vmem>>, %arg20: memref<8x128xf32, #tpu.memory_space<vmem>>, %arg21: memref<400x128xf32, #tpu.memory_space<vmem>>) attributes {dimension_semantics = [#tpu.dimension_semantics<arbitrary>], iteration_bounds = array<i64: 25>, scalar_prefetch = 0 : i64, scratch_operands = 0 : i64, tpu.core_type = #tpu.core_type<tc>, window_params = [{transform_indices = @transform_0, window_bounds = array<i64: 400, 128>}, {transform_indices = @transform_1, window_bounds = array<i64: 400, 128>}, {transform_indices = @transform_2, window_bounds = array<i64: 400, 128>}, {transform_indices = @transform_3, window_bounds = array<i64: 400, 16>}, {transform_indices = @transform_4, window_bounds = array<i64: 400, 16>}, {pipeline_mode = #tpu.pipeline_mode<synchronous>, transform_indices = @transform_5, window_bounds = array<i64: 8, 32>}, {pipeline_mode = #tpu.pipeline_mode<synchronous>, transform_indices = @transform_6, window_bounds = array<i64: 128, 128>}, {pipeline_mode = #tpu.pipeline_mode<synchronous>, transform_indices = @transform_7, window_bounds = array<i64: 8, 128>}, {pipeline_mode = #tpu.pipeline_mode<synchronous>, transform_indices = @transform_8, window_bounds = array<i64: 128, 128>}, {pipeline_mode = #tpu.pipeline_mode<synchronous>, transform_indices = @transform_9, window_bounds = array<i64: 128, 128>}, {pipeline_mode = #tpu.pipeline_mode<synchronous>, transform_indices = @transform_10, window_bounds = array<i64: 32, 128>}, {pipeline_mode = #tpu.pipeline_mode<synchronous>, transform_indices = @transform_11, window_bounds = array<i64: 8, 128>}, {pipeline_mode = #tpu.pipeline_mode<synchronous>, transform_indices = @transform_12, window_bounds = array<i64: 128, 128>}, {pipeline_mode = #tpu.pipeline_mode<synchronous>, transform_indices = @transform_13, window_bounds = array<i64: 8, 128>}, {pipeline_mode = #tpu.pipeline_mode<synchronous>, transform_indices = @transform_14, window_bounds = array<i64: 128, 128>}, {pipeline_mode = #tpu.pipeline_mode<synchronous>, transform_indices = @transform_15, window_bounds = array<i64: 8, 128>}, {pipeline_mode = #tpu.pipeline_mode<synchronous>, transform_indices = @transform_16, window_bounds = array<i64: 128, 128>}, {pipeline_mode = #tpu.pipeline_mode<synchronous>, transform_indices = @transform_17, window_bounds = array<i64: 8, 128>}, {transform_indices = @transform_18, window_bounds = array<i64: 400, 128>}, {pipeline_mode = #tpu.pipeline_mode<synchronous>, transform_indices = @transform_19, window_bounds = array<i64: 8, 128>}, {transform_indices = @transform_20, window_bounds = array<i64: 400, 128>}]} {
    %get3A = arith.constant 0 : index
    %get3A_0 = arith.constant 0 : index
    %get3A_1 = vector.load %arg1[%get3A, %get3A_0] : memref<400x128xf32, #tpu.memory_space<vmem>>, vector<400x128xf32>
    %get3A_2 = arith.constant 0 : index
    %get3A_3 = arith.constant 0 : index
    %get3A_4 = vector.load %arg4[%get3A_2, %get3A_3] : memref<400x16xf32, #tpu.memory_space<vmem>>, vector<400x16xf32>
    %slice3A = vector.extract_strided_slice %get3A_4 {offsets = [0, 0], sizes = [400, 1], strides = [1, 1]} : vector<400x16xf32> to vector<400x1xf32>
    %get3A_5 = arith.constant 0 : index
    %get3A_6 = arith.constant 0 : index
    %get3A_7 = vector.load %arg5[%get3A_5, %get3A_6] : memref<400x16xf32, #tpu.memory_space<vmem>>, vector<400x16xf32>
    %slice3A_8 = vector.extract_strided_slice %get3A_7 {offsets = [0, 0], sizes = [400, 1], strides = [1, 1]} : vector<400x16xf32> to vector<400x1xf32>
    %add3A = arith.addf %slice3A, %slice3A_8 : vector<400x1xf32>
    %get3A_9 = arith.constant 0 : index
    %get3A_10 = arith.constant 0 : index
    %get3A_11 = vector.load %arg2[%get3A_9, %get3A_10] : memref<400x128xf32, #tpu.memory_space<vmem>>, vector<400x128xf32>
    %get3A_12 = arith.constant 0 : index
    %get3A_13 = arith.constant 0 : index
    %get3A_14 = vector.load %arg3[%get3A_12, %get3A_13] : memref<400x128xf32, #tpu.memory_space<vmem>>, vector<400x128xf32>
    %add3A_15 = arith.addf %get3A_11, %get3A_14 : vector<400x128xf32>
    %max3A = arith.constant 1.000000e+00 : f32
    %max3A_16 = vector.broadcast %max3A : f32 to vector<400x1xf32>
    %max3A_17 = arith.maximumf %add3A, %max3A_16 : vector<400x1xf32>
    %get3A_18 = arith.constant 0 : index
    %get3A_19 = arith.constant 0 : index
    %get3A_20 = vector.load %arg7[%get3A_18, %get3A_19] : memref<128x128xf32, #tpu.memory_space<vmem>>, vector<128x128xf32>
    %dot_general3A = arith.constant dense<0.000000e+00> : vector<400x128xf32>
    %dot_general3A_21 = tpu.matmul %add3A_15, %get3A_20, %dot_general3A {dimension_numbers = #tpu.dot_dimension_numbers<[1], [0], [0], [1], [0, 0, 1, 1], [], []>, transpose_lhs_hint = false} : vector<400x128xf32>, vector<128x128xf32>, vector<400x128xf32> -> vector<400x128xf32>
    %get3A_22 = arith.constant 0 : index
    %get3A_23 = arith.constant 0 : index
    %get3A_24 = vector.load %arg8[%get3A_22, %get3A_23] : memref<8x128xf32, #tpu.memory_space<vmem>>, vector<1x128xf32>
    %mul3A = vector.broadcast %add3A : vector<400x1xf32> to vector<400x128xf32>
    %mul3A_25 = vector.broadcast %get3A_24 : vector<1x128xf32> to vector<400x128xf32>
    %mul3A_26 = arith.mulf %mul3A, %mul3A_25 : vector<400x128xf32>
    %add3A_27 = arith.addf %dot_general3A_21, %mul3A_26 : vector<400x128xf32>
    %div3A = vector.broadcast %max3A_17 : vector<400x1xf32> to vector<400x128xf32>
    %div3A_28 = arith.divf %add3A_27, %div3A : vector<400x128xf32>
    %get3A_29 = arith.constant 0 : index
    %get3A_30 = arith.constant 0 : index
    %get3A_31 = vector.load %arg6[%get3A_29, %get3A_30] : memref<8x32xf32, #tpu.memory_space<vmem>>, vector<8x32xf32>
    %get3A_32 = arith.constant 0 : index
    %get3A_33 = arith.constant 0 : index
    %get3A_34 = vector.load %arg11[%get3A_32, %get3A_33] : memref<32x128xf32, #tpu.memory_space<vmem>>, vector<32x128xf32>
    %dot_general3A_35 = arith.constant dense<0.000000e+00> : vector<8x128xf32>
    %dot_general3A_36 = tpu.matmul %get3A_31, %get3A_34, %dot_general3A_35 {dimension_numbers = #tpu.dot_dimension_numbers<[1], [0], [0], [1], [0, 0, 1, 1], [], []>, transpose_lhs_hint = false} : vector<8x32xf32>, vector<32x128xf32>, vector<8x128xf32> -> vector<8x128xf32>
    %get3A_37 = arith.constant 0 : index
    %get3A_38 = arith.constant 0 : index
    %get3A_39 = vector.load %arg12[%get3A_37, %get3A_38] : memref<8x128xf32, #tpu.memory_space<vmem>>, vector<8x128xf32>
    %add3A_40 = arith.addf %dot_general3A_36, %get3A_39 : vector<8x128xf32>
    %get3A_41 = arith.constant 0 : index
    %get3A_42 = arith.constant 0 : index
    %get3A_43 = vector.load %arg9[%get3A_41, %get3A_42] : memref<128x128xf32, #tpu.memory_space<vmem>>, vector<128x128xf32>
    %dot_general3A_44 = arith.constant dense<0.000000e+00> : vector<400x128xf32>
    %dot_general3A_45 = tpu.matmul %get3A_1, %get3A_43, %dot_general3A_44 {dimension_numbers = #tpu.dot_dimension_numbers<[1], [0], [0], [1], [0, 0, 1, 1], [], []>, transpose_lhs_hint = false} : vector<400x128xf32>, vector<128x128xf32>, vector<400x128xf32> -> vector<400x128xf32>
    %get3A_46 = arith.constant 0 : index
    %get3A_47 = arith.constant 0 : index
    %get3A_48 = vector.load %arg10[%get3A_46, %get3A_47] : memref<128x128xf32, #tpu.memory_space<vmem>>, vector<128x128xf32>
    %dot_general3A_49 = arith.constant dense<0.000000e+00> : vector<400x128xf32>
    %dot_general3A_50 = tpu.matmul %div3A_28, %get3A_48, %dot_general3A_49 {dimension_numbers = #tpu.dot_dimension_numbers<[1], [0], [0], [1], [0, 0, 1, 1], [], []>, transpose_lhs_hint = false} : vector<400x128xf32>, vector<128x128xf32>, vector<400x128xf32> -> vector<400x128xf32>
    %add3A_51 = arith.addf %dot_general3A_45, %dot_general3A_50 : vector<400x128xf32>
    %slice3A_52 = vector.extract_strided_slice %add3A_40 {offsets = [0, 0], sizes = [1, 128], strides = [1, 1]} : vector<8x128xf32> to vector<1x128xf32>
    %add3A_53 = vector.broadcast %slice3A_52 : vector<1x128xf32> to vector<400x128xf32>
    %add3A_54 = arith.addf %add3A_51, %add3A_53 : vector<400x128xf32>
    %max3A_55 = arith.constant 0.000000e+00 : f32
    %max3A_56 = vector.broadcast %max3A_55 : f32 to vector<400x128xf32>
    %max3A_57 = arith.maximumf %add3A_54, %max3A_56 : vector<400x128xf32>
    %get3A_58 = arith.constant 0 : index
    %get3A_59 = arith.constant 0 : index
    %get3A_60 = vector.load %arg13[%get3A_58, %get3A_59] : memref<128x128xf32, #tpu.memory_space<vmem>>, vector<128x128xf32>
    %dot_general3A_61 = arith.constant dense<0.000000e+00> : vector<400x128xf32>
    %dot_general3A_62 = tpu.matmul %max3A_57, %get3A_60, %dot_general3A_61 {dimension_numbers = #tpu.dot_dimension_numbers<[1], [0], [0], [1], [0, 0, 1, 1], [], []>, transpose_lhs_hint = false} : vector<400x128xf32>, vector<128x128xf32>, vector<400x128xf32> -> vector<400x128xf32>
    %get3A_63 = arith.constant 0 : index
    %get3A_64 = arith.constant 0 : index
    %get3A_65 = vector.load %arg14[%get3A_63, %get3A_64] : memref<8x128xf32, #tpu.memory_space<vmem>>, vector<1x128xf32>
    %add3A_66 = vector.broadcast %get3A_65 : vector<1x128xf32> to vector<400x128xf32>
    %add3A_67 = arith.addf %dot_general3A_62, %add3A_66 : vector<400x128xf32>
    %swap3A = arith.constant 0 : index
    %swap3A_68 = arith.constant 0 : index
    %swap3A_69 = vector.load %arg19[%swap3A, %swap3A_68] : memref<400x128xf32, #tpu.memory_space<vmem>>, vector<400x128xf32>
    tpu.vector_store %arg19[%swap3A, %swap3A_68], %add3A_67 {strides = array<i32>} : memref<400x128xf32, #tpu.memory_space<vmem>>, vector<400x128xf32>,
    %eq3A = arith.constant 0 : i32
    %eq3A_70 = arith.cmpi eq, %arg0, %eq3A : i32
    %convert_element_type3A = arith.extui %eq3A_70 : i1 to i32
    %cond3A = arith.constant 0 : i32
    %cond3A_71 = arith.cmpi ne, %convert_element_type3A, %cond3A : i32
    scf.if %cond3A_71 {
      %broadcast_in_dim3A_108 = arith.constant 0.000000e+00 : f32
      %broadcast_in_dim3A_109 = vector.broadcast %broadcast_in_dim3A_108 : f32 to vector<8x128xf32>
      %swap3A_110 = arith.constant 0 : index
      %swap3A_111 = arith.constant 0 : index
      %swap3A_112 = vector.load %arg20[%swap3A_110, %swap3A_111] : memref<8x128xf32, #tpu.memory_space<vmem>>, vector<8x128xf32>
      tpu.vector_store %arg20[%swap3A_110, %swap3A_111], %broadcast_in_dim3A_109 {strides = array<i32>} : memref<8x128xf32, #tpu.memory_space<vmem>>, vector<8x128xf32>,
    } else {
    }
    %get3A_72 = arith.constant 0 : index
    %get3A_73 = arith.constant 0 : index
    %get3A_74 = vector.load %arg20[%get3A_72, %get3A_73] : memref<8x128xf32, #tpu.memory_space<vmem>>, vector<8x128xf32>
    %reduce_sum3A = arith.constant dense<0.000000e+00> : vector<128xf32>
    %reduce_sum3A_75 = vector.multi_reduction <add>, %add3A_67, %reduce_sum3A [0] : vector<400x128xf32> to vector<128xf32>
    %broadcast_in_dim3A = vector.shape_cast %reduce_sum3A_75 : vector<128xf32> to vector<1x128xf32>
    %broadcast_in_dim3A_76 = vector.shape_cast %broadcast_in_dim3A : vector<1x128xf32> to vector<1x128xf32>
    %broadcast_in_dim3A_77 = vector.broadcast %broadcast_in_dim3A_76 : vector<1x128xf32> to vector<8x128xf32>
    %add3A_78 = arith.addf %get3A_74, %broadcast_in_dim3A_77 : vector<8x128xf32>
    %swap3A_79 = arith.constant 0 : index
    %swap3A_80 = arith.constant 0 : index
    %swap3A_81 = vector.load %arg20[%swap3A_79, %swap3A_80] : memref<8x128xf32, #tpu.memory_space<vmem>>, vector<8x128xf32>
    tpu.vector_store %arg20[%swap3A_79, %swap3A_80], %add3A_78 {strides = array<i32>} : memref<8x128xf32, #tpu.memory_space<vmem>>, vector<8x128xf32>,
    %get3A_82 = arith.constant 0 : index
    %get3A_83 = arith.constant 0 : index
    %get3A_84 = vector.load %arg15[%get3A_82, %get3A_83] : memref<128x128xf32, #tpu.memory_space<vmem>>, vector<128x128xf32>
    %dot_general3A_85 = arith.constant dense<0.000000e+00> : vector<400x128xf32>
    %dot_general3A_86 = tpu.matmul %add3A_67, %get3A_84, %dot_general3A_85 {dimension_numbers = #tpu.dot_dimension_numbers<[1], [0], [0], [1], [0, 0, 1, 1], [], []>, transpose_lhs_hint = false} : vector<400x128xf32>, vector<128x128xf32>, vector<400x128xf32> -> vector<400x128xf32>
    %get3A_87 = arith.constant 0 : index
    %get3A_88 = arith.constant 0 : index
    %get3A_89 = vector.load %arg16[%get3A_87, %get3A_88] : memref<8x128xf32, #tpu.memory_space<vmem>>, vector<1x128xf32>
    %add3A_90 = vector.broadcast %get3A_89 : vector<1x128xf32> to vector<400x128xf32>
    %add3A_91 = arith.addf %dot_general3A_86, %add3A_90 : vector<400x128xf32>
    %max3A_92 = arith.constant 0.000000e+00 : f32
    %max3A_93 = vector.broadcast %max3A_92 : f32 to vector<400x128xf32>
    %max3A_94 = arith.maximumf %add3A_91, %max3A_93 : vector<400x128xf32>
    %get3A_95 = arith.constant 0 : index
    %get3A_96 = arith.constant 0 : index
    %get3A_97 = vector.load %arg17[%get3A_95, %get3A_96] : memref<128x128xf32, #tpu.memory_space<vmem>>, vector<128x128xf32>
    %dot_general3A_98 = arith.constant dense<0.000000e+00> : vector<400x128xf32>
    %dot_general3A_99 = tpu.matmul %max3A_94, %get3A_97, %dot_general3A_98 {dimension_numbers = #tpu.dot_dimension_numbers<[1], [0], [0], [1], [0, 0, 1, 1], [], []>, transpose_lhs_hint = false} : vector<400x128xf32>, vector<128x128xf32>, vector<400x128xf32> -> vector<400x128xf32>
    %get3A_100 = arith.constant 0 : index
    %get3A_101 = arith.constant 0 : index
    %get3A_102 = vector.load %arg18[%get3A_100, %get3A_101] : memref<8x128xf32, #tpu.memory_space<vmem>>, vector<1x128xf32>
    %add3A_103 = vector.broadcast %get3A_102 : vector<1x128xf32> to vector<400x128xf32>
    %add3A_104 = arith.addf %dot_general3A_99, %add3A_103 : vector<400x128xf32>
    %swap3A_105 = arith.constant 0 : index
    %swap3A_106 = arith.constant 0 : index
    %swap3A_107 = vector.load %arg21[%swap3A_105, %swap3A_106] : memref<400x128xf32, #tpu.memory_space<vmem>>, vector<400x128xf32>
    tpu.vector_store %arg21[%swap3A_105, %swap3A_106], %add3A_104 {strides = array<i32>} : memref<400x128xf32, #tpu.memory_space<vmem>>, vector<400x128xf32>,
    return
  }
  func.func @transform_0(%arg0: i32) -> (i32, i32) {
    %c0_i32 = arith.constant 0 : i32
    %c0_i32_0 = arith.constant 0 : i32
    return %arg0, %c0_i32 : i32, i32
  }
  func.func @transform_1(%arg0: i32) -> (i32, i32) {
    %c0_i32 = arith.constant 0 : i32
    %c0_i32_0 = arith.constant 0 : i32
    return %arg0, %c0_i32 : i32, i32
  }
  func.func @transform_2(%arg0: i32) -> (i32, i32) {
    %c0_i32 = arith.constant 0 : i32
    %c0_i32_0 = arith.constant 0 : i32
    return %arg0, %c0_i32 : i32, i32
  }
  func.func @transform_3(%arg0: i32) -> (i32, i32) {
    %c0_i32 = arith.constant 0 : i32
    %c0_i32_0 = arith.constant 0 : i32
    return %arg0, %c0_i32 : i32, i32
  }
  func.func @transform_4(%arg0: i32) -> (i32, i32) {
    %c0_i32 = arith.constant 0 : i32
    %c0_i32_0 = arith.constant 0 : i32
    return %arg0, %c0_i32 : i32, i32
  }
  func.func @transform_5(%arg0: i32) -> (i32, i32) {
    %c0_i32 = arith.constant 0 : i32
    %c0_i32_0 = arith.constant 0 : i32
    %c0_i32_1 = arith.constant 0 : i32
    return %c0_i32, %c0_i32_0 : i32, i32
  }
  func.func @transform_6(%arg0: i32) -> (i32, i32) {
    %c0_i32 = arith.constant 0 : i32
    %c0_i32_0 = arith.constant 0 : i32
    %c0_i32_1 = arith.constant 0 : i32
    return %c0_i32, %c0_i32_0 : i32, i32
  }
  func.func @transform_7(%arg0: i32) -> (i32, i32) {
    %c0_i32 = arith.constant 0 : i32
    %c0_i32_0 = arith.constant 0 : i32
    %c0_i32_1 = arith.constant 0 : i32
    return %c0_i32, %c0_i32_0 : i32, i32
  }
  func.func @transform_8(%arg0: i32) -> (i32, i32) {
    %c0_i32 = arith.constant 0 : i32
    %c0_i32_0 = arith.constant 0 : i32
    %c0_i32_1 = arith.constant 0 : i32
    return %c0_i32, %c0_i32_0 : i32, i32
  }
  func.func @transform_9(%arg0: i32) -> (i32, i32) {
    %c0_i32 = arith.constant 0 : i32
    %c0_i32_0 = arith.constant 0 : i32
    %c0_i32_1 = arith.constant 0 : i32
    return %c0_i32, %c0_i32_0 : i32, i32
  }
  func.func @transform_10(%arg0: i32) -> (i32, i32) {
    %c0_i32 = arith.constant 0 : i32
    %c0_i32_0 = arith.constant 0 : i32
    %c0_i32_1 = arith.constant 0 : i32
    return %c0_i32, %c0_i32_0 : i32, i32
  }
  func.func @transform_11(%arg0: i32) -> (i32, i32) {
    %c0_i32 = arith.constant 0 : i32
    %c0_i32_0 = arith.constant 0 : i32
    %c0_i32_1 = arith.constant 0 : i32
    return %c0_i32, %c0_i32_0 : i32, i32
  }
  func.func @transform_12(%arg0: i32) -> (i32, i32) {
    %c0_i32 = arith.constant 0 : i32
    %c0_i32_0 = arith.constant 0 : i32
    %c0_i32_1 = arith.constant 0 : i32
    return %c0_i32, %c0_i32_0 : i32, i32
  }
  func.func @transform_13(%arg0: i32) -> (i32, i32) {
    %c0_i32 = arith.constant 0 : i32
    %c0_i32_0 = arith.constant 0 : i32
    %c0_i32_1 = arith.constant 0 : i32
    return %c0_i32, %c0_i32_0 : i32, i32
  }
  func.func @transform_14(%arg0: i32) -> (i32, i32) {
    %c0_i32 = arith.constant 0 : i32
    %c0_i32_0 = arith.constant 0 : i32
    %c0_i32_1 = arith.constant 0 : i32
    return %c0_i32, %c0_i32_0 : i32, i32
  }
  func.func @transform_15(%arg0: i32) -> (i32, i32) {
    %c0_i32 = arith.constant 0 : i32
    %c0_i32_0 = arith.constant 0 : i32
    %c0_i32_1 = arith.constant 0 : i32
    return %c0_i32, %c0_i32_0 : i32, i32
  }
  func.func @transform_16(%arg0: i32) -> (i32, i32) {
    %c0_i32 = arith.constant 0 : i32
    %c0_i32_0 = arith.constant 0 : i32
    %c0_i32_1 = arith.constant 0 : i32
    return %c0_i32, %c0_i32_0 : i32, i32
  }
  func.func @transform_17(%arg0: i32) -> (i32, i32) {
    %c0_i32 = arith.constant 0 : i32
    %c0_i32_0 = arith.constant 0 : i32
    %c0_i32_1 = arith.constant 0 : i32
    return %c0_i32, %c0_i32_0 : i32, i32
  }
  func.func @transform_18(%arg0: i32) -> (i32, i32) {
    %c0_i32 = arith.constant 0 : i32
    %c0_i32_0 = arith.constant 0 : i32
    return %arg0, %c0_i32 : i32, i32
  }
  func.func @transform_19(%arg0: i32) -> (i32, i32) {
    %c0_i32 = arith.constant 0 : i32
    %c0_i32_0 = arith.constant 0 : i32
    %c0_i32_1 = arith.constant 0 : i32
    return %c0_i32, %c0_i32_0 : i32, i32
  }
  func.func @transform_20(%arg0: i32) -> (i32, i32) {
    %c0_i32 = arith.constant 0 : i32
    %c0_i32_0 = arith.constant 0 : i32
    return %arg0, %c0_i32 : i32, i32
  }
}

</mosaic_0001>

<sc_bundles>
// kernel: kernel.15.cloned.1.call-start
scs
__scs_entry_jumppad:
0x0: {  	(pc) =	sbr.rel $0x88, $3  }
0x1: {  	(tag) =	ssettag $0x0;
	lr =	simm.s32 $0x1  }
0x2: {  	[smem:$0x3F71] =	sst lr;
	_ =	strace $0xD0000000  }
0x3: {  	_ = 	snop  }
0x4: {  	_ = 	snop  }
0x5: {  	_ = 	snop  }
0x6: {  	_ = 	snop  }
0x7: {  	_ = 	snop  }
__scs_overlays_trampoline_lowered:
0x8: {  	[smem:$0x3F80] =	sst s0  }
0x9: {  	[smem:$0x3F81] =	sst s1  }
0xa: {  	[smem:$0x3F82] =	sst s2  }
0xb: {  	[smem:$0x3F83] =	sst s3  }
0xc: {  	[smem:$0x3F84] =	sst s4  }
0xd: {  	[smem:$0x3F85] =	sst s5  }
0xe: {  	[smem:$0x3F86] =	sst s6  }
0xf: {  	[smem:$0x3F87] =	sst s7  }
0x10: {  	[smem:$0x3F88] =	sst s8  }
0x11: {  	[smem:$0x3F89] =	sst s9;
	s0 =	simm.s32 @!p0 $0x0  }
0x12: {  	s1 =	sld [smem:$0x3F6F];
	s0 =	simm.s32 @p0 $0x1  }
0x13: {  	[smem:$0x3F8A] =	sst s0;
	s0 =	simm.s32 @!p1 $0x0  }
0x14: {  	s2 =	sld [smem:$0x3F6E];
	s0 =	simm.s32 @p1 $0x1  }
0x15: {  	[smem:$0x3F8B] =	sst s0;
	s0 =	simm.s32 @!p2 $0x0  }
0x16: {  	s3 =	sld [smem:$0x3FDB];
	s0 =	simm.s32 @p2 $0x1  }
0x17: {  	s4 =	simm.s32 $0x1BF5;
	[smem:$0x3F8D] =	sst s0  }
0x18: {  	s0 =	sld [smem:$0x3F70];
	_ =	swait.ge [sflag:s4], $0x0  }
0x19: {  	s7 =	sld [smem:$0x3F71]  }
0x1a: {  	s8 =	sadd.s32 $0xFFFFE003, lr  }
0x1b: {  	s9 =	sadd.s32 $0xFFFFFEF7, lr;
	s5 =	simm.s32 $0xFFFFFFFF;
	p2 =	slt.u32 s8, $0xFFFFF086  }
0x1c: {  	p1 =	slt.u32 s9, $0xF7A;
	s5 =	simm.s32 @!p2 $0x0  }
0x1d: {  	s5 =	simm.s32 @p1 $0x1;
	p0 =	seq.s32 s7, s2  }
0x1e: {  	s7 =	smul.u32 @!p0 $0xF7A, s2;
	p2 =	seq.s32 @!p0 s5, $0x0  }
0x1f: {  	s9 =	smul.u32 $0xF7A, s1;
	s8 =	simm.s32 @!p0 $0x1BF5;
	p2 =	por !p2, p0  }
0x20: {  	[sflag:s8] =	ssyncset.s32 @!p0 $0xFFFFF086;
	s6 =	sadd.s32 @!p0 s3, s7;
	s7 =	simm.s32 @!p0 $0x108  }
0x21: {  	s3 =	sadd.s32 s3, s9;
	s6 =	sadd.s32 @!p0 $0x88, s6;
	s7 =	simm.s32 @p2 $0x1082  }
0x22: {  	[simem:s7], [sflag:s8] =	dma.local @!p0 [hbm:s6], $0xF7A  }
0x23: {  	s9 =	sor.u32 $0xD0000000, s2;
	s6 =	simm.s32 $0x108;
	_ =	swait.ge @!p0 [sflag:s8], $0x0  }
0x24: {  	s3 =	sadd.s32 $0x88, s3;
	s6 =	simm.s32 @!p1 $0x1082;
	[sflag:s4] =	ssyncset.s32 $0xFFFFF086  }
0x25: {  	[simem:s6], [sflag:s4] =	dma.local [hbm:s3], $0xF7A  }
0x26: {  	[smem:$0x3F71] =	sst s1;
	(tag) =	ssettag s2;
	_ =	strace s9  }
0x27: {  	s1 =	sld [smem:$0x3F81]  }
0x28: {  	s2 =	sld [smem:$0x3F82]  }
0x29: {  	s4 =	sld [smem:$0x3F84]  }
0x2a: {  	p0 =	seq.s32 s5, $0x0;
	s5 =	sld [smem:$0x3F85]  }
0x2b: {  	s6 =	sld [smem:$0x3F86]  }
0x2c: {  	s7 =	sld [smem:$0x3F87]  }
0x2d: {  	s3 =	simm.s32 $0x108;
	s8 =	sld [smem:$0x3F88]  }
0x2e: {  	s3 =	simm.s32 @!p0 $0x1082;
	s9 =	sld [smem:$0x3F89]  }
0x2f: {  	lr =	sadd.s32 s0, s3;
	s0 =	sld [smem:$0x3F80]  }
0x30: {  	s3 =	sld [smem:$0x3F83]  }
0x31: {  	[smem:$0x3F8C] =	sst s10  }
0x32: {  	s10 =	sld [smem:$0x3F8A];
	_ =	sdelay $0x3  }
0x33: {  	p0 =	seq.s32 s10, $0x1;
	s10 =	sld [smem:$0x3F8C];
	_ =	sdelay $0x3  }
0x34: {  	[smem:$0x3F8C] =	sst s10  }
0x35: {  	s10 =	sld [smem:$0x3F8B];
	_ =	sdelay $0x3  }
0x36: {  	p1 =	seq.s32 s10, $0x1;
	s10 =	sld [smem:$0x3F8C];
	_ =	sdelay $0x3  }
0x37: {  	[smem:$0x3F8C] =	sst s10  }
0x38: {  	s10 =	sld [smem:$0x3F8D]  }
0x39: {  	_ = 	snop;
	(pc) =	sbr.ind lr, $3  }
0x3a: {  	_ = 	snop  }
0x3b: {  	_ = 	snop  }
0x3c: {  	p2 =	seq.s32 s10, $0x1;
	s10 =	sld [smem:$0x3F8C]  }
0x3d: {  	_ =	shalt  }
0x3e: {  	_ =	shalt  }
0x3f: {  	_ =	shalt  }
0x40: {  	_ =	shalt  }
0x41: {  	_ =	shalt  }
0x42: {  	_ =	shalt  }
0x43: {  	_ =	shalt  }
0x44: {  	_ =	shalt  }
0x45: {  	_ =	shalt  }
0x46: {  	_ =	shalt  }
0x47: {  	_ =	shalt  }
0x48: {  	_ =	shalt  }
0x49: {  	_ =	shalt  }
0x4a: {  	_ =	shalt  }
0x4b: {  	_ =	shalt  }
0x4c: {  	_ =	shalt  }
0x4d: {  	_ =	shalt  }
0x4e: {  	_ =	shalt  }
0x4f: {  	_ =	shalt  }
0x50: {  	_ =	shalt  }
0x51: {  	_ =	shalt  }
0x52: {  	_ =	shalt  }
0x53: {  	_ =	shalt  }
0x54: {  	_ =	shalt  }
0x55: {  	_ =	shalt  }
0x56: {  	_ =	shalt  }
0x57: {  	_ =	shalt  }
0x58: {  	_ =	shalt  }
0x59: {  	_ =	shalt  }
0x5a: {  	_ =	shalt  }
0x5b: {  	_ =	shalt  }
0x5c: {  	_ =	shalt  }
0x5d: {  	_ =	shalt  }
0x5e: {  	_ =	shalt  }
0x5f: {  	_ =	shalt  }
0x60: {  	_ =	shalt  }
0x61: {  	_ =	shalt  }
0x62: {  	_ =	shalt  }
0x63: {  	_ =	shalt  }
0x64: {  	_ =	shalt  }
0x65: {  	_ =	shalt  }
0x66: {  	_ =	shalt  }
0x67: {  	_ =	shalt  }
0x68: {  	_ =	shalt  }
0x69: {  	_ =	shalt  }
0x6a: {  	_ =	shalt  }
0x6b: {  	_ =	shalt  }
0x6c: {  	_ =	shalt  }
0x6d: {  	_ =	shalt  }
0x6e: {  	_ =	shalt  }
0x6f: {  	_ =	shalt  }
0x70: {  	_ =	shalt  }
0x71: {  	_ =	shalt  }
0x72: {  	_ =	shalt  }
0x73: {  	_ =	shalt  }
0x74: {  	_ =	shalt  }
0x75: {  	_ =	shalt  }
0x76: {  	_ =	shalt  }
0x77: {  	_ =	shalt  }
0x78: {  	_ =	shalt  }
0x79: {  	_ =	shalt  }
0x7a: {  	_ =	shalt  }
0x7b: {  	_ =	shalt  }
0x7c: {  	_ =	shalt  }
0x7d: {  	_ =	shalt  }
0x7e: {  	_ =	shalt  }
0x7f: {  	_ =	shalt  }
0x80: {  	_ =	shalt  }
0x81: {  	_ =	shalt  }
0x82: {  	_ =	shalt  }
0x83: {  	_ =	shalt  }
0x84: {  	_ =	shalt  }
0x85: {  	_ =	shalt  }
0x86: {  	_ =	shalt  }
0x87: {  	_ =	shalt  }
.Lfunc_end0:
.L_simem_size_0:
called_computation_lowered:
.L_overlay_start_0:
0x88: {  	s2 =	sld [smem:$0x3FD9]  }
0x89: {  	s3 =	sld [smem:$0x3FFE];
	_ =	sdelay $0x1  }
0x8a: {  	s1 =	srdreg.scid  }
0x8b: {  	s0 =	sand.u32 $0x1, s1  }
0x8c: {  	s17 =	sshll.u32 s0, $0xA;
	s2 =	sadd.s32 s3, s2  }
0x8d: {  	s2 =	sadd.s32 s2, s17  }
0x8e: {  	[smem:$0x3F98] =	sst s2  }
0x8f: {  	_ = 	snop  }
0x90: {  	(tm) =	ssettm $0x1  }
0x91: {  	s18 =	sld [smem:$0x3FFB];
	_ =	sdelay $0x3  }
0x92: {  	_ =	strace s18  }
0x93: {  	s2 =	sld [smem:$0x3FFC];
	_ =	sdelay $0x3  }
0x94: {  	_ =	strace s2  }
0x95: {  	s2 =	sld [smem:$0x3FFD];
	_ =	sdelay $0x3  }
0x96: {  	_ =	strace s2  }
0x97: {  	_ =	strace $0x8FFFFFFF  }
0x98: {  	s19 =	sld [smem:$0x3FDB];
	_ =	sdelay $0x1  }
0x99: {  	s20 =	simm.s32 $_scs_section_size  }
0x9a: {  	s4 =	simm.s32 $_size__tile_overlayer_lowered;
	s5 =	simm.s32 $_tile_overlayer_lowered  }
0x9b: {  	s6 =	simm.s32 $0x1BFF;
	s21 =	sshll.u32 s5, $0x1;
	s3 =	sadd.s32 s20, s19  }
0x9c: {  	s22 =	simm.s32 $0x0;
	s4 =	sshll.u32 s4, $0x1;
	s5 =	sadd.s32 s21, s3  }
0x9d: {  	[timem:s22], [sflag:s6] =	dma.local [hbm:s5], s4  }
0x9e: {  	_ =	swait.ge [sflag:s6], s4  }
0x9f: {  	s4 =	ssub.s32 $0x0, s4;
	[sflag:s6] =	ssyncset.done $0x0  }
0xa0: {  	[sflag:s6] =	ssyncadd.s32 s4;
	_ =	sdelay $0x1  }
0xa1: {  	s23 =	simm.s32 $0x1B8B  }
0xa2: {  	_ =	swait.ge [sflag:s23], $0x1  }
0xa3: {  	[sflag:s23] =	ssyncset.done $0x0  }
0xa4: {  	[sflag:s23] =	ssyncadd.s32 $0xFFFFFFFF  }
0xa5: {  	s4 =	sld [smem:$0x0]  }
0xa6: {  	s5 =	sand.u32 $0xFFFFFFFE, s1  }
0xa7: {  	p0 =	sne.s32 s1, s5  }
0xa8: {  	s5 =	sshll.u32 @p0 s5, $0xE  }
0xa9: {  	s5 =	sadd.s32 @p0 $0x11B8D, s5;
	s6 =	sshll.u32 @p0 s4, $0x11  }
0xaa: {  	s5 =	sor.u32 @p0 s6, s5  }
0xab: {  	[sflag:s5] =	ssyncadd.remote.s32 @p0 $0x1;
	_ =	sdelay $0x1  }
0xac: {  	s5 =	simm.s32 @p0 $0x1B8D  }
0xad: {  	_ =	swait.eq @p0 [sflag:s5], $0x1  }
0xae: {  	[sflag:s5] =	ssyncadd.s32 @p0 $0xFFFFFFFF  }
0xaf: {  	s6 =	sshll.u32 @!p0 s1, $0xE  }
0xb0: {  	s6 =	sor.u32 @!p0 $0x4000, s6;
	s5 =	simm.s32 @!p0 $0x1B8D  }
0xb1: {  	s4 =	sshll.u32 @!p0 s4, $0x11;
	s6 =	sadd.s32 @!p0 $0x11B8D, s6;
	_ =	swait.eq @!p0 [sflag:s5], $0x1  }
0xb2: {  	s4 =	sor.u32 @!p0 s4, s6;
	[sflag:s5] =	ssyncadd.s32 @!p0 $0xFFFFFFFF  }
0xb3: {  	s25 =	simm.s32 $0x1B8E;
	s24 =	sld [smem:$0x3FFE];
	[sflag:s4] =	ssyncadd.remote.s32 @!p0 $0x1  }
0xb4: {  	s26 =	simm.s32 $execute0_lowered;
	[smem:$0x3FD2] =	sst s25  }
0xb5: {  	s5 =	sshll.u32 s26, $0x1;
	_ =	strace $0x80000049;
	[dreg:$0x1] =	wrdreg $0xFFFFFFFF  }
0xb6: {  	s28 =	simm.s32 $_size_execute0_lowered;
	s3 =	sadd.s32 s3, s5;
	[dreg:$0x0] =	wrdreg $0x0  }
0xb7: {  	s5 =	sshll.u32 s28, $0x1;
	[dreg:$0x2] =	wrdreg s3  }
0xb8: {  	[dreg:$0x3] =	wrdreg s5  }
0xb9: {  	[dreg:$0x4] =	wrdreg $0xC0  }
0xba: {  	_ =	task [dreg:s22], $0x5FFFF  }
0xbb: {  	[dreg:$0x1] =	wrdreg $0xFFFFFFFF  }
0xbc: {  	[dreg:$0x0] =	wrdreg $0x60  }
0xbd: {  	[dreg:$0x2] =	wrdreg s24  }
0xbe: {  	[dreg:$0x3] =	wrdreg $0x28800  }
0xbf: {  	[dreg:$0x4] =	wrdreg $0x9  }
0xc0: {  	_ =	task.clear_ibuf [dreg:s22], $0x5FFFF;
	_ =	strace $0x90000049  }
0xc1: {  	s29 =	simm.s32 $0x9;
	_ =	strace $0x8000004B  }
0xc2: {  	_ =	swait.ge [sflag:s29], $0x1  }
0xc3: {  	[sflag:s29] =	ssyncadd.s32 $0xFFFFFFFF  }
0xc4: {  	_ =	strace $0x9000004B  }
0xc5: {  	_ =	sfence  }
0xc6: {  	s30 =	sld [smem:$0x0];
	_ =	sdelay $0x2  }
0xc7: {  	s31 =	sshll.u32 s1, $0xD;
	s1 =	sshrl.u32 s1, $0x2  }
0xc8: {  	s4 =	sand.u32 $0x4000, s31;
	s1 =	sadd.s32 s1, s30  }
0xc9: {  	s0 =	sor.u32 s4, s0;
	s1 =	sshll.u32 s1, $0x11  }
0xca: {  	s0 =	sor.u32 s1, s0  }
0xcb: {  	s0 =	sadd.s32 $0x8F2B, s0  }
0xcc: {  	[sflag:s0] =	ssyncadd.remote.s32 $0x1  }
0xcd: {  	_ =	sfence.sel $0xFFFF  }
0xce: {  	[dreg:$0x0] =	wrdreg $0xFFFFFFFF;
	(pc) =	sbr.abs _section_cstart, $3  }
0xcf: {  	[dreg:$0x1] =	wrdreg $0xFFFFFFFF  }
0xd0: {  	_ =	task.clear_ibuf [dreg:s22], $0x2FFFF;
	_ =	strace $0x9FFFFFFF  }
0xd1: {  	(tm) =	ssettm $0x7FFFFFFF  }
tec
execute0_lowered:
.L_overlay_start_1:
0x0: {  	(tag) =	ssettag $0x1  }
0x1: {  	s1 =	srdreg.scid;
	s6 =	rddreg [dreg:$0x0]  }
0x2: {  	s0 =	stileid.u32;
	s2 =	rddreg [dreg:$0x1]  }
0x3: {  	s3 =	simm.s32 $0x0;
	s13 =	simm.s32 $0x50;
	s5 =	smul.u32 $0x4E20, s0  }
0x4: {  	s4 =	sand.u32 $0x1, s1;
	s1 =	rddreg [dreg:$0x2];
	s26 =	smul.u32 $0x2780, s0  }
0x5: {  	s14 =	simm.s32 $0x0;
	[smem:$0x7FF] =	sst s3;
	s11 =	smul.u32 $0x4F000, s0  }
0x6: {  	s31 =	sshll.u32 s0, $0x6;
	s7 =	smul.u32 $0x2710, s4;
	_ =	strace $0x8000004A  }
0x7: {  	s28 =	smul.u32 $0x27800, s4;
	s10 =	ssub.s32 $0x2, s4;
	s4 =	sadd.s32 $0xF14E00, s6  }
0x8: {  	s8 =	sadd.s32 s26, s6;
	s29 =	sshrl.u32 s10, $0x1;
	s5 =	sadd.s32 s7, s5  }
0x9: {  	s30 =	sshrl.u32 s11, $0x2;
	s10 =	ssub.s32 s10, s29;
	s5 =	sshrl.u32 s5, $0x3  }
0xa: {  	s11 =	sadd.s32 s30, s2;
	s9 =	sadd.s32 s5, s6;
	s5 =	sadd.s32 s26, s28  }
0xb: {  	s12 =	sadd.s32 s5, s6;
	s5 =	sadd.s32 $0xEED600, s8;
	s6 =	sor.u32 $0x1C01, s31  }
0xc: {  	s8 =	smax.u32 s10, $0x1;
	s9 =	sadd.s32 $0x16600, s9;
	s10 =	sshrl.u32 s11, $0x3  }
0xd: {  	s11 =	simm.s32 $0x1;
	s7 =	sadd.s32 $0xF15400, s12;
	s12 =	simm.s32 $0x80  }
.LBB2_1:
0xe: {  	[spmem:s10], [sflag:s6] =	dma.local [hbm:s5], $0x2780  }
0xf: {  	_ =	swait.ge [sflag:s11], $0x2780  }
0x10: {  	[sflag:s11] =	ssyncset.done $0x0  }
0x11: {  	[sflag:s11] =	ssyncadd.s32 $0xFFFFD880  }
0x12: {  	[tilespmem:s12], [sflag:$0x1] =	stream.linear.gather [hbm4b:s4+s3], $0x2800, $0x38;
	[tilespmem:$0x16480] =	vst v63  }
0x13: {  	_ =	swait.ge [sflag:s11], $0x2800  }
0x14: {  	[sflag:s11] =	ssyncset.done $0x0  }
0x15: {  	[sflag:s11] =	ssyncadd.s32 $0xFFFFD800  }
0x16: {  	s15 =	sadd.s32 $0x0, s9;
	[bflag:$0x0] =	sbarrier.arrive $0xFFFF  }
0x17: {  	[tilespmem:s3], [sflag:$0x1] =	stream.linear.gather [hbm4b:s15+s3], $0x50, $0x38;
	[tilespmem:$0x16480] =	vst v63  }
0x18: {  	_ =	swait.ge [sflag:s11], $0x50  }
0x19: {  	[sflag:s11] =	ssyncset.done $0x0  }
0x1a: {  	[sflag:s11] =	ssyncadd.s32 $0xFFFFFFB0  }
0x1b: {  	[spmem:s2] =	stream.indirect.scatter.add.f32 [tilespmem:s12], [sflag:$0x1], $0x80, s3, s13, $0xb8;
	[tilespmem:$0x16480] =	vst v63  }
0x1c: {  	_ =	swait.ge [sflag:s11], $0x2800  }
0x1d: {  	s16 =	simm.s32 $0x14;
	s15 =	simm.s32 $0xA;
	[sflag:s11] =	ssyncset.done $0x0  }
.LBB2_2:
0x1e: {  	s17 =	sadd.s32 s15, s9  }
0x1f: {  	[sflag:s11] =	ssyncadd.s32 $0xFFFFD800;
	s15 =	smov.u32 s16;
	s18 =	sadd.s32 $0xA, s16  }
0x20: {  	[tilespmem:s3], [sflag:$0x1] =	stream.linear.gather [hbm4b:s17+s3], $0x50, $0x38;
	[tilespmem:$0x16480] =	vst v63  }
0x21: {  	p0 =	sne.s32 s16, $0x4D8;
	_ =	swait.ge [sflag:s11], $0x50  }
.Ltmp0:
0x22: {  	[sflag:s11] =	ssyncset.done $0x0;
	(pc) =	sbr.rel @p0 .LBB2_2-.Ltmp0, $4  }
0x23: {  	[sflag:s11] =	ssyncadd.s32 $0xFFFFFFB0  }
0x24: {  	[spmem:s2] =	stream.indirect.scatter.add.f32 [tilespmem:s12], [sflag:$0x1], $0x80, s3, s13, $0xb8;
	[tilespmem:$0x16480] =	vst v63  }
0x25: {  	_ =	swait.ge [sflag:s11], $0x2800  }
0x26: {  	s16 =	smov.u32 s18;
	[sflag:s11] =	ssyncset.done $0x0  }
0x27: {  	s15 =	sadd.s32 s15, s9;
	[sflag:s11] =	ssyncadd.s32 $0xFFFFD800  }
0x28: {  	[tilespmem:s3], [sflag:$0x1] =	stream.linear.gather [hbm4b:s15+s3], $0x50, $0x38;
	[tilespmem:$0x16480] =	vst v63  }
0x29: {  	_ =	swait.ge [sflag:s11], $0x50  }
0x2a: {  	[sflag:s11] =	ssyncset.done $0x0  }
0x2b: {  	[sflag:s11] =	ssyncadd.s32 $0xFFFFFFB0  }
0x2c: {  	[spmem:s2] =	stream.indirect.scatter.add.f32 [tilespmem:s12], [sflag:$0x1], $0x80, s3, s13, $0xb8;
	[tilespmem:$0x16480] =	vst v63  }
0x2d: {  	_ =	swait.ge [sflag:s11], $0x2800  }
0x2e: {  	s14 =	sadd.s32 $0x1, s14;
	[sflag:s11] =	ssyncset.done $0x0  }
0x2f: {  	p0 =	sne.s32 s14, s8;
	[sflag:s11] =	ssyncadd.s32 $0xFFFFD800  }
.Ltmp1:
0x30: {  	[bflag:$0x0] =	sbarrier.arrive $0xFFFF;
	(pc) =	sbr.rel @p0 .LBB2_1-.Ltmp1, $4  }
0x31: {  	[hbm:s7], [sflag:s6] =	dma.local [spmem:s10], $0x2780  }
0x32: {  	_ =	swait.ge [sflag:s11], $0x2780  }
0x33: {  	[sflag:s11] =	ssyncset.done $0x0  }
0x34: {  	[sflag:s11] =	ssyncadd.s32 $0xFFFFD880  }
0x35: {  	_ =	sfence.sel $0x180000  }
0x36: {  	[bflag:$0x0] =	sbarrier.arrive $0xFFFF  }
0x37: {  	p0 =	sne.s32 s0, $0x0;
	_ =	strace $0x9000004A  }
0x38: {  	s0 =	sadd.s32 @!p0 $0x100000, s1;
	[bflag:$0x2] =	sbarrier.arrive $0xFFFF  }
0x39: {  	[sflag:s0] =	ssyncadd.tile.s32 @!p0 $0x1;
	_ =	shalt  }
.Lfunc_end2:
_tile_overlayer_lowered:
.L_overlay_start_2:
0x3a: {  	(tag) =	ssettag $0x2  }
0x3b: {  	s0 =	rddreg [dreg:$0x0];
	s2 =	stileid.u32  }
0x3c: {  	s1 =	rddreg [dreg:$0x1];
	p0 =	sne.s32 s2, $0x0  }
0x3d: {  	s3 =	rddreg [dreg:$0x2];
	[bflag:$0x3] =	sbarrier.arrive $0xFFFF;
	s2 =	simm.s32 @!p0 $0x1C01  }
0x3e: {  	[timem:s3], [sflag:s2] =	dma.local @!p0 [hbm:s0], s1  }
0x3f: {  	s0 =	simm.s32 @!p0 $0x1  }
0x40: {  	_ =	swait.ge @!p0 [sflag:s0], s1  }
0x41: {  	s1 =	ssub.s32 @!p0 $0x0, s1;
	[sflag:s0] =	ssyncset.done @!p0 $0x0  }
0x42: {  	[sflag:s0] =	ssyncadd.s32 @!p0 s1  }
0x43: {  	[bflag:$0x3] =	sbarrier.arrive $0xFFFF  }
0x44: {  	_ =	shalt  }

// kernel: kernel.18.cloned.1.call-start
scs
__scs_entry_jumppad:
0x0: {  	(pc) =	sbr.rel $0x88, $3  }
0x1: {  	(tag) =	ssettag $0x0;
	lr =	simm.s32 $0x1  }
0x2: {  	[smem:$0x3F71] =	sst lr;
	_ =	strace $0xD0000000  }
0x3: {  	_ = 	snop  }
0x4: {  	_ = 	snop  }
0x5: {  	_ = 	snop  }
0x6: {  	_ = 	snop  }
0x7: {  	_ = 	snop  }
__scs_overlays_trampoline_lowered:
0x8: {  	[smem:$0x3F80] =	sst s0  }
0x9: {  	[smem:$0x3F81] =	sst s1  }
0xa: {  	[smem:$0x3F82] =	sst s2  }
0xb: {  	[smem:$0x3F83] =	sst s3  }
0xc: {  	[smem:$0x3F84] =	sst s4  }
0xd: {  	[smem:$0x3F85] =	sst s5  }
0xe: {  	[smem:$0x3F86] =	sst s6  }
0xf: {  	[smem:$0x3F87] =	sst s7  }
0x10: {  	[smem:$0x3F88] =	sst s8  }
0x11: {  	[smem:$0x3F89] =	sst s9;
	s0 =	simm.s32 @!p0 $0x0  }
0x12: {  	s1 =	sld [smem:$0x3F6F];
	s0 =	simm.s32 @p0 $0x1  }
0x13: {  	[smem:$0x3F8A] =	sst s0;
	s0 =	simm.s32 @!p1 $0x0  }
0x14: {  	s2 =	sld [smem:$0x3F6E];
	s0 =	simm.s32 @p1 $0x1  }
0x15: {  	[smem:$0x3F8B] =	sst s0;
	s0 =	simm.s32 @!p2 $0x0  }
0x16: {  	s3 =	sld [smem:$0x3FDB];
	s0 =	simm.s32 @p2 $0x1  }
0x17: {  	s4 =	simm.s32 $0x1BF5;
	[smem:$0x3F8D] =	sst s0  }
0x18: {  	s0 =	sld [smem:$0x3F70];
	_ =	swait.ge [sflag:s4], $0x0  }
0x19: {  	s7 =	sld [smem:$0x3F71]  }
0x1a: {  	s8 =	sadd.s32 $0xFFFFE003, lr  }
0x1b: {  	s9 =	sadd.s32 $0xFFFFFEF7, lr;
	s5 =	simm.s32 $0xFFFFFFFF;
	p2 =	slt.u32 s8, $0xFFFFF086  }
0x1c: {  	p1 =	slt.u32 s9, $0xF7A;
	s5 =	simm.s32 @!p2 $0x0  }
0x1d: {  	s5 =	simm.s32 @p1 $0x1;
	p0 =	seq.s32 s7, s2  }
0x1e: {  	s7 =	smul.u32 @!p0 $0xF7A, s2;
	p2 =	seq.s32 @!p0 s5, $0x0  }
0x1f: {  	s9 =	smul.u32 $0xF7A, s1;
	s8 =	simm.s32 @!p0 $0x1BF5;
	p2 =	por !p2, p0  }
0x20: {  	[sflag:s8] =	ssyncset.s32 @!p0 $0xFFFFF086;
	s6 =	sadd.s32 @!p0 s3, s7;
	s7 =	simm.s32 @!p0 $0x108  }
0x21: {  	s3 =	sadd.s32 s3, s9;
	s6 =	sadd.s32 @!p0 $0x88, s6;
	s7 =	simm.s32 @p2 $0x1082  }
0x22: {  	[simem:s7], [sflag:s8] =	dma.local @!p0 [hbm:s6], $0xF7A  }
0x23: {  	s9 =	sor.u32 $0xD0000000, s2;
	s6 =	simm.s32 $0x108;
	_ =	swait.ge @!p0 [sflag:s8], $0x0  }
0x24: {  	s3 =	sadd.s32 $0x88, s3;
	s6 =	simm.s32 @!p1 $0x1082;
	[sflag:s4] =	ssyncset.s32 $0xFFFFF086  }
0x25: {  	[simem:s6], [sflag:s4] =	dma.local [hbm:s3], $0xF7A  }
0x26: {  	[smem:$0x3F71] =	sst s1;
	(tag) =	ssettag s2;
	_ =	strace s9  }
0x27: {  	s1 =	sld [smem:$0x3F81]  }
0x28: {  	s2 =	sld [smem:$0x3F82]  }
0x29: {  	s4 =	sld [smem:$0x3F84]  }
0x2a: {  	p0 =	seq.s32 s5, $0x0;
	s5 =	sld [smem:$0x3F85]  }
0x2b: {  	s6 =	sld [smem:$0x3F86]  }
0x2c: {  	s7 =	sld [smem:$0x3F87]  }
0x2d: {  	s3 =	simm.s32 $0x108;
	s8 =	sld [smem:$0x3F88]  }
0x2e: {  	s3 =	simm.s32 @!p0 $0x1082;
	s9 =	sld [smem:$0x3F89]  }
0x2f: {  	lr =	sadd.s32 s0, s3;
	s0 =	sld [smem:$0x3F80]  }
0x30: {  	s3 =	sld [smem:$0x3F83]  }
0x31: {  	[smem:$0x3F8C] =	sst s10  }
0x32: {  	s10 =	sld [smem:$0x3F8A];
	_ =	sdelay $0x3  }
0x33: {  	p0 =	seq.s32 s10, $0x1;
	s10 =	sld [smem:$0x3F8C];
	_ =	sdelay $0x3  }
0x34: {  	[smem:$0x3F8C] =	sst s10  }
0x35: {  	s10 =	sld [smem:$0x3F8B];
	_ =	sdelay $0x3  }
0x36: {  	p1 =	seq.s32 s10, $0x1;
	s10 =	sld [smem:$0x3F8C];
	_ =	sdelay $0x3  }
0x37: {  	[smem:$0x3F8C] =	sst s10  }
0x38: {  	s10 =	sld [smem:$0x3F8D]  }
0x39: {  	_ = 	snop;
	(pc) =	sbr.ind lr, $3  }
0x3a: {  	_ = 	snop  }
0x3b: {  	_ = 	snop  }
0x3c: {  	p2 =	seq.s32 s10, $0x1;
	s10 =	sld [smem:$0x3F8C]  }
0x3d: {  	_ =	shalt  }
0x3e: {  	_ =	shalt  }
0x3f: {  	_ =	shalt  }
0x40: {  	_ =	shalt  }
0x41: {  	_ =	shalt  }
0x42: {  	_ =	shalt  }
0x43: {  	_ =	shalt  }
0x44: {  	_ =	shalt  }
0x45: {  	_ =	shalt  }
0x46: {  	_ =	shalt  }
0x47: {  	_ =	shalt  }
0x48: {  	_ =	shalt  }
0x49: {  	_ =	shalt  }
0x4a: {  	_ =	shalt  }
0x4b: {  	_ =	shalt  }
0x4c: {  	_ =	shalt  }
0x4d: {  	_ =	shalt  }
0x4e: {  	_ =	shalt  }
0x4f: {  	_ =	shalt  }
0x50: {  	_ =	shalt  }
0x51: {  	_ =	shalt  }
0x52: {  	_ =	shalt  }
0x53: {  	_ =	shalt  }
0x54: {  	_ =	shalt  }
0x55: {  	_ =	shalt  }
0x56: {  	_ =	shalt  }
0x57: {  	_ =	shalt  }
0x58: {  	_ =	shalt  }
0x59: {  	_ =	shalt  }
0x5a: {  	_ =	shalt  }
0x5b: {  	_ =	shalt  }
0x5c: {  	_ =	shalt  }
0x5d: {  	_ =	shalt  }
0x5e: {  	_ =	shalt  }
0x5f: {  	_ =	shalt  }
0x60: {  	_ =	shalt  }
0x61: {  	_ =	shalt  }
0x62: {  	_ =	shalt  }
0x63: {  	_ =	shalt  }
0x64: {  	_ =	shalt  }
0x65: {  	_ =	shalt  }
0x66: {  	_ =	shalt  }
0x67: {  	_ =	shalt  }
0x68: {  	_ =	shalt  }
0x69: {  	_ =	shalt  }
0x6a: {  	_ =	shalt  }
0x6b: {  	_ =	shalt  }
0x6c: {  	_ =	shalt  }
0x6d: {  	_ =	shalt  }
0x6e: {  	_ =	shalt  }
0x6f: {  	_ =	shalt  }
0x70: {  	_ =	shalt  }
0x71: {  	_ =	shalt  }
0x72: {  	_ =	shalt  }
0x73: {  	_ =	shalt  }
0x74: {  	_ =	shalt  }
0x75: {  	_ =	shalt  }
0x76: {  	_ =	shalt  }
0x77: {  	_ =	shalt  }
0x78: {  	_ =	shalt  }
0x79: {  	_ =	shalt  }
0x7a: {  	_ =	shalt  }
0x7b: {  	_ =	shalt  }
0x7c: {  	_ =	shalt  }
0x7d: {  	_ =	shalt  }
0x7e: {  	_ =	shalt  }
0x7f: {  	_ =	shalt  }
0x80: {  	_ =	shalt  }
0x81: {  	_ =	shalt  }
0x82: {  	_ =	shalt  }
0x83: {  	_ =	shalt  }
0x84: {  	_ =	shalt  }
0x85: {  	_ =	shalt  }
0x86: {  	_ =	shalt  }
0x87: {  	_ =	shalt  }
.Lfunc_end0:
.L_simem_size_0:
called_computation.1_lowered:
.L_overlay_start_0:
0x88: {  	s2 =	sld [smem:$0x3FD9]  }
0x89: {  	s3 =	sld [smem:$0x3FFE];
	_ =	sdelay $0x1  }
0x8a: {  	s1 =	srdreg.scid  }
0x8b: {  	s0 =	sand.u32 $0x1, s1  }
0x8c: {  	s14 =	sshll.u32 s0, $0xA;
	s2 =	sadd.s32 s3, s2  }
0x8d: {  	s2 =	sadd.s32 s2, s14  }
0x8e: {  	[smem:$0x3F98] =	sst s2  }
0x8f: {  	_ = 	snop  }
0x90: {  	s2 =	sld [smem:$0x3FD0];
	_ =	sdelay $0x2  }
0x91: {  	s15 =	simm.s32 $0xB;
	s4 =	simm.s32 $0x10  }
0x92: {  	[smem:s4], [sflag:s15] =	dma.local [hbm:s2], $0x1  }
0x93: {  	_ =	swait.eq [sflag:s15], $0x1  }
0x94: {  	[sflag:s15] =	ssyncset.done $0x0  }
0x95: {  	s16 =	sld [smem:$0x11];
	[sflag:s15] =	ssyncadd.s32 $0xFFFFFFFF  }
0x96: {  	s17 =	sld [smem:$0x12];
	(tm) =	ssettm $0x1  }
0x97: {  	s18 =	sld [smem:$0x3FFB];
	_ =	sdelay $0x3  }
0x98: {  	_ =	strace s18  }
0x99: {  	s4 =	sld [smem:$0x3FFC];
	_ =	sdelay $0x3  }
0x9a: {  	_ =	strace s4  }
0x9b: {  	s4 =	sld [smem:$0x3FFD];
	_ =	sdelay $0x3  }
0x9c: {  	_ =	strace s4  }
0x9d: {  	_ =	strace $0x8FFFFFFF  }
0x9e: {  	s19 =	sld [smem:$0x3FDB];
	_ =	sdelay $0x1  }
0x9f: {  	s5 =	simm.s32 $_scs_section_size  }
0xa0: {  	s6 =	simm.s32 $_size__tile_overlayer_lowered;
	s7 =	simm.s32 $_tile_overlayer_lowered  }
0xa1: {  	s22 =	simm.s32 $0x1BFF;
	s21 =	sshll.u32 s7, $0x1;
	s4 =	sadd.s32 s5, s19  }
0xa2: {  	s8 =	simm.s32 $0x0;
	s20 =	sshll.u32 s6, $0x1;
	s6 =	sadd.s32 s21, s4  }
0xa3: {  	[timem:s8], [sflag:s22] =	dma.local [hbm:s6], s20  }
0xa4: {  	_ =	swait.ge [sflag:s22], s20  }
0xa5: {  	s5 =	ssub.s32 $0x0, s20;
	[sflag:s22] =	ssyncset.done $0x0  }
0xa6: {  	[sflag:s22] =	ssyncadd.s32 s5;
	_ =	sdelay $0x1  }
0xa7: {  	s23 =	simm.s32 $0x1B8B  }
0xa8: {  	_ =	swait.ge [sflag:s23], $0x1  }
0xa9: {  	[sflag:s23] =	ssyncset.done $0x0  }
0xaa: {  	s25 =	simm.s32 $0x1B8E;
	s24 =	sld [smem:$0x3FFE];
	[sflag:s23] =	ssyncadd.s32 $0xFFFFFFFF  }
0xab: {  	s26 =	simm.s32 $execute0_lowered;
	[smem:$0x3FD2] =	sst s25  }
0xac: {  	s6 =	sshll.u32 s26, $0x1;
	_ =	strace $0x80000046;
	[dreg:$0x1] =	wrdreg $0xFFFFFFFF  }
0xad: {  	s28 =	simm.s32 $_size_execute0_lowered;
	s4 =	sadd.s32 s4, s6;
	[dreg:$0x0] =	wrdreg $0x0  }
0xae: {  	s6 =	sshll.u32 s28, $0x1;
	[dreg:$0x2] =	wrdreg s4  }
0xaf: {  	[dreg:$0x3] =	wrdreg s6  }
0xb0: {  	[dreg:$0x4] =	wrdreg $0xC0  }
0xb1: {  	_ =	task [dreg:s8], $0x5FFFF  }
0xb2: {  	[dreg:$0x1] =	wrdreg $0xFFFFFFFF  }
0xb3: {  	[dreg:$0x0] =	wrdreg $0x60  }
0xb4: {  	[dreg:$0x2] =	wrdreg s16  }
0xb5: {  	[dreg:$0x3] =	wrdreg s17  }
0xb6: {  	[dreg:$0x4] =	wrdreg s24  }
0xb7: {  	[dreg:$0x5] =	wrdreg $0xA  }
0xb8: {  	_ =	task.clear_ibuf [dreg:s8], $0x6FFFF;
	_ =	strace $0x90000046  }
0xb9: {  	s29 =	simm.s32 $0xA;
	_ =	strace $0x80000048  }
0xba: {  	_ =	swait.ge [sflag:s29], $0x1  }
0xbb: {  	[sflag:s29] =	ssyncadd.s32 $0xFFFFFFFF  }
0xbc: {  	_ =	strace $0x90000048  }
0xbd: {  	_ =	sfence  }
0xbe: {  	s30 =	sld [smem:$0x0];
	_ =	sdelay $0x2  }
0xbf: {  	s31 =	sshll.u32 s1, $0xD;
	s1 =	sshrl.u32 s1, $0x2  }
0xc0: {  	s3 =	sand.u32 $0x4000, s31;
	s1 =	sadd.s32 s1, s30  }
0xc1: {  	s0 =	sor.u32 s3, s0;
	s1 =	sshll.u32 s1, $0x11  }
0xc2: {  	s0 =	sor.u32 s1, s0  }
0xc3: {  	s0 =	sadd.s32 $0x8F2B, s0  }
0xc4: {  	[sflag:s0] =	ssyncadd.remote.s32 $0x1  }
0xc5: {  	_ =	sfence.sel $0xFFFF  }
0xc6: {  	[dreg:$0x0] =	wrdreg $0xFFFFFFFF;
	(pc) =	sbr.abs _section_cstart, $3  }
0xc7: {  	[dreg:$0x1] =	wrdreg $0xFFFFFFFF  }
0xc8: {  	_ =	task.clear_ibuf [dreg:s8], $0x2FFFF;
	_ =	strace $0x9FFFFFFF  }
0xc9: {  	(tm) =	ssettm $0x7FFFFFFF  }
tec
execute0_lowered:
.L_overlay_start_1:
0x0: {  	(tag) =	ssettag $0x1  }
0x1: {  	s1 =	rddreg [dreg:$0x0]  }
0x2: {  	s2 =	rddreg [dreg:$0x1]  }
0x3: {  	s0 =	rddreg [dreg:$0x2];
	s4 =	simm.s32 $0x0;
	s3 =	srdreg.scid  }
0x4: {  	s13 =	stileid.u32;
	s28 =	simm.s32 $0xCA00;
	s29 =	simm.s32 $0x1  }
0x5: {  	s30 =	simm.s32 $0x2;
	s31 =	simm.s32 $0x0;
	[smem:$0x7FF] =	sst s4  }
0x6: {  	s3 =	sand.u32 $0x1, s3;
	s7 =	sshll.u32 s13, $0x1;
	s16 =	smul.u32 $0x4E20, s13  }
0x7: {  	s5 =	sadd.s32 $0x20400, s0;
	s6 =	sadd.s32 $0xC800, s0;
	s17 =	smul.u32 $0x4E200, s13  }
0x8: {  	s11 =	sadd.s32 $0x47600, s0;
	s14 =	sadd.s32 $0x529600, s0;
	s19 =	smul.u32 $0x27100, s3  }
0x9: {  	s8 =	sor.u32 s3, s7;
	s9 =	ssub.s32 $0x2, s3;
	s3 =	smul.u32 $0x2710, s3  }
0xa: {  	_ =	strace $0x80000047;
	s7 =	sadd.s32 $0x16600, s0;
	s10 =	smul.u32 $0x2710, s8  }
0xb: {  	s0 =	sadd.s32 $0xA0B600, s0;
	s12 =	sshrl.u32 s9, $0x1;
	s8 =	smul.u32 $0x138800, s8  }
0xc: {  	s23 =	sadd.s32 s17, s14;
	s9 =	ssub.s32 s9, s12;
	s3 =	sadd.s32 s3, s16  }
0xd: {  	s10 =	sshrl.u32 s10, $0x3;
	s8 =	sshrl.u32 s8, $0x3;
	s21 =	smax.u32 s9, $0x1  }
0xe: {  	s24 =	sadd.s32 $0x50, s3;
	s15 =	sadd.s32 s6, s10;
	s8 =	sadd.s32 $0x26C00, s8  }
0xf: {  	s10 =	sadd.s32 s7, s10;
	[dreg:$0xc] =	wrdreg s21;
	s25 =	sshrl.u32 s24, $0x3  }
0x10: {  	s21 =	simm.s32 $0x2A00;
	s24 =	simm.s32 $0x180;
	[dreg:$0x7] =	wrdreg s15  }
0x11: {  	[dreg:$0x8] =	wrdreg s10;
	s18 =	sadd.s32 s11, s8;
	s20 =	sadd.s32 s14, s8  }
0x12: {  	s11 =	sadd.s32 s17, s11;
	s8 =	sadd.s32 s0, s8;
	s0 =	sadd.s32 s17, s0  }
0x13: {  	s9 =	sadd.s32 s25, s7;
	s26 =	sadd.s32 s25, s6;
	[dreg:$0x9] =	wrdreg s18  }
0x14: {  	s17 =	simm.s32 $0x3;
	s25 =	simm.s32 $0x7A00;
	[dreg:$0xa] =	wrdreg s20  }
0x15: {  	[dreg:$0xb] =	wrdreg s8;
	s22 =	sadd.s32 s19, s11;
	s8 =	sadd.s32 s19, s23  }
0x16: {  	s0 =	sadd.s32 s19, s0;
	[dreg:$0xd] =	wrdreg s26;
	s18 =	simm.s32 $0x80  }
0x17: {  	s19 =	simm.s32 $0x50;
	s20 =	simm.s32 $0x200;
	[dreg:$0x4] =	wrdreg s22  }
0x18: {  	s23 =	simm.s32 $0x100;
	s26 =	simm.s32 $0xA200;
	[dreg:$0x5] =	wrdreg s8  }
0x19: {  	s8 =	sadd.s32 $0xA0, s3;
	[dreg:$0x6] =	wrdreg s0;
	s22 =	simm.s32 $0x5200  }
.LBB2_1:
0x1a: {  	s0 =	rddreg [dreg:$0x7]  }
0x1b: {  	[tilespmem:s4], [sflag:$0x3] =	stream.linear.gather [hbm4b:s0+s4], $0x50, $0x38;
	[tilespmem:$0xF200] =	vst v63  }
0x1c: {  	_ =	swait.ge [sflag:s17], $0x50  }
0x1d: {  	[sflag:s17] =	ssyncset.done $0x0  }
0x1e: {  	s13 =	rddreg [dreg:$0x8];
	[sflag:s17] =	ssyncadd.s32 $0xFFFFFFB0  }
0x1f: {  	[tilespmem:s18], [sflag:$0x3] =	stream.linear.gather [hbm4b:s13+s4], $0x50, $0x38;
	[tilespmem:$0xF200] =	vst v63  }
0x20: {  	_ =	swait.ge [sflag:s17], $0x50  }
0x21: {  	[sflag:s17] =	ssyncset.done $0x0  }
0x22: {  	[sflag:s17] =	ssyncadd.s32 $0xFFFFFFB0  }
0x23: {  	[tilespmem:s20], [sflag:$0x1] =	stream.indirect.gather [hbm4b:s1+s19], $0x80, s4, s19, $0xb8;
	[tilespmem:$0xF200] =	vst v63  }
0x24: {  	_ = 	snop  }
0x25: {  	[tilespmem:s21], [sflag:$0x1] =	stream.indirect.gather [hbm4b:s2+s19], $0x80, s4, s19, $0xb8;
	[tilespmem:$0xF200] =	vst v63  }
0x26: {  	_ = 	snop  }
0x27: {  	[tilespmem:s22], [sflag:$0x1] =	stream.indirect.gather [hbm4b:s5+s19], $0x80, s18, s19, $0xb8;
	[tilespmem:$0xF200] =	vst v63  }
0x28: {  	s13 =	rddreg [dreg:$0xd]  }
0x29: {  	[tilespmem:s23], [sflag:$0x3] =	stream.linear.gather [hbm4b:s13+s4], $0x50, $0x38;
	[tilespmem:$0xF200] =	vst v63  }
0x2a: {  	_ =	swait.ge [sflag:s17], $0x50  }
0x2b: {  	[sflag:s17] =	ssyncset.done $0x0  }
0x2c: {  	[sflag:s17] =	ssyncadd.s32 $0xFFFFFFB0  }
0x2d: {  	[tilespmem:s24], [sflag:$0x3] =	stream.linear.gather [hbm4b:s9+s4], $0x50, $0x38;
	[tilespmem:$0xF200] =	vst v63  }
0x2e: {  	_ =	swait.ge [sflag:s17], $0x50  }
0x2f: {  	[sflag:s17] =	ssyncset.done $0x0  }
0x30: {  	[sflag:s17] =	ssyncadd.s32 $0xFFFFFFB0  }
0x31: {  	[tilespmem:s25], [sflag:$0x2] =	stream.indirect.gather [hbm4b:s1+s19], $0x80, s23, s19, $0xb8;
	[tilespmem:$0xF200] =	vst v63  }
0x32: {  	_ = 	snop  }
0x33: {  	[tilespmem:s26], [sflag:$0x2] =	stream.indirect.gather [hbm4b:s2+s19], $0x80, s23, s19, $0xb8;
	[tilespmem:$0xF200] =	vst v63  }
0x34: {  	_ = 	snop  }
0x35: {  	[tilespmem:s28], [sflag:$0x2] =	stream.indirect.gather [hbm4b:s5+s19], $0x80, s24, s19, $0xb8;
	[tilespmem:$0xF200] =	vst v63  }
0x36: {  	_ =	swait.ge [sflag:s29], $0x2800  }
0x37: {  	[sflag:s29] =	ssyncset.done $0x0  }
0x38: {  	[sflag:s29] =	ssyncadd.s32 $0xFFFFD800  }
0x39: {  	_ =	swait.ge [sflag:s29], $0x2800  }
0x3a: {  	[sflag:s29] =	ssyncset.done $0x0  }
0x3b: {  	[sflag:s29] =	ssyncadd.s32 $0xFFFFD800  }
0x3c: {  	_ =	swait.ge [sflag:s29], $0x2800  }
0x3d: {  	s14 =	rddreg [dreg:$0x4];
	[sflag:s29] =	ssyncset.done $0x0  }
0x3e: {  	[sflag:s29] =	ssyncadd.s32 $0xFFFFD800;
	s0 =	sadd.s32 $0x0, s14  }
0x3f: {  	[hbm4b:s0+s4] =	stream.linear.scatter [tilespmem:s20], [sflag:$0x3], $0x2800, $0x38;
	[tilespmem:$0xF200] =	vst v63  }
0x40: {  	_ =	swait.ge [sflag:s17], $0x2800  }
0x41: {  	s3 =	rddreg [dreg:$0x5];
	[sflag:s17] =	ssyncset.done $0x0  }
0x42: {  	[sflag:s17] =	ssyncadd.s32 $0xFFFFD800;
	s3 =	sadd.s32 $0x0, s3  }
0x43: {  	[hbm4b:s3+s4] =	stream.linear.scatter [tilespmem:s21], [sflag:$0x3], $0x2800, $0x38;
	[tilespmem:$0xF200] =	vst v63  }
0x44: {  	_ =	swait.ge [sflag:s17], $0x2800  }
0x45: {  	s10 =	rddreg [dreg:$0x6];
	[sflag:s17] =	ssyncset.done $0x0  }
0x46: {  	[sflag:s17] =	ssyncadd.s32 $0xFFFFD800;
	s10 =	sadd.s32 $0x0, s10  }
0x47: {  	[hbm4b:s10+s4] =	stream.linear.scatter [tilespmem:s22], [sflag:$0x3], $0x2800, $0x38;
	[tilespmem:$0xF200] =	vst v63  }
0x48: {  	_ =	swait.ge [sflag:s17], $0x2800  }
0x49: {  	s11 =	sshrl.u32 s8, $0x3;
	[sflag:s17] =	ssyncset.done $0x0  }
0x4a: {  	s12 =	sadd.s32 s6, s11;
	[sflag:s17] =	ssyncadd.s32 $0xFFFFD800  }
0x4b: {  	[tilespmem:s4], [sflag:$0x3] =	stream.linear.gather [hbm4b:s12+s4], $0x50, $0x38;
	[tilespmem:$0xF200] =	vst v63  }
0x4c: {  	_ =	swait.ge [sflag:s17], $0x50  }
0x4d: {  	[sflag:s17] =	ssyncset.done $0x0  }
0x4e: {  	s11 =	sadd.s32 s7, s11;
	[sflag:s17] =	ssyncadd.s32 $0xFFFFFFB0  }
0x4f: {  	[tilespmem:s18], [sflag:$0x3] =	stream.linear.gather [hbm4b:s11+s4], $0x50, $0x38;
	[tilespmem:$0xF200] =	vst v63  }
0x50: {  	_ =	swait.ge [sflag:s17], $0x50  }
0x51: {  	[sflag:s17] =	ssyncset.done $0x0  }
0x52: {  	[sflag:s17] =	ssyncadd.s32 $0xFFFFFFB0  }
0x53: {  	[tilespmem:s20], [sflag:$0x1] =	stream.indirect.gather [hbm4b:s1+s19], $0x80, s4, s19, $0xb8;
	[tilespmem:$0xF200] =	vst v63  }
0x54: {  	_ = 	snop  }
0x55: {  	[tilespmem:s21], [sflag:$0x1] =	stream.indirect.gather [hbm4b:s2+s19], $0x80, s4, s19, $0xb8;
	[tilespmem:$0xF200] =	vst v63  }
0x56: {  	_ = 	snop  }
0x57: {  	[tilespmem:s22], [sflag:$0x1] =	stream.indirect.gather [hbm4b:s5+s19], $0x80, s18, s19, $0xb8;
	[tilespmem:$0xF200] =	vst v63  }
0x58: {  	_ =	swait.ge [sflag:s30], $0x2800  }
0x59: {  	[sflag:s30] =	ssyncset.done $0x0  }
0x5a: {  	[sflag:s30] =	ssyncadd.s32 $0xFFFFD800  }
0x5b: {  	_ =	swait.ge [sflag:s30], $0x2800  }
0x5c: {  	[sflag:s30] =	ssyncset.done $0x0  }
0x5d: {  	[sflag:s30] =	ssyncadd.s32 $0xFFFFD800  }
0x5e: {  	_ =	swait.ge [sflag:s30], $0x2800  }
0x5f: {  	[sflag:s30] =	ssyncset.done $0x0  }
0x60: {  	s0 =	sadd.s32 $0x500, s0;
	[sflag:s30] =	ssyncadd.s32 $0xFFFFD800  }
0x61: {  	[hbm4b:s0+s4] =	stream.linear.scatter [tilespmem:s25], [sflag:$0x3], $0x2800, $0x38;
	[tilespmem:$0xF200] =	vst v63  }
0x62: {  	_ =	swait.ge [sflag:s17], $0x2800  }
0x63: {  	[sflag:s17] =	ssyncset.done $0x0  }
0x64: {  	s15 =	sadd.s32 $0x500, s3;
	[sflag:s17] =	ssyncadd.s32 $0xFFFFD800  }
0x65: {  	[hbm4b:s15+s4] =	stream.linear.scatter [tilespmem:s26], [sflag:$0x3], $0x2800, $0x38;
	[tilespmem:$0xF200] =	vst v63  }
0x66: {  	_ =	swait.ge [sflag:s17], $0x2800  }
0x67: {  	[sflag:s17] =	ssyncset.done $0x0  }
0x68: {  	s16 =	sadd.s32 $0x500, s10;
	[sflag:s17] =	ssyncadd.s32 $0xFFFFD800  }
0x69: {  	[hbm4b:s16+s4] =	stream.linear.scatter [tilespmem:s28], [sflag:$0x3], $0x2800, $0x38;
	[tilespmem:$0xF200] =	vst v63  }
0x6a: {  	s14 =	smov.u32 s8;
	s3 =	sadd.s32 $0x14, s13;
	_ =	swait.ge [sflag:s17], $0x2800  }
0x6b: {  	s0 =	simm.s32 $0xA00;
	s15 =	smov.u32 s9;
	[sflag:s17] =	ssyncset.done $0x0  }
.LBB2_2:
0x6c: {  	[sflag:s17] =	ssyncadd.s32 $0xFFFFD800  }
0x6d: {  	[tilespmem:s23], [sflag:$0x3] =	stream.linear.gather [hbm4b:s3+s4], $0x50, $0x38;
	[tilespmem:$0xF200] =	vst v63  }
0x6e: {  	_ =	swait.ge [sflag:s17], $0x50  }
0x6f: {  	[sflag:s17] =	ssyncset.done $0x0  }
0x70: {  	s15 =	sadd.s32 $0x14, s15;
	[sflag:s17] =	ssyncadd.s32 $0xFFFFFFB0  }
0x71: {  	[tilespmem:s24], [sflag:$0x3] =	stream.linear.gather [hbm4b:s15+s4], $0x50, $0x38;
	[tilespmem:$0xF200] =	vst v63  }
0x72: {  	_ =	swait.ge [sflag:s17], $0x50  }
0x73: {  	[sflag:s17] =	ssyncset.done $0x0  }
0x74: {  	[sflag:s17] =	ssyncadd.s32 $0xFFFFFFB0  }
0x75: {  	[tilespmem:s25], [sflag:$0x2] =	stream.indirect.gather [hbm4b:s1+s19], $0x80, s23, s19, $0xb8;
	[tilespmem:$0xF200] =	vst v63  }
0x76: {  	_ = 	snop  }
0x77: {  	[tilespmem:s26], [sflag:$0x2] =	stream.indirect.gather [hbm4b:s2+s19], $0x80, s23, s19, $0xb8;
	[tilespmem:$0xF200] =	vst v63  }
0x78: {  	_ = 	snop  }
0x79: {  	[tilespmem:s28], [sflag:$0x2] =	stream.indirect.gather [hbm4b:s5+s19], $0x80, s24, s19, $0xb8;
	[tilespmem:$0xF200] =	vst v63  }
0x7a: {  	_ =	swait.ge [sflag:s29], $0x2800  }
0x7b: {  	[sflag:s29] =	ssyncset.done $0x0  }
0x7c: {  	[sflag:s29] =	ssyncadd.s32 $0xFFFFD800  }
0x7d: {  	_ =	swait.ge [sflag:s29], $0x2800  }
0x7e: {  	[sflag:s29] =	ssyncset.done $0x0  }
0x7f: {  	[sflag:s29] =	ssyncadd.s32 $0xFFFFD800  }
0x80: {  	_ =	swait.ge [sflag:s29], $0x2800  }
0x81: {  	s12 =	smov.u32 s0;
	s10 =	rddreg [dreg:$0x4];
	[sflag:s29] =	ssyncset.done $0x0  }
0x82: {  	[sflag:s29] =	ssyncadd.s32 $0xFFFFD800;
	s10 =	sadd.s32 s12, s10  }
0x83: {  	[hbm4b:s10+s4] =	stream.linear.scatter [tilespmem:s20], [sflag:$0x3], $0x2800, $0x38;
	[tilespmem:$0xF200] =	vst v63  }
0x84: {  	_ =	swait.ge [sflag:s17], $0x2800  }
0x85: {  	s11 =	rddreg [dreg:$0x5];
	[sflag:s17] =	ssyncset.done $0x0  }
0x86: {  	[sflag:s17] =	ssyncadd.s32 $0xFFFFD800;
	s11 =	sadd.s32 s12, s11  }
0x87: {  	[hbm4b:s11+s4] =	stream.linear.scatter [tilespmem:s21], [sflag:$0x3], $0x2800, $0x38;
	[tilespmem:$0xF200] =	vst v63  }
0x88: {  	_ =	swait.ge [sflag:s17], $0x2800  }
0x89: {  	s13 =	rddreg [dreg:$0x6];
	[sflag:s17] =	ssyncset.done $0x0  }
0x8a: {  	[sflag:s17] =	ssyncadd.s32 $0xFFFFD800;
	s12 =	sadd.s32 s12, s13  }
0x8b: {  	[hbm4b:s12+s4] =	stream.linear.scatter [tilespmem:s22], [sflag:$0x3], $0x2800, $0x38;
	[tilespmem:$0xF200] =	vst v63  }
0x8c: {  	s14 =	sadd.s32 $0xA0, s14;
	_ =	swait.ge [sflag:s17], $0x2800  }
0x8d: {  	s13 =	sshrl.u32 s14, $0x3;
	[sflag:s17] =	ssyncset.done $0x0  }
0x8e: {  	s16 =	sadd.s32 s6, s13;
	[sflag:s17] =	ssyncadd.s32 $0xFFFFD800  }
0x8f: {  	[tilespmem:s4], [sflag:$0x3] =	stream.linear.gather [hbm4b:s16+s4], $0x50, $0x38;
	[tilespmem:$0xF200] =	vst v63  }
0x90: {  	_ =	swait.ge [sflag:s17], $0x50  }
0x91: {  	[sflag:s17] =	ssyncset.done $0x0  }
0x92: {  	s13 =	sadd.s32 s7, s13;
	[sflag:s17] =	ssyncadd.s32 $0xFFFFFFB0  }
0x93: {  	[tilespmem:s18], [sflag:$0x3] =	stream.linear.gather [hbm4b:s13+s4], $0x50, $0x38;
	[tilespmem:$0xF200] =	vst v63  }
0x94: {  	_ =	swait.ge [sflag:s17], $0x50  }
0x95: {  	[sflag:s17] =	ssyncset.done $0x0  }
0x96: {  	[sflag:s17] =	ssyncadd.s32 $0xFFFFFFB0  }
0x97: {  	[tilespmem:s20], [sflag:$0x1] =	stream.indirect.gather [hbm4b:s1+s19], $0x80, s4, s19, $0xb8;
	[tilespmem:$0xF200] =	vst v63  }
0x98: {  	_ = 	snop  }
0x99: {  	[tilespmem:s21], [sflag:$0x1] =	stream.indirect.gather [hbm4b:s2+s19], $0x80, s4, s19, $0xb8;
	[tilespmem:$0xF200] =	vst v63  }
0x9a: {  	_ = 	snop  }
0x9b: {  	[tilespmem:s22], [sflag:$0x1] =	stream.indirect.gather [hbm4b:s5+s19], $0x80, s18, s19, $0xb8;
	[tilespmem:$0xF200] =	vst v63  }
0x9c: {  	_ =	swait.ge [sflag:s30], $0x2800  }
0x9d: {  	[sflag:s30] =	ssyncset.done $0x0  }
0x9e: {  	[sflag:s30] =	ssyncadd.s32 $0xFFFFD800  }
0x9f: {  	_ =	swait.ge [sflag:s30], $0x2800  }
0xa0: {  	[sflag:s30] =	ssyncset.done $0x0  }
0xa1: {  	[sflag:s30] =	ssyncadd.s32 $0xFFFFD800  }
0xa2: {  	_ =	swait.ge [sflag:s30], $0x2800  }
0xa3: {  	[sflag:s30] =	ssyncset.done $0x0  }
0xa4: {  	s10 =	sadd.s32 $0x500, s10;
	[sflag:s30] =	ssyncadd.s32 $0xFFFFD800  }
0xa5: {  	[hbm4b:s10+s4] =	stream.linear.scatter [tilespmem:s25], [sflag:$0x3], $0x2800, $0x38;
	[tilespmem:$0xF200] =	vst v63  }
0xa6: {  	_ =	swait.ge [sflag:s17], $0x2800  }
0xa7: {  	[sflag:s17] =	ssyncset.done $0x0  }
0xa8: {  	s13 =	sadd.s32 $0x500, s11;
	[sflag:s17] =	ssyncadd.s32 $0xFFFFD800  }
0xa9: {  	[hbm4b:s13+s4] =	stream.linear.scatter [tilespmem:s26], [sflag:$0x3], $0x2800, $0x38;
	[tilespmem:$0xF200] =	vst v63  }
0xaa: {  	p0 =	sne.s32 s0, $0x26200;
	_ =	swait.ge [sflag:s17], $0x2800  }
.Ltmp0:
0xab: {  	[sflag:s17] =	ssyncset.done $0x0;
	(pc) =	sbr.rel @p0 .LBB2_2-.Ltmp0, $4  }
0xac: {  	s16 =	sadd.s32 $0x500, s12;
	[sflag:s17] =	ssyncadd.s32 $0xFFFFD800  }
0xad: {  	[hbm4b:s16+s4] =	stream.linear.scatter [tilespmem:s28], [sflag:$0x3], $0x2800, $0x38;
	[tilespmem:$0xF200] =	vst v63  }
0xae: {  	_ =	swait.ge [sflag:s17], $0x2800  }
0xaf: {  	s0 =	sadd.s32 $0xA00, s0;
	s3 =	sadd.s32 $0x14, s3;
	[sflag:s17] =	ssyncset.done $0x0  }
0xb0: {  	[sflag:s17] =	ssyncadd.s32 $0xFFFFD800  }
0xb1: {  	_ =	swait.ge [sflag:s29], $0x2800  }
0xb2: {  	[sflag:s29] =	ssyncset.done $0x0  }
0xb3: {  	[sflag:s29] =	ssyncadd.s32 $0xFFFFD800  }
0xb4: {  	_ =	swait.ge [sflag:s29], $0x2800  }
0xb5: {  	[sflag:s29] =	ssyncset.done $0x0  }
0xb6: {  	[sflag:s29] =	ssyncadd.s32 $0xFFFFD800  }
0xb7: {  	_ =	swait.ge [sflag:s29], $0x2800  }
0xb8: {  	[sflag:s29] =	ssyncset.done $0x0  }
0xb9: {  	s0 =	rddreg [dreg:$0x9];
	[sflag:s29] =	ssyncadd.s32 $0xFFFFD800  }
0xba: {  	[hbm4b:s0+s4] =	stream.linear.scatter [tilespmem:s20], [sflag:$0x3], $0x2800, $0x38;
	[tilespmem:$0xF200] =	vst v63  }
0xbb: {  	_ =	swait.ge [sflag:s17], $0x2800  }
0xbc: {  	[sflag:s17] =	ssyncset.done $0x0  }
0xbd: {  	s14 =	rddreg [dreg:$0xa];
	[sflag:s17] =	ssyncadd.s32 $0xFFFFD800  }
0xbe: {  	[hbm4b:s14+s4] =	stream.linear.scatter [tilespmem:s21], [sflag:$0x3], $0x2800, $0x38;
	[tilespmem:$0xF200] =	vst v63  }
0xbf: {  	_ =	swait.ge [sflag:s17], $0x2800  }
0xc0: {  	[sflag:s17] =	ssyncset.done $0x0  }
0xc1: {  	s15 =	rddreg [dreg:$0xb];
	[sflag:s17] =	ssyncadd.s32 $0xFFFFD800  }
0xc2: {  	[hbm4b:s15+s4] =	stream.linear.scatter [tilespmem:s22], [sflag:$0x3], $0x2800, $0x38;
	[tilespmem:$0xF200] =	vst v63  }
0xc3: {  	_ =	swait.ge [sflag:s17], $0x2800  }
0xc4: {  	s31 =	sadd.s32 $0x1, s31;
	s16 =	rddreg [dreg:$0xc]  }
0xc5: {  	p0 =	sne.s32 s31, s16  }
.Ltmp1:
0xc6: {  	_ = 	snop;
	(pc) =	sbr.rel @p0 .LBB2_1-.Ltmp1, $3  }
0xc7: {  	_ =	sdelay $0x1  }
0xc8: {  	[sflag:s17] =	ssyncset.done $0x0  }
0xc9: {  	[sflag:s17] =	ssyncadd.s32 $0xFFFFD800  }
0xca: {  	_ =	sfence.sel $0x180000  }
0xcb: {  	[bflag:$0x0] =	sbarrier.arrive $0xFFFF  }
0xcc: {  	_ =	strace $0x90000047  }
0xcd: {  	s0 =	stileid.u32;
	[bflag:$0x2] =	sbarrier.arrive $0xFFFF  }
0xce: {  	p0 =	sne.s32 s0, $0x0;
	s0 =	rddreg [dreg:$0x3]  }
0xcf: {  	s0 =	sadd.s32 @!p0 $0x100000, s0  }
0xd0: {  	[sflag:s0] =	ssyncadd.tile.s32 @!p0 $0x1;
	_ =	shalt  }
.Lfunc_end2:
_tile_overlayer_lowered:
.L_overlay_start_2:
0xd1: {  	(tag) =	ssettag $0x2  }
0xd2: {  	s0 =	rddreg [dreg:$0x0];
	s2 =	stileid.u32  }
0xd3: {  	s1 =	rddreg [dreg:$0x1];
	p0 =	sne.s32 s2, $0x0  }
0xd4: {  	s3 =	rddreg [dreg:$0x2];
	[bflag:$0x3] =	sbarrier.arrive $0xFFFF;
	s2 =	simm.s32 @!p0 $0x1C03  }
0xd5: {  	[timem:s3], [sflag:s2] =	dma.local @!p0 [hbm:s0], s1  }
0xd6: {  	s0 =	simm.s32 @!p0 $0x3  }
0xd7: {  	_ =	swait.ge @!p0 [sflag:s0], s1  }
0xd8: {  	s1 =	ssub.s32 @!p0 $0x0, s1;
	[sflag:s0] =	ssyncset.done @!p0 $0x0  }
0xd9: {  	[sflag:s0] =	ssyncadd.s32 @!p0 s1  }
0xda: {  	[bflag:$0x3] =	sbarrier.arrive $0xFFFF  }
0xdb: {  	_ =	shalt  }

// kernel: kernel.21.cloned.1.call-start
scs
__scs_entry_jumppad:
0x0: {  	(pc) =	sbr.rel $0x88, $3  }
0x1: {  	(tag) =	ssettag $0x0;
	lr =	simm.s32 $0x1  }
0x2: {  	[smem:$0x3F71] =	sst lr;
	_ =	strace $0xD0000000  }
0x3: {  	_ = 	snop  }
0x4: {  	_ = 	snop  }
0x5: {  	_ = 	snop  }
0x6: {  	_ = 	snop  }
0x7: {  	_ = 	snop  }
__scs_overlays_trampoline_lowered:
0x8: {  	[smem:$0x3F80] =	sst s0  }
0x9: {  	[smem:$0x3F81] =	sst s1  }
0xa: {  	[smem:$0x3F82] =	sst s2  }
0xb: {  	[smem:$0x3F83] =	sst s3  }
0xc: {  	[smem:$0x3F84] =	sst s4  }
0xd: {  	[smem:$0x3F85] =	sst s5  }
0xe: {  	[smem:$0x3F86] =	sst s6  }
0xf: {  	[smem:$0x3F87] =	sst s7  }
0x10: {  	[smem:$0x3F88] =	sst s8  }
0x11: {  	[smem:$0x3F89] =	sst s9;
	s0 =	simm.s32 @!p0 $0x0  }
0x12: {  	s1 =	sld [smem:$0x3F6F];
	s0 =	simm.s32 @p0 $0x1  }
0x13: {  	[smem:$0x3F8A] =	sst s0;
	s0 =	simm.s32 @!p1 $0x0  }
0x14: {  	s2 =	sld [smem:$0x3F6E];
	s0 =	simm.s32 @p1 $0x1  }
0x15: {  	[smem:$0x3F8B] =	sst s0;
	s0 =	simm.s32 @!p2 $0x0  }
0x16: {  	s3 =	sld [smem:$0x3FDB];
	s0 =	simm.s32 @p2 $0x1  }
0x17: {  	s4 =	simm.s32 $0x1BF5;
	[smem:$0x3F8D] =	sst s0  }
0x18: {  	s0 =	sld [smem:$0x3F70];
	_ =	swait.ge [sflag:s4], $0x0  }
0x19: {  	s7 =	sld [smem:$0x3F71]  }
0x1a: {  	s8 =	sadd.s32 $0xFFFFE003, lr  }
0x1b: {  	s9 =	sadd.s32 $0xFFFFFEF7, lr;
	s5 =	simm.s32 $0xFFFFFFFF;
	p2 =	slt.u32 s8, $0xFFFFF086  }
0x1c: {  	p1 =	slt.u32 s9, $0xF7A;
	s5 =	simm.s32 @!p2 $0x0  }
0x1d: {  	s5 =	simm.s32 @p1 $0x1;
	p0 =	seq.s32 s7, s2  }
0x1e: {  	s7 =	smul.u32 @!p0 $0xF7A, s2;
	p2 =	seq.s32 @!p0 s5, $0x0  }
0x1f: {  	s9 =	smul.u32 $0xF7A, s1;
	s8 =	simm.s32 @!p0 $0x1BF5;
	p2 =	por !p2, p0  }
0x20: {  	[sflag:s8] =	ssyncset.s32 @!p0 $0xFFFFF086;
	s6 =	sadd.s32 @!p0 s3, s7;
	s7 =	simm.s32 @!p0 $0x108  }
0x21: {  	s3 =	sadd.s32 s3, s9;
	s6 =	sadd.s32 @!p0 $0x88, s6;
	s7 =	simm.s32 @p2 $0x1082  }
0x22: {  	[simem:s7], [sflag:s8] =	dma.local @!p0 [hbm:s6], $0xF7A  }
0x23: {  	s9 =	sor.u32 $0xD0000000, s2;
	s6 =	simm.s32 $0x108;
	_ =	swait.ge @!p0 [sflag:s8], $0x0  }
0x24: {  	s3 =	sadd.s32 $0x88, s3;
	s6 =	simm.s32 @!p1 $0x1082;
	[sflag:s4] =	ssyncset.s32 $0xFFFFF086  }
0x25: {  	[simem:s6], [sflag:s4] =	dma.local [hbm:s3], $0xF7A  }
0x26: {  	[smem:$0x3F71] =	sst s1;
	(tag) =	ssettag s2;
	_ =	strace s9  }
0x27: {  	s1 =	sld [smem:$0x3F81]  }
0x28: {  	s2 =	sld [smem:$0x3F82]  }
0x29: {  	s4 =	sld [smem:$0x3F84]  }
0x2a: {  	p0 =	seq.s32 s5, $0x0;
	s5 =	sld [smem:$0x3F85]  }
0x2b: {  	s6 =	sld [smem:$0x3F86]  }
0x2c: {  	s7 =	sld [smem:$0x3F87]  }
0x2d: {  	s3 =	simm.s32 $0x108;
	s8 =	sld [smem:$0x3F88]  }
0x2e: {  	s3 =	simm.s32 @!p0 $0x1082;
	s9 =	sld [smem:$0x3F89]  }
0x2f: {  	lr =	sadd.s32 s0, s3;
	s0 =	sld [smem:$0x3F80]  }
0x30: {  	s3 =	sld [smem:$0x3F83]  }
0x31: {  	[smem:$0x3F8C] =	sst s10  }
0x32: {  	s10 =	sld [smem:$0x3F8A];
	_ =	sdelay $0x3  }
0x33: {  	p0 =	seq.s32 s10, $0x1;
	s10 =	sld [smem:$0x3F8C];
	_ =	sdelay $0x3  }
0x34: {  	[smem:$0x3F8C] =	sst s10  }
0x35: {  	s10 =	sld [smem:$0x3F8B];
	_ =	sdelay $0x3  }
0x36: {  	p1 =	seq.s32 s10, $0x1;
	s10 =	sld [smem:$0x3F8C];
	_ =	sdelay $0x3  }
0x37: {  	[smem:$0x3F8C] =	sst s10  }
0x38: {  	s10 =	sld [smem:$0x3F8D]  }
0x39: {  	_ = 	snop;
	(pc) =	sbr.ind lr, $3  }
0x3a: {  	_ = 	snop  }
0x3b: {  	_ = 	snop  }
0x3c: {  	p2 =	seq.s32 s10, $0x1;
	s10 =	sld [smem:$0x3F8C]  }
0x3d: {  	_ =	shalt  }
0x3e: {  	_ =	shalt  }
0x3f: {  	_ =	shalt  }
0x40: {  	_ =	shalt  }
0x41: {  	_ =	shalt  }
0x42: {  	_ =	shalt  }
0x43: {  	_ =	shalt  }
0x44: {  	_ =	shalt  }
0x45: {  	_ =	shalt  }
0x46: {  	_ =	shalt  }
0x47: {  	_ =	shalt  }
0x48: {  	_ =	shalt  }
0x49: {  	_ =	shalt  }
0x4a: {  	_ =	shalt  }
0x4b: {  	_ =	shalt  }
0x4c: {  	_ =	shalt  }
0x4d: {  	_ =	shalt  }
0x4e: {  	_ =	shalt  }
0x4f: {  	_ =	shalt  }
0x50: {  	_ =	shalt  }
0x51: {  	_ =	shalt  }
0x52: {  	_ =	shalt  }
0x53: {  	_ =	shalt  }
0x54: {  	_ =	shalt  }
0x55: {  	_ =	shalt  }
0x56: {  	_ =	shalt  }
0x57: {  	_ =	shalt  }
0x58: {  	_ =	shalt  }
0x59: {  	_ =	shalt  }
0x5a: {  	_ =	shalt  }
0x5b: {  	_ =	shalt  }
0x5c: {  	_ =	shalt  }
0x5d: {  	_ =	shalt  }
0x5e: {  	_ =	shalt  }
0x5f: {  	_ =	shalt  }
0x60: {  	_ =	shalt  }
0x61: {  	_ =	shalt  }
0x62: {  	_ =	shalt  }
0x63: {  	_ =	shalt  }
0x64: {  	_ =	shalt  }
0x65: {  	_ =	shalt  }
0x66: {  	_ =	shalt  }
0x67: {  	_ =	shalt  }
0x68: {  	_ =	shalt  }
0x69: {  	_ =	shalt  }
0x6a: {  	_ =	shalt  }
0x6b: {  	_ =	shalt  }
0x6c: {  	_ =	shalt  }
0x6d: {  	_ =	shalt  }
0x6e: {  	_ =	shalt  }
0x6f: {  	_ =	shalt  }
0x70: {  	_ =	shalt  }
0x71: {  	_ =	shalt  }
0x72: {  	_ =	shalt  }
0x73: {  	_ =	shalt  }
0x74: {  	_ =	shalt  }
0x75: {  	_ =	shalt  }
0x76: {  	_ =	shalt  }
0x77: {  	_ =	shalt  }
0x78: {  	_ =	shalt  }
0x79: {  	_ =	shalt  }
0x7a: {  	_ =	shalt  }
0x7b: {  	_ =	shalt  }
0x7c: {  	_ =	shalt  }
0x7d: {  	_ =	shalt  }
0x7e: {  	_ =	shalt  }
0x7f: {  	_ =	shalt  }
0x80: {  	_ =	shalt  }
0x81: {  	_ =	shalt  }
0x82: {  	_ =	shalt  }
0x83: {  	_ =	shalt  }
0x84: {  	_ =	shalt  }
0x85: {  	_ =	shalt  }
0x86: {  	_ =	shalt  }
0x87: {  	_ =	shalt  }
.Lfunc_end0:
.L_simem_size_0:
called_computation.2_lowered:
.L_overlay_start_0:
0x88: {  	s2 =	sld [smem:$0x3FD9]  }
0x89: {  	s3 =	sld [smem:$0x3FFE];
	_ =	sdelay $0x1  }
0x8a: {  	s1 =	srdreg.scid  }
0x8b: {  	s0 =	sand.u32 $0x1, s1  }
0x8c: {  	s15 =	sshll.u32 s0, $0xA;
	s2 =	sadd.s32 s3, s2  }
0x8d: {  	s2 =	sadd.s32 s2, s15  }
0x8e: {  	[smem:$0x3F98] =	sst s2  }
0x8f: {  	_ = 	snop  }
0x90: {  	s2 =	sld [smem:$0x3FD0];
	_ =	sdelay $0x2  }
0x91: {  	s16 =	simm.s32 $0xB;
	s4 =	simm.s32 $0x10  }
0x92: {  	[smem:s4], [sflag:s16] =	dma.local [hbm:s2], $0x1  }
0x93: {  	_ =	swait.eq [sflag:s16], $0x1  }
0x94: {  	[sflag:s16] =	ssyncset.done $0x0  }
0x95: {  	[sflag:s16] =	ssyncadd.s32 $0xFFFFFFFF  }
0x96: {  	s17 =	sld [smem:$0x12];
	(tm) =	ssettm $0x1  }
0x97: {  	s18 =	sld [smem:$0x3FFB];
	_ =	sdelay $0x3  }
0x98: {  	_ =	strace s18  }
0x99: {  	s2 =	sld [smem:$0x3FFC];
	_ =	sdelay $0x3  }
0x9a: {  	_ =	strace s2  }
0x9b: {  	s2 =	sld [smem:$0x3FFD];
	_ =	sdelay $0x3  }
0x9c: {  	_ =	strace s2  }
0x9d: {  	_ =	strace $0x8FFFFFFF  }
0x9e: {  	s19 =	sld [smem:$0x3FDB];
	_ =	sdelay $0x1  }
0x9f: {  	s20 =	simm.s32 $_scs_section_size  }
0xa0: {  	s5 =	simm.s32 $_size__tile_overlayer_lowered;
	s6 =	simm.s32 $_tile_overlayer_lowered  }
0xa1: {  	s7 =	simm.s32 $0x1BFF;
	s21 =	sshll.u32 s6, $0x1;
	s4 =	sadd.s32 s20, s19  }
0xa2: {  	s22 =	simm.s32 $0x0;
	s5 =	sshll.u32 s5, $0x1;
	s6 =	sadd.s32 s21, s4  }
0xa3: {  	[timem:s22], [sflag:s7] =	dma.local [hbm:s6], s5  }
0xa4: {  	_ =	swait.ge [sflag:s7], s5  }
0xa5: {  	s5 =	ssub.s32 $0x0, s5;
	[sflag:s7] =	ssyncset.done $0x0  }
0xa6: {  	[sflag:s7] =	ssyncadd.s32 s5;
	_ =	sdelay $0x1  }
0xa7: {  	s23 =	simm.s32 $0x1B8B  }
0xa8: {  	_ =	swait.ge [sflag:s23], $0x1  }
0xa9: {  	[sflag:s23] =	ssyncset.done $0x0  }
0xaa: {  	[sflag:s23] =	ssyncadd.s32 $0xFFFFFFFF  }
0xab: {  	s5 =	sld [smem:$0x0]  }
0xac: {  	s6 =	sand.u32 $0xFFFFFFFE, s1  }
0xad: {  	p0 =	sne.s32 s1, s6  }
0xae: {  	s6 =	sshll.u32 @p0 s6, $0xE  }
0xaf: {  	s6 =	sadd.s32 @p0 $0x11B8D, s6;
	s7 =	sshll.u32 @p0 s5, $0x11  }
0xb0: {  	s6 =	sor.u32 @p0 s7, s6  }
0xb1: {  	[sflag:s6] =	ssyncadd.remote.s32 @p0 $0x1;
	_ =	sdelay $0x1  }
0xb2: {  	s6 =	simm.s32 @p0 $0x1B8D  }
0xb3: {  	_ =	swait.eq @p0 [sflag:s6], $0x1  }
0xb4: {  	[sflag:s6] =	ssyncadd.s32 @p0 $0xFFFFFFFF  }
0xb5: {  	s7 =	sshll.u32 @!p0 s1, $0xE  }
0xb6: {  	s7 =	sor.u32 @!p0 $0x4000, s7;
	s6 =	simm.s32 @!p0 $0x1B8D  }
0xb7: {  	s5 =	sshll.u32 @!p0 s5, $0x11;
	s7 =	sadd.s32 @!p0 $0x11B8D, s7;
	_ =	swait.eq @!p0 [sflag:s6], $0x1  }
0xb8: {  	s5 =	sor.u32 @!p0 s5, s7;
	[sflag:s6] =	ssyncadd.s32 @!p0 $0xFFFFFFFF  }
0xb9: {  	s25 =	simm.s32 $0x1B8E;
	s24 =	sld [smem:$0x3FFE];
	[sflag:s5] =	ssyncadd.remote.s32 @!p0 $0x1  }
0xba: {  	s26 =	simm.s32 $execute0_lowered;
	[smem:$0x3FD2] =	sst s25  }
0xbb: {  	s6 =	sshll.u32 s26, $0x1;
	_ =	strace $0x8000004C;
	[dreg:$0x1] =	wrdreg $0xFFFFFFFF  }
0xbc: {  	s28 =	simm.s32 $_size_execute0_lowered;
	s4 =	sadd.s32 s4, s6;
	[dreg:$0x0] =	wrdreg $0x0  }
0xbd: {  	s6 =	sshll.u32 s28, $0x1;
	[dreg:$0x2] =	wrdreg s4  }
0xbe: {  	[dreg:$0x3] =	wrdreg s6  }
0xbf: {  	[dreg:$0x4] =	wrdreg $0xC0  }
0xc0: {  	_ =	task [dreg:s22], $0x5FFFF  }
0xc1: {  	[dreg:$0x1] =	wrdreg $0xFFFFFFFF  }
0xc2: {  	[dreg:$0x0] =	wrdreg $0x60  }
0xc3: {  	[dreg:$0x2] =	wrdreg s24  }
0xc4: {  	[dreg:$0x3] =	wrdreg s17  }
0xc5: {  	[dreg:$0x4] =	wrdreg $0x51000  }
0xc6: {  	[dreg:$0x5] =	wrdreg $0xA  }
0xc7: {  	_ =	task.clear_ibuf [dreg:s22], $0x6FFFF;
	_ =	strace $0x9000004C  }
0xc8: {  	s29 =	simm.s32 $0xA;
	_ =	strace $0x8000004E  }
0xc9: {  	_ =	swait.ge [sflag:s29], $0x1  }
0xca: {  	[sflag:s29] =	ssyncadd.s32 $0xFFFFFFFF  }
0xcb: {  	_ =	strace $0x9000004E  }
0xcc: {  	_ =	sfence  }
0xcd: {  	s30 =	sld [smem:$0x0];
	_ =	sdelay $0x2  }
0xce: {  	s31 =	sshll.u32 s1, $0xD;
	s1 =	sshrl.u32 s1, $0x2  }
0xcf: {  	s4 =	sand.u32 $0x4000, s31;
	s1 =	sadd.s32 s1, s30  }
0xd0: {  	s0 =	sor.u32 s4, s0;
	s1 =	sshll.u32 s1, $0x11  }
0xd1: {  	s0 =	sor.u32 s1, s0  }
0xd2: {  	s0 =	sadd.s32 $0x8F2B, s0  }
0xd3: {  	[sflag:s0] =	ssyncadd.remote.s32 $0x1  }
0xd4: {  	_ =	sfence.sel $0xFFFF  }
0xd5: {  	[dreg:$0x0] =	wrdreg $0xFFFFFFFF;
	(pc) =	sbr.abs _section_cstart, $3  }
0xd6: {  	[dreg:$0x1] =	wrdreg $0xFFFFFFFF  }
0xd7: {  	_ =	task.clear_ibuf [dreg:s22], $0x2FFFF;
	_ =	strace $0x9FFFFFFF  }
0xd8: {  	(tm) =	ssettm $0x7FFFFFFF  }
0xd9: {  	_ =	shalt  }
tec
execute0_lowered:
.L_overlay_start_1:
0x0: {  	(tag) =	ssettag $0x1  }
0x1: {  	s5 =	rddreg [dreg:$0x0]  }
0x2: {  	s9 =	rddreg [dreg:$0x1]  }
0x3: {  	s1 =	rddreg [dreg:$0x2]  }
0x4: {  	s0 =	rddreg [dreg:$0x3]  }
0x5: {  	s3 =	simm.s32 $0x0;
	s2 =	stileid.u32;
	s4 =	srdreg.scid  }
0x6: {  	s19 =	simm.s32 $0x1;
	s20 =	simm.s32 $0x50;
	s11 =	smul.u32 $0x2780, s2  }
0x7: {  	s21 =	simm.s32 $0x2;
	s22 =	simm.s32 $0x0;
	s7 =	smul.u32 $0x4F000, s2  }
0x8: {  	[smem:$0x7FF] =	sst s3;
	s10 =	sadd.s32 $0x1446400, s5;
	s18 =	smul.u32 $0x4E20, s2  }
0x9: {  	s12 =	sand.u32 $0x1, s4;
	s6 =	sshll.u32 s2, $0x1;
	s28 =	smul.u32 $0x4E200, s2  }
0xa: {  	s4 =	sadd.s32 $0x16600, s5;
	s24 =	sshll.u32 s2, $0x6;
	s17 =	smul.u32 $0x27800, s12  }
0xb: {  	_ =	strace $0x8000004D;
	s6 =	sor.u32 s12, s6;
	s26 =	smul.u32 $0x2710, s12  }
0xc: {  	s8 =	ssub.s32 $0x2, s12;
	s12 =	smul.u32 $0x27100, s12;
	s5 =	sadd.s32 s11, s5  }
0xd: {  	s13 =	smul.u32 $0x2710, s6;
	s14 =	sshrl.u32 s8, $0x1;
	s7 =	sshrl.u32 s7, $0x2  }
0xe: {  	s15 =	smul.u32 $0x27100, s6;
	s6 =	sor.u32 $0x1C03, s24;
	s29 =	sadd.s32 s28, s10  }
0xf: {  	s14 =	ssub.s32 s8, s14;
	s16 =	sadd.s32 s7, s1;
	s5 =	sadd.s32 $0xEED600, s5  }
0x10: {  	s11 =	sadd.s32 s11, s17;
	s17 =	simm.s32 $0x80;
	s25 =	sshrl.u32 s13, $0x3  }
0x11: {  	s8 =	sadd.s32 s10, s15;
	s13 =	sadd.s32 s26, s18;
	s9 =	sadd.s32 s9, s11  }
0x12: {  	s10 =	smax.u32 s14, $0x1;
	s11 =	sadd.s32 s12, s29;
	s14 =	sshrl.u32 s16, $0x3  }
0x13: {  	s15 =	simm.s32 $0x3;
	s16 =	simm.s32 $0x100;
	s30 =	sadd.s32 $0x50, s13  }
0x14: {  	s18 =	simm.s32 $0x2900;
	s7 =	sadd.s32 s4, s25;
	s31 =	sshrl.u32 s30, $0x3  }
0x15: {  	s11 =	sadd.s32 $0xA00, s11;
	s12 =	sadd.s32 $0xA0, s13;
	s13 =	sadd.s32 s31, s4  }
.LBB2_1:
0x16: {  	[spmem:s14], [sflag:s6] =	dma.local [hbm:s5], $0x2780  }
0x17: {  	_ =	swait.ge [sflag:s15], $0x2780  }
0x18: {  	[sflag:s15] =	ssyncset.done $0x0  }
0x19: {  	[sflag:s15] =	ssyncadd.s32 $0xFFFFD880  }
0x1a: {  	[bflag:$0x0] =	sbarrier.arrive $0xFFFF  }
0x1b: {  	[tilespmem:s3], [sflag:$0x1] =	stream.linear.gather [hbm4b:s7+s3], $0x50, $0x38;
	[tilespmem:$0x18D00] =	vst v63  }
0x1c: {  	_ = 	snop  }
0x1d: {  	[tilespmem:s16], [sflag:$0x1] =	stream.linear.gather [hbm4b:s8+s3], $0x2800, $0x38;
	[tilespmem:$0x18D00] =	vst v63  }
0x1e: {  	s23 =	sadd.s32 $0x0, s13  }
0x1f: {  	[tilespmem:s17], [sflag:$0x2] =	stream.linear.gather [hbm4b:s23+s3], $0x50, $0x38;
	[tilespmem:$0x18D00] =	vst v63  }
0x20: {  	s30 =	sadd.s32 $0xFFFFFB00, s11  }
0x21: {  	[tilespmem:s18], [sflag:$0x2] =	stream.linear.gather [hbm4b:s30+s3], $0x2800, $0x38;
	[tilespmem:$0x18D00] =	vst v63  }
0x22: {  	_ =	swait.ge [sflag:s19], $0x50  }
0x23: {  	[sflag:s19] =	ssyncset.done $0x0  }
0x24: {  	[sflag:s19] =	ssyncadd.s32 $0xFFFFFFB0  }
0x25: {  	_ =	swait.ge [sflag:s19], $0x2800  }
0x26: {  	[sflag:s19] =	ssyncset.done $0x0  }
0x27: {  	[sflag:s19] =	ssyncadd.s32 $0xFFFFD800  }
0x28: {  	[spmem:s1] =	stream.indirect.scatter.add.f32 [tilespmem:s16], [sflag:$0x3], $0x80, s3, s20, $0xb8;
	[tilespmem:$0x18D00] =	vst v63  }
0x29: {  	_ =	swait.ge [sflag:s15], $0x2800  }
0x2a: {  	s31 =	sshrl.u32 s12, $0x3;
	[sflag:s15] =	ssyncset.done $0x0  }
0x2b: {  	s23 =	sadd.s32 s4, s31;
	[sflag:s15] =	ssyncadd.s32 $0xFFFFD800  }
0x2c: {  	[tilespmem:s3], [sflag:$0x1] =	stream.linear.gather [hbm4b:s23+s3], $0x50, $0x38;
	[tilespmem:$0x18D00] =	vst v63  }
0x2d: {  	_ = 	snop  }
0x2e: {  	[tilespmem:s16], [sflag:$0x1] =	stream.linear.gather [hbm4b:s11+s3], $0x2800, $0x38;
	[tilespmem:$0x18D00] =	vst v63  }
0x2f: {  	_ =	swait.ge [sflag:s21], $0x50  }
0x30: {  	[sflag:s21] =	ssyncset.done $0x0  }
0x31: {  	[sflag:s21] =	ssyncadd.s32 $0xFFFFFFB0  }
0x32: {  	_ =	swait.ge [sflag:s21], $0x2800  }
0x33: {  	[sflag:s21] =	ssyncset.done $0x0  }
0x34: {  	[sflag:s21] =	ssyncadd.s32 $0xFFFFD800  }
0x35: {  	[spmem:s1] =	stream.indirect.scatter.add.f32 [tilespmem:s18], [sflag:$0x3], $0x80, s17, s20, $0xb8;
	[tilespmem:$0x18D00] =	vst v63  }
0x36: {  	s25 =	simm.s32 $0x14;
	s26 =	simm.s32 $0x28;
	_ =	swait.ge [sflag:s15], $0x2800  }
0x37: {  	s24 =	sadd.s32 $0xA0, s12;
	s23 =	sadd.s32 $0xA00, s11;
	[sflag:s15] =	ssyncset.done $0x0  }
.LBB2_2:
0x38: {  	s28 =	sadd.s32 s25, s13  }
0x39: {  	[sflag:s15] =	ssyncadd.s32 $0xFFFFD800;
	s25 =	smov.u32 s26;
	s29 =	sadd.s32 $0x14, s26  }
0x3a: {  	[tilespmem:s17], [sflag:$0x2] =	stream.linear.gather [hbm4b:s28+s3], $0x50, $0x38;
	[tilespmem:$0x18D00] =	vst v63  }
0x3b: {  	p0 =	sne.s32 s26, $0x4C4;
	s26 =	sadd.s32 $0xFFFFFB00, s23  }
0x3c: {  	[tilespmem:s18], [sflag:$0x2] =	stream.linear.gather [hbm4b:s26+s3], $0x2800, $0x38;
	[tilespmem:$0x18D00] =	vst v63  }
0x3d: {  	_ =	swait.ge [sflag:s19], $0x50  }
0x3e: {  	[sflag:s19] =	ssyncset.done $0x0  }
0x3f: {  	[sflag:s19] =	ssyncadd.s32 $0xFFFFFFB0  }
0x40: {  	_ =	swait.ge [sflag:s19], $0x2800  }
0x41: {  	[sflag:s19] =	ssyncset.done $0x0  }
0x42: {  	[sflag:s19] =	ssyncadd.s32 $0xFFFFD800  }
0x43: {  	[spmem:s1] =	stream.indirect.scatter.add.f32 [tilespmem:s16], [sflag:$0x3], $0x80, s3, s20, $0xb8;
	[tilespmem:$0x18D00] =	vst v63  }
0x44: {  	_ =	swait.ge [sflag:s15], $0x2800  }
0x45: {  	s26 =	sshrl.u32 s24, $0x3;
	[sflag:s15] =	ssyncset.done $0x0  }
0x46: {  	s26 =	sadd.s32 s4, s26;
	[sflag:s15] =	ssyncadd.s32 $0xFFFFD800  }
0x47: {  	[tilespmem:s3], [sflag:$0x1] =	stream.linear.gather [hbm4b:s26+s3], $0x50, $0x38;
	[tilespmem:$0x18D00] =	vst v63  }
0x48: {  	_ = 	snop  }
0x49: {  	[tilespmem:s16], [sflag:$0x1] =	stream.linear.gather [hbm4b:s23+s3], $0x2800, $0x38;
	[tilespmem:$0x18D00] =	vst v63  }
0x4a: {  	_ =	swait.ge [sflag:s21], $0x50  }
0x4b: {  	[sflag:s21] =	ssyncset.done $0x0  }
0x4c: {  	[sflag:s21] =	ssyncadd.s32 $0xFFFFFFB0  }
0x4d: {  	_ =	swait.ge [sflag:s21], $0x2800  }
.Ltmp0:
0x4e: {  	[sflag:s21] =	ssyncset.done $0x0;
	(pc) =	sbr.rel @p0 .LBB2_2-.Ltmp0, $4  }
0x4f: {  	[sflag:s21] =	ssyncadd.s32 $0xFFFFD800  }
0x50: {  	[spmem:s1] =	stream.indirect.scatter.add.f32 [tilespmem:s18], [sflag:$0x3], $0x80, s17, s20, $0xb8;
	[tilespmem:$0x18D00] =	vst v63  }
0x51: {  	s24 =	sadd.s32 $0xA0, s24;
	_ =	swait.ge [sflag:s15], $0x2800  }
0x52: {  	s26 =	smov.u32 s29;
	s23 =	sadd.s32 $0xA00, s23;
	[sflag:s15] =	ssyncset.done $0x0  }
0x53: {  	s25 =	sadd.s32 s25, s13;
	[sflag:s15] =	ssyncadd.s32 $0xFFFFD800  }
0x54: {  	[tilespmem:s17], [sflag:$0x2] =	stream.linear.gather [hbm4b:s25+s3], $0x50, $0x38;
	[tilespmem:$0x18D00] =	vst v63  }
0x55: {  	s31 =	sadd.s32 $0xFFFFFB00, s23  }
0x56: {  	[tilespmem:s18], [sflag:$0x2] =	stream.linear.gather [hbm4b:s31+s3], $0x2800, $0x38;
	[tilespmem:$0x18D00] =	vst v63  }
0x57: {  	_ =	swait.ge [sflag:s19], $0x50  }
0x58: {  	[sflag:s19] =	ssyncset.done $0x0  }
0x59: {  	[sflag:s19] =	ssyncadd.s32 $0xFFFFFFB0  }
0x5a: {  	_ =	swait.ge [sflag:s19], $0x2800  }
0x5b: {  	[sflag:s19] =	ssyncset.done $0x0  }
0x5c: {  	[sflag:s19] =	ssyncadd.s32 $0xFFFFD800  }
0x5d: {  	[spmem:s1] =	stream.indirect.scatter.add.f32 [tilespmem:s16], [sflag:$0x3], $0x80, s3, s20, $0xb8;
	[tilespmem:$0x18D00] =	vst v63  }
0x5e: {  	_ =	swait.ge [sflag:s15], $0x2800  }
0x5f: {  	s24 =	sshrl.u32 s24, $0x3;
	[sflag:s15] =	ssyncset.done $0x0  }
0x60: {  	s24 =	sadd.s32 s4, s24;
	[sflag:s15] =	ssyncadd.s32 $0xFFFFD800  }
0x61: {  	[tilespmem:s3], [sflag:$0x1] =	stream.linear.gather [hbm4b:s24+s3], $0x50, $0x38;
	[tilespmem:$0x18D00] =	vst v63  }
0x62: {  	_ = 	snop  }
0x63: {  	[tilespmem:s16], [sflag:$0x1] =	stream.linear.gather [hbm4b:s23+s3], $0x2800, $0x38;
	[tilespmem:$0x18D00] =	vst v63  }
0x64: {  	_ =	swait.ge [sflag:s21], $0x50  }
0x65: {  	[sflag:s21] =	ssyncset.done $0x0  }
0x66: {  	[sflag:s21] =	ssyncadd.s32 $0xFFFFFFB0  }
0x67: {  	_ =	swait.ge [sflag:s21], $0x2800  }
0x68: {  	[sflag:s21] =	ssyncset.done $0x0  }
0x69: {  	[sflag:s21] =	ssyncadd.s32 $0xFFFFD800  }
0x6a: {  	[spmem:s1] =	stream.indirect.scatter.add.f32 [tilespmem:s18], [sflag:$0x3], $0x80, s17, s20, $0xb8;
	[tilespmem:$0x18D00] =	vst v63  }
0x6b: {  	_ =	swait.ge [sflag:s15], $0x2800  }
0x6c: {  	[sflag:s15] =	ssyncset.done $0x0  }
0x6d: {  	[sflag:s15] =	ssyncadd.s32 $0xFFFFD800  }
0x6e: {  	_ =	swait.ge [sflag:s19], $0x50  }
0x6f: {  	[sflag:s19] =	ssyncset.done $0x0  }
0x70: {  	[sflag:s19] =	ssyncadd.s32 $0xFFFFFFB0  }
0x71: {  	_ =	swait.ge [sflag:s19], $0x2800  }
0x72: {  	[sflag:s19] =	ssyncset.done $0x0  }
0x73: {  	[sflag:s19] =	ssyncadd.s32 $0xFFFFD800  }
0x74: {  	[spmem:s1] =	stream.indirect.scatter.add.f32 [tilespmem:s16], [sflag:$0x3], $0x80, s3, s20, $0xb8;
	[tilespmem:$0x18D00] =	vst v63  }
0x75: {  	_ =	swait.ge [sflag:s15], $0x2800  }
0x76: {  	s22 =	sadd.s32 $0x1, s22;
	[sflag:s15] =	ssyncset.done $0x0  }
0x77: {  	p0 =	sne.s32 s22, s10;
	[sflag:s15] =	ssyncadd.s32 $0xFFFFD800  }
.Ltmp1:
0x78: {  	[bflag:$0x0] =	sbarrier.arrive $0xFFFF;
	(pc) =	sbr.rel @p0 .LBB2_1-.Ltmp1, $4  }
0x79: {  	[hbm:s9], [sflag:s6] =	dma.local [spmem:s14], $0x2780  }
0x7a: {  	_ =	swait.ge [sflag:s15], $0x2780  }
0x7b: {  	[sflag:s15] =	ssyncset.done $0x0  }
0x7c: {  	[sflag:s15] =	ssyncadd.s32 $0xFFFFD880  }
0x7d: {  	_ =	sfence.sel $0x180000  }
0x7e: {  	[bflag:$0x0] =	sbarrier.arrive $0xFFFF  }
0x7f: {  	p0 =	sne.s32 s2, $0x0;
	_ =	strace $0x9000004D  }
0x80: {  	s0 =	sadd.s32 @!p0 $0x100000, s0;
	[bflag:$0x2] =	sbarrier.arrive $0xFFFF  }
0x81: {  	[sflag:s0] =	ssyncadd.tile.s32 @!p0 $0x1;
	_ =	shalt  }
.Lfunc_end2:
_tile_overlayer_lowered:
.L_overlay_start_2:
0x82: {  	(tag) =	ssettag $0x2  }
0x83: {  	s0 =	rddreg [dreg:$0x0];
	s2 =	stileid.u32  }
0x84: {  	s1 =	rddreg [dreg:$0x1];
	p0 =	sne.s32 s2, $0x0  }
0x85: {  	s3 =	rddreg [dreg:$0x2];
	[bflag:$0x3] =	sbarrier.arrive $0xFFFF;
	s2 =	simm.s32 @!p0 $0x1C03  }
0x86: {  	[timem:s3], [sflag:s2] =	dma.local @!p0 [hbm:s0], s1  }
0x87: {  	s0 =	simm.s32 @!p0 $0x3  }
0x88: {  	_ =	swait.ge @!p0 [sflag:s0], s1  }
0x89: {  	s1 =	ssub.s32 @!p0 $0x0, s1;
	[sflag:s0] =	ssyncset.done @!p0 $0x0  }
0x8a: {  	[sflag:s0] =	ssyncadd.s32 @!p0 s1  }
0x8b: {  	[bflag:$0x3] =	sbarrier.arrive $0xFFFF  }
0x8c: {  	_ =	shalt  }

// kernel: kernel.24.cloned.1.call-start
scs
__scs_entry_jumppad:
0x0: {  	(pc) =	sbr.rel $0x88, $3  }
0x1: {  	(tag) =	ssettag $0x0;
	lr =	simm.s32 $0x1  }
0x2: {  	[smem:$0x3F71] =	sst lr;
	_ =	strace $0xD0000000  }
0x3: {  	_ = 	snop  }
0x4: {  	_ = 	snop  }
0x5: {  	_ = 	snop  }
0x6: {  	_ = 	snop  }
0x7: {  	_ = 	snop  }
__scs_overlays_trampoline_lowered:
0x8: {  	[smem:$0x3F80] =	sst s0  }
0x9: {  	[smem:$0x3F81] =	sst s1  }
0xa: {  	[smem:$0x3F82] =	sst s2  }
0xb: {  	[smem:$0x3F83] =	sst s3  }
0xc: {  	[smem:$0x3F84] =	sst s4  }
0xd: {  	[smem:$0x3F85] =	sst s5  }
0xe: {  	[smem:$0x3F86] =	sst s6  }
0xf: {  	[smem:$0x3F87] =	sst s7  }
0x10: {  	[smem:$0x3F88] =	sst s8  }
0x11: {  	[smem:$0x3F89] =	sst s9;
	s0 =	simm.s32 @!p0 $0x0  }
0x12: {  	s1 =	sld [smem:$0x3F6F];
	s0 =	simm.s32 @p0 $0x1  }
0x13: {  	[smem:$0x3F8A] =	sst s0;
	s0 =	simm.s32 @!p1 $0x0  }
0x14: {  	s2 =	sld [smem:$0x3F6E];
	s0 =	simm.s32 @p1 $0x1  }
0x15: {  	[smem:$0x3F8B] =	sst s0;
	s0 =	simm.s32 @!p2 $0x0  }
0x16: {  	s3 =	sld [smem:$0x3FDB];
	s0 =	simm.s32 @p2 $0x1  }
0x17: {  	s4 =	simm.s32 $0x1BF5;
	[smem:$0x3F8D] =	sst s0  }
0x18: {  	s0 =	sld [smem:$0x3F70];
	_ =	swait.ge [sflag:s4], $0x0  }
0x19: {  	s7 =	sld [smem:$0x3F71]  }
0x1a: {  	s8 =	sadd.s32 $0xFFFFE003, lr  }
0x1b: {  	s9 =	sadd.s32 $0xFFFFFEF7, lr;
	s5 =	simm.s32 $0xFFFFFFFF;
	p2 =	slt.u32 s8, $0xFFFFF086  }
0x1c: {  	p1 =	slt.u32 s9, $0xF7A;
	s5 =	simm.s32 @!p2 $0x0  }
0x1d: {  	s5 =	simm.s32 @p1 $0x1;
	p0 =	seq.s32 s7, s2  }
0x1e: {  	s7 =	smul.u32 @!p0 $0xF7A, s2;
	p2 =	seq.s32 @!p0 s5, $0x0  }
0x1f: {  	s9 =	smul.u32 $0xF7A, s1;
	s8 =	simm.s32 @!p0 $0x1BF5;
	p2 =	por !p2, p0  }
0x20: {  	[sflag:s8] =	ssyncset.s32 @!p0 $0xFFFFF086;
	s6 =	sadd.s32 @!p0 s3, s7;
	s7 =	simm.s32 @!p0 $0x108  }
0x21: {  	s3 =	sadd.s32 s3, s9;
	s6 =	sadd.s32 @!p0 $0x88, s6;
	s7 =	simm.s32 @p2 $0x1082  }
0x22: {  	[simem:s7], [sflag:s8] =	dma.local @!p0 [hbm:s6], $0xF7A  }
0x23: {  	s9 =	sor.u32 $0xD0000000, s2;
	s6 =	simm.s32 $0x108;
	_ =	swait.ge @!p0 [sflag:s8], $0x0  }
0x24: {  	s3 =	sadd.s32 $0x88, s3;
	s6 =	simm.s32 @!p1 $0x1082;
	[sflag:s4] =	ssyncset.s32 $0xFFFFF086  }
0x25: {  	[simem:s6], [sflag:s4] =	dma.local [hbm:s3], $0xF7A  }
0x26: {  	[smem:$0x3F71] =	sst s1;
	(tag) =	ssettag s2;
	_ =	strace s9  }
0x27: {  	s1 =	sld [smem:$0x3F81]  }
0x28: {  	s2 =	sld [smem:$0x3F82]  }
0x29: {  	s4 =	sld [smem:$0x3F84]  }
0x2a: {  	p0 =	seq.s32 s5, $0x0;
	s5 =	sld [smem:$0x3F85]  }
0x2b: {  	s6 =	sld [smem:$0x3F86]  }
0x2c: {  	s7 =	sld [smem:$0x3F87]  }
0x2d: {  	s3 =	simm.s32 $0x108;
	s8 =	sld [smem:$0x3F88]  }
0x2e: {  	s3 =	simm.s32 @!p0 $0x1082;
	s9 =	sld [smem:$0x3F89]  }
0x2f: {  	lr =	sadd.s32 s0, s3;
	s0 =	sld [smem:$0x3F80]  }
0x30: {  	s3 =	sld [smem:$0x3F83]  }
0x31: {  	[smem:$0x3F8C] =	sst s10  }
0x32: {  	s10 =	sld [smem:$0x3F8A];
	_ =	sdelay $0x3  }
0x33: {  	p0 =	seq.s32 s10, $0x1;
	s10 =	sld [smem:$0x3F8C];
	_ =	sdelay $0x3  }
0x34: {  	[smem:$0x3F8C] =	sst s10  }
0x35: {  	s10 =	sld [smem:$0x3F8B];
	_ =	sdelay $0x3  }
0x36: {  	p1 =	seq.s32 s10, $0x1;
	s10 =	sld [smem:$0x3F8C];
	_ =	sdelay $0x3  }
0x37: {  	[smem:$0x3F8C] =	sst s10  }
0x38: {  	s10 =	sld [smem:$0x3F8D]  }
0x39: {  	_ = 	snop;
	(pc) =	sbr.ind lr, $3  }
0x3a: {  	_ = 	snop  }
0x3b: {  	_ = 	snop  }
0x3c: {  	p2 =	seq.s32 s10, $0x1;
	s10 =	sld [smem:$0x3F8C]  }
0x3d: {  	_ =	shalt  }
0x3e: {  	_ =	shalt  }
0x3f: {  	_ =	shalt  }
0x40: {  	_ =	shalt  }
0x41: {  	_ =	shalt  }
0x42: {  	_ =	shalt  }
0x43: {  	_ =	shalt  }
0x44: {  	_ =	shalt  }
0x45: {  	_ =	shalt  }
0x46: {  	_ =	shalt  }
0x47: {  	_ =	shalt  }
0x48: {  	_ =	shalt  }
0x49: {  	_ =	shalt  }
0x4a: {  	_ =	shalt  }
0x4b: {  	_ =	shalt  }
0x4c: {  	_ =	shalt  }
0x4d: {  	_ =	shalt  }
0x4e: {  	_ =	shalt  }
0x4f: {  	_ =	shalt  }
0x50: {  	_ =	shalt  }
0x51: {  	_ =	shalt  }
0x52: {  	_ =	shalt  }
0x53: {  	_ =	shalt  }
0x54: {  	_ =	shalt  }
0x55: {  	_ =	shalt  }
0x56: {  	_ =	shalt  }
0x57: {  	_ =	shalt  }
0x58: {  	_ =	shalt  }
0x59: {  	_ =	shalt  }
0x5a: {  	_ =	shalt  }
0x5b: {  	_ =	shalt  }
0x5c: {  	_ =	shalt  }
0x5d: {  	_ =	shalt  }
0x5e: {  	_ =	shalt  }
0x5f: {  	_ =	shalt  }
0x60: {  	_ =	shalt  }
0x61: {  	_ =	shalt  }
0x62: {  	_ =	shalt  }
0x63: {  	_ =	shalt  }
0x64: {  	_ =	shalt  }
0x65: {  	_ =	shalt  }
0x66: {  	_ =	shalt  }
0x67: {  	_ =	shalt  }
0x68: {  	_ =	shalt  }
0x69: {  	_ =	shalt  }
0x6a: {  	_ =	shalt  }
0x6b: {  	_ =	shalt  }
0x6c: {  	_ =	shalt  }
0x6d: {  	_ =	shalt  }
0x6e: {  	_ =	shalt  }
0x6f: {  	_ =	shalt  }
0x70: {  	_ =	shalt  }
0x71: {  	_ =	shalt  }
0x72: {  	_ =	shalt  }
0x73: {  	_ =	shalt  }
0x74: {  	_ =	shalt  }
0x75: {  	_ =	shalt  }
0x76: {  	_ =	shalt  }
0x77: {  	_ =	shalt  }
0x78: {  	_ =	shalt  }
0x79: {  	_ =	shalt  }
0x7a: {  	_ =	shalt  }
0x7b: {  	_ =	shalt  }
0x7c: {  	_ =	shalt  }
0x7d: {  	_ =	shalt  }
0x7e: {  	_ =	shalt  }
0x7f: {  	_ =	shalt  }
0x80: {  	_ =	shalt  }
0x81: {  	_ =	shalt  }
0x82: {  	_ =	shalt  }
0x83: {  	_ =	shalt  }
0x84: {  	_ =	shalt  }
0x85: {  	_ =	shalt  }
0x86: {  	_ =	shalt  }
0x87: {  	_ =	shalt  }
.Lfunc_end0:
.L_simem_size_0:
called_computation.3_lowered:
.L_overlay_start_0:
0x88: {  	s2 =	sld [smem:$0x3FD9]  }
0x89: {  	s3 =	sld [smem:$0x3FFE];
	_ =	sdelay $0x1  }
0x8a: {  	s1 =	srdreg.scid  }
0x8b: {  	s0 =	sand.u32 $0x1, s1  }
0x8c: {  	s14 =	sshll.u32 s0, $0xA;
	s2 =	sadd.s32 s3, s2  }
0x8d: {  	s2 =	sadd.s32 s2, s14  }
0x8e: {  	[smem:$0x3F98] =	sst s2  }
0x8f: {  	_ = 	snop  }
0x90: {  	s2 =	sld [smem:$0x3FD0];
	_ =	sdelay $0x2  }
0x91: {  	s15 =	simm.s32 $0xB;
	s4 =	simm.s32 $0x10  }
0x92: {  	[smem:s4], [sflag:s15] =	dma.local [hbm:s2], $0x1  }
0x93: {  	_ =	swait.eq [sflag:s15], $0x1  }
0x94: {  	[sflag:s15] =	ssyncset.done $0x0  }
0x95: {  	[sflag:s15] =	ssyncadd.s32 $0xFFFFFFFF  }
0x96: {  	s16 =	sld [smem:$0x12];
	(tm) =	ssettm $0x1  }
0x97: {  	s17 =	sld [smem:$0x3FFB];
	_ =	sdelay $0x3  }
0x98: {  	_ =	strace s17  }
0x99: {  	s3 =	sld [smem:$0x3FFC];
	_ =	sdelay $0x3  }
0x9a: {  	_ =	strace s3  }
0x9b: {  	s3 =	sld [smem:$0x3FFD];
	_ =	sdelay $0x3  }
0x9c: {  	_ =	strace s3  }
0x9d: {  	_ =	strace $0x8FFFFFFF  }
0x9e: {  	s18 =	sld [smem:$0x3FDB];
	_ =	sdelay $0x1  }
0x9f: {  	s19 =	simm.s32 $_scs_section_size  }
0xa0: {  	s5 =	simm.s32 $_size__tile_overlayer_lowered;
	s6 =	simm.s32 $_tile_overlayer_lowered  }
0xa1: {  	s22 =	simm.s32 $0x1BFF;
	s21 =	sshll.u32 s6, $0x1;
	s3 =	sadd.s32 s19, s18  }
0xa2: {  	s7 =	simm.s32 $0x0;
	s20 =	sshll.u32 s5, $0x1;
	s5 =	sadd.s32 s21, s3  }
0xa3: {  	[timem:s7], [sflag:s22] =	dma.local [hbm:s5], s20  }
0xa4: {  	_ =	swait.ge [sflag:s22], s20  }
0xa5: {  	s4 =	ssub.s32 $0x0, s20;
	[sflag:s22] =	ssyncset.done $0x0  }
0xa6: {  	[sflag:s22] =	ssyncadd.s32 s4;
	_ =	sdelay $0x1  }
0xa7: {  	s23 =	simm.s32 $0x1B8B  }
0xa8: {  	_ =	swait.ge [sflag:s23], $0x1  }
0xa9: {  	[sflag:s23] =	ssyncset.done $0x0  }
0xaa: {  	s25 =	simm.s32 $0x1B8E;
	s24 =	sld [smem:$0x3FFE];
	[sflag:s23] =	ssyncadd.s32 $0xFFFFFFFF  }
0xab: {  	s26 =	simm.s32 $execute0_lowered;
	[smem:$0x3FD2] =	sst s25  }
0xac: {  	s5 =	sshll.u32 s26, $0x1;
	_ =	strace $0x8000004F;
	[dreg:$0x1] =	wrdreg $0xFFFFFFFF  }
0xad: {  	s28 =	simm.s32 $_size_execute0_lowered;
	s3 =	sadd.s32 s3, s5;
	[dreg:$0x0] =	wrdreg $0x0  }
0xae: {  	s5 =	sshll.u32 s28, $0x1;
	[dreg:$0x2] =	wrdreg s3  }
0xaf: {  	[dreg:$0x3] =	wrdreg s5  }
0xb0: {  	[dreg:$0x4] =	wrdreg $0xC0  }
0xb1: {  	_ =	task [dreg:s7], $0x5FFFF  }
0xb2: {  	[dreg:$0x1] =	wrdreg $0xFFFFFFFF  }
0xb3: {  	[dreg:$0x0] =	wrdreg $0x60  }
0xb4: {  	[dreg:$0x2] =	wrdreg s16  }
0xb5: {  	[dreg:$0x3] =	wrdreg s24  }
0xb6: {  	[dreg:$0x4] =	wrdreg $0x9  }
0xb7: {  	_ =	task.clear_ibuf [dreg:s7], $0x5FFFF;
	_ =	strace $0x9000004F  }
0xb8: {  	s29 =	simm.s32 $0x9;
	_ =	strace $0x80000051  }
0xb9: {  	_ =	swait.ge [sflag:s29], $0x1  }
0xba: {  	[sflag:s29] =	ssyncadd.s32 $0xFFFFFFFF  }
0xbb: {  	_ =	strace $0x90000051  }
0xbc: {  	_ =	sfence  }
0xbd: {  	s30 =	sld [smem:$0x0];
	_ =	sdelay $0x2  }
0xbe: {  	s31 =	sshll.u32 s1, $0xD;
	s1 =	sshrl.u32 s1, $0x2  }
0xbf: {  	s3 =	sand.u32 $0x4000, s31;
	s1 =	sadd.s32 s1, s30  }
0xc0: {  	s0 =	sor.u32 s3, s0;
	s1 =	sshll.u32 s1, $0x11  }
0xc1: {  	s0 =	sor.u32 s1, s0  }
0xc2: {  	s0 =	sadd.s32 $0x8F2B, s0  }
0xc3: {  	[sflag:s0] =	ssyncadd.remote.s32 $0x1  }
0xc4: {  	_ =	sfence.sel $0xFFFF  }
0xc5: {  	[dreg:$0x0] =	wrdreg $0xFFFFFFFF;
	(pc) =	sbr.abs _section_cstart, $3  }
0xc6: {  	[dreg:$0x1] =	wrdreg $0xFFFFFFFF  }
0xc7: {  	_ =	task.clear_ibuf [dreg:s7], $0x2FFFF;
	_ =	strace $0x9FFFFFFF  }
0xc8: {  	(tm) =	ssettm $0x7FFFFFFF  }
0xc9: {  	_ =	shalt  }
tec
execute0_lowered:
.L_overlay_start_1:
0x0: {  	(tag) =	ssettag $0x1  }
0x1: {  	s1 =	rddreg [dreg:$0x0]  }
0x2: {  	s0 =	rddreg [dreg:$0x1]  }
0x3: {  	s3 =	simm.s32 $0x0;
	s2 =	srdreg.scid;
	s13 =	stileid.u32  }
0x4: {  	s28 =	simm.s32 $0xCA00;
	s29 =	simm.s32 $0x1;
	s30 =	simm.s32 $0x2  }
0x5: {  	s31 =	simm.s32 $0x0;
	[smem:$0x7FF] =	sst s3;
	s4 =	sadd.s32 $0xF15200, s0  }
0x6: {  	s2 =	sand.u32 $0x1, s2;
	s7 =	sshll.u32 s13, $0x1;
	s16 =	smul.u32 $0x4E20, s13  }
0x7: {  	s5 =	sadd.s32 $0xF3C400, s0;
	s6 =	sadd.s32 $0xC800, s0;
	s17 =	smul.u32 $0x4E200, s13  }
0x8: {  	s11 =	sadd.s32 $0xFB3200, s0;
	s14 =	sadd.s32 $0x20400, s0;
	s19 =	smul.u32 $0x27100, s2  }
0x9: {  	s8 =	sor.u32 s2, s7;
	s9 =	ssub.s32 $0x2, s2;
	s2 =	smul.u32 $0x2710, s2  }
0xa: {  	_ =	strace $0x80000050;
	s7 =	sadd.s32 $0x16600, s0;
	s10 =	smul.u32 $0x2710, s8  }
0xb: {  	s0 =	sadd.s32 $0x502400, s0;
	s12 =	sshrl.u32 s9, $0x1;
	s8 =	smul.u32 $0x138800, s8  }
0xc: {  	s23 =	sadd.s32 s17, s14;
	s9 =	ssub.s32 s9, s12;
	s2 =	sadd.s32 s2, s16  }
0xd: {  	s10 =	sshrl.u32 s10, $0x3;
	s8 =	sshrl.u32 s8, $0x3;
	s21 =	smax.u32 s9, $0x1  }
0xe: {  	s24 =	sadd.s32 $0x50, s2;
	s15 =	sadd.s32 s6, s10;
	s8 =	sadd.s32 $0x26C00, s8  }
0xf: {  	s10 =	sadd.s32 s7, s10;
	[dreg:$0xb] =	wrdreg s21;
	s25 =	sshrl.u32 s24, $0x3  }
0x10: {  	s21 =	simm.s32 $0x2A00;
	s24 =	simm.s32 $0x180;
	[dreg:$0x6] =	wrdreg s15  }
0x11: {  	[dreg:$0x7] =	wrdreg s10;
	s18 =	sadd.s32 s11, s8;
	s20 =	sadd.s32 s14, s8  }
0x12: {  	s11 =	sadd.s32 s17, s11;
	s8 =	sadd.s32 s0, s8;
	s0 =	sadd.s32 s17, s0  }
0x13: {  	s9 =	sadd.s32 s25, s7;
	s26 =	sadd.s32 s25, s6;
	[dreg:$0x8] =	wrdreg s18  }
0x14: {  	s17 =	simm.s32 $0x3;
	s25 =	simm.s32 $0x7A00;
	[dreg:$0x9] =	wrdreg s20  }
0x15: {  	[dreg:$0xa] =	wrdreg s8;
	s22 =	sadd.s32 s19, s11;
	s8 =	sadd.s32 s19, s23  }
0x16: {  	s0 =	sadd.s32 s19, s0;
	[dreg:$0xc] =	wrdreg s26;
	s18 =	simm.s32 $0x80  }
0x17: {  	s19 =	simm.s32 $0x50;
	s20 =	simm.s32 $0x200;
	[dreg:$0x3] =	wrdreg s22  }
0x18: {  	s23 =	simm.s32 $0x100;
	s26 =	simm.s32 $0xA200;
	[dreg:$0x4] =	wrdreg s8  }
0x19: {  	s8 =	sadd.s32 $0xA0, s2;
	[dreg:$0x5] =	wrdreg s0;
	s22 =	simm.s32 $0x5200  }
.LBB2_1:
0x1a: {  	s0 =	rddreg [dreg:$0x6]  }
0x1b: {  	[tilespmem:s3], [sflag:$0x3] =	stream.linear.gather [hbm4b:s0+s3], $0x50, $0x38;
	[tilespmem:$0xF200] =	vst v63  }
0x1c: {  	_ =	swait.ge [sflag:s17], $0x50  }
0x1d: {  	[sflag:s17] =	ssyncset.done $0x0  }
0x1e: {  	s13 =	rddreg [dreg:$0x7];
	[sflag:s17] =	ssyncadd.s32 $0xFFFFFFB0  }
0x1f: {  	[tilespmem:s18], [sflag:$0x3] =	stream.linear.gather [hbm4b:s13+s3], $0x50, $0x38;
	[tilespmem:$0xF200] =	vst v63  }
0x20: {  	_ =	swait.ge [sflag:s17], $0x50  }
0x21: {  	[sflag:s17] =	ssyncset.done $0x0  }
0x22: {  	[sflag:s17] =	ssyncadd.s32 $0xFFFFFFB0  }
0x23: {  	[tilespmem:s20], [sflag:$0x1] =	stream.indirect.gather [hbm4b:s1+s19], $0x80, s3, s19, $0xb8;
	[tilespmem:$0xF200] =	vst v63  }
0x24: {  	_ = 	snop  }
0x25: {  	[tilespmem:s21], [sflag:$0x1] =	stream.indirect.gather [hbm4b:s4+s19], $0x80, s3, s19, $0xb8;
	[tilespmem:$0xF200] =	vst v63  }
0x26: {  	_ = 	snop  }
0x27: {  	[tilespmem:s22], [sflag:$0x1] =	stream.indirect.gather [hbm4b:s5+s19], $0x80, s18, s19, $0xb8;
	[tilespmem:$0xF200] =	vst v63  }
0x28: {  	s13 =	rddreg [dreg:$0xc]  }
0x29: {  	[tilespmem:s23], [sflag:$0x3] =	stream.linear.gather [hbm4b:s13+s3], $0x50, $0x38;
	[tilespmem:$0xF200] =	vst v63  }
0x2a: {  	_ =	swait.ge [sflag:s17], $0x50  }
0x2b: {  	[sflag:s17] =	ssyncset.done $0x0  }
0x2c: {  	[sflag:s17] =	ssyncadd.s32 $0xFFFFFFB0  }
0x2d: {  	[tilespmem:s24], [sflag:$0x3] =	stream.linear.gather [hbm4b:s9+s3], $0x50, $0x38;
	[tilespmem:$0xF200] =	vst v63  }
0x2e: {  	_ =	swait.ge [sflag:s17], $0x50  }
0x2f: {  	[sflag:s17] =	ssyncset.done $0x0  }
0x30: {  	[sflag:s17] =	ssyncadd.s32 $0xFFFFFFB0  }
0x31: {  	[tilespmem:s25], [sflag:$0x2] =	stream.indirect.gather [hbm4b:s1+s19], $0x80, s23, s19, $0xb8;
	[tilespmem:$0xF200] =	vst v63  }
0x32: {  	_ = 	snop  }
0x33: {  	[tilespmem:s26], [sflag:$0x2] =	stream.indirect.gather [hbm4b:s4+s19], $0x80, s23, s19, $0xb8;
	[tilespmem:$0xF200] =	vst v63  }
0x34: {  	_ = 	snop  }
0x35: {  	[tilespmem:s28], [sflag:$0x2] =	stream.indirect.gather [hbm4b:s5+s19], $0x80, s24, s19, $0xb8;
	[tilespmem:$0xF200] =	vst v63  }
0x36: {  	_ =	swait.ge [sflag:s29], $0x2800  }
0x37: {  	[sflag:s29] =	ssyncset.done $0x0  }
0x38: {  	[sflag:s29] =	ssyncadd.s32 $0xFFFFD800  }
0x39: {  	_ =	swait.ge [sflag:s29], $0x2800  }
0x3a: {  	[sflag:s29] =	ssyncset.done $0x0  }
0x3b: {  	[sflag:s29] =	ssyncadd.s32 $0xFFFFD800  }
0x3c: {  	_ =	swait.ge [sflag:s29], $0x2800  }
0x3d: {  	s14 =	rddreg [dreg:$0x3];
	[sflag:s29] =	ssyncset.done $0x0  }
0x3e: {  	[sflag:s29] =	ssyncadd.s32 $0xFFFFD800;
	s0 =	sadd.s32 $0x0, s14  }
0x3f: {  	[hbm4b:s0+s3] =	stream.linear.scatter [tilespmem:s20], [sflag:$0x3], $0x2800, $0x38;
	[tilespmem:$0xF200] =	vst v63  }
0x40: {  	_ =	swait.ge [sflag:s17], $0x2800  }
0x41: {  	s2 =	rddreg [dreg:$0x4];
	[sflag:s17] =	ssyncset.done $0x0  }
0x42: {  	[sflag:s17] =	ssyncadd.s32 $0xFFFFD800;
	s2 =	sadd.s32 $0x0, s2  }
0x43: {  	[hbm4b:s2+s3] =	stream.linear.scatter [tilespmem:s21], [sflag:$0x3], $0x2800, $0x38;
	[tilespmem:$0xF200] =	vst v63  }
0x44: {  	_ =	swait.ge [sflag:s17], $0x2800  }
0x45: {  	s10 =	rddreg [dreg:$0x5];
	[sflag:s17] =	ssyncset.done $0x0  }
0x46: {  	[sflag:s17] =	ssyncadd.s32 $0xFFFFD800;
	s10 =	sadd.s32 $0x0, s10  }
0x47: {  	[hbm4b:s10+s3] =	stream.linear.scatter [tilespmem:s22], [sflag:$0x3], $0x2800, $0x38;
	[tilespmem:$0xF200] =	vst v63  }
0x48: {  	_ =	swait.ge [sflag:s17], $0x2800  }
0x49: {  	s11 =	sshrl.u32 s8, $0x3;
	[sflag:s17] =	ssyncset.done $0x0  }
0x4a: {  	s12 =	sadd.s32 s6, s11;
	[sflag:s17] =	ssyncadd.s32 $0xFFFFD800  }
0x4b: {  	[tilespmem:s3], [sflag:$0x3] =	stream.linear.gather [hbm4b:s12+s3], $0x50, $0x38;
	[tilespmem:$0xF200] =	vst v63  }
0x4c: {  	_ =	swait.ge [sflag:s17], $0x50  }
0x4d: {  	[sflag:s17] =	ssyncset.done $0x0  }
0x4e: {  	s11 =	sadd.s32 s7, s11;
	[sflag:s17] =	ssyncadd.s32 $0xFFFFFFB0  }
0x4f: {  	[tilespmem:s18], [sflag:$0x3] =	stream.linear.gather [hbm4b:s11+s3], $0x50, $0x38;
	[tilespmem:$0xF200] =	vst v63  }
0x50: {  	_ =	swait.ge [sflag:s17], $0x50  }
0x51: {  	[sflag:s17] =	ssyncset.done $0x0  }
0x52: {  	[sflag:s17] =	ssyncadd.s32 $0xFFFFFFB0  }
0x53: {  	[tilespmem:s20], [sflag:$0x1] =	stream.indirect.gather [hbm4b:s1+s19], $0x80, s3, s19, $0xb8;
	[tilespmem:$0xF200] =	vst v63  }
0x54: {  	_ = 	snop  }
0x55: {  	[tilespmem:s21], [sflag:$0x1] =	stream.indirect.gather [hbm4b:s4+s19], $0x80, s3, s19, $0xb8;
	[tilespmem:$0xF200] =	vst v63  }
0x56: {  	_ = 	snop  }
0x57: {  	[tilespmem:s22], [sflag:$0x1] =	stream.indirect.gather [hbm4b:s5+s19], $0x80, s18, s19, $0xb8;
	[tilespmem:$0xF200] =	vst v63  }
0x58: {  	_ =	swait.ge [sflag:s30], $0x2800  }
0x59: {  	[sflag:s30] =	ssyncset.done $0x0  }
0x5a: {  	[sflag:s30] =	ssyncadd.s32 $0xFFFFD800  }
0x5b: {  	_ =	swait.ge [sflag:s30], $0x2800  }
0x5c: {  	[sflag:s30] =	ssyncset.done $0x0  }
0x5d: {  	[sflag:s30] =	ssyncadd.s32 $0xFFFFD800  }
0x5e: {  	_ =	swait.ge [sflag:s30], $0x2800  }
0x5f: {  	[sflag:s30] =	ssyncset.done $0x0  }
0x60: {  	s0 =	sadd.s32 $0x500, s0;
	[sflag:s30] =	ssyncadd.s32 $0xFFFFD800  }
0x61: {  	[hbm4b:s0+s3] =	stream.linear.scatter [tilespmem:s25], [sflag:$0x3], $0x2800, $0x38;
	[tilespmem:$0xF200] =	vst v63  }
0x62: {  	_ =	swait.ge [sflag:s17], $0x2800  }
0x63: {  	[sflag:s17] =	ssyncset.done $0x0  }
0x64: {  	s15 =	sadd.s32 $0x500, s2;
	[sflag:s17] =	ssyncadd.s32 $0xFFFFD800  }
0x65: {  	[hbm4b:s15+s3] =	stream.linear.scatter [tilespmem:s26], [sflag:$0x3], $0x2800, $0x38;
	[tilespmem:$0xF200] =	vst v63  }
0x66: {  	_ =	swait.ge [sflag:s17], $0x2800  }
0x67: {  	[sflag:s17] =	ssyncset.done $0x0  }
0x68: {  	s16 =	sadd.s32 $0x500, s10;
	[sflag:s17] =	ssyncadd.s32 $0xFFFFD800  }
0x69: {  	[hbm4b:s16+s3] =	stream.linear.scatter [tilespmem:s28], [sflag:$0x3], $0x2800, $0x38;
	[tilespmem:$0xF200] =	vst v63  }
0x6a: {  	s14 =	smov.u32 s8;
	s2 =	sadd.s32 $0x14, s13;
	_ =	swait.ge [sflag:s17], $0x2800  }
0x6b: {  	s0 =	simm.s32 $0xA00;
	s15 =	smov.u32 s9;
	[sflag:s17] =	ssyncset.done $0x0  }
.LBB2_2:
0x6c: {  	[sflag:s17] =	ssyncadd.s32 $0xFFFFD800  }
0x6d: {  	[tilespmem:s23], [sflag:$0x3] =	stream.linear.gather [hbm4b:s2+s3], $0x50, $0x38;
	[tilespmem:$0xF200] =	vst v63  }
0x6e: {  	_ =	swait.ge [sflag:s17], $0x50  }
0x6f: {  	[sflag:s17] =	ssyncset.done $0x0  }
0x70: {  	s15 =	sadd.s32 $0x14, s15;
	[sflag:s17] =	ssyncadd.s32 $0xFFFFFFB0  }
0x71: {  	[tilespmem:s24], [sflag:$0x3] =	stream.linear.gather [hbm4b:s15+s3], $0x50, $0x38;
	[tilespmem:$0xF200] =	vst v63  }
0x72: {  	_ =	swait.ge [sflag:s17], $0x50  }
0x73: {  	[sflag:s17] =	ssyncset.done $0x0  }
0x74: {  	[sflag:s17] =	ssyncadd.s32 $0xFFFFFFB0  }
0x75: {  	[tilespmem:s25], [sflag:$0x2] =	stream.indirect.gather [hbm4b:s1+s19], $0x80, s23, s19, $0xb8;
	[tilespmem:$0xF200] =	vst v63  }
0x76: {  	_ = 	snop  }
0x77: {  	[tilespmem:s26], [sflag:$0x2] =	stream.indirect.gather [hbm4b:s4+s19], $0x80, s23, s19, $0xb8;
	[tilespmem:$0xF200] =	vst v63  }
0x78: {  	_ = 	snop  }
0x79: {  	[tilespmem:s28], [sflag:$0x2] =	stream.indirect.gather [hbm4b:s5+s19], $0x80, s24, s19, $0xb8;
	[tilespmem:$0xF200] =	vst v63  }
0x7a: {  	_ =	swait.ge [sflag:s29], $0x2800  }
0x7b: {  	[sflag:s29] =	ssyncset.done $0x0  }
0x7c: {  	[sflag:s29] =	ssyncadd.s32 $0xFFFFD800  }
0x7d: {  	_ =	swait.ge [sflag:s29], $0x2800  }
0x7e: {  	[sflag:s29] =	ssyncset.done $0x0  }
0x7f: {  	[sflag:s29] =	ssyncadd.s32 $0xFFFFD800  }
0x80: {  	_ =	swait.ge [sflag:s29], $0x2800  }
0x81: {  	s12 =	smov.u32 s0;
	s10 =	rddreg [dreg:$0x3];
	[sflag:s29] =	ssyncset.done $0x0  }
0x82: {  	[sflag:s29] =	ssyncadd.s32 $0xFFFFD800;
	s10 =	sadd.s32 s12, s10  }
0x83: {  	[hbm4b:s10+s3] =	stream.linear.scatter [tilespmem:s20], [sflag:$0x3], $0x2800, $0x38;
	[tilespmem:$0xF200] =	vst v63  }
0x84: {  	_ =	swait.ge [sflag:s17], $0x2800  }
0x85: {  	s11 =	rddreg [dreg:$0x4];
	[sflag:s17] =	ssyncset.done $0x0  }
0x86: {  	[sflag:s17] =	ssyncadd.s32 $0xFFFFD800;
	s11 =	sadd.s32 s12, s11  }
0x87: {  	[hbm4b:s11+s3] =	stream.linear.scatter [tilespmem:s21], [sflag:$0x3], $0x2800, $0x38;
	[tilespmem:$0xF200] =	vst v63  }
0x88: {  	_ =	swait.ge [sflag:s17], $0x2800  }
0x89: {  	s13 =	rddreg [dreg:$0x5];
	[sflag:s17] =	ssyncset.done $0x0  }
0x8a: {  	[sflag:s17] =	ssyncadd.s32 $0xFFFFD800;
	s12 =	sadd.s32 s12, s13  }
0x8b: {  	[hbm4b:s12+s3] =	stream.linear.scatter [tilespmem:s22], [sflag:$0x3], $0x2800, $0x38;
	[tilespmem:$0xF200] =	vst v63  }
0x8c: {  	s14 =	sadd.s32 $0xA0, s14;
	_ =	swait.ge [sflag:s17], $0x2800  }
0x8d: {  	s13 =	sshrl.u32 s14, $0x3;
	[sflag:s17] =	ssyncset.done $0x0  }
0x8e: {  	s16 =	sadd.s32 s6, s13;
	[sflag:s17] =	ssyncadd.s32 $0xFFFFD800  }
0x8f: {  	[tilespmem:s3], [sflag:$0x3] =	stream.linear.gather [hbm4b:s16+s3], $0x50, $0x38;
	[tilespmem:$0xF200] =	vst v63  }
0x90: {  	_ =	swait.ge [sflag:s17], $0x50  }
0x91: {  	[sflag:s17] =	ssyncset.done $0x0  }
0x92: {  	s13 =	sadd.s32 s7, s13;
	[sflag:s17] =	ssyncadd.s32 $0xFFFFFFB0  }
0x93: {  	[tilespmem:s18], [sflag:$0x3] =	stream.linear.gather [hbm4b:s13+s3], $0x50, $0x38;
	[tilespmem:$0xF200] =	vst v63  }
0x94: {  	_ =	swait.ge [sflag:s17], $0x50  }
0x95: {  	[sflag:s17] =	ssyncset.done $0x0  }
0x96: {  	[sflag:s17] =	ssyncadd.s32 $0xFFFFFFB0  }
0x97: {  	[tilespmem:s20], [sflag:$0x1] =	stream.indirect.gather [hbm4b:s1+s19], $0x80, s3, s19, $0xb8;
	[tilespmem:$0xF200] =	vst v63  }
0x98: {  	_ = 	snop  }
0x99: {  	[tilespmem:s21], [sflag:$0x1] =	stream.indirect.gather [hbm4b:s4+s19], $0x80, s3, s19, $0xb8;
	[tilespmem:$0xF200] =	vst v63  }
0x9a: {  	_ = 	snop  }
0x9b: {  	[tilespmem:s22], [sflag:$0x1] =	stream.indirect.gather [hbm4b:s5+s19], $0x80, s18, s19, $0xb8;
	[tilespmem:$0xF200] =	vst v63  }
0x9c: {  	_ =	swait.ge [sflag:s30], $0x2800  }
0x9d: {  	[sflag:s30] =	ssyncset.done $0x0  }
0x9e: {  	[sflag:s30] =	ssyncadd.s32 $0xFFFFD800  }
0x9f: {  	_ =	swait.ge [sflag:s30], $0x2800  }
0xa0: {  	[sflag:s30] =	ssyncset.done $0x0  }
0xa1: {  	[sflag:s30] =	ssyncadd.s32 $0xFFFFD800  }
0xa2: {  	_ =	swait.ge [sflag:s30], $0x2800  }
0xa3: {  	[sflag:s30] =	ssyncset.done $0x0  }
0xa4: {  	s10 =	sadd.s32 $0x500, s10;
	[sflag:s30] =	ssyncadd.s32 $0xFFFFD800  }
0xa5: {  	[hbm4b:s10+s3] =	stream.linear.scatter [tilespmem:s25], [sflag:$0x3], $0x2800, $0x38;
	[tilespmem:$0xF200] =	vst v63  }
0xa6: {  	_ =	swait.ge [sflag:s17], $0x2800  }
0xa7: {  	[sflag:s17] =	ssyncset.done $0x0  }
0xa8: {  	s13 =	sadd.s32 $0x500, s11;
	[sflag:s17] =	ssyncadd.s32 $0xFFFFD800  }
0xa9: {  	[hbm4b:s13+s3] =	stream.linear.scatter [tilespmem:s26], [sflag:$0x3], $0x2800, $0x38;
	[tilespmem:$0xF200] =	vst v63  }
0xaa: {  	p0 =	sne.s32 s0, $0x26200;
	_ =	swait.ge [sflag:s17], $0x2800  }
.Ltmp0:
0xab: {  	[sflag:s17] =	ssyncset.done $0x0;
	(pc) =	sbr.rel @p0 .LBB2_2-.Ltmp0, $4  }
0xac: {  	s16 =	sadd.s32 $0x500, s12;
	[sflag:s17] =	ssyncadd.s32 $0xFFFFD800  }
0xad: {  	[hbm4b:s16+s3] =	stream.linear.scatter [tilespmem:s28], [sflag:$0x3], $0x2800, $0x38;
	[tilespmem:$0xF200] =	vst v63  }
0xae: {  	_ =	swait.ge [sflag:s17], $0x2800  }
0xaf: {  	s0 =	sadd.s32 $0xA00, s0;
	s2 =	sadd.s32 $0x14, s2;
	[sflag:s17] =	ssyncset.done $0x0  }
0xb0: {  	[sflag:s17] =	ssyncadd.s32 $0xFFFFD800  }
0xb1: {  	_ =	swait.ge [sflag:s29], $0x2800  }
0xb2: {  	[sflag:s29] =	ssyncset.done $0x0  }
0xb3: {  	[sflag:s29] =	ssyncadd.s32 $0xFFFFD800  }
0xb4: {  	_ =	swait.ge [sflag:s29], $0x2800  }
0xb5: {  	[sflag:s29] =	ssyncset.done $0x0  }
0xb6: {  	[sflag:s29] =	ssyncadd.s32 $0xFFFFD800  }
0xb7: {  	_ =	swait.ge [sflag:s29], $0x2800  }
0xb8: {  	[sflag:s29] =	ssyncset.done $0x0  }
0xb9: {  	s0 =	rddreg [dreg:$0x8];
	[sflag:s29] =	ssyncadd.s32 $0xFFFFD800  }
0xba: {  	[hbm4b:s0+s3] =	stream.linear.scatter [tilespmem:s20], [sflag:$0x3], $0x2800, $0x38;
	[tilespmem:$0xF200] =	vst v63  }
0xbb: {  	_ =	swait.ge [sflag:s17], $0x2800  }
0xbc: {  	[sflag:s17] =	ssyncset.done $0x0  }
0xbd: {  	s14 =	rddreg [dreg:$0x9];
	[sflag:s17] =	ssyncadd.s32 $0xFFFFD800  }
0xbe: {  	[hbm4b:s14+s3] =	stream.linear.scatter [tilespmem:s21], [sflag:$0x3], $0x2800, $0x38;
	[tilespmem:$0xF200] =	vst v63  }
0xbf: {  	_ =	swait.ge [sflag:s17], $0x2800  }
0xc0: {  	[sflag:s17] =	ssyncset.done $0x0  }
0xc1: {  	s15 =	rddreg [dreg:$0xa];
	[sflag:s17] =	ssyncadd.s32 $0xFFFFD800  }
0xc2: {  	[hbm4b:s15+s3] =	stream.linear.scatter [tilespmem:s22], [sflag:$0x3], $0x2800, $0x38;
	[tilespmem:$0xF200] =	vst v63  }
0xc3: {  	_ =	swait.ge [sflag:s17], $0x2800  }
0xc4: {  	s31 =	sadd.s32 $0x1, s31;
	s16 =	rddreg [dreg:$0xb]  }
0xc5: {  	p0 =	sne.s32 s31, s16  }
.Ltmp1:
0xc6: {  	_ = 	snop;
	(pc) =	sbr.rel @p0 .LBB2_1-.Ltmp1, $3  }
0xc7: {  	_ =	sdelay $0x1  }
0xc8: {  	[sflag:s17] =	ssyncset.done $0x0  }
0xc9: {  	[sflag:s17] =	ssyncadd.s32 $0xFFFFD800  }
0xca: {  	_ =	sfence.sel $0x180000  }
0xcb: {  	[bflag:$0x0] =	sbarrier.arrive $0xFFFF  }
0xcc: {  	_ =	strace $0x90000050  }
0xcd: {  	s0 =	stileid.u32;
	[bflag:$0x2] =	sbarrier.arrive $0xFFFF  }
0xce: {  	p0 =	sne.s32 s0, $0x0;
	s0 =	rddreg [dreg:$0x2]  }
0xcf: {  	s0 =	sadd.s32 @!p0 $0x100000, s0  }
0xd0: {  	[sflag:s0] =	ssyncadd.tile.s32 @!p0 $0x1;
	_ =	shalt  }
.Lfunc_end2:
_tile_overlayer_lowered:
.L_overlay_start_2:
0xd1: {  	(tag) =	ssettag $0x2  }
0xd2: {  	s0 =	rddreg [dreg:$0x0];
	s2 =	stileid.u32  }
0xd3: {  	s1 =	rddreg [dreg:$0x1];
	p0 =	sne.s32 s2, $0x0  }
0xd4: {  	s3 =	rddreg [dreg:$0x2];
	[bflag:$0x3] =	sbarrier.arrive $0xFFFF;
	s2 =	simm.s32 @!p0 $0x1C03  }
0xd5: {  	[timem:s3], [sflag:s2] =	dma.local @!p0 [hbm:s0], s1  }
0xd6: {  	s0 =	simm.s32 @!p0 $0x3  }
0xd7: {  	_ =	swait.ge @!p0 [sflag:s0], s1  }
0xd8: {  	s1 =	ssub.s32 @!p0 $0x0, s1;
	[sflag:s0] =	ssyncset.done @!p0 $0x0  }
0xd9: {  	[sflag:s0] =	ssyncadd.s32 @!p0 s1  }
0xda: {  	[bflag:$0x3] =	sbarrier.arrive $0xFFFF  }
0xdb: {  	_ =	shalt  }

// kernel: kernel.27.cloned.1.call-start
scs
__scs_entry_jumppad:
0x0: {  	(pc) =	sbr.rel $0x88, $3  }
0x1: {  	(tag) =	ssettag $0x0;
	lr =	simm.s32 $0x1  }
0x2: {  	[smem:$0x3F71] =	sst lr;
	_ =	strace $0xD0000000  }
0x3: {  	_ = 	snop  }
0x4: {  	_ = 	snop  }
0x5: {  	_ = 	snop  }
0x6: {  	_ = 	snop  }
0x7: {  	_ = 	snop  }
__scs_overlays_trampoline_lowered:
0x8: {  	[smem:$0x3F80] =	sst s0  }
0x9: {  	[smem:$0x3F81] =	sst s1  }
0xa: {  	[smem:$0x3F82] =	sst s2  }
0xb: {  	[smem:$0x3F83] =	sst s3  }
0xc: {  	[smem:$0x3F84] =	sst s4  }
0xd: {  	[smem:$0x3F85] =	sst s5  }
0xe: {  	[smem:$0x3F86] =	sst s6  }
0xf: {  	[smem:$0x3F87] =	sst s7  }
0x10: {  	[smem:$0x3F88] =	sst s8  }
0x11: {  	[smem:$0x3F89] =	sst s9;
	s0 =	simm.s32 @!p0 $0x0  }
0x12: {  	s1 =	sld [smem:$0x3F6F];
	s0 =	simm.s32 @p0 $0x1  }
0x13: {  	[smem:$0x3F8A] =	sst s0;
	s0 =	simm.s32 @!p1 $0x0  }
0x14: {  	s2 =	sld [smem:$0x3F6E];
	s0 =	simm.s32 @p1 $0x1  }
0x15: {  	[smem:$0x3F8B] =	sst s0;
	s0 =	simm.s32 @!p2 $0x0  }
0x16: {  	s3 =	sld [smem:$0x3FDB];
	s0 =	simm.s32 @p2 $0x1  }
0x17: {  	s4 =	simm.s32 $0x1BF5;
	[smem:$0x3F8D] =	sst s0  }
0x18: {  	s0 =	sld [smem:$0x3F70];
	_ =	swait.ge [sflag:s4], $0x0  }
0x19: {  	s7 =	sld [smem:$0x3F71]  }
0x1a: {  	s8 =	sadd.s32 $0xFFFFE003, lr  }
0x1b: {  	s9 =	sadd.s32 $0xFFFFFEF7, lr;
	s5 =	simm.s32 $0xFFFFFFFF;
	p2 =	slt.u32 s8, $0xFFFFF086  }
0x1c: {  	p1 =	slt.u32 s9, $0xF7A;
	s5 =	simm.s32 @!p2 $0x0  }
0x1d: {  	s5 =	simm.s32 @p1 $0x1;
	p0 =	seq.s32 s7, s2  }
0x1e: {  	s7 =	smul.u32 @!p0 $0xF7A, s2;
	p2 =	seq.s32 @!p0 s5, $0x0  }
0x1f: {  	s9 =	smul.u32 $0xF7A, s1;
	s8 =	simm.s32 @!p0 $0x1BF5;
	p2 =	por !p2, p0  }
0x20: {  	[sflag:s8] =	ssyncset.s32 @!p0 $0xFFFFF086;
	s6 =	sadd.s32 @!p0 s3, s7;
	s7 =	simm.s32 @!p0 $0x108  }
0x21: {  	s3 =	sadd.s32 s3, s9;
	s6 =	sadd.s32 @!p0 $0x88, s6;
	s7 =	simm.s32 @p2 $0x1082  }
0x22: {  	[simem:s7], [sflag:s8] =	dma.local @!p0 [hbm:s6], $0xF7A  }
0x23: {  	s9 =	sor.u32 $0xD0000000, s2;
	s6 =	simm.s32 $0x108;
	_ =	swait.ge @!p0 [sflag:s8], $0x0  }
0x24: {  	s3 =	sadd.s32 $0x88, s3;
	s6 =	simm.s32 @!p1 $0x1082;
	[sflag:s4] =	ssyncset.s32 $0xFFFFF086  }
0x25: {  	[simem:s6], [sflag:s4] =	dma.local [hbm:s3], $0xF7A  }
0x26: {  	[smem:$0x3F71] =	sst s1;
	(tag) =	ssettag s2;
	_ =	strace s9  }
0x27: {  	s1 =	sld [smem:$0x3F81]  }
0x28: {  	s2 =	sld [smem:$0x3F82]  }
0x29: {  	s4 =	sld [smem:$0x3F84]  }
0x2a: {  	p0 =	seq.s32 s5, $0x0;
	s5 =	sld [smem:$0x3F85]  }
0x2b: {  	s6 =	sld [smem:$0x3F86]  }
0x2c: {  	s7 =	sld [smem:$0x3F87]  }
0x2d: {  	s3 =	simm.s32 $0x108;
	s8 =	sld [smem:$0x3F88]  }
0x2e: {  	s3 =	simm.s32 @!p0 $0x1082;
	s9 =	sld [smem:$0x3F89]  }
0x2f: {  	lr =	sadd.s32 s0, s3;
	s0 =	sld [smem:$0x3F80]  }
0x30: {  	s3 =	sld [smem:$0x3F83]  }
0x31: {  	[smem:$0x3F8C] =	sst s10  }
0x32: {  	s10 =	sld [smem:$0x3F8A];
	_ =	sdelay $0x3  }
0x33: {  	p0 =	seq.s32 s10, $0x1;
	s10 =	sld [smem:$0x3F8C];
	_ =	sdelay $0x3  }
0x34: {  	[smem:$0x3F8C] =	sst s10  }
0x35: {  	s10 =	sld [smem:$0x3F8B];
	_ =	sdelay $0x3  }
0x36: {  	p1 =	seq.s32 s10, $0x1;
	s10 =	sld [smem:$0x3F8C];
	_ =	sdelay $0x3  }
0x37: {  	[smem:$0x3F8C] =	sst s10  }
0x38: {  	s10 =	sld [smem:$0x3F8D]  }
0x39: {  	_ = 	snop;
	(pc) =	sbr.ind lr, $3  }
0x3a: {  	_ = 	snop  }
0x3b: {  	_ = 	snop  }
0x3c: {  	p2 =	seq.s32 s10, $0x1;
	s10 =	sld [smem:$0x3F8C]  }
0x3d: {  	_ =	shalt  }
0x3e: {  	_ =	shalt  }
0x3f: {  	_ =	shalt  }
0x40: {  	_ =	shalt  }
0x41: {  	_ =	shalt  }
0x42: {  	_ =	shalt  }
0x43: {  	_ =	shalt  }
0x44: {  	_ =	shalt  }
0x45: {  	_ =	shalt  }
0x46: {  	_ =	shalt  }
0x47: {  	_ =	shalt  }
0x48: {  	_ =	shalt  }
0x49: {  	_ =	shalt  }
0x4a: {  	_ =	shalt  }
0x4b: {  	_ =	shalt  }
0x4c: {  	_ =	shalt  }
0x4d: {  	_ =	shalt  }
0x4e: {  	_ =	shalt  }
0x4f: {  	_ =	shalt  }
0x50: {  	_ =	shalt  }
0x51: {  	_ =	shalt  }
0x52: {  	_ =	shalt  }
0x53: {  	_ =	shalt  }
0x54: {  	_ =	shalt  }
0x55: {  	_ =	shalt  }
0x56: {  	_ =	shalt  }
0x57: {  	_ =	shalt  }
0x58: {  	_ =	shalt  }
0x59: {  	_ =	shalt  }
0x5a: {  	_ =	shalt  }
0x5b: {  	_ =	shalt  }
0x5c: {  	_ =	shalt  }
0x5d: {  	_ =	shalt  }
0x5e: {  	_ =	shalt  }
0x5f: {  	_ =	shalt  }
0x60: {  	_ =	shalt  }
0x61: {  	_ =	shalt  }
0x62: {  	_ =	shalt  }
0x63: {  	_ =	shalt  }
0x64: {  	_ =	shalt  }
0x65: {  	_ =	shalt  }
0x66: {  	_ =	shalt  }
0x67: {  	_ =	shalt  }
0x68: {  	_ =	shalt  }
0x69: {  	_ =	shalt  }
0x6a: {  	_ =	shalt  }
0x6b: {  	_ =	shalt  }
0x6c: {  	_ =	shalt  }
0x6d: {  	_ =	shalt  }
0x6e: {  	_ =	shalt  }
0x6f: {  	_ =	shalt  }
0x70: {  	_ =	shalt  }
0x71: {  	_ =	shalt  }
0x72: {  	_ =	shalt  }
0x73: {  	_ =	shalt  }
0x74: {  	_ =	shalt  }
0x75: {  	_ =	shalt  }
0x76: {  	_ =	shalt  }
0x77: {  	_ =	shalt  }
0x78: {  	_ =	shalt  }
0x79: {  	_ =	shalt  }
0x7a: {  	_ =	shalt  }
0x7b: {  	_ =	shalt  }
0x7c: {  	_ =	shalt  }
0x7d: {  	_ =	shalt  }
0x7e: {  	_ =	shalt  }
0x7f: {  	_ =	shalt  }
0x80: {  	_ =	shalt  }
0x81: {  	_ =	shalt  }
0x82: {  	_ =	shalt  }
0x83: {  	_ =	shalt  }
0x84: {  	_ =	shalt  }
0x85: {  	_ =	shalt  }
0x86: {  	_ =	shalt  }
0x87: {  	_ =	shalt  }
.Lfunc_end0:
.L_simem_size_0:
called_computation.4_lowered:
.L_overlay_start_0:
0x88: {  	s2 =	sld [smem:$0x3FD9]  }
0x89: {  	s3 =	sld [smem:$0x3FFE];
	_ =	sdelay $0x1  }
0x8a: {  	s1 =	srdreg.scid  }
0x8b: {  	s0 =	sand.u32 $0x1, s1  }
0x8c: {  	s16 =	sshll.u32 s0, $0xA;
	s2 =	sadd.s32 s3, s2  }
0x8d: {  	s2 =	sadd.s32 s2, s16  }
0x8e: {  	[smem:$0x3F98] =	sst s2  }
0x8f: {  	_ = 	snop  }
0x90: {  	(tm) =	ssettm $0x1  }
0x91: {  	s17 =	sld [smem:$0x3FFB];
	_ =	sdelay $0x3  }
0x92: {  	_ =	strace s17  }
0x93: {  	s2 =	sld [smem:$0x3FFC];
	_ =	sdelay $0x3  }
0x94: {  	_ =	strace s2  }
0x95: {  	s2 =	sld [smem:$0x3FFD];
	_ =	sdelay $0x3  }
0x96: {  	_ =	strace s2  }
0x97: {  	_ =	strace $0x8FFFFFFF  }
0x98: {  	s18 =	sld [smem:$0x3FDB];
	_ =	sdelay $0x1  }
0x99: {  	s19 =	simm.s32 $_scs_section_size  }
0x9a: {  	s4 =	simm.s32 $_size__tile_overlayer_lowered;
	s5 =	simm.s32 $_tile_overlayer_lowered  }
0x9b: {  	s22 =	simm.s32 $0x1BFF;
	s21 =	sshll.u32 s5, $0x1;
	s2 =	sadd.s32 s19, s18  }
0x9c: {  	s6 =	simm.s32 $0x0;
	s20 =	sshll.u32 s4, $0x1;
	s4 =	sadd.s32 s21, s2  }
0x9d: {  	[timem:s6], [sflag:s22] =	dma.local [hbm:s4], s20  }
0x9e: {  	_ =	swait.ge [sflag:s22], s20  }
0x9f: {  	s3 =	ssub.s32 $0x0, s20;
	[sflag:s22] =	ssyncset.done $0x0  }
0xa0: {  	[sflag:s22] =	ssyncadd.s32 s3;
	_ =	sdelay $0x1  }
0xa1: {  	s23 =	simm.s32 $0x1B8B  }
0xa2: {  	_ =	swait.ge [sflag:s23], $0x1  }
0xa3: {  	[sflag:s23] =	ssyncset.done $0x0  }
0xa4: {  	s25 =	simm.s32 $0x1B8E;
	s24 =	sld [smem:$0x3FFE];
	[sflag:s23] =	ssyncadd.s32 $0xFFFFFFFF  }
0xa5: {  	s26 =	simm.s32 $execute0_lowered;
	[smem:$0x3FD2] =	sst s25  }
0xa6: {  	s4 =	sshll.u32 s26, $0x1;
	_ =	strace $0x80000052;
	[dreg:$0x1] =	wrdreg $0xFFFFFFFF  }
0xa7: {  	s28 =	simm.s32 $_size_execute0_lowered;
	s2 =	sadd.s32 s2, s4;
	[dreg:$0x0] =	wrdreg $0x0  }
0xa8: {  	s4 =	sshll.u32 s28, $0x1;
	[dreg:$0x2] =	wrdreg s2  }
0xa9: {  	[dreg:$0x3] =	wrdreg s4  }
0xaa: {  	[dreg:$0x4] =	wrdreg $0xC0  }
0xab: {  	_ =	task [dreg:s6], $0x5FFFF  }
0xac: {  	[dreg:$0x1] =	wrdreg $0xFFFFFFFF  }
0xad: {  	[dreg:$0x0] =	wrdreg $0x60  }
0xae: {  	[dreg:$0x2] =	wrdreg s24  }
0xaf: {  	[dreg:$0x3] =	wrdreg $0x51000  }
0xb0: {  	[dreg:$0x4] =	wrdreg $0x9  }
0xb1: {  	_ =	task.clear_ibuf [dreg:s6], $0x5FFFF;
	_ =	strace $0x90000052  }
0xb2: {  	s29 =	simm.s32 $0x9;
	_ =	strace $0x80000054  }
0xb3: {  	_ =	swait.ge [sflag:s29], $0x1  }
0xb4: {  	[sflag:s29] =	ssyncadd.s32 $0xFFFFFFFF  }
0xb5: {  	_ =	strace $0x90000054  }
0xb6: {  	_ =	sfence  }
0xb7: {  	s30 =	sld [smem:$0x0];
	_ =	sdelay $0x2  }
0xb8: {  	s31 =	sshll.u32 s1, $0xD;
	s1 =	sshrl.u32 s1, $0x2  }
0xb9: {  	s3 =	sand.u32 $0x4000, s31;
	s1 =	sadd.s32 s1, s30  }
0xba: {  	s0 =	sor.u32 s3, s0;
	s1 =	sshll.u32 s1, $0x11  }
0xbb: {  	s0 =	sor.u32 s1, s0  }
0xbc: {  	s0 =	sadd.s32 $0x8F2B, s0  }
0xbd: {  	[sflag:s0] =	ssyncadd.remote.s32 $0x1  }
0xbe: {  	_ =	sfence.sel $0xFFFF  }
0xbf: {  	[dreg:$0x0] =	wrdreg $0xFFFFFFFF;
	(pc) =	sbr.abs _section_cstart, $3  }
0xc0: {  	[dreg:$0x1] =	wrdreg $0xFFFFFFFF  }
0xc1: {  	_ =	task.clear_ibuf [dreg:s6], $0x2FFFF;
	_ =	strace $0x9FFFFFFF  }
0xc2: {  	(tm) =	ssettm $0x7FFFFFFF  }
0xc3: {  	_ =	shalt  }
tec
execute0_lowered:
.L_overlay_start_1:
0x0: {  	(tag) =	ssettag $0x1  }
0x1: {  	s5 =	rddreg [dreg:$0x0]  }
0x2: {  	s2 =	rddreg [dreg:$0x1]  }
0x3: {  	s0 =	rddreg [dreg:$0x2];
	s1 =	stileid.u32  }
0x4: {  	s3 =	simm.s32 $0x0;
	s4 =	srdreg.scid;
	s6 =	smul.u32 $0x2780, s1  }
0x5: {  	s18 =	simm.s32 $0x2900;
	s19 =	simm.s32 $0x1;
	s12 =	smul.u32 $0x4F000, s1  }
0x6: {  	[smem:$0x7FF] =	sst s3;
	s9 =	sand.u32 $0x1, s4;
	s15 =	smul.u32 $0x4E20, s1  }
0x7: {  	s10 =	sadd.s32 $0x1E0A400, s5;
	s4 =	sadd.s32 $0x16600, s5;
	s17 =	smul.u32 $0x4E200, s1  }
0x8: {  	s20 =	sshll.u32 s1, $0x1;
	s25 =	sshll.u32 s1, $0x6;
	s7 =	smul.u32 $0x27800, s9  }
0x9: {  	_ =	strace $0x80000053;
	s11 =	ssub.s32 $0x2, s9;
	s16 =	smul.u32 $0x2710, s9  }
0xa: {  	s28 =	smul.u32 $0x27100, s9;
	s8 =	sadd.s32 s6, s5;
	s21 =	sshrl.u32 s11, $0x1  }
0xb: {  	s23 =	sshrl.u32 s12, $0x2;
	s29 =	sadd.s32 s17, s10;
	s17 =	simm.s32 $0x80  }
0xc: {  	s6 =	sadd.s32 s6, s7;
	s7 =	sor.u32 s9, s20;
	s11 =	ssub.s32 s11, s21  }
0xd: {  	s14 =	sadd.s32 s23, s2;
	s15 =	sadd.s32 s16, s15;
	s30 =	sadd.s32 s28, s29  }
0xe: {  	s20 =	simm.s32 $0x50;
	s21 =	simm.s32 $0x2;
	s22 =	smul.u32 $0x2710, s7  }
0xf: {  	s13 =	sadd.s32 s6, s5;
	s24 =	smul.u32 $0x27100, s7;
	s5 =	sadd.s32 $0xEED600, s8  }
0x10: {  	s6 =	sor.u32 $0x1C03, s25;
	s16 =	sadd.s32 $0x50, s15;
	s12 =	sadd.s32 $0xA0, s15  }
0x11: {  	s14 =	sshrl.u32 s14, $0x3;
	s15 =	simm.s32 $0x3;
	s9 =	sadd.s32 $0xF15200, s13  }
0x12: {  	s31 =	sshrl.u32 s16, $0x3;
	s16 =	simm.s32 $0x100;
	s26 =	sshrl.u32 s22, $0x3  }
0x13: {  	s8 =	sadd.s32 s10, s24;
	s10 =	smax.u32 s11, $0x1;
	s11 =	sadd.s32 $0xA00, s30  }
0x14: {  	s13 =	sadd.s32 s31, s4;
	s22 =	simm.s32 $0x0;
	s7 =	sadd.s32 s4, s26  }
.LBB2_1:
0x15: {  	[spmem:s14], [sflag:s6] =	dma.local [hbm:s5], $0x2780  }
0x16: {  	_ =	swait.ge [sflag:s15], $0x2780  }
0x17: {  	[sflag:s15] =	ssyncset.done $0x0  }
0x18: {  	[sflag:s15] =	ssyncadd.s32 $0xFFFFD880  }
0x19: {  	[bflag:$0x0] =	sbarrier.arrive $0xFFFF  }
0x1a: {  	[tilespmem:s3], [sflag:$0x1] =	stream.linear.gather [hbm4b:s7+s3], $0x50, $0x38;
	[tilespmem:$0x18D00] =	vst v63  }
0x1b: {  	_ = 	snop  }
0x1c: {  	[tilespmem:s16], [sflag:$0x1] =	stream.linear.gather [hbm4b:s8+s3], $0x2800, $0x38;
	[tilespmem:$0x18D00] =	vst v63  }
0x1d: {  	s23 =	sadd.s32 $0x0, s13  }
0x1e: {  	[tilespmem:s17], [sflag:$0x2] =	stream.linear.gather [hbm4b:s23+s3], $0x50, $0x38;
	[tilespmem:$0x18D00] =	vst v63  }
0x1f: {  	s30 =	sadd.s32 $0xFFFFFB00, s11  }
0x20: {  	[tilespmem:s18], [sflag:$0x2] =	stream.linear.gather [hbm4b:s30+s3], $0x2800, $0x38;
	[tilespmem:$0x18D00] =	vst v63  }
0x21: {  	_ =	swait.ge [sflag:s19], $0x50  }
0x22: {  	[sflag:s19] =	ssyncset.done $0x0  }
0x23: {  	[sflag:s19] =	ssyncadd.s32 $0xFFFFFFB0  }
0x24: {  	_ =	swait.ge [sflag:s19], $0x2800  }
0x25: {  	[sflag:s19] =	ssyncset.done $0x0  }
0x26: {  	[sflag:s19] =	ssyncadd.s32 $0xFFFFD800  }
0x27: {  	[spmem:s2] =	stream.indirect.scatter.add.f32 [tilespmem:s16], [sflag:$0x3], $0x80, s3, s20, $0xb8;
	[tilespmem:$0x18D00] =	vst v63  }
0x28: {  	_ =	swait.ge [sflag:s15], $0x2800  }
0x29: {  	s31 =	sshrl.u32 s12, $0x3;
	[sflag:s15] =	ssyncset.done $0x0  }
0x2a: {  	s23 =	sadd.s32 s4, s31;
	[sflag:s15] =	ssyncadd.s32 $0xFFFFD800  }
0x2b: {  	[tilespmem:s3], [sflag:$0x1] =	stream.linear.gather [hbm4b:s23+s3], $0x50, $0x38;
	[tilespmem:$0x18D00] =	vst v63  }
0x2c: {  	_ = 	snop  }
0x2d: {  	[tilespmem:s16], [sflag:$0x1] =	stream.linear.gather [hbm4b:s11+s3], $0x2800, $0x38;
	[tilespmem:$0x18D00] =	vst v63  }
0x2e: {  	_ =	swait.ge [sflag:s21], $0x50  }
0x2f: {  	[sflag:s21] =	ssyncset.done $0x0  }
0x30: {  	[sflag:s21] =	ssyncadd.s32 $0xFFFFFFB0  }
0x31: {  	_ =	swait.ge [sflag:s21], $0x2800  }
0x32: {  	[sflag:s21] =	ssyncset.done $0x0  }
0x33: {  	[sflag:s21] =	ssyncadd.s32 $0xFFFFD800  }
0x34: {  	[spmem:s2] =	stream.indirect.scatter.add.f32 [tilespmem:s18], [sflag:$0x3], $0x80, s17, s20, $0xb8;
	[tilespmem:$0x18D00] =	vst v63  }
0x35: {  	s25 =	simm.s32 $0x14;
	s26 =	simm.s32 $0x28;
	_ =	swait.ge [sflag:s15], $0x2800  }
0x36: {  	s24 =	sadd.s32 $0xA0, s12;
	s23 =	sadd.s32 $0xA00, s11;
	[sflag:s15] =	ssyncset.done $0x0  }
.LBB2_2:
0x37: {  	s28 =	sadd.s32 s25, s13  }
0x38: {  	[sflag:s15] =	ssyncadd.s32 $0xFFFFD800;
	s25 =	smov.u32 s26;
	s29 =	sadd.s32 $0x14, s26  }
0x39: {  	[tilespmem:s17], [sflag:$0x2] =	stream.linear.gather [hbm4b:s28+s3], $0x50, $0x38;
	[tilespmem:$0x18D00] =	vst v63  }
0x3a: {  	p0 =	sne.s32 s26, $0x4C4;
	s26 =	sadd.s32 $0xFFFFFB00, s23  }
0x3b: {  	[tilespmem:s18], [sflag:$0x2] =	stream.linear.gather [hbm4b:s26+s3], $0x2800, $0x38;
	[tilespmem:$0x18D00] =	vst v63  }
0x3c: {  	_ =	swait.ge [sflag:s19], $0x50  }
0x3d: {  	[sflag:s19] =	ssyncset.done $0x0  }
0x3e: {  	[sflag:s19] =	ssyncadd.s32 $0xFFFFFFB0  }
0x3f: {  	_ =	swait.ge [sflag:s19], $0x2800  }
0x40: {  	[sflag:s19] =	ssyncset.done $0x0  }
0x41: {  	[sflag:s19] =	ssyncadd.s32 $0xFFFFD800  }
0x42: {  	[spmem:s2] =	stream.indirect.scatter.add.f32 [tilespmem:s16], [sflag:$0x3], $0x80, s3, s20, $0xb8;
	[tilespmem:$0x18D00] =	vst v63  }
0x43: {  	_ =	swait.ge [sflag:s15], $0x2800  }
0x44: {  	s26 =	sshrl.u32 s24, $0x3;
	[sflag:s15] =	ssyncset.done $0x0  }
0x45: {  	s26 =	sadd.s32 s4, s26;
	[sflag:s15] =	ssyncadd.s32 $0xFFFFD800  }
0x46: {  	[tilespmem:s3], [sflag:$0x1] =	stream.linear.gather [hbm4b:s26+s3], $0x50, $0x38;
	[tilespmem:$0x18D00] =	vst v63  }
0x47: {  	_ = 	snop  }
0x48: {  	[tilespmem:s16], [sflag:$0x1] =	stream.linear.gather [hbm4b:s23+s3], $0x2800, $0x38;
	[tilespmem:$0x18D00] =	vst v63  }
0x49: {  	_ =	swait.ge [sflag:s21], $0x50  }
0x4a: {  	[sflag:s21] =	ssyncset.done $0x0  }
0x4b: {  	[sflag:s21] =	ssyncadd.s32 $0xFFFFFFB0  }
0x4c: {  	_ =	swait.ge [sflag:s21], $0x2800  }
.Ltmp0:
0x4d: {  	[sflag:s21] =	ssyncset.done $0x0;
	(pc) =	sbr.rel @p0 .LBB2_2-.Ltmp0, $4  }
0x4e: {  	[sflag:s21] =	ssyncadd.s32 $0xFFFFD800  }
0x4f: {  	[spmem:s2] =	stream.indirect.scatter.add.f32 [tilespmem:s18], [sflag:$0x3], $0x80, s17, s20, $0xb8;
	[tilespmem:$0x18D00] =	vst v63  }
0x50: {  	s24 =	sadd.s32 $0xA0, s24;
	_ =	swait.ge [sflag:s15], $0x2800  }
0x51: {  	s26 =	smov.u32 s29;
	s23 =	sadd.s32 $0xA00, s23;
	[sflag:s15] =	ssyncset.done $0x0  }
0x52: {  	s25 =	sadd.s32 s25, s13;
	[sflag:s15] =	ssyncadd.s32 $0xFFFFD800  }
0x53: {  	[tilespmem:s17], [sflag:$0x2] =	stream.linear.gather [hbm4b:s25+s3], $0x50, $0x38;
	[tilespmem:$0x18D00] =	vst v63  }
0x54: {  	s31 =	sadd.s32 $0xFFFFFB00, s23  }
0x55: {  	[tilespmem:s18], [sflag:$0x2] =	stream.linear.gather [hbm4b:s31+s3], $0x2800, $0x38;
	[tilespmem:$0x18D00] =	vst v63  }
0x56: {  	_ =	swait.ge [sflag:s19], $0x50  }
0x57: {  	[sflag:s19] =	ssyncset.done $0x0  }
0x58: {  	[sflag:s19] =	ssyncadd.s32 $0xFFFFFFB0  }
0x59: {  	_ =	swait.ge [sflag:s19], $0x2800  }
0x5a: {  	[sflag:s19] =	ssyncset.done $0x0  }
0x5b: {  	[sflag:s19] =	ssyncadd.s32 $0xFFFFD800  }
0x5c: {  	[spmem:s2] =	stream.indirect.scatter.add.f32 [tilespmem:s16], [sflag:$0x3], $0x80, s3, s20, $0xb8;
	[tilespmem:$0x18D00] =	vst v63  }
0x5d: {  	_ =	swait.ge [sflag:s15], $0x2800  }
0x5e: {  	s24 =	sshrl.u32 s24, $0x3;
	[sflag:s15] =	ssyncset.done $0x0  }
0x5f: {  	s24 =	sadd.s32 s4, s24;
	[sflag:s15] =	ssyncadd.s32 $0xFFFFD800  }
0x60: {  	[tilespmem:s3], [sflag:$0x1] =	stream.linear.gather [hbm4b:s24+s3], $0x50, $0x38;
	[tilespmem:$0x18D00] =	vst v63  }
0x61: {  	_ = 	snop  }
0x62: {  	[tilespmem:s16], [sflag:$0x1] =	stream.linear.gather [hbm4b:s23+s3], $0x2800, $0x38;
	[tilespmem:$0x18D00] =	vst v63  }
0x63: {  	_ =	swait.ge [sflag:s21], $0x50  }
0x64: {  	[sflag:s21] =	ssyncset.done $0x0  }
0x65: {  	[sflag:s21] =	ssyncadd.s32 $0xFFFFFFB0  }
0x66: {  	_ =	swait.ge [sflag:s21], $0x2800  }
0x67: {  	[sflag:s21] =	ssyncset.done $0x0  }
0x68: {  	[sflag:s21] =	ssyncadd.s32 $0xFFFFD800  }
0x69: {  	[spmem:s2] =	stream.indirect.scatter.add.f32 [tilespmem:s18], [sflag:$0x3], $0x80, s17, s20, $0xb8;
	[tilespmem:$0x18D00] =	vst v63  }
0x6a: {  	_ =	swait.ge [sflag:s15], $0x2800  }
0x6b: {  	[sflag:s15] =	ssyncset.done $0x0  }
0x6c: {  	[sflag:s15] =	ssyncadd.s32 $0xFFFFD800  }
0x6d: {  	_ =	swait.ge [sflag:s19], $0x50  }
0x6e: {  	[sflag:s19] =	ssyncset.done $0x0  }
0x6f: {  	[sflag:s19] =	ssyncadd.s32 $0xFFFFFFB0  }
0x70: {  	_ =	swait.ge [sflag:s19], $0x2800  }
0x71: {  	[sflag:s19] =	ssyncset.done $0x0  }
0x72: {  	[sflag:s19] =	ssyncadd.s32 $0xFFFFD800  }
0x73: {  	[spmem:s2] =	stream.indirect.scatter.add.f32 [tilespmem:s16], [sflag:$0x3], $0x80, s3, s20, $0xb8;
	[tilespmem:$0x18D00] =	vst v63  }
0x74: {  	_ =	swait.ge [sflag:s15], $0x2800  }
0x75: {  	s22 =	sadd.s32 $0x1, s22;
	[sflag:s15] =	ssyncset.done $0x0  }
0x76: {  	p0 =	sne.s32 s22, s10;
	[sflag:s15] =	ssyncadd.s32 $0xFFFFD800  }
.Ltmp1:
0x77: {  	[bflag:$0x0] =	sbarrier.arrive $0xFFFF;
	(pc) =	sbr.rel @p0 .LBB2_1-.Ltmp1, $4  }
0x78: {  	[hbm:s9], [sflag:s6] =	dma.local [spmem:s14], $0x2780  }
0x79: {  	_ =	swait.ge [sflag:s15], $0x2780  }
0x7a: {  	[sflag:s15] =	ssyncset.done $0x0  }
0x7b: {  	[sflag:s15] =	ssyncadd.s32 $0xFFFFD880  }
0x7c: {  	_ =	sfence.sel $0x180000  }
0x7d: {  	[bflag:$0x0] =	sbarrier.arrive $0xFFFF  }
0x7e: {  	p0 =	sne.s32 s1, $0x0;
	_ =	strace $0x90000053  }
0x7f: {  	s0 =	sadd.s32 @!p0 $0x100000, s0;
	[bflag:$0x2] =	sbarrier.arrive $0xFFFF  }
0x80: {  	[sflag:s0] =	ssyncadd.tile.s32 @!p0 $0x1;
	_ =	shalt  }
.Lfunc_end2:
_tile_overlayer_lowered:
.L_overlay_start_2:
0x81: {  	(tag) =	ssettag $0x2  }
0x82: {  	s0 =	rddreg [dreg:$0x0];
	s2 =	stileid.u32  }
0x83: {  	s1 =	rddreg [dreg:$0x1];
	p0 =	sne.s32 s2, $0x0  }
0x84: {  	s3 =	rddreg [dreg:$0x2];
	[bflag:$0x3] =	sbarrier.arrive $0xFFFF;
	s2 =	simm.s32 @!p0 $0x1C03  }
0x85: {  	[timem:s3], [sflag:s2] =	dma.local @!p0 [hbm:s0], s1  }
0x86: {  	s0 =	simm.s32 @!p0 $0x3  }
0x87: {  	_ =	swait.ge @!p0 [sflag:s0], s1  }
0x88: {  	s1 =	ssub.s32 @!p0 $0x0, s1;
	[sflag:s0] =	ssyncset.done @!p0 $0x0  }
0x89: {  	[sflag:s0] =	ssyncadd.s32 @!p0 s1  }
0x8a: {  	[bflag:$0x3] =	sbarrier.arrive $0xFFFF  }
0x8b: {  	_ =	shalt  }

</sc_bundles>
